<compile_context>
chip_gen: v7x
topology: tpu7x:2x2x1
jax: 0.10.2.dev20260603
libtpu: 0.0.44.dev20260713+nightly
codegen_flags: <defaults>
</compile_context>

<pallas_src>
import numpy as np
import jax
import jax.numpy as jnp
from jax.experimental import pallas as pl

_J = 17
_C = 128
_GBL = 128


def _neighbor_lists():
    src = [0, 0, 0, 1, 1, 2, 2, 3, 4, 4, 5, 5, 6, 7, 7, 8, 8, 8, 8, 9, 9,
           10, 11, 11, 12, 12, 13, 14, 14, 15, 15, 16]
    dst = [1, 4, 7, 0, 2, 1, 3, 2, 0, 5, 4, 6, 5, 0, 8, 7, 9, 11, 14, 8,
           10, 9, 8, 12, 11, 13, 12, 8, 15, 14, 16, 15]
    counts = {}
    for s, d in zip(src + dst, dst + src):
        counts[(s, d)] = counts.get((s, d), 0) + 1
    nbrs = [[] for _ in range(_J)]
    for (s, d), m in sorted(counts.items()):
        nbrs[d].append((s, float(m)))
    for i in range(_J):
        nbrs[i].append((i, 1.0))
    return nbrs


_NBRS = _neighbor_lists()


def _block_body(skip_ref, x_ref, wl_ref, bl_ref, wr_ref, br_ref, att_ref,
                bias_ref, gamma_ref, beta_ref, out_ref):
    skip = skip_ref[0, 0]
    wl = wl_ref[...]
    wr = wr_ref[...]
    bl = jnp.transpose(bl_ref[...])
    br = jnp.transpose(br_ref[...])
    att = jnp.transpose(att_ref[...])
    bias = jnp.transpose(bias_ref[...])
    gamma = jnp.transpose(gamma_ref[...])
    beta = jnp.transpose(beta_ref[...])

    x0 = jnp.concatenate(
        [jnp.transpose(x_ref[:, j, :]) for j in range(_J)], axis=1)

    mu = jnp.mean(x0, axis=0, keepdims=True)
    cen = x0 - mu
    var = jnp.mean(cen * cen, axis=0, keepdims=True)
    xn = cen * jax.lax.rsqrt(var + 1e-5) * gamma + beta

    tdot = lambda w, m: jax.lax.dot_general(
        w, m, (((0,), (0,)), ((), ())), preferred_element_type=jnp.float32)

    def conv(hm):
        xlm = tdot(wl, hm) + bl
        xrm = tdot(wr, hm) + br
        xl = [xlm[:, j * _GBL:(j + 1) * _GBL] for j in range(_J)]
        xr = [xrm[:, j * _GBL:(j + 1) * _GBL] for j in range(_J)]
        scores = {}
        for i in range(_J):
            for (j, _) in _NBRS[i]:
                z = xl[j] + xr[i]
                z = jnp.where(z >= 0.0, z, 0.2 * z)
                scores[(j, i)] = jnp.sum(z * att, axis=0, keepdims=True)
        outs = []
        for i in range(_J):
            ss = [scores[(j, i)] for (j, _) in _NBRS[i]]
            mx = ss[0]
            for s in ss[1:]:
                mx = jnp.maximum(mx, s)
            den = None
            acc = None
            for s, (j, w) in zip(ss, _NBRS[i]):
                ex = jnp.exp(s - mx) * w
                den = ex if den is None else den + ex
                term = ex * xl[j]
                acc = term if acc is None else acc + term
            inv = 1.0 / (den + 1e-16)
            outs.append(acc * inv + bias)
        return jnp.concatenate(outs, axis=1)

    h = conv(xn)
    for _ in range(3):
        h = (1.0 - skip) * conv(h) + skip * x0
    res = x0 + h
    for j in range(_J):
        out_ref[:, j, :] = jnp.transpose(res[:, j * _GBL:(j + 1) * _GBL])


def kernel(x, gamma, beta, alpha_p, Wl, bl, Wr, br, att, bias, edge_index):
    B, T, J, C = x.shape
    G = B * T
    assert J == _J and C == _C
    ngrid = (G + _GBL - 1) // _GBL
    xf = x.reshape(G, J, C)
    skip = jax.nn.sigmoid(alpha_p).reshape(1, 1)

    fixed = lambda i: (0, 0)
    out = pl.pallas_call(
        _block_body,
        grid=(ngrid,),
        in_specs=[
            pl.BlockSpec((1, 1), fixed),
            pl.BlockSpec((_GBL, J, C), lambda i: (i, 0, 0)),
            pl.BlockSpec((C, C), fixed),
            pl.BlockSpec((1, C), fixed),
            pl.BlockSpec((C, C), fixed),
            pl.BlockSpec((1, C), fixed),
            pl.BlockSpec((1, C), fixed),
            pl.BlockSpec((1, C), fixed),
            pl.BlockSpec((1, C), fixed),
            pl.BlockSpec((1, C), fixed),
        ],
        out_specs=pl.BlockSpec((_GBL, J, C), lambda i: (i, 0, 0)),
        out_shape=jax.ShapeDtypeStruct((G, J, C), x.dtype),
    )(skip, xf, Wl, bl.reshape(1, C), Wr, br.reshape(1, C),
      att.reshape(1, C), bias.reshape(1, C), gamma.reshape(1, C),
      beta.reshape(1, C))
    return out.reshape(B, T, J, C)

# --- scband reference (transcript-rebuilt; emitter-appended) ---
"""Pipeline reference for scband-rgat-36309653521093 (READ-ONLY COPY).

The authoritative reference and input builder live on the scoring server;
editing this copy changes nothing except your own understanding.
"""

import jax, jax.numpy as jnp
import numpy as np


def _h36m_edges():
    src = [0, 0, 0, 1, 1, 2, 2, 3, 4, 4, 5, 5, 6, 7, 7, 8, 8, 8, 8, 9, 9, 10, 11, 11, 12, 12, 13, 14, 14, 15, 15, 16]
    dst = [1, 4, 7, 0, 2, 1, 3, 2, 0, 5, 4, 6, 5, 0, 8, 7, 9, 11, 14, 8, 10, 9, 8, 12, 11, 13, 12, 8, 15, 14, 16, 15]
    e = np.array([src, dst], dtype=np.int64)
    # torch: cat([e, e.flip(0)], dim=1) -> also add reversed edges
    return np.concatenate([e, e[::-1, :]], axis=1)  # [2, 64]


def setup_inputs(seed: int = 0) -> dict:
    key = jax.random.key(seed)
    B, T, J, C = 16, 243, 17, 128
    ks = jax.random.split(key, 6)
    x = jax.random.normal(ks[0], (B, T, J, C), dtype=jnp.float32)
    # batched edge index: base 64-edge joint graph replicated B*T times with node offsets
    G = B * T
    e = _h36m_edges()
    E = e.shape[1]
    offsets = np.repeat(np.arange(G, dtype=np.int64) * J, E)
    edge_index = jnp.asarray(np.tile(e, (1, G)) + offsets[None, :])
    s = 0.05
    Wl = jax.random.normal(ks[1], (C, C), dtype=jnp.float32) * s
    bl = jnp.zeros((C,), dtype=jnp.float32)
    Wr = jax.random.normal(ks[2], (C, C), dtype=jnp.float32) * s
    br = jnp.zeros((C,), dtype=jnp.float32)
    att = jax.random.normal(ks[3], (C,), dtype=jnp.float32) * s
    bias = jnp.zeros((C,), dtype=jnp.float32)
    gamma = jnp.ones((C,), dtype=jnp.float32)
    beta = jnp.zeros((C,), dtype=jnp.float32)
    alpha_p = jnp.asarray(-0.1, dtype=jnp.float32)
    return {"x": x, "gamma": gamma, "beta": beta, "alpha_p": alpha_p,
            "Wl": Wl, "bl": bl, "Wr": Wr, "br": br, "att": att, "bias": bias,
            "edge_index": edge_index}


def _layernorm(x, g, b, eps=1e-5):
    m = jnp.mean(x, axis=-1, keepdims=True)
    v = jnp.var(x, axis=-1, keepdims=True)
    return (x - m) / jnp.sqrt(v + eps) * g + b


def _gatv2_conv(x, src, dst, Wl, bl, Wr, br, att, bias, N):
    # GATv2Conv, heads=1, concat=False, add_self_loops handled by caller,
    # dropout=0.25 is a no-op in eval mode.
    xl = x @ Wl + bl
    xr = x @ Wr + br
    m = jax.nn.leaky_relu(xl[src] + xr[dst], negative_slope=0.2)
    e = m @ att  # [E]
    emax = jax.ops.segment_max(e, dst, num_segments=N)
    emax = jnp.where(jnp.isfinite(emax), emax, 0.0)
    ex = jnp.exp(e - emax[dst])
    denom = jax.ops.segment_sum(ex, dst, num_segments=N)
    alpha = ex / (denom[dst] + 1e-16)
    out = jax.ops.segment_sum(alpha[:, None] * xl[src], dst, num_segments=N)
    return out + bias


def reference(x, gamma, beta, alpha_p, Wl, bl, Wr, br, att, bias, edge_index):
    B, T, J, C = x.shape
    N = B * T * J
    xf = x.reshape(N, C)
    # GATv2Conv add_self_loops=True (default)
    loops = jnp.arange(N, dtype=edge_index.dtype)
    src = jnp.concatenate([edge_index[0], loops])
    dst = jnp.concatenate([edge_index[1], loops])
    # GATAppnp
    x0 = xf
    xn = _layernorm(xf, gamma, beta)
    skip = jax.nn.sigmoid(alpha_p)
    h = _gatv2_conv(xn, src, dst, Wl, bl, Wr, br, att, bias, N)
    for _ in range(3):
        h = (1.0 - skip) * _gatv2_conv(h, src, dst, Wl, bl, Wr, br, att, bias, N) + skip * x0
    out = xf + h
    return out.reshape(B, T, J, C)

if __name__ == "__main__":
    import jax
    _d = setup_inputs()
    print(jax.jit(kernel)(*tuple(_d.values())))

</pallas_src>

<mosaic_0001>
module attributes {stable_mosaic.version = 14 : i64} {
  func.func @_block_body(%arg0: i32, %arg1: memref<1x1xf32, #tpu.memory_space<vmem>>, %arg2: memref<128x17x128xf32, #tpu.memory_space<vmem>>, %arg3: memref<128x128xf32, #tpu.memory_space<vmem>>, %arg4: memref<1x128xf32, #tpu.memory_space<vmem>>, %arg5: memref<128x128xf32, #tpu.memory_space<vmem>>, %arg6: memref<1x128xf32, #tpu.memory_space<vmem>>, %arg7: memref<1x128xf32, #tpu.memory_space<vmem>>, %arg8: memref<1x128xf32, #tpu.memory_space<vmem>>, %arg9: memref<1x128xf32, #tpu.memory_space<vmem>>, %arg10: memref<1x128xf32, #tpu.memory_space<vmem>>, %arg11: memref<128x17x128xf32, #tpu.memory_space<vmem>>) attributes {dimension_semantics = [#tpu.dimension_semantics<arbitrary>], iteration_bounds = array<i64: 31>, scalar_prefetch = 0 : i64, scratch_operands = 0 : i64, tpu.core_type = #tpu.core_type<tc>, window_params = [{pipeline_mode = #tpu.pipeline_mode<synchronous>, transform_indices = @transform_0, window_bounds = array<i64: 1, 1>}, {transform_indices = @transform_1, window_bounds = array<i64: 128, 17, 128>}, {pipeline_mode = #tpu.pipeline_mode<synchronous>, transform_indices = @transform_2, window_bounds = array<i64: 128, 128>}, {pipeline_mode = #tpu.pipeline_mode<synchronous>, transform_indices = @transform_3, window_bounds = array<i64: 1, 128>}, {pipeline_mode = #tpu.pipeline_mode<synchronous>, transform_indices = @transform_4, window_bounds = array<i64: 128, 128>}, {pipeline_mode = #tpu.pipeline_mode<synchronous>, transform_indices = @transform_5, window_bounds = array<i64: 1, 128>}, {pipeline_mode = #tpu.pipeline_mode<synchronous>, transform_indices = @transform_6, window_bounds = array<i64: 1, 128>}, {pipeline_mode = #tpu.pipeline_mode<synchronous>, transform_indices = @transform_7, window_bounds = array<i64: 1, 128>}, {pipeline_mode = #tpu.pipeline_mode<synchronous>, transform_indices = @transform_8, window_bounds = array<i64: 1, 128>}, {pipeline_mode = #tpu.pipeline_mode<synchronous>, transform_indices = @transform_9, window_bounds = array<i64: 1, 128>}, {transform_indices = @transform_10, window_bounds = array<i64: 128, 17, 128>}]} {
    %get3A = arith.constant 0 : index
    %get3A_0 = arith.constant 0 : index
    %get3A_1 = vector.load %arg1[%get3A, %get3A_0] : memref<1x1xf32, #tpu.memory_space<vmem>>, vector<1x1xf32>
    %get3A_2 = vector.extract %get3A_1[0, 0] : f32 from vector<1x1xf32>
    %get3A_3 = arith.constant 0 : index
    %get3A_4 = arith.constant 0 : index
    %get3A_5 = vector.load %arg3[%get3A_3, %get3A_4] : memref<128x128xf32, #tpu.memory_space<vmem>>, vector<128x128xf32>
    %get3A_6 = arith.constant 0 : index
    %get3A_7 = arith.constant 0 : index
    %get3A_8 = vector.load %arg5[%get3A_6, %get3A_7] : memref<128x128xf32, #tpu.memory_space<vmem>>, vector<128x128xf32>
    %get3A_9 = arith.constant 0 : index
    %get3A_10 = arith.constant 0 : index
    %get3A_11 = vector.load %arg4[%get3A_9, %get3A_10] : memref<1x128xf32, #tpu.memory_space<vmem>>, vector<1x128xf32>
    %transpose3A = tpu.transpose %get3A_11, [1, 0] : vector<1x128xf32> -> vector<128x1xf32>
    %get3A_12 = arith.constant 0 : index
    %get3A_13 = arith.constant 0 : index
    %get3A_14 = vector.load %arg6[%get3A_12, %get3A_13] : memref<1x128xf32, #tpu.memory_space<vmem>>, vector<1x128xf32>
    %transpose3A_15 = tpu.transpose %get3A_14, [1, 0] : vector<1x128xf32> -> vector<128x1xf32>
    %get3A_16 = arith.constant 0 : index
    %get3A_17 = arith.constant 0 : index
    %get3A_18 = vector.load %arg7[%get3A_16, %get3A_17] : memref<1x128xf32, #tpu.memory_space<vmem>>, vector<1x128xf32>
    %transpose3A_19 = tpu.transpose %get3A_18, [1, 0] : vector<1x128xf32> -> vector<128x1xf32>
    %get3A_20 = arith.constant 0 : index
    %get3A_21 = arith.constant 0 : index
    %get3A_22 = vector.load %arg8[%get3A_20, %get3A_21] : memref<1x128xf32, #tpu.memory_space<vmem>>, vector<1x128xf32>
    %transpose3A_23 = tpu.transpose %get3A_22, [1, 0] : vector<1x128xf32> -> vector<128x1xf32>
    %get3A_24 = arith.constant 0 : index
    %get3A_25 = arith.constant 0 : index
    %get3A_26 = vector.load %arg9[%get3A_24, %get3A_25] : memref<1x128xf32, #tpu.memory_space<vmem>>, vector<1x128xf32>
    %transpose3A_27 = tpu.transpose %get3A_26, [1, 0] : vector<1x128xf32> -> vector<128x1xf32>
    %get3A_28 = arith.constant 0 : index
    %get3A_29 = arith.constant 0 : index
    %get3A_30 = vector.load %arg10[%get3A_28, %get3A_29] : memref<1x128xf32, #tpu.memory_space<vmem>>, vector<1x128xf32>
    %transpose3A_31 = tpu.transpose %get3A_30, [1, 0] : vector<1x128xf32> -> vector<128x1xf32>
    %get3A_32 = arith.constant 0 : index
    %get3A_33 = arith.constant 0 : index
    %get3A_34 = arith.constant 0 : index
    %get3A_35 = vector.load %arg2[%get3A_32, %get3A_33, %get3A_34] : memref<128x17x128xf32, #tpu.memory_space<vmem>>, vector<128x1x128xf32>
    %get3A_36 = vector.shape_cast %get3A_35 : vector<128x1x128xf32> to vector<128x128xf32>
    %transpose3A_37 = tpu.transpose %get3A_36, [1, 0] : vector<128x128xf32> -> vector<128x128xf32>
    %get3A_38 = arith.constant 0 : index
    %get3A_39 = arith.constant 1 : index
    %get3A_40 = arith.constant 0 : index
    %get3A_41 = vector.load %arg2[%get3A_38, %get3A_39, %get3A_40] : memref<128x17x128xf32, #tpu.memory_space<vmem>>, vector<128x1x128xf32>
    %get3A_42 = vector.shape_cast %get3A_41 : vector<128x1x128xf32> to vector<128x128xf32>
    %transpose3A_43 = tpu.transpose %get3A_42, [1, 0] : vector<128x128xf32> -> vector<128x128xf32>
    %get3A_44 = arith.constant 0 : index
    %get3A_45 = arith.constant 2 : index
    %get3A_46 = arith.constant 0 : index
    %get3A_47 = vector.load %arg2[%get3A_44, %get3A_45, %get3A_46] : memref<128x17x128xf32, #tpu.memory_space<vmem>>, vector<128x1x128xf32>
    %get3A_48 = vector.shape_cast %get3A_47 : vector<128x1x128xf32> to vector<128x128xf32>
    %transpose3A_49 = tpu.transpose %get3A_48, [1, 0] : vector<128x128xf32> -> vector<128x128xf32>
    %get3A_50 = arith.constant 0 : index
    %get3A_51 = arith.constant 3 : index
    %get3A_52 = arith.constant 0 : index
    %get3A_53 = vector.load %arg2[%get3A_50, %get3A_51, %get3A_52] : memref<128x17x128xf32, #tpu.memory_space<vmem>>, vector<128x1x128xf32>
    %get3A_54 = vector.shape_cast %get3A_53 : vector<128x1x128xf32> to vector<128x128xf32>
    %transpose3A_55 = tpu.transpose %get3A_54, [1, 0] : vector<128x128xf32> -> vector<128x128xf32>
    %get3A_56 = arith.constant 0 : index
    %get3A_57 = arith.constant 4 : index
    %get3A_58 = arith.constant 0 : index
    %get3A_59 = vector.load %arg2[%get3A_56, %get3A_57, %get3A_58] : memref<128x17x128xf32, #tpu.memory_space<vmem>>, vector<128x1x128xf32>
    %get3A_60 = vector.shape_cast %get3A_59 : vector<128x1x128xf32> to vector<128x128xf32>
    %transpose3A_61 = tpu.transpose %get3A_60, [1, 0] : vector<128x128xf32> -> vector<128x128xf32>
    %get3A_62 = arith.constant 0 : index
    %get3A_63 = arith.constant 5 : index
    %get3A_64 = arith.constant 0 : index
    %get3A_65 = vector.load %arg2[%get3A_62, %get3A_63, %get3A_64] : memref<128x17x128xf32, #tpu.memory_space<vmem>>, vector<128x1x128xf32>
    %get3A_66 = vector.shape_cast %get3A_65 : vector<128x1x128xf32> to vector<128x128xf32>
    %transpose3A_67 = tpu.transpose %get3A_66, [1, 0] : vector<128x128xf32> -> vector<128x128xf32>
    %get3A_68 = arith.constant 0 : index
    %get3A_69 = arith.constant 6 : index
    %get3A_70 = arith.constant 0 : index
    %get3A_71 = vector.load %arg2[%get3A_68, %get3A_69, %get3A_70] : memref<128x17x128xf32, #tpu.memory_space<vmem>>, vector<128x1x128xf32>
    %get3A_72 = vector.shape_cast %get3A_71 : vector<128x1x128xf32> to vector<128x128xf32>
    %transpose3A_73 = tpu.transpose %get3A_72, [1, 0] : vector<128x128xf32> -> vector<128x128xf32>
    %get3A_74 = arith.constant 0 : index
    %get3A_75 = arith.constant 7 : index
    %get3A_76 = arith.constant 0 : index
    %get3A_77 = vector.load %arg2[%get3A_74, %get3A_75, %get3A_76] : memref<128x17x128xf32, #tpu.memory_space<vmem>>, vector<128x1x128xf32>
    %get3A_78 = vector.shape_cast %get3A_77 : vector<128x1x128xf32> to vector<128x128xf32>
    %transpose3A_79 = tpu.transpose %get3A_78, [1, 0] : vector<128x128xf32> -> vector<128x128xf32>
    %get3A_80 = arith.constant 0 : index
    %get3A_81 = arith.constant 8 : index
    %get3A_82 = arith.constant 0 : index
    %get3A_83 = vector.load %arg2[%get3A_80, %get3A_81, %get3A_82] : memref<128x17x128xf32, #tpu.memory_space<vmem>>, vector<128x1x128xf32>
    %get3A_84 = vector.shape_cast %get3A_83 : vector<128x1x128xf32> to vector<128x128xf32>
    %transpose3A_85 = tpu.transpose %get3A_84, [1, 0] : vector<128x128xf32> -> vector<128x128xf32>
    %get3A_86 = arith.constant 0 : index
    %get3A_87 = arith.constant 9 : index
    %get3A_88 = arith.constant 0 : index
    %get3A_89 = vector.load %arg2[%get3A_86, %get3A_87, %get3A_88] : memref<128x17x128xf32, #tpu.memory_space<vmem>>, vector<128x1x128xf32>
    %get3A_90 = vector.shape_cast %get3A_89 : vector<128x1x128xf32> to vector<128x128xf32>
    %transpose3A_91 = tpu.transpose %get3A_90, [1, 0] : vector<128x128xf32> -> vector<128x128xf32>
    %get3A_92 = arith.constant 0 : index
    %get3A_93 = arith.constant 10 : index
    %get3A_94 = arith.constant 0 : index
    %get3A_95 = vector.load %arg2[%get3A_92, %get3A_93, %get3A_94] : memref<128x17x128xf32, #tpu.memory_space<vmem>>, vector<128x1x128xf32>
    %get3A_96 = vector.shape_cast %get3A_95 : vector<128x1x128xf32> to vector<128x128xf32>
    %transpose3A_97 = tpu.transpose %get3A_96, [1, 0] : vector<128x128xf32> -> vector<128x128xf32>
    %get3A_98 = arith.constant 0 : index
    %get3A_99 = arith.constant 11 : index
    %get3A_100 = arith.constant 0 : index
    %get3A_101 = vector.load %arg2[%get3A_98, %get3A_99, %get3A_100] : memref<128x17x128xf32, #tpu.memory_space<vmem>>, vector<128x1x128xf32>
    %get3A_102 = vector.shape_cast %get3A_101 : vector<128x1x128xf32> to vector<128x128xf32>
    %transpose3A_103 = tpu.transpose %get3A_102, [1, 0] : vector<128x128xf32> -> vector<128x128xf32>
    %get3A_104 = arith.constant 0 : index
    %get3A_105 = arith.constant 12 : index
    %get3A_106 = arith.constant 0 : index
    %get3A_107 = vector.load %arg2[%get3A_104, %get3A_105, %get3A_106] : memref<128x17x128xf32, #tpu.memory_space<vmem>>, vector<128x1x128xf32>
    %get3A_108 = vector.shape_cast %get3A_107 : vector<128x1x128xf32> to vector<128x128xf32>
    %transpose3A_109 = tpu.transpose %get3A_108, [1, 0] : vector<128x128xf32> -> vector<128x128xf32>
    %get3A_110 = arith.constant 0 : index
    %get3A_111 = arith.constant 13 : index
    %get3A_112 = arith.constant 0 : index
    %get3A_113 = vector.load %arg2[%get3A_110, %get3A_111, %get3A_112] : memref<128x17x128xf32, #tpu.memory_space<vmem>>, vector<128x1x128xf32>
    %get3A_114 = vector.shape_cast %get3A_113 : vector<128x1x128xf32> to vector<128x128xf32>
    %transpose3A_115 = tpu.transpose %get3A_114, [1, 0] : vector<128x128xf32> -> vector<128x128xf32>
    %get3A_116 = arith.constant 0 : index
    %get3A_117 = arith.constant 14 : index
    %get3A_118 = arith.constant 0 : index
    %get3A_119 = vector.load %arg2[%get3A_116, %get3A_117, %get3A_118] : memref<128x17x128xf32, #tpu.memory_space<vmem>>, vector<128x1x128xf32>
    %get3A_120 = vector.shape_cast %get3A_119 : vector<128x1x128xf32> to vector<128x128xf32>
    %transpose3A_121 = tpu.transpose %get3A_120, [1, 0] : vector<128x128xf32> -> vector<128x128xf32>
    %get3A_122 = arith.constant 0 : index
    %get3A_123 = arith.constant 15 : index
    %get3A_124 = arith.constant 0 : index
    %get3A_125 = vector.load %arg2[%get3A_122, %get3A_123, %get3A_124] : memref<128x17x128xf32, #tpu.memory_space<vmem>>, vector<128x1x128xf32>
    %get3A_126 = vector.shape_cast %get3A_125 : vector<128x1x128xf32> to vector<128x128xf32>
    %transpose3A_127 = tpu.transpose %get3A_126, [1, 0] : vector<128x128xf32> -> vector<128x128xf32>
    %get3A_128 = arith.constant 0 : index
    %get3A_129 = arith.constant 16 : index
    %get3A_130 = arith.constant 0 : index
    %get3A_131 = vector.load %arg2[%get3A_128, %get3A_129, %get3A_130] : memref<128x17x128xf32, #tpu.memory_space<vmem>>, vector<128x1x128xf32>
    %get3A_132 = vector.shape_cast %get3A_131 : vector<128x1x128xf32> to vector<128x128xf32>
    %transpose3A_133 = tpu.transpose %get3A_132, [1, 0] : vector<128x128xf32> -> vector<128x128xf32>
    %concatenate3A = tpu.concatenate %transpose3A_37, %transpose3A_43, %transpose3A_49, %transpose3A_55, %transpose3A_61, %transpose3A_67, %transpose3A_73, %transpose3A_79, %transpose3A_85, %transpose3A_91, %transpose3A_97, %transpose3A_103, %transpose3A_109, %transpose3A_115, %transpose3A_121, %transpose3A_127, %transpose3A_133 in 1 : vector<128x128xf32>, vector<128x128xf32>, vector<128x128xf32>, vector<128x128xf32>, vector<128x128xf32>, vector<128x128xf32>, vector<128x128xf32>, vector<128x128xf32>, vector<128x128xf32>, vector<128x128xf32>, vector<128x128xf32>, vector<128x128xf32>, vector<128x128xf32>, vector<128x128xf32>, vector<128x128xf32>, vector<128x128xf32>, vector<128x128xf32> -> vector<128x2176xf32>
    %reduce_sum3A = arith.constant dense<0.000000e+00> : vector<2176xf32>
    %reduce_sum3A_134 = vector.multi_reduction <add>, %concatenate3A, %reduce_sum3A [0] : vector<128x2176xf32> to vector<2176xf32>
    %broadcast_in_dim3A = vector.shape_cast %reduce_sum3A_134 : vector<2176xf32> to vector<1x2176xf32>
    %div3A = arith.constant 1.280000e+02 : f32
    %div3A_135 = vector.broadcast %div3A : f32 to vector<1x2176xf32>
    %div3A_136 = arith.divf %broadcast_in_dim3A, %div3A_135 : vector<1x2176xf32>
    %sub3A = vector.broadcast %div3A_136 : vector<1x2176xf32> to vector<128x2176xf32>
    %sub3A_137 = arith.subf %concatenate3A, %sub3A : vector<128x2176xf32>
    %mul3A = arith.mulf %sub3A_137, %sub3A_137 : vector<128x2176xf32>
    %reduce_sum3A_138 = arith.constant dense<0.000000e+00> : vector<2176xf32>
    %reduce_sum3A_139 = vector.multi_reduction <add>, %mul3A, %reduce_sum3A_138 [0] : vector<128x2176xf32> to vector<2176xf32>
    %broadcast_in_dim3A_140 = vector.shape_cast %reduce_sum3A_139 : vector<2176xf32> to vector<1x2176xf32>
    %div3A_141 = arith.constant 1.280000e+02 : f32
    %div3A_142 = vector.broadcast %div3A_141 : f32 to vector<1x2176xf32>
    %div3A_143 = arith.divf %broadcast_in_dim3A_140, %div3A_142 : vector<1x2176xf32>
    %add3A = arith.constant 9.99999974E-6 : f32
    %add3A_144 = vector.broadcast %add3A : f32 to vector<1x2176xf32>
    %add3A_145 = arith.addf %div3A_143, %add3A_144 : vector<1x2176xf32>
    %rsqrt3A = math.rsqrt %add3A_145 : vector<1x2176xf32>
    %mul3A_146 = vector.broadcast %rsqrt3A : vector<1x2176xf32> to vector<128x2176xf32>
    %mul3A_147 = arith.mulf %sub3A_137, %mul3A_146 : vector<128x2176xf32>
    %mul3A_148 = vector.broadcast %transpose3A_27 : vector<128x1xf32> to vector<128x2176xf32>
    %mul3A_149 = arith.mulf %mul3A_147, %mul3A_148 : vector<128x2176xf32>
    %add3A_150 = vector.broadcast %transpose3A_31 : vector<128x1xf32> to vector<128x2176xf32>
    %add3A_151 = arith.addf %mul3A_149, %add3A_150 : vector<128x2176xf32>
    %dot_general3A = arith.constant dense<0.000000e+00> : vector<128x2176xf32>
    %dot_general3A_152 = tpu.matmul %get3A_5, %add3A_151, %dot_general3A {dimension_numbers = #tpu.dot_dimension_numbers<[0], [0], [1], [1], [0, 1, 1, 1], [], []>, transpose_lhs_hint = false} : vector<128x128xf32>, vector<128x2176xf32>, vector<128x2176xf32> -> vector<128x2176xf32>
    %add3A_153 = vector.broadcast %transpose3A : vector<128x1xf32> to vector<128x2176xf32>
    %add3A_154 = arith.addf %dot_general3A_152, %add3A_153 : vector<128x2176xf32>
    %dot_general3A_155 = arith.constant dense<0.000000e+00> : vector<128x2176xf32>
    %dot_general3A_156 = tpu.matmul %get3A_8, %add3A_151, %dot_general3A_155 {dimension_numbers = #tpu.dot_dimension_numbers<[0], [0], [1], [1], [0, 1, 1, 1], [], []>, transpose_lhs_hint = false} : vector<128x128xf32>, vector<128x2176xf32>, vector<128x2176xf32> -> vector<128x2176xf32>
    %add3A_157 = vector.broadcast %transpose3A_15 : vector<128x1xf32> to vector<128x2176xf32>
    %add3A_158 = arith.addf %dot_general3A_156, %add3A_157 : vector<128x2176xf32>
    %slice3A = vector.extract_strided_slice %add3A_154 {offsets = [0, 0], sizes = [128, 128], strides = [1, 1]} : vector<128x2176xf32> to vector<128x128xf32>
    %slice3A_159 = vector.extract_strided_slice %add3A_154 {offsets = [0, 128], sizes = [128, 128], strides = [1, 1]} : vector<128x2176xf32> to vector<128x128xf32>
    %slice3A_160 = vector.extract_strided_slice %add3A_154 {offsets = [0, 256], sizes = [128, 128], strides = [1, 1]} : vector<128x2176xf32> to vector<128x128xf32>
    %slice3A_161 = vector.extract_strided_slice %add3A_154 {offsets = [0, 384], sizes = [128, 128], strides = [1, 1]} : vector<128x2176xf32> to vector<128x128xf32>
    %slice3A_162 = vector.extract_strided_slice %add3A_154 {offsets = [0, 512], sizes = [128, 128], strides = [1, 1]} : vector<128x2176xf32> to vector<128x128xf32>
    %slice3A_163 = vector.extract_strided_slice %add3A_154 {offsets = [0, 640], sizes = [128, 128], strides = [1, 1]} : vector<128x2176xf32> to vector<128x128xf32>
    %slice3A_164 = vector.extract_strided_slice %add3A_154 {offsets = [0, 768], sizes = [128, 128], strides = [1, 1]} : vector<128x2176xf32> to vector<128x128xf32>
    %slice3A_165 = vector.extract_strided_slice %add3A_154 {offsets = [0, 896], sizes = [128, 128], strides = [1, 1]} : vector<128x2176xf32> to vector<128x128xf32>
    %slice3A_166 = vector.extract_strided_slice %add3A_154 {offsets = [0, 1024], sizes = [128, 128], strides = [1, 1]} : vector<128x2176xf32> to vector<128x128xf32>
    %slice3A_167 = vector.extract_strided_slice %add3A_154 {offsets = [0, 1152], sizes = [128, 128], strides = [1, 1]} : vector<128x2176xf32> to vector<128x128xf32>
    %slice3A_168 = vector.extract_strided_slice %add3A_154 {offsets = [0, 1280], sizes = [128, 128], strides = [1, 1]} : vector<128x2176xf32> to vector<128x128xf32>
    %slice3A_169 = vector.extract_strided_slice %add3A_154 {offsets = [0, 1408], sizes = [128, 128], strides = [1, 1]} : vector<128x2176xf32> to vector<128x128xf32>
    %slice3A_170 = vector.extract_strided_slice %add3A_154 {offsets = [0, 1536], sizes = [128, 128], strides = [1, 1]} : vector<128x2176xf32> to vector<128x128xf32>
    %slice3A_171 = vector.extract_strided_slice %add3A_154 {offsets = [0, 1664], sizes = [128, 128], strides = [1, 1]} : vector<128x2176xf32> to vector<128x128xf32>
    %slice3A_172 = vector.extract_strided_slice %add3A_154 {offsets = [0, 1792], sizes = [128, 128], strides = [1, 1]} : vector<128x2176xf32> to vector<128x128xf32>
    %slice3A_173 = vector.extract_strided_slice %add3A_154 {offsets = [0, 1920], sizes = [128, 128], strides = [1, 1]} : vector<128x2176xf32> to vector<128x128xf32>
    %slice3A_174 = vector.extract_strided_slice %add3A_154 {offsets = [0, 2048], sizes = [128, 128], strides = [1, 1]} : vector<128x2176xf32> to vector<128x128xf32>
    %slice3A_175 = vector.extract_strided_slice %add3A_158 {offsets = [0, 0], sizes = [128, 128], strides = [1, 1]} : vector<128x2176xf32> to vector<128x128xf32>
    %slice3A_176 = vector.extract_strided_slice %add3A_158 {offsets = [0, 128], sizes = [128, 128], strides = [1, 1]} : vector<128x2176xf32> to vector<128x128xf32>
    %slice3A_177 = vector.extract_strided_slice %add3A_158 {offsets = [0, 256], sizes = [128, 128], strides = [1, 1]} : vector<128x2176xf32> to vector<128x128xf32>
    %slice3A_178 = vector.extract_strided_slice %add3A_158 {offsets = [0, 384], sizes = [128, 128], strides = [1, 1]} : vector<128x2176xf32> to vector<128x128xf32>
    %slice3A_179 = vector.extract_strided_slice %add3A_158 {offsets = [0, 512], sizes = [128, 128], strides = [1, 1]} : vector<128x2176xf32> to vector<128x128xf32>
    %slice3A_180 = vector.extract_strided_slice %add3A_158 {offsets = [0, 640], sizes = [128, 128], strides = [1, 1]} : vector<128x2176xf32> to vector<128x128xf32>
    %slice3A_181 = vector.extract_strided_slice %add3A_158 {offsets = [0, 768], sizes = [128, 128], strides = [1, 1]} : vector<128x2176xf32> to vector<128x128xf32>
    %slice3A_182 = vector.extract_strided_slice %add3A_158 {offsets = [0, 896], sizes = [128, 128], strides = [1, 1]} : vector<128x2176xf32> to vector<128x128xf32>
    %slice3A_183 = vector.extract_strided_slice %add3A_158 {offsets = [0, 1024], sizes = [128, 128], strides = [1, 1]} : vector<128x2176xf32> to vector<128x128xf32>
    %slice3A_184 = vector.extract_strided_slice %add3A_158 {offsets = [0, 1152], sizes = [128, 128], strides = [1, 1]} : vector<128x2176xf32> to vector<128x128xf32>
    %slice3A_185 = vector.extract_strided_slice %add3A_158 {offsets = [0, 1280], sizes = [128, 128], strides = [1, 1]} : vector<128x2176xf32> to vector<128x128xf32>
    %slice3A_186 = vector.extract_strided_slice %add3A_158 {offsets = [0, 1408], sizes = [128, 128], strides = [1, 1]} : vector<128x2176xf32> to vector<128x128xf32>
    %slice3A_187 = vector.extract_strided_slice %add3A_158 {offsets = [0, 1536], sizes = [128, 128], strides = [1, 1]} : vector<128x2176xf32> to vector<128x128xf32>
    %slice3A_188 = vector.extract_strided_slice %add3A_158 {offsets = [0, 1664], sizes = [128, 128], strides = [1, 1]} : vector<128x2176xf32> to vector<128x128xf32>
    %slice3A_189 = vector.extract_strided_slice %add3A_158 {offsets = [0, 1792], sizes = [128, 128], strides = [1, 1]} : vector<128x2176xf32> to vector<128x128xf32>
    %slice3A_190 = vector.extract_strided_slice %add3A_158 {offsets = [0, 1920], sizes = [128, 128], strides = [1, 1]} : vector<128x2176xf32> to vector<128x128xf32>
    %slice3A_191 = vector.extract_strided_slice %add3A_158 {offsets = [0, 2048], sizes = [128, 128], strides = [1, 1]} : vector<128x2176xf32> to vector<128x128xf32>
    %add3A_192 = arith.addf %slice3A_159, %slice3A_175 : vector<128x128xf32>
    %ge3A = arith.constant 0.000000e+00 : f32
    %ge3A_193 = vector.broadcast %ge3A : f32 to vector<128x128xf32>
    %ge3A_194 = arith.cmpf oge, %add3A_192, %ge3A_193 : vector<128x128xf32>
    %mul3A_195 = arith.constant 2.000000e-01 : f32
    %mul3A_196 = vector.broadcast %mul3A_195 : f32 to vector<128x128xf32>
    %mul3A_197 = arith.mulf %mul3A_196, %add3A_192 : vector<128x128xf32>
    %select_n3A = arith.select %ge3A_194, %add3A_192, %mul3A_197 : vector<128x128xi1>, vector<128x128xf32>
    %mul3A_198 = vector.broadcast %transpose3A_19 : vector<128x1xf32> to vector<128x128xf32>
    %mul3A_199 = arith.mulf %select_n3A, %mul3A_198 : vector<128x128xf32>
    %reduce_sum3A_200 = arith.constant dense<0.000000e+00> : vector<128xf32>
    %reduce_sum3A_201 = vector.multi_reduction <add>, %mul3A_199, %reduce_sum3A_200 [0] : vector<128x128xf32> to vector<128xf32>
    %broadcast_in_dim3A_202 = vector.shape_cast %reduce_sum3A_201 : vector<128xf32> to vector<1x128xf32>
    %add3A_203 = arith.addf %slice3A_162, %slice3A_175 : vector<128x128xf32>
    %ge3A_204 = arith.constant 0.000000e+00 : f32
    %ge3A_205 = vector.broadcast %ge3A_204 : f32 to vector<128x128xf32>
    %ge3A_206 = arith.cmpf oge, %add3A_203, %ge3A_205 : vector<128x128xf32>
    %mul3A_207 = arith.constant 2.000000e-01 : f32
    %mul3A_208 = vector.broadcast %mul3A_207 : f32 to vector<128x128xf32>
    %mul3A_209 = arith.mulf %mul3A_208, %add3A_203 : vector<128x128xf32>
    %select_n3A_210 = arith.select %ge3A_206, %add3A_203, %mul3A_209 : vector<128x128xi1>, vector<128x128xf32>
    %mul3A_211 = vector.broadcast %transpose3A_19 : vector<128x1xf32> to vector<128x128xf32>
    %mul3A_212 = arith.mulf %select_n3A_210, %mul3A_211 : vector<128x128xf32>
    %reduce_sum3A_213 = arith.constant dense<0.000000e+00> : vector<128xf32>
    %reduce_sum3A_214 = vector.multi_reduction <add>, %mul3A_212, %reduce_sum3A_213 [0] : vector<128x128xf32> to vector<128xf32>
    %broadcast_in_dim3A_215 = vector.shape_cast %reduce_sum3A_214 : vector<128xf32> to vector<1x128xf32>
    %add3A_216 = arith.addf %slice3A_165, %slice3A_175 : vector<128x128xf32>
    %ge3A_217 = arith.constant 0.000000e+00 : f32
    %ge3A_218 = vector.broadcast %ge3A_217 : f32 to vector<128x128xf32>
    %ge3A_219 = arith.cmpf oge, %add3A_216, %ge3A_218 : vector<128x128xf32>
    %mul3A_220 = arith.constant 2.000000e-01 : f32
    %mul3A_221 = vector.broadcast %mul3A_220 : f32 to vector<128x128xf32>
    %mul3A_222 = arith.mulf %mul3A_221, %add3A_216 : vector<128x128xf32>
    %select_n3A_223 = arith.select %ge3A_219, %add3A_216, %mul3A_222 : vector<128x128xi1>, vector<128x128xf32>
    %mul3A_224 = vector.broadcast %transpose3A_19 : vector<128x1xf32> to vector<128x128xf32>
    %mul3A_225 = arith.mulf %select_n3A_223, %mul3A_224 : vector<128x128xf32>
    %reduce_sum3A_226 = arith.constant dense<0.000000e+00> : vector<128xf32>
    %reduce_sum3A_227 = vector.multi_reduction <add>, %mul3A_225, %reduce_sum3A_226 [0] : vector<128x128xf32> to vector<128xf32>
    %broadcast_in_dim3A_228 = vector.shape_cast %reduce_sum3A_227 : vector<128xf32> to vector<1x128xf32>
    %add3A_229 = arith.addf %slice3A, %slice3A_175 : vector<128x128xf32>
    %ge3A_230 = arith.constant 0.000000e+00 : f32
    %ge3A_231 = vector.broadcast %ge3A_230 : f32 to vector<128x128xf32>
    %ge3A_232 = arith.cmpf oge, %add3A_229, %ge3A_231 : vector<128x128xf32>
    %mul3A_233 = arith.constant 2.000000e-01 : f32
    %mul3A_234 = vector.broadcast %mul3A_233 : f32 to vector<128x128xf32>
    %mul3A_235 = arith.mulf %mul3A_234, %add3A_229 : vector<128x128xf32>
    %select_n3A_236 = arith.select %ge3A_232, %add3A_229, %mul3A_235 : vector<128x128xi1>, vector<128x128xf32>
    %mul3A_237 = vector.broadcast %transpose3A_19 : vector<128x1xf32> to vector<128x128xf32>
    %mul3A_238 = arith.mulf %select_n3A_236, %mul3A_237 : vector<128x128xf32>
    %reduce_sum3A_239 = arith.constant dense<0.000000e+00> : vector<128xf32>
    %reduce_sum3A_240 = vector.multi_reduction <add>, %mul3A_238, %reduce_sum3A_239 [0] : vector<128x128xf32> to vector<128xf32>
    %broadcast_in_dim3A_241 = vector.shape_cast %reduce_sum3A_240 : vector<128xf32> to vector<1x128xf32>
    %add3A_242 = arith.addf %slice3A, %slice3A_176 : vector<128x128xf32>
    %ge3A_243 = arith.constant 0.000000e+00 : f32
    %ge3A_244 = vector.broadcast %ge3A_243 : f32 to vector<128x128xf32>
    %ge3A_245 = arith.cmpf oge, %add3A_242, %ge3A_244 : vector<128x128xf32>
    %mul3A_246 = arith.constant 2.000000e-01 : f32
    %mul3A_247 = vector.broadcast %mul3A_246 : f32 to vector<128x128xf32>
    %mul3A_248 = arith.mulf %mul3A_247, %add3A_242 : vector<128x128xf32>
    %select_n3A_249 = arith.select %ge3A_245, %add3A_242, %mul3A_248 : vector<128x128xi1>, vector<128x128xf32>
    %mul3A_250 = vector.broadcast %transpose3A_19 : vector<128x1xf32> to vector<128x128xf32>
    %mul3A_251 = arith.mulf %select_n3A_249, %mul3A_250 : vector<128x128xf32>
    %reduce_sum3A_252 = arith.constant dense<0.000000e+00> : vector<128xf32>
    %reduce_sum3A_253 = vector.multi_reduction <add>, %mul3A_251, %reduce_sum3A_252 [0] : vector<128x128xf32> to vector<128xf32>
    %broadcast_in_dim3A_254 = vector.shape_cast %reduce_sum3A_253 : vector<128xf32> to vector<1x128xf32>
    %add3A_255 = arith.addf %slice3A_160, %slice3A_176 : vector<128x128xf32>
    %ge3A_256 = arith.constant 0.000000e+00 : f32
    %ge3A_257 = vector.broadcast %ge3A_256 : f32 to vector<128x128xf32>
    %ge3A_258 = arith.cmpf oge, %add3A_255, %ge3A_257 : vector<128x128xf32>
    %mul3A_259 = arith.constant 2.000000e-01 : f32
    %mul3A_260 = vector.broadcast %mul3A_259 : f32 to vector<128x128xf32>
    %mul3A_261 = arith.mulf %mul3A_260, %add3A_255 : vector<128x128xf32>
    %select_n3A_262 = arith.select %ge3A_258, %add3A_255, %mul3A_261 : vector<128x128xi1>, vector<128x128xf32>
    %mul3A_263 = vector.broadcast %transpose3A_19 : vector<128x1xf32> to vector<128x128xf32>
    %mul3A_264 = arith.mulf %select_n3A_262, %mul3A_263 : vector<128x128xf32>
    %reduce_sum3A_265 = arith.constant dense<0.000000e+00> : vector<128xf32>
    %reduce_sum3A_266 = vector.multi_reduction <add>, %mul3A_264, %reduce_sum3A_265 [0] : vector<128x128xf32> to vector<128xf32>
    %broadcast_in_dim3A_267 = vector.shape_cast %reduce_sum3A_266 : vector<128xf32> to vector<1x128xf32>
    %add3A_268 = arith.addf %slice3A_159, %slice3A_176 : vector<128x128xf32>
    %ge3A_269 = arith.constant 0.000000e+00 : f32
    %ge3A_270 = vector.broadcast %ge3A_269 : f32 to vector<128x128xf32>
    %ge3A_271 = arith.cmpf oge, %add3A_268, %ge3A_270 : vector<128x128xf32>
    %mul3A_272 = arith.constant 2.000000e-01 : f32
    %mul3A_273 = vector.broadcast %mul3A_272 : f32 to vector<128x128xf32>
    %mul3A_274 = arith.mulf %mul3A_273, %add3A_268 : vector<128x128xf32>
    %select_n3A_275 = arith.select %ge3A_271, %add3A_268, %mul3A_274 : vector<128x128xi1>, vector<128x128xf32>
    %mul3A_276 = vector.broadcast %transpose3A_19 : vector<128x1xf32> to vector<128x128xf32>
    %mul3A_277 = arith.mulf %select_n3A_275, %mul3A_276 : vector<128x128xf32>
    %reduce_sum3A_278 = arith.constant dense<0.000000e+00> : vector<128xf32>
    %reduce_sum3A_279 = vector.multi_reduction <add>, %mul3A_277, %reduce_sum3A_278 [0] : vector<128x128xf32> to vector<128xf32>
    %broadcast_in_dim3A_280 = vector.shape_cast %reduce_sum3A_279 : vector<128xf32> to vector<1x128xf32>
    %add3A_281 = arith.addf %slice3A_159, %slice3A_177 : vector<128x128xf32>
    %ge3A_282 = arith.constant 0.000000e+00 : f32
    %ge3A_283 = vector.broadcast %ge3A_282 : f32 to vector<128x128xf32>
    %ge3A_284 = arith.cmpf oge, %add3A_281, %ge3A_283 : vector<128x128xf32>
    %mul3A_285 = arith.constant 2.000000e-01 : f32
    %mul3A_286 = vector.broadcast %mul3A_285 : f32 to vector<128x128xf32>
    %mul3A_287 = arith.mulf %mul3A_286, %add3A_281 : vector<128x128xf32>
    %select_n3A_288 = arith.select %ge3A_284, %add3A_281, %mul3A_287 : vector<128x128xi1>, vector<128x128xf32>
    %mul3A_289 = vector.broadcast %transpose3A_19 : vector<128x1xf32> to vector<128x128xf32>
    %mul3A_290 = arith.mulf %select_n3A_288, %mul3A_289 : vector<128x128xf32>
    %reduce_sum3A_291 = arith.constant dense<0.000000e+00> : vector<128xf32>
    %reduce_sum3A_292 = vector.multi_reduction <add>, %mul3A_290, %reduce_sum3A_291 [0] : vector<128x128xf32> to vector<128xf32>
    %broadcast_in_dim3A_293 = vector.shape_cast %reduce_sum3A_292 : vector<128xf32> to vector<1x128xf32>
    %add3A_294 = arith.addf %slice3A_161, %slice3A_177 : vector<128x128xf32>
    %ge3A_295 = arith.constant 0.000000e+00 : f32
    %ge3A_296 = vector.broadcast %ge3A_295 : f32 to vector<128x128xf32>
    %ge3A_297 = arith.cmpf oge, %add3A_294, %ge3A_296 : vector<128x128xf32>
    %mul3A_298 = arith.constant 2.000000e-01 : f32
    %mul3A_299 = vector.broadcast %mul3A_298 : f32 to vector<128x128xf32>
    %mul3A_300 = arith.mulf %mul3A_299, %add3A_294 : vector<128x128xf32>
    %select_n3A_301 = arith.select %ge3A_297, %add3A_294, %mul3A_300 : vector<128x128xi1>, vector<128x128xf32>
    %mul3A_302 = vector.broadcast %transpose3A_19 : vector<128x1xf32> to vector<128x128xf32>
    %mul3A_303 = arith.mulf %select_n3A_301, %mul3A_302 : vector<128x128xf32>
    %reduce_sum3A_304 = arith.constant dense<0.000000e+00> : vector<128xf32>
    %reduce_sum3A_305 = vector.multi_reduction <add>, %mul3A_303, %reduce_sum3A_304 [0] : vector<128x128xf32> to vector<128xf32>
    %broadcast_in_dim3A_306 = vector.shape_cast %reduce_sum3A_305 : vector<128xf32> to vector<1x128xf32>
    %add3A_307 = arith.addf %slice3A_160, %slice3A_177 : vector<128x128xf32>
    %ge3A_308 = arith.constant 0.000000e+00 : f32
    %ge3A_309 = vector.broadcast %ge3A_308 : f32 to vector<128x128xf32>
    %ge3A_310 = arith.cmpf oge, %add3A_307, %ge3A_309 : vector<128x128xf32>
    %mul3A_311 = arith.constant 2.000000e-01 : f32
    %mul3A_312 = vector.broadcast %mul3A_311 : f32 to vector<128x128xf32>
    %mul3A_313 = arith.mulf %mul3A_312, %add3A_307 : vector<128x128xf32>
    %select_n3A_314 = arith.select %ge3A_310, %add3A_307, %mul3A_313 : vector<128x128xi1>, vector<128x128xf32>
    %mul3A_315 = vector.broadcast %transpose3A_19 : vector<128x1xf32> to vector<128x128xf32>
    %mul3A_316 = arith.mulf %select_n3A_314, %mul3A_315 : vector<128x128xf32>
    %reduce_sum3A_317 = arith.constant dense<0.000000e+00> : vector<128xf32>
    %reduce_sum3A_318 = vector.multi_reduction <add>, %mul3A_316, %reduce_sum3A_317 [0] : vector<128x128xf32> to vector<128xf32>
    %broadcast_in_dim3A_319 = vector.shape_cast %reduce_sum3A_318 : vector<128xf32> to vector<1x128xf32>
    %add3A_320 = arith.addf %slice3A_160, %slice3A_178 : vector<128x128xf32>
    %ge3A_321 = arith.constant 0.000000e+00 : f32
    %ge3A_322 = vector.broadcast %ge3A_321 : f32 to vector<128x128xf32>
    %ge3A_323 = arith.cmpf oge, %add3A_320, %ge3A_322 : vector<128x128xf32>
    %mul3A_324 = arith.constant 2.000000e-01 : f32
    %mul3A_325 = vector.broadcast %mul3A_324 : f32 to vector<128x128xf32>
    %mul3A_326 = arith.mulf %mul3A_325, %add3A_320 : vector<128x128xf32>
    %select_n3A_327 = arith.select %ge3A_323, %add3A_320, %mul3A_326 : vector<128x128xi1>, vector<128x128xf32>
    %mul3A_328 = vector.broadcast %transpose3A_19 : vector<128x1xf32> to vector<128x128xf32>
    %mul3A_329 = arith.mulf %select_n3A_327, %mul3A_328 : vector<128x128xf32>
    %reduce_sum3A_330 = arith.constant dense<0.000000e+00> : vector<128xf32>
    %reduce_sum3A_331 = vector.multi_reduction <add>, %mul3A_329, %reduce_sum3A_330 [0] : vector<128x128xf32> to vector<128xf32>
    %broadcast_in_dim3A_332 = vector.shape_cast %reduce_sum3A_331 : vector<128xf32> to vector<1x128xf32>
    %add3A_333 = arith.addf %slice3A_161, %slice3A_178 : vector<128x128xf32>
    %ge3A_334 = arith.constant 0.000000e+00 : f32
    %ge3A_335 = vector.broadcast %ge3A_334 : f32 to vector<128x128xf32>
    %ge3A_336 = arith.cmpf oge, %add3A_333, %ge3A_335 : vector<128x128xf32>
    %mul3A_337 = arith.constant 2.000000e-01 : f32
    %mul3A_338 = vector.broadcast %mul3A_337 : f32 to vector<128x128xf32>
    %mul3A_339 = arith.mulf %mul3A_338, %add3A_333 : vector<128x128xf32>
    %select_n3A_340 = arith.select %ge3A_336, %add3A_333, %mul3A_339 : vector<128x128xi1>, vector<128x128xf32>
    %mul3A_341 = vector.broadcast %transpose3A_19 : vector<128x1xf32> to vector<128x128xf32>
    %mul3A_342 = arith.mulf %select_n3A_340, %mul3A_341 : vector<128x128xf32>
    %reduce_sum3A_343 = arith.constant dense<0.000000e+00> : vector<128xf32>
    %reduce_sum3A_344 = vector.multi_reduction <add>, %mul3A_342, %reduce_sum3A_343 [0] : vector<128x128xf32> to vector<128xf32>
    %broadcast_in_dim3A_345 = vector.shape_cast %reduce_sum3A_344 : vector<128xf32> to vector<1x128xf32>
    %add3A_346 = arith.addf %slice3A, %slice3A_179 : vector<128x128xf32>
    %ge3A_347 = arith.constant 0.000000e+00 : f32
    %ge3A_348 = vector.broadcast %ge3A_347 : f32 to vector<128x128xf32>
    %ge3A_349 = arith.cmpf oge, %add3A_346, %ge3A_348 : vector<128x128xf32>
    %mul3A_350 = arith.constant 2.000000e-01 : f32
    %mul3A_351 = vector.broadcast %mul3A_350 : f32 to vector<128x128xf32>
    %mul3A_352 = arith.mulf %mul3A_351, %add3A_346 : vector<128x128xf32>
    %select_n3A_353 = arith.select %ge3A_349, %add3A_346, %mul3A_352 : vector<128x128xi1>, vector<128x128xf32>
    %mul3A_354 = vector.broadcast %transpose3A_19 : vector<128x1xf32> to vector<128x128xf32>
    %mul3A_355 = arith.mulf %select_n3A_353, %mul3A_354 : vector<128x128xf32>
    %reduce_sum3A_356 = arith.constant dense<0.000000e+00> : vector<128xf32>
    %reduce_sum3A_357 = vector.multi_reduction <add>, %mul3A_355, %reduce_sum3A_356 [0] : vector<128x128xf32> to vector<128xf32>
    %broadcast_in_dim3A_358 = vector.shape_cast %reduce_sum3A_357 : vector<128xf32> to vector<1x128xf32>
    %add3A_359 = arith.addf %slice3A_163, %slice3A_179 : vector<128x128xf32>
    %ge3A_360 = arith.constant 0.000000e+00 : f32
    %ge3A_361 = vector.broadcast %ge3A_360 : f32 to vector<128x128xf32>
    %ge3A_362 = arith.cmpf oge, %add3A_359, %ge3A_361 : vector<128x128xf32>
    %mul3A_363 = arith.constant 2.000000e-01 : f32
    %mul3A_364 = vector.broadcast %mul3A_363 : f32 to vector<128x128xf32>
    %mul3A_365 = arith.mulf %mul3A_364, %add3A_359 : vector<128x128xf32>
    %select_n3A_366 = arith.select %ge3A_362, %add3A_359, %mul3A_365 : vector<128x128xi1>, vector<128x128xf32>
    %mul3A_367 = vector.broadcast %transpose3A_19 : vector<128x1xf32> to vector<128x128xf32>
    %mul3A_368 = arith.mulf %select_n3A_366, %mul3A_367 : vector<128x128xf32>
    %reduce_sum3A_369 = arith.constant dense<0.000000e+00> : vector<128xf32>
    %reduce_sum3A_370 = vector.multi_reduction <add>, %mul3A_368, %reduce_sum3A_369 [0] : vector<128x128xf32> to vector<128xf32>
    %broadcast_in_dim3A_371 = vector.shape_cast %reduce_sum3A_370 : vector<128xf32> to vector<1x128xf32>
    %add3A_372 = arith.addf %slice3A_162, %slice3A_179 : vector<128x128xf32>
    %ge3A_373 = arith.constant 0.000000e+00 : f32
    %ge3A_374 = vector.broadcast %ge3A_373 : f32 to vector<128x128xf32>
    %ge3A_375 = arith.cmpf oge, %add3A_372, %ge3A_374 : vector<128x128xf32>
    %mul3A_376 = arith.constant 2.000000e-01 : f32
    %mul3A_377 = vector.broadcast %mul3A_376 : f32 to vector<128x128xf32>
    %mul3A_378 = arith.mulf %mul3A_377, %add3A_372 : vector<128x128xf32>
    %select_n3A_379 = arith.select %ge3A_375, %add3A_372, %mul3A_378 : vector<128x128xi1>, vector<128x128xf32>
    %mul3A_380 = vector.broadcast %transpose3A_19 : vector<128x1xf32> to vector<128x128xf32>
    %mul3A_381 = arith.mulf %select_n3A_379, %mul3A_380 : vector<128x128xf32>
    %reduce_sum3A_382 = arith.constant dense<0.000000e+00> : vector<128xf32>
    %reduce_sum3A_383 = vector.multi_reduction <add>, %mul3A_381, %reduce_sum3A_382 [0] : vector<128x128xf32> to vector<128xf32>
    %broadcast_in_dim3A_384 = vector.shape_cast %reduce_sum3A_383 : vector<128xf32> to vector<1x128xf32>
    %add3A_385 = arith.addf %slice3A_162, %slice3A_180 : vector<128x128xf32>
    %ge3A_386 = arith.constant 0.000000e+00 : f32
    %ge3A_387 = vector.broadcast %ge3A_386 : f32 to vector<128x128xf32>
    %ge3A_388 = arith.cmpf oge, %add3A_385, %ge3A_387 : vector<128x128xf32>
    %mul3A_389 = arith.constant 2.000000e-01 : f32
    %mul3A_390 = vector.broadcast %mul3A_389 : f32 to vector<128x128xf32>
    %mul3A_391 = arith.mulf %mul3A_390, %add3A_385 : vector<128x128xf32>
    %select_n3A_392 = arith.select %ge3A_388, %add3A_385, %mul3A_391 : vector<128x128xi1>, vector<128x128xf32>
    %mul3A_393 = vector.broadcast %transpose3A_19 : vector<128x1xf32> to vector<128x128xf32>
    %mul3A_394 = arith.mulf %select_n3A_392, %mul3A_393 : vector<128x128xf32>
    %reduce_sum3A_395 = arith.constant dense<0.000000e+00> : vector<128xf32>
    %reduce_sum3A_396 = vector.multi_reduction <add>, %mul3A_394, %reduce_sum3A_395 [0] : vector<128x128xf32> to vector<128xf32>
    %broadcast_in_dim3A_397 = vector.shape_cast %reduce_sum3A_396 : vector<128xf32> to vector<1x128xf32>
    %add3A_398 = arith.addf %slice3A_164, %slice3A_180 : vector<128x128xf32>
    %ge3A_399 = arith.constant 0.000000e+00 : f32
    %ge3A_400 = vector.broadcast %ge3A_399 : f32 to vector<128x128xf32>
    %ge3A_401 = arith.cmpf oge, %add3A_398, %ge3A_400 : vector<128x128xf32>
    %mul3A_402 = arith.constant 2.000000e-01 : f32
    %mul3A_403 = vector.broadcast %mul3A_402 : f32 to vector<128x128xf32>
    %mul3A_404 = arith.mulf %mul3A_403, %add3A_398 : vector<128x128xf32>
    %select_n3A_405 = arith.select %ge3A_401, %add3A_398, %mul3A_404 : vector<128x128xi1>, vector<128x128xf32>
    %mul3A_406 = vector.broadcast %transpose3A_19 : vector<128x1xf32> to vector<128x128xf32>
    %mul3A_407 = arith.mulf %select_n3A_405, %mul3A_406 : vector<128x128xf32>
    %reduce_sum3A_408 = arith.constant dense<0.000000e+00> : vector<128xf32>
    %reduce_sum3A_409 = vector.multi_reduction <add>, %mul3A_407, %reduce_sum3A_408 [0] : vector<128x128xf32> to vector<128xf32>
    %broadcast_in_dim3A_410 = vector.shape_cast %reduce_sum3A_409 : vector<128xf32> to vector<1x128xf32>
    %add3A_411 = arith.addf %slice3A_163, %slice3A_180 : vector<128x128xf32>
    %ge3A_412 = arith.constant 0.000000e+00 : f32
    %ge3A_413 = vector.broadcast %ge3A_412 : f32 to vector<128x128xf32>
    %ge3A_414 = arith.cmpf oge, %add3A_411, %ge3A_413 : vector<128x128xf32>
    %mul3A_415 = arith.constant 2.000000e-01 : f32
    %mul3A_416 = vector.broadcast %mul3A_415 : f32 to vector<128x128xf32>
    %mul3A_417 = arith.mulf %mul3A_416, %add3A_411 : vector<128x128xf32>
    %select_n3A_418 = arith.select %ge3A_414, %add3A_411, %mul3A_417 : vector<128x128xi1>, vector<128x128xf32>
    %mul3A_419 = vector.broadcast %transpose3A_19 : vector<128x1xf32> to vector<128x128xf32>
    %mul3A_420 = arith.mulf %select_n3A_418, %mul3A_419 : vector<128x128xf32>
    %reduce_sum3A_421 = arith.constant dense<0.000000e+00> : vector<128xf32>
    %reduce_sum3A_422 = vector.multi_reduction <add>, %mul3A_420, %reduce_sum3A_421 [0] : vector<128x128xf32> to vector<128xf32>
    %broadcast_in_dim3A_423 = vector.shape_cast %reduce_sum3A_422 : vector<128xf32> to vector<1x128xf32>
    %add3A_424 = arith.addf %slice3A_163, %slice3A_181 : vector<128x128xf32>
    %ge3A_425 = arith.constant 0.000000e+00 : f32
    %ge3A_426 = vector.broadcast %ge3A_425 : f32 to vector<128x128xf32>
    %ge3A_427 = arith.cmpf oge, %add3A_424, %ge3A_426 : vector<128x128xf32>
    %mul3A_428 = arith.constant 2.000000e-01 : f32
    %mul3A_429 = vector.broadcast %mul3A_428 : f32 to vector<128x128xf32>
    %mul3A_430 = arith.mulf %mul3A_429, %add3A_424 : vector<128x128xf32>
    %select_n3A_431 = arith.select %ge3A_427, %add3A_424, %mul3A_430 : vector<128x128xi1>, vector<128x128xf32>
    %mul3A_432 = vector.broadcast %transpose3A_19 : vector<128x1xf32> to vector<128x128xf32>
    %mul3A_433 = arith.mulf %select_n3A_431, %mul3A_432 : vector<128x128xf32>
    %reduce_sum3A_434 = arith.constant dense<0.000000e+00> : vector<128xf32>
    %reduce_sum3A_435 = vector.multi_reduction <add>, %mul3A_433, %reduce_sum3A_434 [0] : vector<128x128xf32> to vector<128xf32>
    %broadcast_in_dim3A_436 = vector.shape_cast %reduce_sum3A_435 : vector<128xf32> to vector<1x128xf32>
    %add3A_437 = arith.addf %slice3A_164, %slice3A_181 : vector<128x128xf32>
    %ge3A_438 = arith.constant 0.000000e+00 : f32
    %ge3A_439 = vector.broadcast %ge3A_438 : f32 to vector<128x128xf32>
    %ge3A_440 = arith.cmpf oge, %add3A_437, %ge3A_439 : vector<128x128xf32>
    %mul3A_441 = arith.constant 2.000000e-01 : f32
    %mul3A_442 = vector.broadcast %mul3A_441 : f32 to vector<128x128xf32>
    %mul3A_443 = arith.mulf %mul3A_442, %add3A_437 : vector<128x128xf32>
    %select_n3A_444 = arith.select %ge3A_440, %add3A_437, %mul3A_443 : vector<128x128xi1>, vector<128x128xf32>
    %mul3A_445 = vector.broadcast %transpose3A_19 : vector<128x1xf32> to vector<128x128xf32>
    %mul3A_446 = arith.mulf %select_n3A_444, %mul3A_445 : vector<128x128xf32>
    %reduce_sum3A_447 = arith.constant dense<0.000000e+00> : vector<128xf32>
    %reduce_sum3A_448 = vector.multi_reduction <add>, %mul3A_446, %reduce_sum3A_447 [0] : vector<128x128xf32> to vector<128xf32>
    %broadcast_in_dim3A_449 = vector.shape_cast %reduce_sum3A_448 : vector<128xf32> to vector<1x128xf32>
    %add3A_450 = arith.addf %slice3A, %slice3A_182 : vector<128x128xf32>
    %ge3A_451 = arith.constant 0.000000e+00 : f32
    %ge3A_452 = vector.broadcast %ge3A_451 : f32 to vector<128x128xf32>
    %ge3A_453 = arith.cmpf oge, %add3A_450, %ge3A_452 : vector<128x128xf32>
    %mul3A_454 = arith.constant 2.000000e-01 : f32
    %mul3A_455 = vector.broadcast %mul3A_454 : f32 to vector<128x128xf32>
    %mul3A_456 = arith.mulf %mul3A_455, %add3A_450 : vector<128x128xf32>
    %select_n3A_457 = arith.select %ge3A_453, %add3A_450, %mul3A_456 : vector<128x128xi1>, vector<128x128xf32>
    %mul3A_458 = vector.broadcast %transpose3A_19 : vector<128x1xf32> to vector<128x128xf32>
    %mul3A_459 = arith.mulf %select_n3A_457, %mul3A_458 : vector<128x128xf32>
    %reduce_sum3A_460 = arith.constant dense<0.000000e+00> : vector<128xf32>
    %reduce_sum3A_461 = vector.multi_reduction <add>, %mul3A_459, %reduce_sum3A_460 [0] : vector<128x128xf32> to vector<128xf32>
    %broadcast_in_dim3A_462 = vector.shape_cast %reduce_sum3A_461 : vector<128xf32> to vector<1x128xf32>
    %add3A_463 = arith.addf %slice3A_166, %slice3A_182 : vector<128x128xf32>
    %ge3A_464 = arith.constant 0.000000e+00 : f32
    %ge3A_465 = vector.broadcast %ge3A_464 : f32 to vector<128x128xf32>
    %ge3A_466 = arith.cmpf oge, %add3A_463, %ge3A_465 : vector<128x128xf32>
    %mul3A_467 = arith.constant 2.000000e-01 : f32
    %mul3A_468 = vector.broadcast %mul3A_467 : f32 to vector<128x128xf32>
    %mul3A_469 = arith.mulf %mul3A_468, %add3A_463 : vector<128x128xf32>
    %select_n3A_470 = arith.select %ge3A_466, %add3A_463, %mul3A_469 : vector<128x128xi1>, vector<128x128xf32>
    %mul3A_471 = vector.broadcast %transpose3A_19 : vector<128x1xf32> to vector<128x128xf32>
    %mul3A_472 = arith.mulf %select_n3A_470, %mul3A_471 : vector<128x128xf32>
    %reduce_sum3A_473 = arith.constant dense<0.000000e+00> : vector<128xf32>
    %reduce_sum3A_474 = vector.multi_reduction <add>, %mul3A_472, %reduce_sum3A_473 [0] : vector<128x128xf32> to vector<128xf32>
    %broadcast_in_dim3A_475 = vector.shape_cast %reduce_sum3A_474 : vector<128xf32> to vector<1x128xf32>
    %add3A_476 = arith.addf %slice3A_165, %slice3A_182 : vector<128x128xf32>
    %ge3A_477 = arith.constant 0.000000e+00 : f32
    %ge3A_478 = vector.broadcast %ge3A_477 : f32 to vector<128x128xf32>
    %ge3A_479 = arith.cmpf oge, %add3A_476, %ge3A_478 : vector<128x128xf32>
    %mul3A_480 = arith.constant 2.000000e-01 : f32
    %mul3A_481 = vector.broadcast %mul3A_480 : f32 to vector<128x128xf32>
    %mul3A_482 = arith.mulf %mul3A_481, %add3A_476 : vector<128x128xf32>
    %select_n3A_483 = arith.select %ge3A_479, %add3A_476, %mul3A_482 : vector<128x128xi1>, vector<128x128xf32>
    %mul3A_484 = vector.broadcast %transpose3A_19 : vector<128x1xf32> to vector<128x128xf32>
    %mul3A_485 = arith.mulf %select_n3A_483, %mul3A_484 : vector<128x128xf32>
    %reduce_sum3A_486 = arith.constant dense<0.000000e+00> : vector<128xf32>
    %reduce_sum3A_487 = vector.multi_reduction <add>, %mul3A_485, %reduce_sum3A_486 [0] : vector<128x128xf32> to vector<128xf32>
    %broadcast_in_dim3A_488 = vector.shape_cast %reduce_sum3A_487 : vector<128xf32> to vector<1x128xf32>
    %add3A_489 = arith.addf %slice3A_165, %slice3A_183 : vector<128x128xf32>
    %ge3A_490 = arith.constant 0.000000e+00 : f32
    %ge3A_491 = vector.broadcast %ge3A_490 : f32 to vector<128x128xf32>
    %ge3A_492 = arith.cmpf oge, %add3A_489, %ge3A_491 : vector<128x128xf32>
    %mul3A_493 = arith.constant 2.000000e-01 : f32
    %mul3A_494 = vector.broadcast %mul3A_493 : f32 to vector<128x128xf32>
    %mul3A_495 = arith.mulf %mul3A_494, %add3A_489 : vector<128x128xf32>
    %select_n3A_496 = arith.select %ge3A_492, %add3A_489, %mul3A_495 : vector<128x128xi1>, vector<128x128xf32>
    %mul3A_497 = vector.broadcast %transpose3A_19 : vector<128x1xf32> to vector<128x128xf32>
    %mul3A_498 = arith.mulf %select_n3A_496, %mul3A_497 : vector<128x128xf32>
    %reduce_sum3A_499 = arith.constant dense<0.000000e+00> : vector<128xf32>
    %reduce_sum3A_500 = vector.multi_reduction <add>, %mul3A_498, %reduce_sum3A_499 [0] : vector<128x128xf32> to vector<128xf32>
    %broadcast_in_dim3A_501 = vector.shape_cast %reduce_sum3A_500 : vector<128xf32> to vector<1x128xf32>
    %add3A_502 = arith.addf %slice3A_167, %slice3A_183 : vector<128x128xf32>
    %ge3A_503 = arith.constant 0.000000e+00 : f32
    %ge3A_504 = vector.broadcast %ge3A_503 : f32 to vector<128x128xf32>
    %ge3A_505 = arith.cmpf oge, %add3A_502, %ge3A_504 : vector<128x128xf32>
    %mul3A_506 = arith.constant 2.000000e-01 : f32
    %mul3A_507 = vector.broadcast %mul3A_506 : f32 to vector<128x128xf32>
    %mul3A_508 = arith.mulf %mul3A_507, %add3A_502 : vector<128x128xf32>
    %select_n3A_509 = arith.select %ge3A_505, %add3A_502, %mul3A_508 : vector<128x128xi1>, vector<128x128xf32>
    %mul3A_510 = vector.broadcast %transpose3A_19 : vector<128x1xf32> to vector<128x128xf32>
    %mul3A_511 = arith.mulf %select_n3A_509, %mul3A_510 : vector<128x128xf32>
    %reduce_sum3A_512 = arith.constant dense<0.000000e+00> : vector<128xf32>
    %reduce_sum3A_513 = vector.multi_reduction <add>, %mul3A_511, %reduce_sum3A_512 [0] : vector<128x128xf32> to vector<128xf32>
    %broadcast_in_dim3A_514 = vector.shape_cast %reduce_sum3A_513 : vector<128xf32> to vector<1x128xf32>
    %add3A_515 = arith.addf %slice3A_169, %slice3A_183 : vector<128x128xf32>
    %ge3A_516 = arith.constant 0.000000e+00 : f32
    %ge3A_517 = vector.broadcast %ge3A_516 : f32 to vector<128x128xf32>
    %ge3A_518 = arith.cmpf oge, %add3A_515, %ge3A_517 : vector<128x128xf32>
    %mul3A_519 = arith.constant 2.000000e-01 : f32
    %mul3A_520 = vector.broadcast %mul3A_519 : f32 to vector<128x128xf32>
    %mul3A_521 = arith.mulf %mul3A_520, %add3A_515 : vector<128x128xf32>
    %select_n3A_522 = arith.select %ge3A_518, %add3A_515, %mul3A_521 : vector<128x128xi1>, vector<128x128xf32>
    %mul3A_523 = vector.broadcast %transpose3A_19 : vector<128x1xf32> to vector<128x128xf32>
    %mul3A_524 = arith.mulf %select_n3A_522, %mul3A_523 : vector<128x128xf32>
    %reduce_sum3A_525 = arith.constant dense<0.000000e+00> : vector<128xf32>
    %reduce_sum3A_526 = vector.multi_reduction <add>, %mul3A_524, %reduce_sum3A_525 [0] : vector<128x128xf32> to vector<128xf32>
    %broadcast_in_dim3A_527 = vector.shape_cast %reduce_sum3A_526 : vector<128xf32> to vector<1x128xf32>
    %add3A_528 = arith.addf %slice3A_172, %slice3A_183 : vector<128x128xf32>
    %ge3A_529 = arith.constant 0.000000e+00 : f32
    %ge3A_530 = vector.broadcast %ge3A_529 : f32 to vector<128x128xf32>
    %ge3A_531 = arith.cmpf oge, %add3A_528, %ge3A_530 : vector<128x128xf32>
    %mul3A_532 = arith.constant 2.000000e-01 : f32
    %mul3A_533 = vector.broadcast %mul3A_532 : f32 to vector<128x128xf32>
    %mul3A_534 = arith.mulf %mul3A_533, %add3A_528 : vector<128x128xf32>
    %select_n3A_535 = arith.select %ge3A_531, %add3A_528, %mul3A_534 : vector<128x128xi1>, vector<128x128xf32>
    %mul3A_536 = vector.broadcast %transpose3A_19 : vector<128x1xf32> to vector<128x128xf32>
    %mul3A_537 = arith.mulf %select_n3A_535, %mul3A_536 : vector<128x128xf32>
    %reduce_sum3A_538 = arith.constant dense<0.000000e+00> : vector<128xf32>
    %reduce_sum3A_539 = vector.multi_reduction <add>, %mul3A_537, %reduce_sum3A_538 [0] : vector<128x128xf32> to vector<128xf32>
    %broadcast_in_dim3A_540 = vector.shape_cast %reduce_sum3A_539 : vector<128xf32> to vector<1x128xf32>
    %add3A_541 = arith.addf %slice3A_166, %slice3A_183 : vector<128x128xf32>
    %ge3A_542 = arith.constant 0.000000e+00 : f32
    %ge3A_543 = vector.broadcast %ge3A_542 : f32 to vector<128x128xf32>
    %ge3A_544 = arith.cmpf oge, %add3A_541, %ge3A_543 : vector<128x128xf32>
    %mul3A_545 = arith.constant 2.000000e-01 : f32
    %mul3A_546 = vector.broadcast %mul3A_545 : f32 to vector<128x128xf32>
    %mul3A_547 = arith.mulf %mul3A_546, %add3A_541 : vector<128x128xf32>
    %select_n3A_548 = arith.select %ge3A_544, %add3A_541, %mul3A_547 : vector<128x128xi1>, vector<128x128xf32>
    %mul3A_549 = vector.broadcast %transpose3A_19 : vector<128x1xf32> to vector<128x128xf32>
    %mul3A_550 = arith.mulf %select_n3A_548, %mul3A_549 : vector<128x128xf32>
    %reduce_sum3A_551 = arith.constant dense<0.000000e+00> : vector<128xf32>
    %reduce_sum3A_552 = vector.multi_reduction <add>, %mul3A_550, %reduce_sum3A_551 [0] : vector<128x128xf32> to vector<128xf32>
    %broadcast_in_dim3A_553 = vector.shape_cast %reduce_sum3A_552 : vector<128xf32> to vector<1x128xf32>
    %add3A_554 = arith.addf %slice3A_166, %slice3A_184 : vector<128x128xf32>
    %ge3A_555 = arith.constant 0.000000e+00 : f32
    %ge3A_556 = vector.broadcast %ge3A_555 : f32 to vector<128x128xf32>
    %ge3A_557 = arith.cmpf oge, %add3A_554, %ge3A_556 : vector<128x128xf32>
    %mul3A_558 = arith.constant 2.000000e-01 : f32
    %mul3A_559 = vector.broadcast %mul3A_558 : f32 to vector<128x128xf32>
    %mul3A_560 = arith.mulf %mul3A_559, %add3A_554 : vector<128x128xf32>
    %select_n3A_561 = arith.select %ge3A_557, %add3A_554, %mul3A_560 : vector<128x128xi1>, vector<128x128xf32>
    %mul3A_562 = vector.broadcast %transpose3A_19 : vector<128x1xf32> to vector<128x128xf32>
    %mul3A_563 = arith.mulf %select_n3A_561, %mul3A_562 : vector<128x128xf32>
    %reduce_sum3A_564 = arith.constant dense<0.000000e+00> : vector<128xf32>
    %reduce_sum3A_565 = vector.multi_reduction <add>, %mul3A_563, %reduce_sum3A_564 [0] : vector<128x128xf32> to vector<128xf32>
    %broadcast_in_dim3A_566 = vector.shape_cast %reduce_sum3A_565 : vector<128xf32> to vector<1x128xf32>
    %add3A_567 = arith.addf %slice3A_168, %slice3A_184 : vector<128x128xf32>
    %ge3A_568 = arith.constant 0.000000e+00 : f32
    %ge3A_569 = vector.broadcast %ge3A_568 : f32 to vector<128x128xf32>
    %ge3A_570 = arith.cmpf oge, %add3A_567, %ge3A_569 : vector<128x128xf32>
    %mul3A_571 = arith.constant 2.000000e-01 : f32
    %mul3A_572 = vector.broadcast %mul3A_571 : f32 to vector<128x128xf32>
    %mul3A_573 = arith.mulf %mul3A_572, %add3A_567 : vector<128x128xf32>
    %select_n3A_574 = arith.select %ge3A_570, %add3A_567, %mul3A_573 : vector<128x128xi1>, vector<128x128xf32>
    %mul3A_575 = vector.broadcast %transpose3A_19 : vector<128x1xf32> to vector<128x128xf32>
    %mul3A_576 = arith.mulf %select_n3A_574, %mul3A_575 : vector<128x128xf32>
    %reduce_sum3A_577 = arith.constant dense<0.000000e+00> : vector<128xf32>
    %reduce_sum3A_578 = vector.multi_reduction <add>, %mul3A_576, %reduce_sum3A_577 [0] : vector<128x128xf32> to vector<128xf32>
    %broadcast_in_dim3A_579 = vector.shape_cast %reduce_sum3A_578 : vector<128xf32> to vector<1x128xf32>
    %add3A_580 = arith.addf %slice3A_167, %slice3A_184 : vector<128x128xf32>
    %ge3A_581 = arith.constant 0.000000e+00 : f32
    %ge3A_582 = vector.broadcast %ge3A_581 : f32 to vector<128x128xf32>
    %ge3A_583 = arith.cmpf oge, %add3A_580, %ge3A_582 : vector<128x128xf32>
    %mul3A_584 = arith.constant 2.000000e-01 : f32
    %mul3A_585 = vector.broadcast %mul3A_584 : f32 to vector<128x128xf32>
    %mul3A_586 = arith.mulf %mul3A_585, %add3A_580 : vector<128x128xf32>
    %select_n3A_587 = arith.select %ge3A_583, %add3A_580, %mul3A_586 : vector<128x128xi1>, vector<128x128xf32>
    %mul3A_588 = vector.broadcast %transpose3A_19 : vector<128x1xf32> to vector<128x128xf32>
    %mul3A_589 = arith.mulf %select_n3A_587, %mul3A_588 : vector<128x128xf32>
    %reduce_sum3A_590 = arith.constant dense<0.000000e+00> : vector<128xf32>
    %reduce_sum3A_591 = vector.multi_reduction <add>, %mul3A_589, %reduce_sum3A_590 [0] : vector<128x128xf32> to vector<128xf32>
    %broadcast_in_dim3A_592 = vector.shape_cast %reduce_sum3A_591 : vector<128xf32> to vector<1x128xf32>
    %add3A_593 = arith.addf %slice3A_167, %slice3A_185 : vector<128x128xf32>
    %ge3A_594 = arith.constant 0.000000e+00 : f32
    %ge3A_595 = vector.broadcast %ge3A_594 : f32 to vector<128x128xf32>
    %ge3A_596 = arith.cmpf oge, %add3A_593, %ge3A_595 : vector<128x128xf32>
    %mul3A_597 = arith.constant 2.000000e-01 : f32
    %mul3A_598 = vector.broadcast %mul3A_597 : f32 to vector<128x128xf32>
    %mul3A_599 = arith.mulf %mul3A_598, %add3A_593 : vector<128x128xf32>
    %select_n3A_600 = arith.select %ge3A_596, %add3A_593, %mul3A_599 : vector<128x128xi1>, vector<128x128xf32>
    %mul3A_601 = vector.broadcast %transpose3A_19 : vector<128x1xf32> to vector<128x128xf32>
    %mul3A_602 = arith.mulf %select_n3A_600, %mul3A_601 : vector<128x128xf32>
    %reduce_sum3A_603 = arith.constant dense<0.000000e+00> : vector<128xf32>
    %reduce_sum3A_604 = vector.multi_reduction <add>, %mul3A_602, %reduce_sum3A_603 [0] : vector<128x128xf32> to vector<128xf32>
    %broadcast_in_dim3A_605 = vector.shape_cast %reduce_sum3A_604 : vector<128xf32> to vector<1x128xf32>
    %add3A_606 = arith.addf %slice3A_168, %slice3A_185 : vector<128x128xf32>
    %ge3A_607 = arith.constant 0.000000e+00 : f32
    %ge3A_608 = vector.broadcast %ge3A_607 : f32 to vector<128x128xf32>
    %ge3A_609 = arith.cmpf oge, %add3A_606, %ge3A_608 : vector<128x128xf32>
    %mul3A_610 = arith.constant 2.000000e-01 : f32
    %mul3A_611 = vector.broadcast %mul3A_610 : f32 to vector<128x128xf32>
    %mul3A_612 = arith.mulf %mul3A_611, %add3A_606 : vector<128x128xf32>
    %select_n3A_613 = arith.select %ge3A_609, %add3A_606, %mul3A_612 : vector<128x128xi1>, vector<128x128xf32>
    %mul3A_614 = vector.broadcast %transpose3A_19 : vector<128x1xf32> to vector<128x128xf32>
    %mul3A_615 = arith.mulf %select_n3A_613, %mul3A_614 : vector<128x128xf32>
    %reduce_sum3A_616 = arith.constant dense<0.000000e+00> : vector<128xf32>
    %reduce_sum3A_617 = vector.multi_reduction <add>, %mul3A_615, %reduce_sum3A_616 [0] : vector<128x128xf32> to vector<128xf32>
    %broadcast_in_dim3A_618 = vector.shape_cast %reduce_sum3A_617 : vector<128xf32> to vector<1x128xf32>
    %add3A_619 = arith.addf %slice3A_166, %slice3A_186 : vector<128x128xf32>
    %ge3A_620 = arith.constant 0.000000e+00 : f32
    %ge3A_621 = vector.broadcast %ge3A_620 : f32 to vector<128x128xf32>
    %ge3A_622 = arith.cmpf oge, %add3A_619, %ge3A_621 : vector<128x128xf32>
    %mul3A_623 = arith.constant 2.000000e-01 : f32
    %mul3A_624 = vector.broadcast %mul3A_623 : f32 to vector<128x128xf32>
    %mul3A_625 = arith.mulf %mul3A_624, %add3A_619 : vector<128x128xf32>
    %select_n3A_626 = arith.select %ge3A_622, %add3A_619, %mul3A_625 : vector<128x128xi1>, vector<128x128xf32>
    %mul3A_627 = vector.broadcast %transpose3A_19 : vector<128x1xf32> to vector<128x128xf32>
    %mul3A_628 = arith.mulf %select_n3A_626, %mul3A_627 : vector<128x128xf32>
    %reduce_sum3A_629 = arith.constant dense<0.000000e+00> : vector<128xf32>
    %reduce_sum3A_630 = vector.multi_reduction <add>, %mul3A_628, %reduce_sum3A_629 [0] : vector<128x128xf32> to vector<128xf32>
    %broadcast_in_dim3A_631 = vector.shape_cast %reduce_sum3A_630 : vector<128xf32> to vector<1x128xf32>
    %add3A_632 = arith.addf %slice3A_170, %slice3A_186 : vector<128x128xf32>
    %ge3A_633 = arith.constant 0.000000e+00 : f32
    %ge3A_634 = vector.broadcast %ge3A_633 : f32 to vector<128x128xf32>
    %ge3A_635 = arith.cmpf oge, %add3A_632, %ge3A_634 : vector<128x128xf32>
    %mul3A_636 = arith.constant 2.000000e-01 : f32
    %mul3A_637 = vector.broadcast %mul3A_636 : f32 to vector<128x128xf32>
    %mul3A_638 = arith.mulf %mul3A_637, %add3A_632 : vector<128x128xf32>
    %select_n3A_639 = arith.select %ge3A_635, %add3A_632, %mul3A_638 : vector<128x128xi1>, vector<128x128xf32>
    %mul3A_640 = vector.broadcast %transpose3A_19 : vector<128x1xf32> to vector<128x128xf32>
    %mul3A_641 = arith.mulf %select_n3A_639, %mul3A_640 : vector<128x128xf32>
    %reduce_sum3A_642 = arith.constant dense<0.000000e+00> : vector<128xf32>
    %reduce_sum3A_643 = vector.multi_reduction <add>, %mul3A_641, %reduce_sum3A_642 [0] : vector<128x128xf32> to vector<128xf32>
    %broadcast_in_dim3A_644 = vector.shape_cast %reduce_sum3A_643 : vector<128xf32> to vector<1x128xf32>
    %add3A_645 = arith.addf %slice3A_169, %slice3A_186 : vector<128x128xf32>
    %ge3A_646 = arith.constant 0.000000e+00 : f32
    %ge3A_647 = vector.broadcast %ge3A_646 : f32 to vector<128x128xf32>
    %ge3A_648 = arith.cmpf oge, %add3A_645, %ge3A_647 : vector<128x128xf32>
    %mul3A_649 = arith.constant 2.000000e-01 : f32
    %mul3A_650 = vector.broadcast %mul3A_649 : f32 to vector<128x128xf32>
    %mul3A_651 = arith.mulf %mul3A_650, %add3A_645 : vector<128x128xf32>
    %select_n3A_652 = arith.select %ge3A_648, %add3A_645, %mul3A_651 : vector<128x128xi1>, vector<128x128xf32>
    %mul3A_653 = vector.broadcast %transpose3A_19 : vector<128x1xf32> to vector<128x128xf32>
    %mul3A_654 = arith.mulf %select_n3A_652, %mul3A_653 : vector<128x128xf32>
    %reduce_sum3A_655 = arith.constant dense<0.000000e+00> : vector<128xf32>
    %reduce_sum3A_656 = vector.multi_reduction <add>, %mul3A_654, %reduce_sum3A_655 [0] : vector<128x128xf32> to vector<128xf32>
    %broadcast_in_dim3A_657 = vector.shape_cast %reduce_sum3A_656 : vector<128xf32> to vector<1x128xf32>
    %add3A_658 = arith.addf %slice3A_169, %slice3A_187 : vector<128x128xf32>
    %ge3A_659 = arith.constant 0.000000e+00 : f32
    %ge3A_660 = vector.broadcast %ge3A_659 : f32 to vector<128x128xf32>
    %ge3A_661 = arith.cmpf oge, %add3A_658, %ge3A_660 : vector<128x128xf32>
    %mul3A_662 = arith.constant 2.000000e-01 : f32
    %mul3A_663 = vector.broadcast %mul3A_662 : f32 to vector<128x128xf32>
    %mul3A_664 = arith.mulf %mul3A_663, %add3A_658 : vector<128x128xf32>
    %select_n3A_665 = arith.select %ge3A_661, %add3A_658, %mul3A_664 : vector<128x128xi1>, vector<128x128xf32>
    %mul3A_666 = vector.broadcast %transpose3A_19 : vector<128x1xf32> to vector<128x128xf32>
    %mul3A_667 = arith.mulf %select_n3A_665, %mul3A_666 : vector<128x128xf32>
    %reduce_sum3A_668 = arith.constant dense<0.000000e+00> : vector<128xf32>
    %reduce_sum3A_669 = vector.multi_reduction <add>, %mul3A_667, %reduce_sum3A_668 [0] : vector<128x128xf32> to vector<128xf32>
    %broadcast_in_dim3A_670 = vector.shape_cast %reduce_sum3A_669 : vector<128xf32> to vector<1x128xf32>
    %add3A_671 = arith.addf %slice3A_171, %slice3A_187 : vector<128x128xf32>
    %ge3A_672 = arith.constant 0.000000e+00 : f32
    %ge3A_673 = vector.broadcast %ge3A_672 : f32 to vector<128x128xf32>
    %ge3A_674 = arith.cmpf oge, %add3A_671, %ge3A_673 : vector<128x128xf32>
    %mul3A_675 = arith.constant 2.000000e-01 : f32
    %mul3A_676 = vector.broadcast %mul3A_675 : f32 to vector<128x128xf32>
    %mul3A_677 = arith.mulf %mul3A_676, %add3A_671 : vector<128x128xf32>
    %select_n3A_678 = arith.select %ge3A_674, %add3A_671, %mul3A_677 : vector<128x128xi1>, vector<128x128xf32>
    %mul3A_679 = vector.broadcast %transpose3A_19 : vector<128x1xf32> to vector<128x128xf32>
    %mul3A_680 = arith.mulf %select_n3A_678, %mul3A_679 : vector<128x128xf32>
    %reduce_sum3A_681 = arith.constant dense<0.000000e+00> : vector<128xf32>
    %reduce_sum3A_682 = vector.multi_reduction <add>, %mul3A_680, %reduce_sum3A_681 [0] : vector<128x128xf32> to vector<128xf32>
    %broadcast_in_dim3A_683 = vector.shape_cast %reduce_sum3A_682 : vector<128xf32> to vector<1x128xf32>
    %add3A_684 = arith.addf %slice3A_170, %slice3A_187 : vector<128x128xf32>
    %ge3A_685 = arith.constant 0.000000e+00 : f32
    %ge3A_686 = vector.broadcast %ge3A_685 : f32 to vector<128x128xf32>
    %ge3A_687 = arith.cmpf oge, %add3A_684, %ge3A_686 : vector<128x128xf32>
    %mul3A_688 = arith.constant 2.000000e-01 : f32
    %mul3A_689 = vector.broadcast %mul3A_688 : f32 to vector<128x128xf32>
    %mul3A_690 = arith.mulf %mul3A_689, %add3A_684 : vector<128x128xf32>
    %select_n3A_691 = arith.select %ge3A_687, %add3A_684, %mul3A_690 : vector<128x128xi1>, vector<128x128xf32>
    %mul3A_692 = vector.broadcast %transpose3A_19 : vector<128x1xf32> to vector<128x128xf32>
    %mul3A_693 = arith.mulf %select_n3A_691, %mul3A_692 : vector<128x128xf32>
    %reduce_sum3A_694 = arith.constant dense<0.000000e+00> : vector<128xf32>
    %reduce_sum3A_695 = vector.multi_reduction <add>, %mul3A_693, %reduce_sum3A_694 [0] : vector<128x128xf32> to vector<128xf32>
    %broadcast_in_dim3A_696 = vector.shape_cast %reduce_sum3A_695 : vector<128xf32> to vector<1x128xf32>
    %add3A_697 = arith.addf %slice3A_170, %slice3A_188 : vector<128x128xf32>
    %ge3A_698 = arith.constant 0.000000e+00 : f32
    %ge3A_699 = vector.broadcast %ge3A_698 : f32 to vector<128x128xf32>
    %ge3A_700 = arith.cmpf oge, %add3A_697, %ge3A_699 : vector<128x128xf32>
    %mul3A_701 = arith.constant 2.000000e-01 : f32
    %mul3A_702 = vector.broadcast %mul3A_701 : f32 to vector<128x128xf32>
    %mul3A_703 = arith.mulf %mul3A_702, %add3A_697 : vector<128x128xf32>
    %select_n3A_704 = arith.select %ge3A_700, %add3A_697, %mul3A_703 : vector<128x128xi1>, vector<128x128xf32>
    %mul3A_705 = vector.broadcast %transpose3A_19 : vector<128x1xf32> to vector<128x128xf32>
    %mul3A_706 = arith.mulf %select_n3A_704, %mul3A_705 : vector<128x128xf32>
    %reduce_sum3A_707 = arith.constant dense<0.000000e+00> : vector<128xf32>
    %reduce_sum3A_708 = vector.multi_reduction <add>, %mul3A_706, %reduce_sum3A_707 [0] : vector<128x128xf32> to vector<128xf32>
    %broadcast_in_dim3A_709 = vector.shape_cast %reduce_sum3A_708 : vector<128xf32> to vector<1x128xf32>
    %add3A_710 = arith.addf %slice3A_171, %slice3A_188 : vector<128x128xf32>
    %ge3A_711 = arith.constant 0.000000e+00 : f32
    %ge3A_712 = vector.broadcast %ge3A_711 : f32 to vector<128x128xf32>
    %ge3A_713 = arith.cmpf oge, %add3A_710, %ge3A_712 : vector<128x128xf32>
    %mul3A_714 = arith.constant 2.000000e-01 : f32
    %mul3A_715 = vector.broadcast %mul3A_714 : f32 to vector<128x128xf32>
    %mul3A_716 = arith.mulf %mul3A_715, %add3A_710 : vector<128x128xf32>
    %select_n3A_717 = arith.select %ge3A_713, %add3A_710, %mul3A_716 : vector<128x128xi1>, vector<128x128xf32>
    %mul3A_718 = vector.broadcast %transpose3A_19 : vector<128x1xf32> to vector<128x128xf32>
    %mul3A_719 = arith.mulf %select_n3A_717, %mul3A_718 : vector<128x128xf32>
    %reduce_sum3A_720 = arith.constant dense<0.000000e+00> : vector<128xf32>
    %reduce_sum3A_721 = vector.multi_reduction <add>, %mul3A_719, %reduce_sum3A_720 [0] : vector<128x128xf32> to vector<128xf32>
    %broadcast_in_dim3A_722 = vector.shape_cast %reduce_sum3A_721 : vector<128xf32> to vector<1x128xf32>
    %add3A_723 = arith.addf %slice3A_166, %slice3A_189 : vector<128x128xf32>
    %ge3A_724 = arith.constant 0.000000e+00 : f32
    %ge3A_725 = vector.broadcast %ge3A_724 : f32 to vector<128x128xf32>
    %ge3A_726 = arith.cmpf oge, %add3A_723, %ge3A_725 : vector<128x128xf32>
    %mul3A_727 = arith.constant 2.000000e-01 : f32
    %mul3A_728 = vector.broadcast %mul3A_727 : f32 to vector<128x128xf32>
    %mul3A_729 = arith.mulf %mul3A_728, %add3A_723 : vector<128x128xf32>
    %select_n3A_730 = arith.select %ge3A_726, %add3A_723, %mul3A_729 : vector<128x128xi1>, vector<128x128xf32>
    %mul3A_731 = vector.broadcast %transpose3A_19 : vector<128x1xf32> to vector<128x128xf32>
    %mul3A_732 = arith.mulf %select_n3A_730, %mul3A_731 : vector<128x128xf32>
    %reduce_sum3A_733 = arith.constant dense<0.000000e+00> : vector<128xf32>
    %reduce_sum3A_734 = vector.multi_reduction <add>, %mul3A_732, %reduce_sum3A_733 [0] : vector<128x128xf32> to vector<128xf32>
    %broadcast_in_dim3A_735 = vector.shape_cast %reduce_sum3A_734 : vector<128xf32> to vector<1x128xf32>
    %add3A_736 = arith.addf %slice3A_173, %slice3A_189 : vector<128x128xf32>
    %ge3A_737 = arith.constant 0.000000e+00 : f32
    %ge3A_738 = vector.broadcast %ge3A_737 : f32 to vector<128x128xf32>
    %ge3A_739 = arith.cmpf oge, %add3A_736, %ge3A_738 : vector<128x128xf32>
    %mul3A_740 = arith.constant 2.000000e-01 : f32
    %mul3A_741 = vector.broadcast %mul3A_740 : f32 to vector<128x128xf32>
    %mul3A_742 = arith.mulf %mul3A_741, %add3A_736 : vector<128x128xf32>
    %select_n3A_743 = arith.select %ge3A_739, %add3A_736, %mul3A_742 : vector<128x128xi1>, vector<128x128xf32>
    %mul3A_744 = vector.broadcast %transpose3A_19 : vector<128x1xf32> to vector<128x128xf32>
    %mul3A_745 = arith.mulf %select_n3A_743, %mul3A_744 : vector<128x128xf32>
    %reduce_sum3A_746 = arith.constant dense<0.000000e+00> : vector<128xf32>
    %reduce_sum3A_747 = vector.multi_reduction <add>, %mul3A_745, %reduce_sum3A_746 [0] : vector<128x128xf32> to vector<128xf32>
    %broadcast_in_dim3A_748 = vector.shape_cast %reduce_sum3A_747 : vector<128xf32> to vector<1x128xf32>
    %add3A_749 = arith.addf %slice3A_172, %slice3A_189 : vector<128x128xf32>
    %ge3A_750 = arith.constant 0.000000e+00 : f32
    %ge3A_751 = vector.broadcast %ge3A_750 : f32 to vector<128x128xf32>
    %ge3A_752 = arith.cmpf oge, %add3A_749, %ge3A_751 : vector<128x128xf32>
    %mul3A_753 = arith.constant 2.000000e-01 : f32
    %mul3A_754 = vector.broadcast %mul3A_753 : f32 to vector<128x128xf32>
    %mul3A_755 = arith.mulf %mul3A_754, %add3A_749 : vector<128x128xf32>
    %select_n3A_756 = arith.select %ge3A_752, %add3A_749, %mul3A_755 : vector<128x128xi1>, vector<128x128xf32>
    %mul3A_757 = vector.broadcast %transpose3A_19 : vector<128x1xf32> to vector<128x128xf32>
    %mul3A_758 = arith.mulf %select_n3A_756, %mul3A_757 : vector<128x128xf32>
    %reduce_sum3A_759 = arith.constant dense<0.000000e+00> : vector<128xf32>
    %reduce_sum3A_760 = vector.multi_reduction <add>, %mul3A_758, %reduce_sum3A_759 [0] : vector<128x128xf32> to vector<128xf32>
    %broadcast_in_dim3A_761 = vector.shape_cast %reduce_sum3A_760 : vector<128xf32> to vector<1x128xf32>
    %add3A_762 = arith.addf %slice3A_172, %slice3A_190 : vector<128x128xf32>
    %ge3A_763 = arith.constant 0.000000e+00 : f32
    %ge3A_764 = vector.broadcast %ge3A_763 : f32 to vector<128x128xf32>
    %ge3A_765 = arith.cmpf oge, %add3A_762, %ge3A_764 : vector<128x128xf32>
    %mul3A_766 = arith.constant 2.000000e-01 : f32
    %mul3A_767 = vector.broadcast %mul3A_766 : f32 to vector<128x128xf32>
    %mul3A_768 = arith.mulf %mul3A_767, %add3A_762 : vector<128x128xf32>
    %select_n3A_769 = arith.select %ge3A_765, %add3A_762, %mul3A_768 : vector<128x128xi1>, vector<128x128xf32>
    %mul3A_770 = vector.broadcast %transpose3A_19 : vector<128x1xf32> to vector<128x128xf32>
    %mul3A_771 = arith.mulf %select_n3A_769, %mul3A_770 : vector<128x128xf32>
    %reduce_sum3A_772 = arith.constant dense<0.000000e+00> : vector<128xf32>
    %reduce_sum3A_773 = vector.multi_reduction <add>, %mul3A_771, %reduce_sum3A_772 [0] : vector<128x128xf32> to vector<128xf32>
    %broadcast_in_dim3A_774 = vector.shape_cast %reduce_sum3A_773 : vector<128xf32> to vector<1x128xf32>
    %add3A_775 = arith.addf %slice3A_174, %slice3A_190 : vector<128x128xf32>
    %ge3A_776 = arith.constant 0.000000e+00 : f32
    %ge3A_777 = vector.broadcast %ge3A_776 : f32 to vector<128x128xf32>
    %ge3A_778 = arith.cmpf oge, %add3A_775, %ge3A_777 : vector<128x128xf32>
    %mul3A_779 = arith.constant 2.000000e-01 : f32
    %mul3A_780 = vector.broadcast %mul3A_779 : f32 to vector<128x128xf32>
    %mul3A_781 = arith.mulf %mul3A_780, %add3A_775 : vector<128x128xf32>
    %select_n3A_782 = arith.select %ge3A_778, %add3A_775, %mul3A_781 : vector<128x128xi1>, vector<128x128xf32>
    %mul3A_783 = vector.broadcast %transpose3A_19 : vector<128x1xf32> to vector<128x128xf32>
    %mul3A_784 = arith.mulf %select_n3A_782, %mul3A_783 : vector<128x128xf32>
    %reduce_sum3A_785 = arith.constant dense<0.000000e+00> : vector<128xf32>
    %reduce_sum3A_786 = vector.multi_reduction <add>, %mul3A_784, %reduce_sum3A_785 [0] : vector<128x128xf32> to vector<128xf32>
    %broadcast_in_dim3A_787 = vector.shape_cast %reduce_sum3A_786 : vector<128xf32> to vector<1x128xf32>
    %add3A_788 = arith.addf %slice3A_173, %slice3A_190 : vector<128x128xf32>
    %ge3A_789 = arith.constant 0.000000e+00 : f32
    %ge3A_790 = vector.broadcast %ge3A_789 : f32 to vector<128x128xf32>
    %ge3A_791 = arith.cmpf oge, %add3A_788, %ge3A_790 : vector<128x128xf32>
    %mul3A_792 = arith.constant 2.000000e-01 : f32
    %mul3A_793 = vector.broadcast %mul3A_792 : f32 to vector<128x128xf32>
    %mul3A_794 = arith.mulf %mul3A_793, %add3A_788 : vector<128x128xf32>
    %select_n3A_795 = arith.select %ge3A_791, %add3A_788, %mul3A_794 : vector<128x128xi1>, vector<128x128xf32>
    %mul3A_796 = vector.broadcast %transpose3A_19 : vector<128x1xf32> to vector<128x128xf32>
    %mul3A_797 = arith.mulf %select_n3A_795, %mul3A_796 : vector<128x128xf32>
    %reduce_sum3A_798 = arith.constant dense<0.000000e+00> : vector<128xf32>
    %reduce_sum3A_799 = vector.multi_reduction <add>, %mul3A_797, %reduce_sum3A_798 [0] : vector<128x128xf32> to vector<128xf32>
    %broadcast_in_dim3A_800 = vector.shape_cast %reduce_sum3A_799 : vector<128xf32> to vector<1x128xf32>
    %add3A_801 = arith.addf %slice3A_173, %slice3A_191 : vector<128x128xf32>
    %ge3A_802 = arith.constant 0.000000e+00 : f32
    %ge3A_803 = vector.broadcast %ge3A_802 : f32 to vector<128x128xf32>
    %ge3A_804 = arith.cmpf oge, %add3A_801, %ge3A_803 : vector<128x128xf32>
    %mul3A_805 = arith.constant 2.000000e-01 : f32
    %mul3A_806 = vector.broadcast %mul3A_805 : f32 to vector<128x128xf32>
    %mul3A_807 = arith.mulf %mul3A_806, %add3A_801 : vector<128x128xf32>
    %select_n3A_808 = arith.select %ge3A_804, %add3A_801, %mul3A_807 : vector<128x128xi1>, vector<128x128xf32>
    %mul3A_809 = vector.broadcast %transpose3A_19 : vector<128x1xf32> to vector<128x128xf32>
    %mul3A_810 = arith.mulf %select_n3A_808, %mul3A_809 : vector<128x128xf32>
    %reduce_sum3A_811 = arith.constant dense<0.000000e+00> : vector<128xf32>
    %reduce_sum3A_812 = vector.multi_reduction <add>, %mul3A_810, %reduce_sum3A_811 [0] : vector<128x128xf32> to vector<128xf32>
    %broadcast_in_dim3A_813 = vector.shape_cast %reduce_sum3A_812 : vector<128xf32> to vector<1x128xf32>
    %add3A_814 = arith.addf %slice3A_174, %slice3A_191 : vector<128x128xf32>
    %ge3A_815 = arith.constant 0.000000e+00 : f32
    %ge3A_816 = vector.broadcast %ge3A_815 : f32 to vector<128x128xf32>
    %ge3A_817 = arith.cmpf oge, %add3A_814, %ge3A_816 : vector<128x128xf32>
    %mul3A_818 = arith.constant 2.000000e-01 : f32
    %mul3A_819 = vector.broadcast %mul3A_818 : f32 to vector<128x128xf32>
    %mul3A_820 = arith.mulf %mul3A_819, %add3A_814 : vector<128x128xf32>
    %select_n3A_821 = arith.select %ge3A_817, %add3A_814, %mul3A_820 : vector<128x128xi1>, vector<128x128xf32>
    %mul3A_822 = vector.broadcast %transpose3A_19 : vector<128x1xf32> to vector<128x128xf32>
    %mul3A_823 = arith.mulf %select_n3A_821, %mul3A_822 : vector<128x128xf32>
    %reduce_sum3A_824 = arith.constant dense<0.000000e+00> : vector<128xf32>
    %reduce_sum3A_825 = vector.multi_reduction <add>, %mul3A_823, %reduce_sum3A_824 [0] : vector<128x128xf32> to vector<128xf32>
    %broadcast_in_dim3A_826 = vector.shape_cast %reduce_sum3A_825 : vector<128xf32> to vector<1x128xf32>
    %max3A = arith.maximumf %broadcast_in_dim3A_202, %broadcast_in_dim3A_215 : vector<1x128xf32>
    %max3A_827 = arith.maximumf %max3A, %broadcast_in_dim3A_228 : vector<1x128xf32>
    %max3A_828 = arith.maximumf %max3A_827, %broadcast_in_dim3A_241 : vector<1x128xf32>
    %sub3A_829 = arith.subf %broadcast_in_dim3A_202, %max3A_828 : vector<1x128xf32>
    %exp3A = math.exp %sub3A_829 : vector<1x128xf32>
    %mul3A_830 = arith.constant 2.000000e+00 : f32
    %mul3A_831 = vector.broadcast %mul3A_830 : f32 to vector<1x128xf32>
    %mul3A_832 = arith.mulf %exp3A, %mul3A_831 : vector<1x128xf32>
    %mul3A_833 = vector.broadcast %mul3A_832 : vector<1x128xf32> to vector<128x128xf32>
    %mul3A_834 = arith.mulf %mul3A_833, %slice3A_159 : vector<128x128xf32>
    %sub3A_835 = arith.subf %broadcast_in_dim3A_215, %max3A_828 : vector<1x128xf32>
    %exp3A_836 = math.exp %sub3A_835 : vector<1x128xf32>
    %mul3A_837 = arith.constant 2.000000e+00 : f32
    %mul3A_838 = vector.broadcast %mul3A_837 : f32 to vector<1x128xf32>
    %mul3A_839 = arith.mulf %exp3A_836, %mul3A_838 : vector<1x128xf32>
    %add3A_840 = arith.addf %mul3A_832, %mul3A_839 : vector<1x128xf32>
    %mul3A_841 = vector.broadcast %mul3A_839 : vector<1x128xf32> to vector<128x128xf32>
    %mul3A_842 = arith.mulf %mul3A_841, %slice3A_162 : vector<128x128xf32>
    %add3A_843 = arith.addf %mul3A_834, %mul3A_842 : vector<128x128xf32>
    %sub3A_844 = arith.subf %broadcast_in_dim3A_228, %max3A_828 : vector<1x128xf32>
    %exp3A_845 = math.exp %sub3A_844 : vector<1x128xf32>
    %mul3A_846 = arith.constant 2.000000e+00 : f32
    %mul3A_847 = vector.broadcast %mul3A_846 : f32 to vector<1x128xf32>
    %mul3A_848 = arith.mulf %exp3A_845, %mul3A_847 : vector<1x128xf32>
    %add3A_849 = arith.addf %add3A_840, %mul3A_848 : vector<1x128xf32>
    %mul3A_850 = vector.broadcast %mul3A_848 : vector<1x128xf32> to vector<128x128xf32>
    %mul3A_851 = arith.mulf %mul3A_850, %slice3A_165 : vector<128x128xf32>
    %add3A_852 = arith.addf %add3A_843, %mul3A_851 : vector<128x128xf32>
    %sub3A_853 = arith.subf %broadcast_in_dim3A_241, %max3A_828 : vector<1x128xf32>
    %exp3A_854 = math.exp %sub3A_853 : vector<1x128xf32>
    %mul3A_855 = arith.constant 1.000000e+00 : f32
    %mul3A_856 = vector.broadcast %mul3A_855 : f32 to vector<1x128xf32>
    %mul3A_857 = arith.mulf %exp3A_854, %mul3A_856 : vector<1x128xf32>
    %add3A_858 = arith.addf %add3A_849, %mul3A_857 : vector<1x128xf32>
    %mul3A_859 = vector.broadcast %mul3A_857 : vector<1x128xf32> to vector<128x128xf32>
    %mul3A_860 = arith.mulf %mul3A_859, %slice3A : vector<128x128xf32>
    %add3A_861 = arith.addf %add3A_852, %mul3A_860 : vector<128x128xf32>
    %add3A_862 = arith.constant 1.000000e-16 : f32
    %add3A_863 = vector.broadcast %add3A_862 : f32 to vector<1x128xf32>
    %add3A_864 = arith.addf %add3A_858, %add3A_863 : vector<1x128xf32>
    %div3A_865 = arith.constant 1.000000e+00 : f32
    %div3A_866 = vector.broadcast %div3A_865 : f32 to vector<1x128xf32>
    %div3A_867 = arith.divf %div3A_866, %add3A_864 : vector<1x128xf32>
    %mul3A_868 = vector.broadcast %div3A_867 : vector<1x128xf32> to vector<128x128xf32>
    %mul3A_869 = arith.mulf %add3A_861, %mul3A_868 : vector<128x128xf32>
    %add3A_870 = vector.broadcast %transpose3A_23 : vector<128x1xf32> to vector<128x128xf32>
    %add3A_871 = arith.addf %mul3A_869, %add3A_870 : vector<128x128xf32>
    %max3A_872 = arith.maximumf %broadcast_in_dim3A_254, %broadcast_in_dim3A_267 : vector<1x128xf32>
    %max3A_873 = arith.maximumf %max3A_872, %broadcast_in_dim3A_280 : vector<1x128xf32>
    %sub3A_874 = arith.subf %broadcast_in_dim3A_254, %max3A_873 : vector<1x128xf32>
    %exp3A_875 = math.exp %sub3A_874 : vector<1x128xf32>
    %mul3A_876 = arith.constant 2.000000e+00 : f32
    %mul3A_877 = vector.broadcast %mul3A_876 : f32 to vector<1x128xf32>
    %mul3A_878 = arith.mulf %exp3A_875, %mul3A_877 : vector<1x128xf32>
    %mul3A_879 = vector.broadcast %mul3A_878 : vector<1x128xf32> to vector<128x128xf32>
    %mul3A_880 = arith.mulf %mul3A_879, %slice3A : vector<128x128xf32>
    %sub3A_881 = arith.subf %broadcast_in_dim3A_267, %max3A_873 : vector<1x128xf32>
    %exp3A_882 = math.exp %sub3A_881 : vector<1x128xf32>
    %mul3A_883 = arith.constant 2.000000e+00 : f32
    %mul3A_884 = vector.broadcast %mul3A_883 : f32 to vector<1x128xf32>
    %mul3A_885 = arith.mulf %exp3A_882, %mul3A_884 : vector<1x128xf32>
    %add3A_886 = arith.addf %mul3A_878, %mul3A_885 : vector<1x128xf32>
    %mul3A_887 = vector.broadcast %mul3A_885 : vector<1x128xf32> to vector<128x128xf32>
    %mul3A_888 = arith.mulf %mul3A_887, %slice3A_160 : vector<128x128xf32>
    %add3A_889 = arith.addf %mul3A_880, %mul3A_888 : vector<128x128xf32>
    %sub3A_890 = arith.subf %broadcast_in_dim3A_280, %max3A_873 : vector<1x128xf32>
    %exp3A_891 = math.exp %sub3A_890 : vector<1x128xf32>
    %mul3A_892 = arith.constant 1.000000e+00 : f32
    %mul3A_893 = vector.broadcast %mul3A_892 : f32 to vector<1x128xf32>
    %mul3A_894 = arith.mulf %exp3A_891, %mul3A_893 : vector<1x128xf32>
    %add3A_895 = arith.addf %add3A_886, %mul3A_894 : vector<1x128xf32>
    %mul3A_896 = vector.broadcast %mul3A_894 : vector<1x128xf32> to vector<128x128xf32>
    %mul3A_897 = arith.mulf %mul3A_896, %slice3A_159 : vector<128x128xf32>
    %add3A_898 = arith.addf %add3A_889, %mul3A_897 : vector<128x128xf32>
    %add3A_899 = arith.constant 1.000000e-16 : f32
    %add3A_900 = vector.broadcast %add3A_899 : f32 to vector<1x128xf32>
    %add3A_901 = arith.addf %add3A_895, %add3A_900 : vector<1x128xf32>
    %div3A_902 = arith.constant 1.000000e+00 : f32
    %div3A_903 = vector.broadcast %div3A_902 : f32 to vector<1x128xf32>
    %div3A_904 = arith.divf %div3A_903, %add3A_901 : vector<1x128xf32>
    %mul3A_905 = vector.broadcast %div3A_904 : vector<1x128xf32> to vector<128x128xf32>
    %mul3A_906 = arith.mulf %add3A_898, %mul3A_905 : vector<128x128xf32>
    %add3A_907 = vector.broadcast %transpose3A_23 : vector<128x1xf32> to vector<128x128xf32>
    %add3A_908 = arith.addf %mul3A_906, %add3A_907 : vector<128x128xf32>
    %max3A_909 = arith.maximumf %broadcast_in_dim3A_293, %broadcast_in_dim3A_306 : vector<1x128xf32>
    %max3A_910 = arith.maximumf %max3A_909, %broadcast_in_dim3A_319 : vector<1x128xf32>
    %sub3A_911 = arith.subf %broadcast_in_dim3A_293, %max3A_910 : vector<1x128xf32>
    %exp3A_912 = math.exp %sub3A_911 : vector<1x128xf32>
    %mul3A_913 = arith.constant 2.000000e+00 : f32
    %mul3A_914 = vector.broadcast %mul3A_913 : f32 to vector<1x128xf32>
    %mul3A_915 = arith.mulf %exp3A_912, %mul3A_914 : vector<1x128xf32>
    %mul3A_916 = vector.broadcast %mul3A_915 : vector<1x128xf32> to vector<128x128xf32>
    %mul3A_917 = arith.mulf %mul3A_916, %slice3A_159 : vector<128x128xf32>
    %sub3A_918 = arith.subf %broadcast_in_dim3A_306, %max3A_910 : vector<1x128xf32>
    %exp3A_919 = math.exp %sub3A_918 : vector<1x128xf32>
    %mul3A_920 = arith.constant 2.000000e+00 : f32
    %mul3A_921 = vector.broadcast %mul3A_920 : f32 to vector<1x128xf32>
    %mul3A_922 = arith.mulf %exp3A_919, %mul3A_921 : vector<1x128xf32>
    %add3A_923 = arith.addf %mul3A_915, %mul3A_922 : vector<1x128xf32>
    %mul3A_924 = vector.broadcast %mul3A_922 : vector<1x128xf32> to vector<128x128xf32>
    %mul3A_925 = arith.mulf %mul3A_924, %slice3A_161 : vector<128x128xf32>
    %add3A_926 = arith.addf %mul3A_917, %mul3A_925 : vector<128x128xf32>
    %sub3A_927 = arith.subf %broadcast_in_dim3A_319, %max3A_910 : vector<1x128xf32>
    %exp3A_928 = math.exp %sub3A_927 : vector<1x128xf32>
    %mul3A_929 = arith.constant 1.000000e+00 : f32
    %mul3A_930 = vector.broadcast %mul3A_929 : f32 to vector<1x128xf32>
    %mul3A_931 = arith.mulf %exp3A_928, %mul3A_930 : vector<1x128xf32>
    %add3A_932 = arith.addf %add3A_923, %mul3A_931 : vector<1x128xf32>
    %mul3A_933 = vector.broadcast %mul3A_931 : vector<1x128xf32> to vector<128x128xf32>
    %mul3A_934 = arith.mulf %mul3A_933, %slice3A_160 : vector<128x128xf32>
    %add3A_935 = arith.addf %add3A_926, %mul3A_934 : vector<128x128xf32>
    %add3A_936 = arith.constant 1.000000e-16 : f32
    %add3A_937 = vector.broadcast %add3A_936 : f32 to vector<1x128xf32>
    %add3A_938 = arith.addf %add3A_932, %add3A_937 : vector<1x128xf32>
    %div3A_939 = arith.constant 1.000000e+00 : f32
    %div3A_940 = vector.broadcast %div3A_939 : f32 to vector<1x128xf32>
    %div3A_941 = arith.divf %div3A_940, %add3A_938 : vector<1x128xf32>
    %mul3A_942 = vector.broadcast %div3A_941 : vector<1x128xf32> to vector<128x128xf32>
    %mul3A_943 = arith.mulf %add3A_935, %mul3A_942 : vector<128x128xf32>
    %add3A_944 = vector.broadcast %transpose3A_23 : vector<128x1xf32> to vector<128x128xf32>
    %add3A_945 = arith.addf %mul3A_943, %add3A_944 : vector<128x128xf32>
    %max3A_946 = arith.maximumf %broadcast_in_dim3A_332, %broadcast_in_dim3A_345 : vector<1x128xf32>
    %sub3A_947 = arith.subf %broadcast_in_dim3A_332, %max3A_946 : vector<1x128xf32>
    %exp3A_948 = math.exp %sub3A_947 : vector<1x128xf32>
    %mul3A_949 = arith.constant 2.000000e+00 : f32
    %mul3A_950 = vector.broadcast %mul3A_949 : f32 to vector<1x128xf32>
    %mul3A_951 = arith.mulf %exp3A_948, %mul3A_950 : vector<1x128xf32>
    %mul3A_952 = vector.broadcast %mul3A_951 : vector<1x128xf32> to vector<128x128xf32>
    %mul3A_953 = arith.mulf %mul3A_952, %slice3A_160 : vector<128x128xf32>
    %sub3A_954 = arith.subf %broadcast_in_dim3A_345, %max3A_946 : vector<1x128xf32>
    %exp3A_955 = math.exp %sub3A_954 : vector<1x128xf32>
    %mul3A_956 = arith.constant 1.000000e+00 : f32
    %mul3A_957 = vector.broadcast %mul3A_956 : f32 to vector<1x128xf32>
    %mul3A_958 = arith.mulf %exp3A_955, %mul3A_957 : vector<1x128xf32>
    %add3A_959 = arith.addf %mul3A_951, %mul3A_958 : vector<1x128xf32>
    %mul3A_960 = vector.broadcast %mul3A_958 : vector<1x128xf32> to vector<128x128xf32>
    %mul3A_961 = arith.mulf %mul3A_960, %slice3A_161 : vector<128x128xf32>
    %add3A_962 = arith.addf %mul3A_953, %mul3A_961 : vector<128x128xf32>
    %add3A_963 = arith.constant 1.000000e-16 : f32
    %add3A_964 = vector.broadcast %add3A_963 : f32 to vector<1x128xf32>
    %add3A_965 = arith.addf %add3A_959, %add3A_964 : vector<1x128xf32>
    %div3A_966 = arith.constant 1.000000e+00 : f32
    %div3A_967 = vector.broadcast %div3A_966 : f32 to vector<1x128xf32>
    %div3A_968 = arith.divf %div3A_967, %add3A_965 : vector<1x128xf32>
    %mul3A_969 = vector.broadcast %div3A_968 : vector<1x128xf32> to vector<128x128xf32>
    %mul3A_970 = arith.mulf %add3A_962, %mul3A_969 : vector<128x128xf32>
    %add3A_971 = vector.broadcast %transpose3A_23 : vector<128x1xf32> to vector<128x128xf32>
    %add3A_972 = arith.addf %mul3A_970, %add3A_971 : vector<128x128xf32>
    %max3A_973 = arith.maximumf %broadcast_in_dim3A_358, %broadcast_in_dim3A_371 : vector<1x128xf32>
    %max3A_974 = arith.maximumf %max3A_973, %broadcast_in_dim3A_384 : vector<1x128xf32>
    %sub3A_975 = arith.subf %broadcast_in_dim3A_358, %max3A_974 : vector<1x128xf32>
    %exp3A_976 = math.exp %sub3A_975 : vector<1x128xf32>
    %mul3A_977 = arith.constant 2.000000e+00 : f32
    %mul3A_978 = vector.broadcast %mul3A_977 : f32 to vector<1x128xf32>
    %mul3A_979 = arith.mulf %exp3A_976, %mul3A_978 : vector<1x128xf32>
    %mul3A_980 = vector.broadcast %mul3A_979 : vector<1x128xf32> to vector<128x128xf32>
    %mul3A_981 = arith.mulf %mul3A_980, %slice3A : vector<128x128xf32>
    %sub3A_982 = arith.subf %broadcast_in_dim3A_371, %max3A_974 : vector<1x128xf32>
    %exp3A_983 = math.exp %sub3A_982 : vector<1x128xf32>
    %mul3A_984 = arith.constant 2.000000e+00 : f32
    %mul3A_985 = vector.broadcast %mul3A_984 : f32 to vector<1x128xf32>
    %mul3A_986 = arith.mulf %exp3A_983, %mul3A_985 : vector<1x128xf32>
    %add3A_987 = arith.addf %mul3A_979, %mul3A_986 : vector<1x128xf32>
    %mul3A_988 = vector.broadcast %mul3A_986 : vector<1x128xf32> to vector<128x128xf32>
    %mul3A_989 = arith.mulf %mul3A_988, %slice3A_163 : vector<128x128xf32>
    %add3A_990 = arith.addf %mul3A_981, %mul3A_989 : vector<128x128xf32>
    %sub3A_991 = arith.subf %broadcast_in_dim3A_384, %max3A_974 : vector<1x128xf32>
    %exp3A_992 = math.exp %sub3A_991 : vector<1x128xf32>
    %mul3A_993 = arith.constant 1.000000e+00 : f32
    %mul3A_994 = vector.broadcast %mul3A_993 : f32 to vector<1x128xf32>
    %mul3A_995 = arith.mulf %exp3A_992, %mul3A_994 : vector<1x128xf32>
    %add3A_996 = arith.addf %add3A_987, %mul3A_995 : vector<1x128xf32>
    %mul3A_997 = vector.broadcast %mul3A_995 : vector<1x128xf32> to vector<128x128xf32>
    %mul3A_998 = arith.mulf %mul3A_997, %slice3A_162 : vector<128x128xf32>
    %add3A_999 = arith.addf %add3A_990, %mul3A_998 : vector<128x128xf32>
    %add3A_1000 = arith.constant 1.000000e-16 : f32
    %add3A_1001 = vector.broadcast %add3A_1000 : f32 to vector<1x128xf32>
    %add3A_1002 = arith.addf %add3A_996, %add3A_1001 : vector<1x128xf32>
    %div3A_1003 = arith.constant 1.000000e+00 : f32
    %div3A_1004 = vector.broadcast %div3A_1003 : f32 to vector<1x128xf32>
    %div3A_1005 = arith.divf %div3A_1004, %add3A_1002 : vector<1x128xf32>
    %mul3A_1006 = vector.broadcast %div3A_1005 : vector<1x128xf32> to vector<128x128xf32>
    %mul3A_1007 = arith.mulf %add3A_999, %mul3A_1006 : vector<128x128xf32>
    %add3A_1008 = vector.broadcast %transpose3A_23 : vector<128x1xf32> to vector<128x128xf32>
    %add3A_1009 = arith.addf %mul3A_1007, %add3A_1008 : vector<128x128xf32>
    %max3A_1010 = arith.maximumf %broadcast_in_dim3A_397, %broadcast_in_dim3A_410 : vector<1x128xf32>
    %max3A_1011 = arith.maximumf %max3A_1010, %broadcast_in_dim3A_423 : vector<1x128xf32>
    %sub3A_1012 = arith.subf %broadcast_in_dim3A_397, %max3A_1011 : vector<1x128xf32>
    %exp3A_1013 = math.exp %sub3A_1012 : vector<1x128xf32>
    %mul3A_1014 = arith.constant 2.000000e+00 : f32
    %mul3A_1015 = vector.broadcast %mul3A_1014 : f32 to vector<1x128xf32>
    %mul3A_1016 = arith.mulf %exp3A_1013, %mul3A_1015 : vector<1x128xf32>
    %mul3A_1017 = vector.broadcast %mul3A_1016 : vector<1x128xf32> to vector<128x128xf32>
    %mul3A_1018 = arith.mulf %mul3A_1017, %slice3A_162 : vector<128x128xf32>
    %sub3A_1019 = arith.subf %broadcast_in_dim3A_410, %max3A_1011 : vector<1x128xf32>
    %exp3A_1020 = math.exp %sub3A_1019 : vector<1x128xf32>
    %mul3A_1021 = arith.constant 2.000000e+00 : f32
    %mul3A_1022 = vector.broadcast %mul3A_1021 : f32 to vector<1x128xf32>
    %mul3A_1023 = arith.mulf %exp3A_1020, %mul3A_1022 : vector<1x128xf32>
    %add3A_1024 = arith.addf %mul3A_1016, %mul3A_1023 : vector<1x128xf32>
    %mul3A_1025 = vector.broadcast %mul3A_1023 : vector<1x128xf32> to vector<128x128xf32>
    %mul3A_1026 = arith.mulf %mul3A_1025, %slice3A_164 : vector<128x128xf32>
    %add3A_1027 = arith.addf %mul3A_1018, %mul3A_1026 : vector<128x128xf32>
    %sub3A_1028 = arith.subf %broadcast_in_dim3A_423, %max3A_1011 : vector<1x128xf32>
    %exp3A_1029 = math.exp %sub3A_1028 : vector<1x128xf32>
    %mul3A_1030 = arith.constant 1.000000e+00 : f32
    %mul3A_1031 = vector.broadcast %mul3A_1030 : f32 to vector<1x128xf32>
    %mul3A_1032 = arith.mulf %exp3A_1029, %mul3A_1031 : vector<1x128xf32>
    %add3A_1033 = arith.addf %add3A_1024, %mul3A_1032 : vector<1x128xf32>
    %mul3A_1034 = vector.broadcast %mul3A_1032 : vector<1x128xf32> to vector<128x128xf32>
    %mul3A_1035 = arith.mulf %mul3A_1034, %slice3A_163 : vector<128x128xf32>
    %add3A_1036 = arith.addf %add3A_1027, %mul3A_1035 : vector<128x128xf32>
    %add3A_1037 = arith.constant 1.000000e-16 : f32
    %add3A_1038 = vector.broadcast %add3A_1037 : f32 to vector<1x128xf32>
    %add3A_1039 = arith.addf %add3A_1033, %add3A_1038 : vector<1x128xf32>
    %div3A_1040 = arith.constant 1.000000e+00 : f32
    %div3A_1041 = vector.broadcast %div3A_1040 : f32 to vector<1x128xf32>
    %div3A_1042 = arith.divf %div3A_1041, %add3A_1039 : vector<1x128xf32>
    %mul3A_1043 = vector.broadcast %div3A_1042 : vector<1x128xf32> to vector<128x128xf32>
    %mul3A_1044 = arith.mulf %add3A_1036, %mul3A_1043 : vector<128x128xf32>
    %add3A_1045 = vector.broadcast %transpose3A_23 : vector<128x1xf32> to vector<128x128xf32>
    %add3A_1046 = arith.addf %mul3A_1044, %add3A_1045 : vector<128x128xf32>
    %max3A_1047 = arith.maximumf %broadcast_in_dim3A_436, %broadcast_in_dim3A_449 : vector<1x128xf32>
    %sub3A_1048 = arith.subf %broadcast_in_dim3A_436, %max3A_1047 : vector<1x128xf32>
    %exp3A_1049 = math.exp %sub3A_1048 : vector<1x128xf32>
    %mul3A_1050 = arith.constant 2.000000e+00 : f32
    %mul3A_1051 = vector.broadcast %mul3A_1050 : f32 to vector<1x128xf32>
    %mul3A_1052 = arith.mulf %exp3A_1049, %mul3A_1051 : vector<1x128xf32>
    %mul3A_1053 = vector.broadcast %mul3A_1052 : vector<1x128xf32> to vector<128x128xf32>
    %mul3A_1054 = arith.mulf %mul3A_1053, %slice3A_163 : vector<128x128xf32>
    %sub3A_1055 = arith.subf %broadcast_in_dim3A_449, %max3A_1047 : vector<1x128xf32>
    %exp3A_1056 = math.exp %sub3A_1055 : vector<1x128xf32>
    %mul3A_1057 = arith.constant 1.000000e+00 : f32
    %mul3A_1058 = vector.broadcast %mul3A_1057 : f32 to vector<1x128xf32>
    %mul3A_1059 = arith.mulf %exp3A_1056, %mul3A_1058 : vector<1x128xf32>
    %add3A_1060 = arith.addf %mul3A_1052, %mul3A_1059 : vector<1x128xf32>
    %mul3A_1061 = vector.broadcast %mul3A_1059 : vector<1x128xf32> to vector<128x128xf32>
    %mul3A_1062 = arith.mulf %mul3A_1061, %slice3A_164 : vector<128x128xf32>
    %add3A_1063 = arith.addf %mul3A_1054, %mul3A_1062 : vector<128x128xf32>
    %add3A_1064 = arith.constant 1.000000e-16 : f32
    %add3A_1065 = vector.broadcast %add3A_1064 : f32 to vector<1x128xf32>
    %add3A_1066 = arith.addf %add3A_1060, %add3A_1065 : vector<1x128xf32>
    %div3A_1067 = arith.constant 1.000000e+00 : f32
    %div3A_1068 = vector.broadcast %div3A_1067 : f32 to vector<1x128xf32>
    %div3A_1069 = arith.divf %div3A_1068, %add3A_1066 : vector<1x128xf32>
    %mul3A_1070 = vector.broadcast %div3A_1069 : vector<1x128xf32> to vector<128x128xf32>
    %mul3A_1071 = arith.mulf %add3A_1063, %mul3A_1070 : vector<128x128xf32>
    %add3A_1072 = vector.broadcast %transpose3A_23 : vector<128x1xf32> to vector<128x128xf32>
    %add3A_1073 = arith.addf %mul3A_1071, %add3A_1072 : vector<128x128xf32>
    %max3A_1074 = arith.maximumf %broadcast_in_dim3A_462, %broadcast_in_dim3A_475 : vector<1x128xf32>
    %max3A_1075 = arith.maximumf %max3A_1074, %broadcast_in_dim3A_488 : vector<1x128xf32>
    %sub3A_1076 = arith.subf %broadcast_in_dim3A_462, %max3A_1075 : vector<1x128xf32>
    %exp3A_1077 = math.exp %sub3A_1076 : vector<1x128xf32>
    %mul3A_1078 = arith.constant 2.000000e+00 : f32
    %mul3A_1079 = vector.broadcast %mul3A_1078 : f32 to vector<1x128xf32>
    %mul3A_1080 = arith.mulf %exp3A_1077, %mul3A_1079 : vector<1x128xf32>
    %mul3A_1081 = vector.broadcast %mul3A_1080 : vector<1x128xf32> to vector<128x128xf32>
    %mul3A_1082 = arith.mulf %mul3A_1081, %slice3A : vector<128x128xf32>
    %sub3A_1083 = arith.subf %broadcast_in_dim3A_475, %max3A_1075 : vector<1x128xf32>
    %exp3A_1084 = math.exp %sub3A_1083 : vector<1x128xf32>
    %mul3A_1085 = arith.constant 2.000000e+00 : f32
    %mul3A_1086 = vector.broadcast %mul3A_1085 : f32 to vector<1x128xf32>
    %mul3A_1087 = arith.mulf %exp3A_1084, %mul3A_1086 : vector<1x128xf32>
    %add3A_1088 = arith.addf %mul3A_1080, %mul3A_1087 : vector<1x128xf32>
    %mul3A_1089 = vector.broadcast %mul3A_1087 : vector<1x128xf32> to vector<128x128xf32>
    %mul3A_1090 = arith.mulf %mul3A_1089, %slice3A_166 : vector<128x128xf32>
    %add3A_1091 = arith.addf %mul3A_1082, %mul3A_1090 : vector<128x128xf32>
    %sub3A_1092 = arith.subf %broadcast_in_dim3A_488, %max3A_1075 : vector<1x128xf32>
    %exp3A_1093 = math.exp %sub3A_1092 : vector<1x128xf32>
    %mul3A_1094 = arith.constant 1.000000e+00 : f32
    %mul3A_1095 = vector.broadcast %mul3A_1094 : f32 to vector<1x128xf32>
    %mul3A_1096 = arith.mulf %exp3A_1093, %mul3A_1095 : vector<1x128xf32>
    %add3A_1097 = arith.addf %add3A_1088, %mul3A_1096 : vector<1x128xf32>
    %mul3A_1098 = vector.broadcast %mul3A_1096 : vector<1x128xf32> to vector<128x128xf32>
    %mul3A_1099 = arith.mulf %mul3A_1098, %slice3A_165 : vector<128x128xf32>
    %add3A_1100 = arith.addf %add3A_1091, %mul3A_1099 : vector<128x128xf32>
    %add3A_1101 = arith.constant 1.000000e-16 : f32
    %add3A_1102 = vector.broadcast %add3A_1101 : f32 to vector<1x128xf32>
    %add3A_1103 = arith.addf %add3A_1097, %add3A_1102 : vector<1x128xf32>
    %div3A_1104 = arith.constant 1.000000e+00 : f32
    %div3A_1105 = vector.broadcast %div3A_1104 : f32 to vector<1x128xf32>
    %div3A_1106 = arith.divf %div3A_1105, %add3A_1103 : vector<1x128xf32>
    %mul3A_1107 = vector.broadcast %div3A_1106 : vector<1x128xf32> to vector<128x128xf32>
    %mul3A_1108 = arith.mulf %add3A_1100, %mul3A_1107 : vector<128x128xf32>
    %add3A_1109 = vector.broadcast %transpose3A_23 : vector<128x1xf32> to vector<128x128xf32>
    %add3A_1110 = arith.addf %mul3A_1108, %add3A_1109 : vector<128x128xf32>
    %max3A_1111 = arith.maximumf %broadcast_in_dim3A_501, %broadcast_in_dim3A_514 : vector<1x128xf32>
    %max3A_1112 = arith.maximumf %max3A_1111, %broadcast_in_dim3A_527 : vector<1x128xf32>
    %max3A_1113 = arith.maximumf %max3A_1112, %broadcast_in_dim3A_540 : vector<1x128xf32>
    %max3A_1114 = arith.maximumf %max3A_1113, %broadcast_in_dim3A_553 : vector<1x128xf32>
    %sub3A_1115 = arith.subf %broadcast_in_dim3A_501, %max3A_1114 : vector<1x128xf32>
    %exp3A_1116 = math.exp %sub3A_1115 : vector<1x128xf32>
    %mul3A_1117 = arith.constant 2.000000e+00 : f32
    %mul3A_1118 = vector.broadcast %mul3A_1117 : f32 to vector<1x128xf32>
    %mul3A_1119 = arith.mulf %exp3A_1116, %mul3A_1118 : vector<1x128xf32>
    %mul3A_1120 = vector.broadcast %mul3A_1119 : vector<1x128xf32> to vector<128x128xf32>
    %mul3A_1121 = arith.mulf %mul3A_1120, %slice3A_165 : vector<128x128xf32>
    %sub3A_1122 = arith.subf %broadcast_in_dim3A_514, %max3A_1114 : vector<1x128xf32>
    %exp3A_1123 = math.exp %sub3A_1122 : vector<1x128xf32>
    %mul3A_1124 = arith.constant 2.000000e+00 : f32
    %mul3A_1125 = vector.broadcast %mul3A_1124 : f32 to vector<1x128xf32>
    %mul3A_1126 = arith.mulf %exp3A_1123, %mul3A_1125 : vector<1x128xf32>
    %add3A_1127 = arith.addf %mul3A_1119, %mul3A_1126 : vector<1x128xf32>
    %mul3A_1128 = vector.broadcast %mul3A_1126 : vector<1x128xf32> to vector<128x128xf32>
    %mul3A_1129 = arith.mulf %mul3A_1128, %slice3A_167 : vector<128x128xf32>
    %add3A_1130 = arith.addf %mul3A_1121, %mul3A_1129 : vector<128x128xf32>
    %sub3A_1131 = arith.subf %broadcast_in_dim3A_527, %max3A_1114 : vector<1x128xf32>
    %exp3A_1132 = math.exp %sub3A_1131 : vector<1x128xf32>
    %mul3A_1133 = arith.constant 2.000000e+00 : f32
    %mul3A_1134 = vector.broadcast %mul3A_1133 : f32 to vector<1x128xf32>
    %mul3A_1135 = arith.mulf %exp3A_1132, %mul3A_1134 : vector<1x128xf32>
    %add3A_1136 = arith.addf %add3A_1127, %mul3A_1135 : vector<1x128xf32>
    %mul3A_1137 = vector.broadcast %mul3A_1135 : vector<1x128xf32> to vector<128x128xf32>
    %mul3A_1138 = arith.mulf %mul3A_1137, %slice3A_169 : vector<128x128xf32>
    %add3A_1139 = arith.addf %add3A_1130, %mul3A_1138 : vector<128x128xf32>
    %sub3A_1140 = arith.subf %broadcast_in_dim3A_540, %max3A_1114 : vector<1x128xf32>
    %exp3A_1141 = math.exp %sub3A_1140 : vector<1x128xf32>
    %mul3A_1142 = arith.constant 2.000000e+00 : f32
    %mul3A_1143 = vector.broadcast %mul3A_1142 : f32 to vector<1x128xf32>
    %mul3A_1144 = arith.mulf %exp3A_1141, %mul3A_1143 : vector<1x128xf32>
    %add3A_1145 = arith.addf %add3A_1136, %mul3A_1144 : vector<1x128xf32>
    %mul3A_1146 = vector.broadcast %mul3A_1144 : vector<1x128xf32> to vector<128x128xf32>
    %mul3A_1147 = arith.mulf %mul3A_1146, %slice3A_172 : vector<128x128xf32>
    %add3A_1148 = arith.addf %add3A_1139, %mul3A_1147 : vector<128x128xf32>
    %sub3A_1149 = arith.subf %broadcast_in_dim3A_553, %max3A_1114 : vector<1x128xf32>
    %exp3A_1150 = math.exp %sub3A_1149 : vector<1x128xf32>
    %mul3A_1151 = arith.constant 1.000000e+00 : f32
    %mul3A_1152 = vector.broadcast %mul3A_1151 : f32 to vector<1x128xf32>
    %mul3A_1153 = arith.mulf %exp3A_1150, %mul3A_1152 : vector<1x128xf32>
    %add3A_1154 = arith.addf %add3A_1145, %mul3A_1153 : vector<1x128xf32>
    %mul3A_1155 = vector.broadcast %mul3A_1153 : vector<1x128xf32> to vector<128x128xf32>
    %mul3A_1156 = arith.mulf %mul3A_1155, %slice3A_166 : vector<128x128xf32>
    %add3A_1157 = arith.addf %add3A_1148, %mul3A_1156 : vector<128x128xf32>
    %add3A_1158 = arith.constant 1.000000e-16 : f32
    %add3A_1159 = vector.broadcast %add3A_1158 : f32 to vector<1x128xf32>
    %add3A_1160 = arith.addf %add3A_1154, %add3A_1159 : vector<1x128xf32>
    %div3A_1161 = arith.constant 1.000000e+00 : f32
    %div3A_1162 = vector.broadcast %div3A_1161 : f32 to vector<1x128xf32>
    %div3A_1163 = arith.divf %div3A_1162, %add3A_1160 : vector<1x128xf32>
    %mul3A_1164 = vector.broadcast %div3A_1163 : vector<1x128xf32> to vector<128x128xf32>
    %mul3A_1165 = arith.mulf %add3A_1157, %mul3A_1164 : vector<128x128xf32>
    %add3A_1166 = vector.broadcast %transpose3A_23 : vector<128x1xf32> to vector<128x128xf32>
    %add3A_1167 = arith.addf %mul3A_1165, %add3A_1166 : vector<128x128xf32>
    %max3A_1168 = arith.maximumf %broadcast_in_dim3A_566, %broadcast_in_dim3A_579 : vector<1x128xf32>
    %max3A_1169 = arith.maximumf %max3A_1168, %broadcast_in_dim3A_592 : vector<1x128xf32>
    %sub3A_1170 = arith.subf %broadcast_in_dim3A_566, %max3A_1169 : vector<1x128xf32>
    %exp3A_1171 = math.exp %sub3A_1170 : vector<1x128xf32>
    %mul3A_1172 = arith.constant 2.000000e+00 : f32
    %mul3A_1173 = vector.broadcast %mul3A_1172 : f32 to vector<1x128xf32>
    %mul3A_1174 = arith.mulf %exp3A_1171, %mul3A_1173 : vector<1x128xf32>
    %mul3A_1175 = vector.broadcast %mul3A_1174 : vector<1x128xf32> to vector<128x128xf32>
    %mul3A_1176 = arith.mulf %mul3A_1175, %slice3A_166 : vector<128x128xf32>
    %sub3A_1177 = arith.subf %broadcast_in_dim3A_579, %max3A_1169 : vector<1x128xf32>
    %exp3A_1178 = math.exp %sub3A_1177 : vector<1x128xf32>
    %mul3A_1179 = arith.constant 2.000000e+00 : f32
    %mul3A_1180 = vector.broadcast %mul3A_1179 : f32 to vector<1x128xf32>
    %mul3A_1181 = arith.mulf %exp3A_1178, %mul3A_1180 : vector<1x128xf32>
    %add3A_1182 = arith.addf %mul3A_1174, %mul3A_1181 : vector<1x128xf32>
    %mul3A_1183 = vector.broadcast %mul3A_1181 : vector<1x128xf32> to vector<128x128xf32>
    %mul3A_1184 = arith.mulf %mul3A_1183, %slice3A_168 : vector<128x128xf32>
    %add3A_1185 = arith.addf %mul3A_1176, %mul3A_1184 : vector<128x128xf32>
    %sub3A_1186 = arith.subf %broadcast_in_dim3A_592, %max3A_1169 : vector<1x128xf32>
    %exp3A_1187 = math.exp %sub3A_1186 : vector<1x128xf32>
    %mul3A_1188 = arith.constant 1.000000e+00 : f32
    %mul3A_1189 = vector.broadcast %mul3A_1188 : f32 to vector<1x128xf32>
    %mul3A_1190 = arith.mulf %exp3A_1187, %mul3A_1189 : vector<1x128xf32>
    %add3A_1191 = arith.addf %add3A_1182, %mul3A_1190 : vector<1x128xf32>
    %mul3A_1192 = vector.broadcast %mul3A_1190 : vector<1x128xf32> to vector<128x128xf32>
    %mul3A_1193 = arith.mulf %mul3A_1192, %slice3A_167 : vector<128x128xf32>
    %add3A_1194 = arith.addf %add3A_1185, %mul3A_1193 : vector<128x128xf32>
    %add3A_1195 = arith.constant 1.000000e-16 : f32
    %add3A_1196 = vector.broadcast %add3A_1195 : f32 to vector<1x128xf32>
    %add3A_1197 = arith.addf %add3A_1191, %add3A_1196 : vector<1x128xf32>
    %div3A_1198 = arith.constant 1.000000e+00 : f32
    %div3A_1199 = vector.broadcast %div3A_1198 : f32 to vector<1x128xf32>
    %div3A_1200 = arith.divf %div3A_1199, %add3A_1197 : vector<1x128xf32>
    %mul3A_1201 = vector.broadcast %div3A_1200 : vector<1x128xf32> to vector<128x128xf32>
    %mul3A_1202 = arith.mulf %add3A_1194, %mul3A_1201 : vector<128x128xf32>
    %add3A_1203 = vector.broadcast %transpose3A_23 : vector<128x1xf32> to vector<128x128xf32>
    %add3A_1204 = arith.addf %mul3A_1202, %add3A_1203 : vector<128x128xf32>
    %max3A_1205 = arith.maximumf %broadcast_in_dim3A_605, %broadcast_in_dim3A_618 : vector<1x128xf32>
    %sub3A_1206 = arith.subf %broadcast_in_dim3A_605, %max3A_1205 : vector<1x128xf32>
    %exp3A_1207 = math.exp %sub3A_1206 : vector<1x128xf32>
    %mul3A_1208 = arith.constant 2.000000e+00 : f32
    %mul3A_1209 = vector.broadcast %mul3A_1208 : f32 to vector<1x128xf32>
    %mul3A_1210 = arith.mulf %exp3A_1207, %mul3A_1209 : vector<1x128xf32>
    %mul3A_1211 = vector.broadcast %mul3A_1210 : vector<1x128xf32> to vector<128x128xf32>
    %mul3A_1212 = arith.mulf %mul3A_1211, %slice3A_167 : vector<128x128xf32>
    %sub3A_1213 = arith.subf %broadcast_in_dim3A_618, %max3A_1205 : vector<1x128xf32>
    %exp3A_1214 = math.exp %sub3A_1213 : vector<1x128xf32>
    %mul3A_1215 = arith.constant 1.000000e+00 : f32
    %mul3A_1216 = vector.broadcast %mul3A_1215 : f32 to vector<1x128xf32>
    %mul3A_1217 = arith.mulf %exp3A_1214, %mul3A_1216 : vector<1x128xf32>
    %add3A_1218 = arith.addf %mul3A_1210, %mul3A_1217 : vector<1x128xf32>
    %mul3A_1219 = vector.broadcast %mul3A_1217 : vector<1x128xf32> to vector<128x128xf32>
    %mul3A_1220 = arith.mulf %mul3A_1219, %slice3A_168 : vector<128x128xf32>
    %add3A_1221 = arith.addf %mul3A_1212, %mul3A_1220 : vector<128x128xf32>
    %add3A_1222 = arith.constant 1.000000e-16 : f32
    %add3A_1223 = vector.broadcast %add3A_1222 : f32 to vector<1x128xf32>
    %add3A_1224 = arith.addf %add3A_1218, %add3A_1223 : vector<1x128xf32>
    %div3A_1225 = arith.constant 1.000000e+00 : f32
    %div3A_1226 = vector.broadcast %div3A_1225 : f32 to vector<1x128xf32>
    %div3A_1227 = arith.divf %div3A_1226, %add3A_1224 : vector<1x128xf32>
    %mul3A_1228 = vector.broadcast %div3A_1227 : vector<1x128xf32> to vector<128x128xf32>
    %mul3A_1229 = arith.mulf %add3A_1221, %mul3A_1228 : vector<128x128xf32>
    %add3A_1230 = vector.broadcast %transpose3A_23 : vector<128x1xf32> to vector<128x128xf32>
    %add3A_1231 = arith.addf %mul3A_1229, %add3A_1230 : vector<128x128xf32>
    %max3A_1232 = arith.maximumf %broadcast_in_dim3A_631, %broadcast_in_dim3A_644 : vector<1x128xf32>
    %max3A_1233 = arith.maximumf %max3A_1232, %broadcast_in_dim3A_657 : vector<1x128xf32>
    %sub3A_1234 = arith.subf %broadcast_in_dim3A_631, %max3A_1233 : vector<1x128xf32>
    %exp3A_1235 = math.exp %sub3A_1234 : vector<1x128xf32>
    %mul3A_1236 = arith.constant 2.000000e+00 : f32
    %mul3A_1237 = vector.broadcast %mul3A_1236 : f32 to vector<1x128xf32>
    %mul3A_1238 = arith.mulf %exp3A_1235, %mul3A_1237 : vector<1x128xf32>
    %mul3A_1239 = vector.broadcast %mul3A_1238 : vector<1x128xf32> to vector<128x128xf32>
    %mul3A_1240 = arith.mulf %mul3A_1239, %slice3A_166 : vector<128x128xf32>
    %sub3A_1241 = arith.subf %broadcast_in_dim3A_644, %max3A_1233 : vector<1x128xf32>
    %exp3A_1242 = math.exp %sub3A_1241 : vector<1x128xf32>
    %mul3A_1243 = arith.constant 2.000000e+00 : f32
    %mul3A_1244 = vector.broadcast %mul3A_1243 : f32 to vector<1x128xf32>
    %mul3A_1245 = arith.mulf %exp3A_1242, %mul3A_1244 : vector<1x128xf32>
    %add3A_1246 = arith.addf %mul3A_1238, %mul3A_1245 : vector<1x128xf32>
    %mul3A_1247 = vector.broadcast %mul3A_1245 : vector<1x128xf32> to vector<128x128xf32>
    %mul3A_1248 = arith.mulf %mul3A_1247, %slice3A_170 : vector<128x128xf32>
    %add3A_1249 = arith.addf %mul3A_1240, %mul3A_1248 : vector<128x128xf32>
    %sub3A_1250 = arith.subf %broadcast_in_dim3A_657, %max3A_1233 : vector<1x128xf32>
    %exp3A_1251 = math.exp %sub3A_1250 : vector<1x128xf32>
    %mul3A_1252 = arith.constant 1.000000e+00 : f32
    %mul3A_1253 = vector.broadcast %mul3A_1252 : f32 to vector<1x128xf32>
    %mul3A_1254 = arith.mulf %exp3A_1251, %mul3A_1253 : vector<1x128xf32>
    %add3A_1255 = arith.addf %add3A_1246, %mul3A_1254 : vector<1x128xf32>
    %mul3A_1256 = vector.broadcast %mul3A_1254 : vector<1x128xf32> to vector<128x128xf32>
    %mul3A_1257 = arith.mulf %mul3A_1256, %slice3A_169 : vector<128x128xf32>
    %add3A_1258 = arith.addf %add3A_1249, %mul3A_1257 : vector<128x128xf32>
    %add3A_1259 = arith.constant 1.000000e-16 : f32
    %add3A_1260 = vector.broadcast %add3A_1259 : f32 to vector<1x128xf32>
    %add3A_1261 = arith.addf %add3A_1255, %add3A_1260 : vector<1x128xf32>
    %div3A_1262 = arith.constant 1.000000e+00 : f32
    %div3A_1263 = vector.broadcast %div3A_1262 : f32 to vector<1x128xf32>
    %div3A_1264 = arith.divf %div3A_1263, %add3A_1261 : vector<1x128xf32>
    %mul3A_1265 = vector.broadcast %div3A_1264 : vector<1x128xf32> to vector<128x128xf32>
    %mul3A_1266 = arith.mulf %add3A_1258, %mul3A_1265 : vector<128x128xf32>
    %add3A_1267 = vector.broadcast %transpose3A_23 : vector<128x1xf32> to vector<128x128xf32>
    %add3A_1268 = arith.addf %mul3A_1266, %add3A_1267 : vector<128x128xf32>
    %max3A_1269 = arith.maximumf %broadcast_in_dim3A_670, %broadcast_in_dim3A_683 : vector<1x128xf32>
    %max3A_1270 = arith.maximumf %max3A_1269, %broadcast_in_dim3A_696 : vector<1x128xf32>
    %sub3A_1271 = arith.subf %broadcast_in_dim3A_670, %max3A_1270 : vector<1x128xf32>
    %exp3A_1272 = math.exp %sub3A_1271 : vector<1x128xf32>
    %mul3A_1273 = arith.constant 2.000000e+00 : f32
    %mul3A_1274 = vector.broadcast %mul3A_1273 : f32 to vector<1x128xf32>
    %mul3A_1275 = arith.mulf %exp3A_1272, %mul3A_1274 : vector<1x128xf32>
    %mul3A_1276 = vector.broadcast %mul3A_1275 : vector<1x128xf32> to vector<128x128xf32>
    %mul3A_1277 = arith.mulf %mul3A_1276, %slice3A_169 : vector<128x128xf32>
    %sub3A_1278 = arith.subf %broadcast_in_dim3A_683, %max3A_1270 : vector<1x128xf32>
    %exp3A_1279 = math.exp %sub3A_1278 : vector<1x128xf32>
    %mul3A_1280 = arith.constant 2.000000e+00 : f32
    %mul3A_1281 = vector.broadcast %mul3A_1280 : f32 to vector<1x128xf32>
    %mul3A_1282 = arith.mulf %exp3A_1279, %mul3A_1281 : vector<1x128xf32>
    %add3A_1283 = arith.addf %mul3A_1275, %mul3A_1282 : vector<1x128xf32>
    %mul3A_1284 = vector.broadcast %mul3A_1282 : vector<1x128xf32> to vector<128x128xf32>
    %mul3A_1285 = arith.mulf %mul3A_1284, %slice3A_171 : vector<128x128xf32>
    %add3A_1286 = arith.addf %mul3A_1277, %mul3A_1285 : vector<128x128xf32>
    %sub3A_1287 = arith.subf %broadcast_in_dim3A_696, %max3A_1270 : vector<1x128xf32>
    %exp3A_1288 = math.exp %sub3A_1287 : vector<1x128xf32>
    %mul3A_1289 = arith.constant 1.000000e+00 : f32
    %mul3A_1290 = vector.broadcast %mul3A_1289 : f32 to vector<1x128xf32>
    %mul3A_1291 = arith.mulf %exp3A_1288, %mul3A_1290 : vector<1x128xf32>
    %add3A_1292 = arith.addf %add3A_1283, %mul3A_1291 : vector<1x128xf32>
    %mul3A_1293 = vector.broadcast %mul3A_1291 : vector<1x128xf32> to vector<128x128xf32>
    %mul3A_1294 = arith.mulf %mul3A_1293, %slice3A_170 : vector<128x128xf32>
    %add3A_1295 = arith.addf %add3A_1286, %mul3A_1294 : vector<128x128xf32>
    %add3A_1296 = arith.constant 1.000000e-16 : f32
    %add3A_1297 = vector.broadcast %add3A_1296 : f32 to vector<1x128xf32>
    %add3A_1298 = arith.addf %add3A_1292, %add3A_1297 : vector<1x128xf32>
    %div3A_1299 = arith.constant 1.000000e+00 : f32
    %div3A_1300 = vector.broadcast %div3A_1299 : f32 to vector<1x128xf32>
    %div3A_1301 = arith.divf %div3A_1300, %add3A_1298 : vector<1x128xf32>
    %mul3A_1302 = vector.broadcast %div3A_1301 : vector<1x128xf32> to vector<128x128xf32>
    %mul3A_1303 = arith.mulf %add3A_1295, %mul3A_1302 : vector<128x128xf32>
    %add3A_1304 = vector.broadcast %transpose3A_23 : vector<128x1xf32> to vector<128x128xf32>
    %add3A_1305 = arith.addf %mul3A_1303, %add3A_1304 : vector<128x128xf32>
    %max3A_1306 = arith.maximumf %broadcast_in_dim3A_709, %broadcast_in_dim3A_722 : vector<1x128xf32>
    %sub3A_1307 = arith.subf %broadcast_in_dim3A_709, %max3A_1306 : vector<1x128xf32>
    %exp3A_1308 = math.exp %sub3A_1307 : vector<1x128xf32>
    %mul3A_1309 = arith.constant 2.000000e+00 : f32
    %mul3A_1310 = vector.broadcast %mul3A_1309 : f32 to vector<1x128xf32>
    %mul3A_1311 = arith.mulf %exp3A_1308, %mul3A_1310 : vector<1x128xf32>
    %mul3A_1312 = vector.broadcast %mul3A_1311 : vector<1x128xf32> to vector<128x128xf32>
    %mul3A_1313 = arith.mulf %mul3A_1312, %slice3A_170 : vector<128x128xf32>
    %sub3A_1314 = arith.subf %broadcast_in_dim3A_722, %max3A_1306 : vector<1x128xf32>
    %exp3A_1315 = math.exp %sub3A_1314 : vector<1x128xf32>
    %mul3A_1316 = arith.constant 1.000000e+00 : f32
    %mul3A_1317 = vector.broadcast %mul3A_1316 : f32 to vector<1x128xf32>
    %mul3A_1318 = arith.mulf %exp3A_1315, %mul3A_1317 : vector<1x128xf32>
    %add3A_1319 = arith.addf %mul3A_1311, %mul3A_1318 : vector<1x128xf32>
    %mul3A_1320 = vector.broadcast %mul3A_1318 : vector<1x128xf32> to vector<128x128xf32>
    %mul3A_1321 = arith.mulf %mul3A_1320, %slice3A_171 : vector<128x128xf32>
    %add3A_1322 = arith.addf %mul3A_1313, %mul3A_1321 : vector<128x128xf32>
    %add3A_1323 = arith.constant 1.000000e-16 : f32
    %add3A_1324 = vector.broadcast %add3A_1323 : f32 to vector<1x128xf32>
    %add3A_1325 = arith.addf %add3A_1319, %add3A_1324 : vector<1x128xf32>
    %div3A_1326 = arith.constant 1.000000e+00 : f32
    %div3A_1327 = vector.broadcast %div3A_1326 : f32 to vector<1x128xf32>
    %div3A_1328 = arith.divf %div3A_1327, %add3A_1325 : vector<1x128xf32>
    %mul3A_1329 = vector.broadcast %div3A_1328 : vector<1x128xf32> to vector<128x128xf32>
    %mul3A_1330 = arith.mulf %add3A_1322, %mul3A_1329 : vector<128x128xf32>
    %add3A_1331 = vector.broadcast %transpose3A_23 : vector<128x1xf32> to vector<128x128xf32>
    %add3A_1332 = arith.addf %mul3A_1330, %add3A_1331 : vector<128x128xf32>
    %max3A_1333 = arith.maximumf %broadcast_in_dim3A_735, %broadcast_in_dim3A_748 : vector<1x128xf32>
    %max3A_1334 = arith.maximumf %max3A_1333, %broadcast_in_dim3A_761 : vector<1x128xf32>
    %sub3A_1335 = arith.subf %broadcast_in_dim3A_735, %max3A_1334 : vector<1x128xf32>
    %exp3A_1336 = math.exp %sub3A_1335 : vector<1x128xf32>
    %mul3A_1337 = arith.constant 2.000000e+00 : f32
    %mul3A_1338 = vector.broadcast %mul3A_1337 : f32 to vector<1x128xf32>
    %mul3A_1339 = arith.mulf %exp3A_1336, %mul3A_1338 : vector<1x128xf32>
    %mul3A_1340 = vector.broadcast %mul3A_1339 : vector<1x128xf32> to vector<128x128xf32>
    %mul3A_1341 = arith.mulf %mul3A_1340, %slice3A_166 : vector<128x128xf32>
    %sub3A_1342 = arith.subf %broadcast_in_dim3A_748, %max3A_1334 : vector<1x128xf32>
    %exp3A_1343 = math.exp %sub3A_1342 : vector<1x128xf32>
    %mul3A_1344 = arith.constant 2.000000e+00 : f32
    %mul3A_1345 = vector.broadcast %mul3A_1344 : f32 to vector<1x128xf32>
    %mul3A_1346 = arith.mulf %exp3A_1343, %mul3A_1345 : vector<1x128xf32>
    %add3A_1347 = arith.addf %mul3A_1339, %mul3A_1346 : vector<1x128xf32>
    %mul3A_1348 = vector.broadcast %mul3A_1346 : vector<1x128xf32> to vector<128x128xf32>
    %mul3A_1349 = arith.mulf %mul3A_1348, %slice3A_173 : vector<128x128xf32>
    %add3A_1350 = arith.addf %mul3A_1341, %mul3A_1349 : vector<128x128xf32>
    %sub3A_1351 = arith.subf %broadcast_in_dim3A_761, %max3A_1334 : vector<1x128xf32>
    %exp3A_1352 = math.exp %sub3A_1351 : vector<1x128xf32>
    %mul3A_1353 = arith.constant 1.000000e+00 : f32
    %mul3A_1354 = vector.broadcast %mul3A_1353 : f32 to vector<1x128xf32>
    %mul3A_1355 = arith.mulf %exp3A_1352, %mul3A_1354 : vector<1x128xf32>
    %add3A_1356 = arith.addf %add3A_1347, %mul3A_1355 : vector<1x128xf32>
    %mul3A_1357 = vector.broadcast %mul3A_1355 : vector<1x128xf32> to vector<128x128xf32>
    %mul3A_1358 = arith.mulf %mul3A_1357, %slice3A_172 : vector<128x128xf32>
    %add3A_1359 = arith.addf %add3A_1350, %mul3A_1358 : vector<128x128xf32>
    %add3A_1360 = arith.constant 1.000000e-16 : f32
    %add3A_1361 = vector.broadcast %add3A_1360 : f32 to vector<1x128xf32>
    %add3A_1362 = arith.addf %add3A_1356, %add3A_1361 : vector<1x128xf32>
    %div3A_1363 = arith.constant 1.000000e+00 : f32
    %div3A_1364 = vector.broadcast %div3A_1363 : f32 to vector<1x128xf32>
    %div3A_1365 = arith.divf %div3A_1364, %add3A_1362 : vector<1x128xf32>
    %mul3A_1366 = vector.broadcast %div3A_1365 : vector<1x128xf32> to vector<128x128xf32>
    %mul3A_1367 = arith.mulf %add3A_1359, %mul3A_1366 : vector<128x128xf32>
    %add3A_1368 = vector.broadcast %transpose3A_23 : vector<128x1xf32> to vector<128x128xf32>
    %add3A_1369 = arith.addf %mul3A_1367, %add3A_1368 : vector<128x128xf32>
    %max3A_1370 = arith.maximumf %broadcast_in_dim3A_774, %broadcast_in_dim3A_787 : vector<1x128xf32>
    %max3A_1371 = arith.maximumf %max3A_1370, %broadcast_in_dim3A_800 : vector<1x128xf32>
    %sub3A_1372 = arith.subf %broadcast_in_dim3A_774, %max3A_1371 : vector<1x128xf32>
    %exp3A_1373 = math.exp %sub3A_1372 : vector<1x128xf32>
    %mul3A_1374 = arith.constant 2.000000e+00 : f32
    %mul3A_1375 = vector.broadcast %mul3A_1374 : f32 to vector<1x128xf32>
    %mul3A_1376 = arith.mulf %exp3A_1373, %mul3A_1375 : vector<1x128xf32>
    %mul3A_1377 = vector.broadcast %mul3A_1376 : vector<1x128xf32> to vector<128x128xf32>
    %mul3A_1378 = arith.mulf %mul3A_1377, %slice3A_172 : vector<128x128xf32>
    %sub3A_1379 = arith.subf %broadcast_in_dim3A_787, %max3A_1371 : vector<1x128xf32>
    %exp3A_1380 = math.exp %sub3A_1379 : vector<1x128xf32>
    %mul3A_1381 = arith.constant 2.000000e+00 : f32
    %mul3A_1382 = vector.broadcast %mul3A_1381 : f32 to vector<1x128xf32>
    %mul3A_1383 = arith.mulf %exp3A_1380, %mul3A_1382 : vector<1x128xf32>
    %add3A_1384 = arith.addf %mul3A_1376, %mul3A_1383 : vector<1x128xf32>
    %mul3A_1385 = vector.broadcast %mul3A_1383 : vector<1x128xf32> to vector<128x128xf32>
    %mul3A_1386 = arith.mulf %mul3A_1385, %slice3A_174 : vector<128x128xf32>
    %add3A_1387 = arith.addf %mul3A_1378, %mul3A_1386 : vector<128x128xf32>
    %sub3A_1388 = arith.subf %broadcast_in_dim3A_800, %max3A_1371 : vector<1x128xf32>
    %exp3A_1389 = math.exp %sub3A_1388 : vector<1x128xf32>
    %mul3A_1390 = arith.constant 1.000000e+00 : f32
    %mul3A_1391 = vector.broadcast %mul3A_1390 : f32 to vector<1x128xf32>
    %mul3A_1392 = arith.mulf %exp3A_1389, %mul3A_1391 : vector<1x128xf32>
    %add3A_1393 = arith.addf %add3A_1384, %mul3A_1392 : vector<1x128xf32>
    %mul3A_1394 = vector.broadcast %mul3A_1392 : vector<1x128xf32> to vector<128x128xf32>
    %mul3A_1395 = arith.mulf %mul3A_1394, %slice3A_173 : vector<128x128xf32>
    %add3A_1396 = arith.addf %add3A_1387, %mul3A_1395 : vector<128x128xf32>
    %add3A_1397 = arith.constant 1.000000e-16 : f32
    %add3A_1398 = vector.broadcast %add3A_1397 : f32 to vector<1x128xf32>
    %add3A_1399 = arith.addf %add3A_1393, %add3A_1398 : vector<1x128xf32>
    %div3A_1400 = arith.constant 1.000000e+00 : f32
    %div3A_1401 = vector.broadcast %div3A_1400 : f32 to vector<1x128xf32>
    %div3A_1402 = arith.divf %div3A_1401, %add3A_1399 : vector<1x128xf32>
    %mul3A_1403 = vector.broadcast %div3A_1402 : vector<1x128xf32> to vector<128x128xf32>
    %mul3A_1404 = arith.mulf %add3A_1396, %mul3A_1403 : vector<128x128xf32>
    %add3A_1405 = vector.broadcast %transpose3A_23 : vector<128x1xf32> to vector<128x128xf32>
    %add3A_1406 = arith.addf %mul3A_1404, %add3A_1405 : vector<128x128xf32>
    %max3A_1407 = arith.maximumf %broadcast_in_dim3A_813, %broadcast_in_dim3A_826 : vector<1x128xf32>
    %sub3A_1408 = arith.subf %broadcast_in_dim3A_813, %max3A_1407 : vector<1x128xf32>
    %exp3A_1409 = math.exp %sub3A_1408 : vector<1x128xf32>
    %mul3A_1410 = arith.constant 2.000000e+00 : f32
    %mul3A_1411 = vector.broadcast %mul3A_1410 : f32 to vector<1x128xf32>
    %mul3A_1412 = arith.mulf %exp3A_1409, %mul3A_1411 : vector<1x128xf32>
    %mul3A_1413 = vector.broadcast %mul3A_1412 : vector<1x128xf32> to vector<128x128xf32>
    %mul3A_1414 = arith.mulf %mul3A_1413, %slice3A_173 : vector<128x128xf32>
    %sub3A_1415 = arith.subf %broadcast_in_dim3A_826, %max3A_1407 : vector<1x128xf32>
    %exp3A_1416 = math.exp %sub3A_1415 : vector<1x128xf32>
    %mul3A_1417 = arith.constant 1.000000e+00 : f32
    %mul3A_1418 = vector.broadcast %mul3A_1417 : f32 to vector<1x128xf32>
    %mul3A_1419 = arith.mulf %exp3A_1416, %mul3A_1418 : vector<1x128xf32>
    %add3A_1420 = arith.addf %mul3A_1412, %mul3A_1419 : vector<1x128xf32>
    %mul3A_1421 = vector.broadcast %mul3A_1419 : vector<1x128xf32> to vector<128x128xf32>
    %mul3A_1422 = arith.mulf %mul3A_1421, %slice3A_174 : vector<128x128xf32>
    %add3A_1423 = arith.addf %mul3A_1414, %mul3A_1422 : vector<128x128xf32>
    %add3A_1424 = arith.constant 1.000000e-16 : f32
    %add3A_1425 = vector.broadcast %add3A_1424 : f32 to vector<1x128xf32>
    %add3A_1426 = arith.addf %add3A_1420, %add3A_1425 : vector<1x128xf32>
    %div3A_1427 = arith.constant 1.000000e+00 : f32
    %div3A_1428 = vector.broadcast %div3A_1427 : f32 to vector<1x128xf32>
    %div3A_1429 = arith.divf %div3A_1428, %add3A_1426 : vector<1x128xf32>
    %mul3A_1430 = vector.broadcast %div3A_1429 : vector<1x128xf32> to vector<128x128xf32>
    %mul3A_1431 = arith.mulf %add3A_1423, %mul3A_1430 : vector<128x128xf32>
    %add3A_1432 = vector.broadcast %transpose3A_23 : vector<128x1xf32> to vector<128x128xf32>
    %add3A_1433 = arith.addf %mul3A_1431, %add3A_1432 : vector<128x128xf32>
    %concatenate3A_1434 = tpu.concatenate %add3A_871, %add3A_908, %add3A_945, %add3A_972, %add3A_1009, %add3A_1046, %add3A_1073, %add3A_1110, %add3A_1167, %add3A_1204, %add3A_1231, %add3A_1268, %add3A_1305, %add3A_1332, %add3A_1369, %add3A_1406, %add3A_1433 in 1 : vector<128x128xf32>, vector<128x128xf32>, vector<128x128xf32>, vector<128x128xf32>, vector<128x128xf32>, vector<128x128xf32>, vector<128x128xf32>, vector<128x128xf32>, vector<128x128xf32>, vector<128x128xf32>, vector<128x128xf32>, vector<128x128xf32>, vector<128x128xf32>, vector<128x128xf32>, vector<128x128xf32>, vector<128x128xf32>, vector<128x128xf32> -> vector<128x2176xf32>
    %sub3A_1435 = arith.constant 1.000000e+00 : f32
    %sub3A_1436 = arith.subf %sub3A_1435, %get3A_2 : f32
    %dot_general3A_1437 = arith.constant dense<0.000000e+00> : vector<128x2176xf32>
    %dot_general3A_1438 = tpu.matmul %get3A_5, %concatenate3A_1434, %dot_general3A_1437 {dimension_numbers = #tpu.dot_dimension_numbers<[0], [0], [1], [1], [0, 1, 1, 1], [], []>, transpose_lhs_hint = false} : vector<128x128xf32>, vector<128x2176xf32>, vector<128x2176xf32> -> vector<128x2176xf32>
    %add3A_1439 = vector.broadcast %transpose3A : vector<128x1xf32> to vector<128x2176xf32>
    %add3A_1440 = arith.addf %dot_general3A_1438, %add3A_1439 : vector<128x2176xf32>
    %dot_general3A_1441 = arith.constant dense<0.000000e+00> : vector<128x2176xf32>
    %dot_general3A_1442 = tpu.matmul %get3A_8, %concatenate3A_1434, %dot_general3A_1441 {dimension_numbers = #tpu.dot_dimension_numbers<[0], [0], [1], [1], [0, 1, 1, 1], [], []>, transpose_lhs_hint = false} : vector<128x128xf32>, vector<128x2176xf32>, vector<128x2176xf32> -> vector<128x2176xf32>
    %add3A_1443 = vector.broadcast %transpose3A_15 : vector<128x1xf32> to vector<128x2176xf32>
    %add3A_1444 = arith.addf %dot_general3A_1442, %add3A_1443 : vector<128x2176xf32>
    %slice3A_1445 = vector.extract_strided_slice %add3A_1440 {offsets = [0, 0], sizes = [128, 128], strides = [1, 1]} : vector<128x2176xf32> to vector<128x128xf32>
    %slice3A_1446 = vector.extract_strided_slice %add3A_1440 {offsets = [0, 128], sizes = [128, 128], strides = [1, 1]} : vector<128x2176xf32> to vector<128x128xf32>
    %slice3A_1447 = vector.extract_strided_slice %add3A_1440 {offsets = [0, 256], sizes = [128, 128], strides = [1, 1]} : vector<128x2176xf32> to vector<128x128xf32>
    %slice3A_1448 = vector.extract_strided_slice %add3A_1440 {offsets = [0, 384], sizes = [128, 128], strides = [1, 1]} : vector<128x2176xf32> to vector<128x128xf32>
    %slice3A_1449 = vector.extract_strided_slice %add3A_1440 {offsets = [0, 512], sizes = [128, 128], strides = [1, 1]} : vector<128x2176xf32> to vector<128x128xf32>
    %slice3A_1450 = vector.extract_strided_slice %add3A_1440 {offsets = [0, 640], sizes = [128, 128], strides = [1, 1]} : vector<128x2176xf32> to vector<128x128xf32>
    %slice3A_1451 = vector.extract_strided_slice %add3A_1440 {offsets = [0, 768], sizes = [128, 128], strides = [1, 1]} : vector<128x2176xf32> to vector<128x128xf32>
    %slice3A_1452 = vector.extract_strided_slice %add3A_1440 {offsets = [0, 896], sizes = [128, 128], strides = [1, 1]} : vector<128x2176xf32> to vector<128x128xf32>
    %slice3A_1453 = vector.extract_strided_slice %add3A_1440 {offsets = [0, 1024], sizes = [128, 128], strides = [1, 1]} : vector<128x2176xf32> to vector<128x128xf32>
    %slice3A_1454 = vector.extract_strided_slice %add3A_1440 {offsets = [0, 1152], sizes = [128, 128], strides = [1, 1]} : vector<128x2176xf32> to vector<128x128xf32>
    %slice3A_1455 = vector.extract_strided_slice %add3A_1440 {offsets = [0, 1280], sizes = [128, 128], strides = [1, 1]} : vector<128x2176xf32> to vector<128x128xf32>
    %slice3A_1456 = vector.extract_strided_slice %add3A_1440 {offsets = [0, 1408], sizes = [128, 128], strides = [1, 1]} : vector<128x2176xf32> to vector<128x128xf32>
    %slice3A_1457 = vector.extract_strided_slice %add3A_1440 {offsets = [0, 1536], sizes = [128, 128], strides = [1, 1]} : vector<128x2176xf32> to vector<128x128xf32>
    %slice3A_1458 = vector.extract_strided_slice %add3A_1440 {offsets = [0, 1664], sizes = [128, 128], strides = [1, 1]} : vector<128x2176xf32> to vector<128x128xf32>
    %slice3A_1459 = vector.extract_strided_slice %add3A_1440 {offsets = [0, 1792], sizes = [128, 128], strides = [1, 1]} : vector<128x2176xf32> to vector<128x128xf32>
    %slice3A_1460 = vector.extract_strided_slice %add3A_1440 {offsets = [0, 1920], sizes = [128, 128], strides = [1, 1]} : vector<128x2176xf32> to vector<128x128xf32>
    %slice3A_1461 = vector.extract_strided_slice %add3A_1440 {offsets = [0, 2048], sizes = [128, 128], strides = [1, 1]} : vector<128x2176xf32> to vector<128x128xf32>
    %slice3A_1462 = vector.extract_strided_slice %add3A_1444 {offsets = [0, 0], sizes = [128, 128], strides = [1, 1]} : vector<128x2176xf32> to vector<128x128xf32>
    %slice3A_1463 = vector.extract_strided_slice %add3A_1444 {offsets = [0, 128], sizes = [128, 128], strides = [1, 1]} : vector<128x2176xf32> to vector<128x128xf32>
    %slice3A_1464 = vector.extract_strided_slice %add3A_1444 {offsets = [0, 256], sizes = [128, 128], strides = [1, 1]} : vector<128x2176xf32> to vector<128x128xf32>
    %slice3A_1465 = vector.extract_strided_slice %add3A_1444 {offsets = [0, 384], sizes = [128, 128], strides = [1, 1]} : vector<128x2176xf32> to vector<128x128xf32>
    %slice3A_1466 = vector.extract_strided_slice %add3A_1444 {offsets = [0, 512], sizes = [128, 128], strides = [1, 1]} : vector<128x2176xf32> to vector<128x128xf32>
    %slice3A_1467 = vector.extract_strided_slice %add3A_1444 {offsets = [0, 640], sizes = [128, 128], strides = [1, 1]} : vector<128x2176xf32> to vector<128x128xf32>
    %slice3A_1468 = vector.extract_strided_slice %add3A_1444 {offsets = [0, 768], sizes = [128, 128], strides = [1, 1]} : vector<128x2176xf32> to vector<128x128xf32>
    %slice3A_1469 = vector.extract_strided_slice %add3A_1444 {offsets = [0, 896], sizes = [128, 128], strides = [1, 1]} : vector<128x2176xf32> to vector<128x128xf32>
    %slice3A_1470 = vector.extract_strided_slice %add3A_1444 {offsets = [0, 1024], sizes = [128, 128], strides = [1, 1]} : vector<128x2176xf32> to vector<128x128xf32>
    %slice3A_1471 = vector.extract_strided_slice %add3A_1444 {offsets = [0, 1152], sizes = [128, 128], strides = [1, 1]} : vector<128x2176xf32> to vector<128x128xf32>
    %slice3A_1472 = vector.extract_strided_slice %add3A_1444 {offsets = [0, 1280], sizes = [128, 128], strides = [1, 1]} : vector<128x2176xf32> to vector<128x128xf32>
    %slice3A_1473 = vector.extract_strided_slice %add3A_1444 {offsets = [0, 1408], sizes = [128, 128], strides = [1, 1]} : vector<128x2176xf32> to vector<128x128xf32>
    %slice3A_1474 = vector.extract_strided_slice %add3A_1444 {offsets = [0, 1536], sizes = [128, 128], strides = [1, 1]} : vector<128x2176xf32> to vector<128x128xf32>
    %slice3A_1475 = vector.extract_strided_slice %add3A_1444 {offsets = [0, 1664], sizes = [128, 128], strides = [1, 1]} : vector<128x2176xf32> to vector<128x128xf32>
    %slice3A_1476 = vector.extract_strided_slice %add3A_1444 {offsets = [0, 1792], sizes = [128, 128], strides = [1, 1]} : vector<128x2176xf32> to vector<128x128xf32>
    %slice3A_1477 = vector.extract_strided_slice %add3A_1444 {offsets = [0, 1920], sizes = [128, 128], strides = [1, 1]} : vector<128x2176xf32> to vector<128x128xf32>
    %slice3A_1478 = vector.extract_strided_slice %add3A_1444 {offsets = [0, 2048], sizes = [128, 128], strides = [1, 1]} : vector<128x2176xf32> to vector<128x128xf32>
    %add3A_1479 = arith.addf %slice3A_1446, %slice3A_1462 : vector<128x128xf32>
    %ge3A_1480 = arith.constant 0.000000e+00 : f32
    %ge3A_1481 = vector.broadcast %ge3A_1480 : f32 to vector<128x128xf32>
    %ge3A_1482 = arith.cmpf oge, %add3A_1479, %ge3A_1481 : vector<128x128xf32>
    %mul3A_1483 = arith.constant 2.000000e-01 : f32
    %mul3A_1484 = vector.broadcast %mul3A_1483 : f32 to vector<128x128xf32>
    %mul3A_1485 = arith.mulf %mul3A_1484, %add3A_1479 : vector<128x128xf32>
    %select_n3A_1486 = arith.select %ge3A_1482, %add3A_1479, %mul3A_1485 : vector<128x128xi1>, vector<128x128xf32>
    %mul3A_1487 = vector.broadcast %transpose3A_19 : vector<128x1xf32> to vector<128x128xf32>
    %mul3A_1488 = arith.mulf %select_n3A_1486, %mul3A_1487 : vector<128x128xf32>
    %reduce_sum3A_1489 = arith.constant dense<0.000000e+00> : vector<128xf32>
    %reduce_sum3A_1490 = vector.multi_reduction <add>, %mul3A_1488, %reduce_sum3A_1489 [0] : vector<128x128xf32> to vector<128xf32>
    %broadcast_in_dim3A_1491 = vector.shape_cast %reduce_sum3A_1490 : vector<128xf32> to vector<1x128xf32>
    %add3A_1492 = arith.addf %slice3A_1449, %slice3A_1462 : vector<128x128xf32>
    %ge3A_1493 = arith.constant 0.000000e+00 : f32
    %ge3A_1494 = vector.broadcast %ge3A_1493 : f32 to vector<128x128xf32>
    %ge3A_1495 = arith.cmpf oge, %add3A_1492, %ge3A_1494 : vector<128x128xf32>
    %mul3A_1496 = arith.constant 2.000000e-01 : f32
    %mul3A_1497 = vector.broadcast %mul3A_1496 : f32 to vector<128x128xf32>
    %mul3A_1498 = arith.mulf %mul3A_1497, %add3A_1492 : vector<128x128xf32>
    %select_n3A_1499 = arith.select %ge3A_1495, %add3A_1492, %mul3A_1498 : vector<128x128xi1>, vector<128x128xf32>
    %mul3A_1500 = vector.broadcast %transpose3A_19 : vector<128x1xf32> to vector<128x128xf32>
    %mul3A_1501 = arith.mulf %select_n3A_1499, %mul3A_1500 : vector<128x128xf32>
    %reduce_sum3A_1502 = arith.constant dense<0.000000e+00> : vector<128xf32>
    %reduce_sum3A_1503 = vector.multi_reduction <add>, %mul3A_1501, %reduce_sum3A_1502 [0] : vector<128x128xf32> to vector<128xf32>
    %broadcast_in_dim3A_1504 = vector.shape_cast %reduce_sum3A_1503 : vector<128xf32> to vector<1x128xf32>
    %add3A_1505 = arith.addf %slice3A_1452, %slice3A_1462 : vector<128x128xf32>
    %ge3A_1506 = arith.constant 0.000000e+00 : f32
    %ge3A_1507 = vector.broadcast %ge3A_1506 : f32 to vector<128x128xf32>
    %ge3A_1508 = arith.cmpf oge, %add3A_1505, %ge3A_1507 : vector<128x128xf32>
    %mul3A_1509 = arith.constant 2.000000e-01 : f32
    %mul3A_1510 = vector.broadcast %mul3A_1509 : f32 to vector<128x128xf32>
    %mul3A_1511 = arith.mulf %mul3A_1510, %add3A_1505 : vector<128x128xf32>
    %select_n3A_1512 = arith.select %ge3A_1508, %add3A_1505, %mul3A_1511 : vector<128x128xi1>, vector<128x128xf32>
    %mul3A_1513 = vector.broadcast %transpose3A_19 : vector<128x1xf32> to vector<128x128xf32>
    %mul3A_1514 = arith.mulf %select_n3A_1512, %mul3A_1513 : vector<128x128xf32>
    %reduce_sum3A_1515 = arith.constant dense<0.000000e+00> : vector<128xf32>
    %reduce_sum3A_1516 = vector.multi_reduction <add>, %mul3A_1514, %reduce_sum3A_1515 [0] : vector<128x128xf32> to vector<128xf32>
    %broadcast_in_dim3A_1517 = vector.shape_cast %reduce_sum3A_1516 : vector<128xf32> to vector<1x128xf32>
    %add3A_1518 = arith.addf %slice3A_1445, %slice3A_1462 : vector<128x128xf32>
    %ge3A_1519 = arith.constant 0.000000e+00 : f32
    %ge3A_1520 = vector.broadcast %ge3A_1519 : f32 to vector<128x128xf32>
    %ge3A_1521 = arith.cmpf oge, %add3A_1518, %ge3A_1520 : vector<128x128xf32>
    %mul3A_1522 = arith.constant 2.000000e-01 : f32
    %mul3A_1523 = vector.broadcast %mul3A_1522 : f32 to vector<128x128xf32>
    %mul3A_1524 = arith.mulf %mul3A_1523, %add3A_1518 : vector<128x128xf32>
    %select_n3A_1525 = arith.select %ge3A_1521, %add3A_1518, %mul3A_1524 : vector<128x128xi1>, vector<128x128xf32>
    %mul3A_1526 = vector.broadcast %transpose3A_19 : vector<128x1xf32> to vector<128x128xf32>
    %mul3A_1527 = arith.mulf %select_n3A_1525, %mul3A_1526 : vector<128x128xf32>
    %reduce_sum3A_1528 = arith.constant dense<0.000000e+00> : vector<128xf32>
    %reduce_sum3A_1529 = vector.multi_reduction <add>, %mul3A_1527, %reduce_sum3A_1528 [0] : vector<128x128xf32> to vector<128xf32>
    %broadcast_in_dim3A_1530 = vector.shape_cast %reduce_sum3A_1529 : vector<128xf32> to vector<1x128xf32>
    %add3A_1531 = arith.addf %slice3A_1445, %slice3A_1463 : vector<128x128xf32>
    %ge3A_1532 = arith.constant 0.000000e+00 : f32
    %ge3A_1533 = vector.broadcast %ge3A_1532 : f32 to vector<128x128xf32>
    %ge3A_1534 = arith.cmpf oge, %add3A_1531, %ge3A_1533 : vector<128x128xf32>
    %mul3A_1535 = arith.constant 2.000000e-01 : f32
    %mul3A_1536 = vector.broadcast %mul3A_1535 : f32 to vector<128x128xf32>
    %mul3A_1537 = arith.mulf %mul3A_1536, %add3A_1531 : vector<128x128xf32>
    %select_n3A_1538 = arith.select %ge3A_1534, %add3A_1531, %mul3A_1537 : vector<128x128xi1>, vector<128x128xf32>
    %mul3A_1539 = vector.broadcast %transpose3A_19 : vector<128x1xf32> to vector<128x128xf32>
    %mul3A_1540 = arith.mulf %select_n3A_1538, %mul3A_1539 : vector<128x128xf32>
    %reduce_sum3A_1541 = arith.constant dense<0.000000e+00> : vector<128xf32>
    %reduce_sum3A_1542 = vector.multi_reduction <add>, %mul3A_1540, %reduce_sum3A_1541 [0] : vector<128x128xf32> to vector<128xf32>
    %broadcast_in_dim3A_1543 = vector.shape_cast %reduce_sum3A_1542 : vector<128xf32> to vector<1x128xf32>
    %add3A_1544 = arith.addf %slice3A_1447, %slice3A_1463 : vector<128x128xf32>
    %ge3A_1545 = arith.constant 0.000000e+00 : f32
    %ge3A_1546 = vector.broadcast %ge3A_1545 : f32 to vector<128x128xf32>
    %ge3A_1547 = arith.cmpf oge, %add3A_1544, %ge3A_1546 : vector<128x128xf32>
    %mul3A_1548 = arith.constant 2.000000e-01 : f32
    %mul3A_1549 = vector.broadcast %mul3A_1548 : f32 to vector<128x128xf32>
    %mul3A_1550 = arith.mulf %mul3A_1549, %add3A_1544 : vector<128x128xf32>
    %select_n3A_1551 = arith.select %ge3A_1547, %add3A_1544, %mul3A_1550 : vector<128x128xi1>, vector<128x128xf32>
    %mul3A_1552 = vector.broadcast %transpose3A_19 : vector<128x1xf32> to vector<128x128xf32>
    %mul3A_1553 = arith.mulf %select_n3A_1551, %mul3A_1552 : vector<128x128xf32>
    %reduce_sum3A_1554 = arith.constant dense<0.000000e+00> : vector<128xf32>
    %reduce_sum3A_1555 = vector.multi_reduction <add>, %mul3A_1553, %reduce_sum3A_1554 [0] : vector<128x128xf32> to vector<128xf32>
    %broadcast_in_dim3A_1556 = vector.shape_cast %reduce_sum3A_1555 : vector<128xf32> to vector<1x128xf32>
    %add3A_1557 = arith.addf %slice3A_1446, %slice3A_1463 : vector<128x128xf32>
    %ge3A_1558 = arith.constant 0.000000e+00 : f32
    %ge3A_1559 = vector.broadcast %ge3A_1558 : f32 to vector<128x128xf32>
    %ge3A_1560 = arith.cmpf oge, %add3A_1557, %ge3A_1559 : vector<128x128xf32>
    %mul3A_1561 = arith.constant 2.000000e-01 : f32
    %mul3A_1562 = vector.broadcast %mul3A_1561 : f32 to vector<128x128xf32>
    %mul3A_1563 = arith.mulf %mul3A_1562, %add3A_1557 : vector<128x128xf32>
    %select_n3A_1564 = arith.select %ge3A_1560, %add3A_1557, %mul3A_1563 : vector<128x128xi1>, vector<128x128xf32>
    %mul3A_1565 = vector.broadcast %transpose3A_19 : vector<128x1xf32> to vector<128x128xf32>
    %mul3A_1566 = arith.mulf %select_n3A_1564, %mul3A_1565 : vector<128x128xf32>
    %reduce_sum3A_1567 = arith.constant dense<0.000000e+00> : vector<128xf32>
    %reduce_sum3A_1568 = vector.multi_reduction <add>, %mul3A_1566, %reduce_sum3A_1567 [0] : vector<128x128xf32> to vector<128xf32>
    %broadcast_in_dim3A_1569 = vector.shape_cast %reduce_sum3A_1568 : vector<128xf32> to vector<1x128xf32>
    %add3A_1570 = arith.addf %slice3A_1446, %slice3A_1464 : vector<128x128xf32>
    %ge3A_1571 = arith.constant 0.000000e+00 : f32
    %ge3A_1572 = vector.broadcast %ge3A_1571 : f32 to vector<128x128xf32>
    %ge3A_1573 = arith.cmpf oge, %add3A_1570, %ge3A_1572 : vector<128x128xf32>
    %mul3A_1574 = arith.constant 2.000000e-01 : f32
    %mul3A_1575 = vector.broadcast %mul3A_1574 : f32 to vector<128x128xf32>
    %mul3A_1576 = arith.mulf %mul3A_1575, %add3A_1570 : vector<128x128xf32>
    %select_n3A_1577 = arith.select %ge3A_1573, %add3A_1570, %mul3A_1576 : vector<128x128xi1>, vector<128x128xf32>
    %mul3A_1578 = vector.broadcast %transpose3A_19 : vector<128x1xf32> to vector<128x128xf32>
    %mul3A_1579 = arith.mulf %select_n3A_1577, %mul3A_1578 : vector<128x128xf32>
    %reduce_sum3A_1580 = arith.constant dense<0.000000e+00> : vector<128xf32>
    %reduce_sum3A_1581 = vector.multi_reduction <add>, %mul3A_1579, %reduce_sum3A_1580 [0] : vector<128x128xf32> to vector<128xf32>
    %broadcast_in_dim3A_1582 = vector.shape_cast %reduce_sum3A_1581 : vector<128xf32> to vector<1x128xf32>
    %add3A_1583 = arith.addf %slice3A_1448, %slice3A_1464 : vector<128x128xf32>
    %ge3A_1584 = arith.constant 0.000000e+00 : f32
    %ge3A_1585 = vector.broadcast %ge3A_1584 : f32 to vector<128x128xf32>
    %ge3A_1586 = arith.cmpf oge, %add3A_1583, %ge3A_1585 : vector<128x128xf32>
    %mul3A_1587 = arith.constant 2.000000e-01 : f32
    %mul3A_1588 = vector.broadcast %mul3A_1587 : f32 to vector<128x128xf32>
    %mul3A_1589 = arith.mulf %mul3A_1588, %add3A_1583 : vector<128x128xf32>
    %select_n3A_1590 = arith.select %ge3A_1586, %add3A_1583, %mul3A_1589 : vector<128x128xi1>, vector<128x128xf32>
    %mul3A_1591 = vector.broadcast %transpose3A_19 : vector<128x1xf32> to vector<128x128xf32>
    %mul3A_1592 = arith.mulf %select_n3A_1590, %mul3A_1591 : vector<128x128xf32>
    %reduce_sum3A_1593 = arith.constant dense<0.000000e+00> : vector<128xf32>
    %reduce_sum3A_1594 = vector.multi_reduction <add>, %mul3A_1592, %reduce_sum3A_1593 [0] : vector<128x128xf32> to vector<128xf32>
    %broadcast_in_dim3A_1595 = vector.shape_cast %reduce_sum3A_1594 : vector<128xf32> to vector<1x128xf32>
    %add3A_1596 = arith.addf %slice3A_1447, %slice3A_1464 : vector<128x128xf32>
    %ge3A_1597 = arith.constant 0.000000e+00 : f32
    %ge3A_1598 = vector.broadcast %ge3A_1597 : f32 to vector<128x128xf32>
    %ge3A_1599 = arith.cmpf oge, %add3A_1596, %ge3A_1598 : vector<128x128xf32>
    %mul3A_1600 = arith.constant 2.000000e-01 : f32
    %mul3A_1601 = vector.broadcast %mul3A_1600 : f32 to vector<128x128xf32>
    %mul3A_1602 = arith.mulf %mul3A_1601, %add3A_1596 : vector<128x128xf32>
    %select_n3A_1603 = arith.select %ge3A_1599, %add3A_1596, %mul3A_1602 : vector<128x128xi1>, vector<128x128xf32>
    %mul3A_1604 = vector.broadcast %transpose3A_19 : vector<128x1xf32> to vector<128x128xf32>
    %mul3A_1605 = arith.mulf %select_n3A_1603, %mul3A_1604 : vector<128x128xf32>
    %reduce_sum3A_1606 = arith.constant dense<0.000000e+00> : vector<128xf32>
    %reduce_sum3A_1607 = vector.multi_reduction <add>, %mul3A_1605, %reduce_sum3A_1606 [0] : vector<128x128xf32> to vector<128xf32>
    %broadcast_in_dim3A_1608 = vector.shape_cast %reduce_sum3A_1607 : vector<128xf32> to vector<1x128xf32>
    %add3A_1609 = arith.addf %slice3A_1447, %slice3A_1465 : vector<128x128xf32>
    %ge3A_1610 = arith.constant 0.000000e+00 : f32
    %ge3A_1611 = vector.broadcast %ge3A_1610 : f32 to vector<128x128xf32>
    %ge3A_1612 = arith.cmpf oge, %add3A_1609, %ge3A_1611 : vector<128x128xf32>
    %mul3A_1613 = arith.constant 2.000000e-01 : f32
    %mul3A_1614 = vector.broadcast %mul3A_1613 : f32 to vector<128x128xf32>
    %mul3A_1615 = arith.mulf %mul3A_1614, %add3A_1609 : vector<128x128xf32>
    %select_n3A_1616 = arith.select %ge3A_1612, %add3A_1609, %mul3A_1615 : vector<128x128xi1>, vector<128x128xf32>
    %mul3A_1617 = vector.broadcast %transpose3A_19 : vector<128x1xf32> to vector<128x128xf32>
    %mul3A_1618 = arith.mulf %select_n3A_1616, %mul3A_1617 : vector<128x128xf32>
    %reduce_sum3A_1619 = arith.constant dense<0.000000e+00> : vector<128xf32>
    %reduce_sum3A_1620 = vector.multi_reduction <add>, %mul3A_1618, %reduce_sum3A_1619 [0] : vector<128x128xf32> to vector<128xf32>
    %broadcast_in_dim3A_1621 = vector.shape_cast %reduce_sum3A_1620 : vector<128xf32> to vector<1x128xf32>
    %add3A_1622 = arith.addf %slice3A_1448, %slice3A_1465 : vector<128x128xf32>
    %ge3A_1623 = arith.constant 0.000000e+00 : f32
    %ge3A_1624 = vector.broadcast %ge3A_1623 : f32 to vector<128x128xf32>
    %ge3A_1625 = arith.cmpf oge, %add3A_1622, %ge3A_1624 : vector<128x128xf32>
    %mul3A_1626 = arith.constant 2.000000e-01 : f32
    %mul3A_1627 = vector.broadcast %mul3A_1626 : f32 to vector<128x128xf32>
    %mul3A_1628 = arith.mulf %mul3A_1627, %add3A_1622 : vector<128x128xf32>
    %select_n3A_1629 = arith.select %ge3A_1625, %add3A_1622, %mul3A_1628 : vector<128x128xi1>, vector<128x128xf32>
    %mul3A_1630 = vector.broadcast %transpose3A_19 : vector<128x1xf32> to vector<128x128xf32>
    %mul3A_1631 = arith.mulf %select_n3A_1629, %mul3A_1630 : vector<128x128xf32>
    %reduce_sum3A_1632 = arith.constant dense<0.000000e+00> : vector<128xf32>
    %reduce_sum3A_1633 = vector.multi_reduction <add>, %mul3A_1631, %reduce_sum3A_1632 [0] : vector<128x128xf32> to vector<128xf32>
    %broadcast_in_dim3A_1634 = vector.shape_cast %reduce_sum3A_1633 : vector<128xf32> to vector<1x128xf32>
    %add3A_1635 = arith.addf %slice3A_1445, %slice3A_1466 : vector<128x128xf32>
    %ge3A_1636 = arith.constant 0.000000e+00 : f32
    %ge3A_1637 = vector.broadcast %ge3A_1636 : f32 to vector<128x128xf32>
    %ge3A_1638 = arith.cmpf oge, %add3A_1635, %ge3A_1637 : vector<128x128xf32>
    %mul3A_1639 = arith.constant 2.000000e-01 : f32
    %mul3A_1640 = vector.broadcast %mul3A_1639 : f32 to vector<128x128xf32>
    %mul3A_1641 = arith.mulf %mul3A_1640, %add3A_1635 : vector<128x128xf32>
    %select_n3A_1642 = arith.select %ge3A_1638, %add3A_1635, %mul3A_1641 : vector<128x128xi1>, vector<128x128xf32>
    %mul3A_1643 = vector.broadcast %transpose3A_19 : vector<128x1xf32> to vector<128x128xf32>
    %mul3A_1644 = arith.mulf %select_n3A_1642, %mul3A_1643 : vector<128x128xf32>
    %reduce_sum3A_1645 = arith.constant dense<0.000000e+00> : vector<128xf32>
    %reduce_sum3A_1646 = vector.multi_reduction <add>, %mul3A_1644, %reduce_sum3A_1645 [0] : vector<128x128xf32> to vector<128xf32>
    %broadcast_in_dim3A_1647 = vector.shape_cast %reduce_sum3A_1646 : vector<128xf32> to vector<1x128xf32>
    %add3A_1648 = arith.addf %slice3A_1450, %slice3A_1466 : vector<128x128xf32>
    %ge3A_1649 = arith.constant 0.000000e+00 : f32
    %ge3A_1650 = vector.broadcast %ge3A_1649 : f32 to vector<128x128xf32>
    %ge3A_1651 = arith.cmpf oge, %add3A_1648, %ge3A_1650 : vector<128x128xf32>
    %mul3A_1652 = arith.constant 2.000000e-01 : f32
    %mul3A_1653 = vector.broadcast %mul3A_1652 : f32 to vector<128x128xf32>
    %mul3A_1654 = arith.mulf %mul3A_1653, %add3A_1648 : vector<128x128xf32>
    %select_n3A_1655 = arith.select %ge3A_1651, %add3A_1648, %mul3A_1654 : vector<128x128xi1>, vector<128x128xf32>
    %mul3A_1656 = vector.broadcast %transpose3A_19 : vector<128x1xf32> to vector<128x128xf32>
    %mul3A_1657 = arith.mulf %select_n3A_1655, %mul3A_1656 : vector<128x128xf32>
    %reduce_sum3A_1658 = arith.constant dense<0.000000e+00> : vector<128xf32>
    %reduce_sum3A_1659 = vector.multi_reduction <add>, %mul3A_1657, %reduce_sum3A_1658 [0] : vector<128x128xf32> to vector<128xf32>
    %broadcast_in_dim3A_1660 = vector.shape_cast %reduce_sum3A_1659 : vector<128xf32> to vector<1x128xf32>
    %add3A_1661 = arith.addf %slice3A_1449, %slice3A_1466 : vector<128x128xf32>
    %ge3A_1662 = arith.constant 0.000000e+00 : f32
    %ge3A_1663 = vector.broadcast %ge3A_1662 : f32 to vector<128x128xf32>
    %ge3A_1664 = arith.cmpf oge, %add3A_1661, %ge3A_1663 : vector<128x128xf32>
    %mul3A_1665 = arith.constant 2.000000e-01 : f32
    %mul3A_1666 = vector.broadcast %mul3A_1665 : f32 to vector<128x128xf32>
    %mul3A_1667 = arith.mulf %mul3A_1666, %add3A_1661 : vector<128x128xf32>
    %select_n3A_1668 = arith.select %ge3A_1664, %add3A_1661, %mul3A_1667 : vector<128x128xi1>, vector<128x128xf32>
    %mul3A_1669 = vector.broadcast %transpose3A_19 : vector<128x1xf32> to vector<128x128xf32>
    %mul3A_1670 = arith.mulf %select_n3A_1668, %mul3A_1669 : vector<128x128xf32>
    %reduce_sum3A_1671 = arith.constant dense<0.000000e+00> : vector<128xf32>
    %reduce_sum3A_1672 = vector.multi_reduction <add>, %mul3A_1670, %reduce_sum3A_1671 [0] : vector<128x128xf32> to vector<128xf32>
    %broadcast_in_dim3A_1673 = vector.shape_cast %reduce_sum3A_1672 : vector<128xf32> to vector<1x128xf32>
    %add3A_1674 = arith.addf %slice3A_1449, %slice3A_1467 : vector<128x128xf32>
    %ge3A_1675 = arith.constant 0.000000e+00 : f32
    %ge3A_1676 = vector.broadcast %ge3A_1675 : f32 to vector<128x128xf32>
    %ge3A_1677 = arith.cmpf oge, %add3A_1674, %ge3A_1676 : vector<128x128xf32>
    %mul3A_1678 = arith.constant 2.000000e-01 : f32
    %mul3A_1679 = vector.broadcast %mul3A_1678 : f32 to vector<128x128xf32>
    %mul3A_1680 = arith.mulf %mul3A_1679, %add3A_1674 : vector<128x128xf32>
    %select_n3A_1681 = arith.select %ge3A_1677, %add3A_1674, %mul3A_1680 : vector<128x128xi1>, vector<128x128xf32>
    %mul3A_1682 = vector.broadcast %transpose3A_19 : vector<128x1xf32> to vector<128x128xf32>
    %mul3A_1683 = arith.mulf %select_n3A_1681, %mul3A_1682 : vector<128x128xf32>
    %reduce_sum3A_1684 = arith.constant dense<0.000000e+00> : vector<128xf32>
    %reduce_sum3A_1685 = vector.multi_reduction <add>, %mul3A_1683, %reduce_sum3A_1684 [0] : vector<128x128xf32> to vector<128xf32>
    %broadcast_in_dim3A_1686 = vector.shape_cast %reduce_sum3A_1685 : vector<128xf32> to vector<1x128xf32>
    %add3A_1687 = arith.addf %slice3A_1451, %slice3A_1467 : vector<128x128xf32>
    %ge3A_1688 = arith.constant 0.000000e+00 : f32
    %ge3A_1689 = vector.broadcast %ge3A_1688 : f32 to vector<128x128xf32>
    %ge3A_1690 = arith.cmpf oge, %add3A_1687, %ge3A_1689 : vector<128x128xf32>
    %mul3A_1691 = arith.constant 2.000000e-01 : f32
    %mul3A_1692 = vector.broadcast %mul3A_1691 : f32 to vector<128x128xf32>
    %mul3A_1693 = arith.mulf %mul3A_1692, %add3A_1687 : vector<128x128xf32>
    %select_n3A_1694 = arith.select %ge3A_1690, %add3A_1687, %mul3A_1693 : vector<128x128xi1>, vector<128x128xf32>
    %mul3A_1695 = vector.broadcast %transpose3A_19 : vector<128x1xf32> to vector<128x128xf32>
    %mul3A_1696 = arith.mulf %select_n3A_1694, %mul3A_1695 : vector<128x128xf32>
    %reduce_sum3A_1697 = arith.constant dense<0.000000e+00> : vector<128xf32>
    %reduce_sum3A_1698 = vector.multi_reduction <add>, %mul3A_1696, %reduce_sum3A_1697 [0] : vector<128x128xf32> to vector<128xf32>
    %broadcast_in_dim3A_1699 = vector.shape_cast %reduce_sum3A_1698 : vector<128xf32> to vector<1x128xf32>
    %add3A_1700 = arith.addf %slice3A_1450, %slice3A_1467 : vector<128x128xf32>
    %ge3A_1701 = arith.constant 0.000000e+00 : f32
    %ge3A_1702 = vector.broadcast %ge3A_1701 : f32 to vector<128x128xf32>
    %ge3A_1703 = arith.cmpf oge, %add3A_1700, %ge3A_1702 : vector<128x128xf32>
    %mul3A_1704 = arith.constant 2.000000e-01 : f32
    %mul3A_1705 = vector.broadcast %mul3A_1704 : f32 to vector<128x128xf32>
    %mul3A_1706 = arith.mulf %mul3A_1705, %add3A_1700 : vector<128x128xf32>
    %select_n3A_1707 = arith.select %ge3A_1703, %add3A_1700, %mul3A_1706 : vector<128x128xi1>, vector<128x128xf32>
    %mul3A_1708 = vector.broadcast %transpose3A_19 : vector<128x1xf32> to vector<128x128xf32>
    %mul3A_1709 = arith.mulf %select_n3A_1707, %mul3A_1708 : vector<128x128xf32>
    %reduce_sum3A_1710 = arith.constant dense<0.000000e+00> : vector<128xf32>
    %reduce_sum3A_1711 = vector.multi_reduction <add>, %mul3A_1709, %reduce_sum3A_1710 [0] : vector<128x128xf32> to vector<128xf32>
    %broadcast_in_dim3A_1712 = vector.shape_cast %reduce_sum3A_1711 : vector<128xf32> to vector<1x128xf32>
    %add3A_1713 = arith.addf %slice3A_1450, %slice3A_1468 : vector<128x128xf32>
    %ge3A_1714 = arith.constant 0.000000e+00 : f32
    %ge3A_1715 = vector.broadcast %ge3A_1714 : f32 to vector<128x128xf32>
    %ge3A_1716 = arith.cmpf oge, %add3A_1713, %ge3A_1715 : vector<128x128xf32>
    %mul3A_1717 = arith.constant 2.000000e-01 : f32
    %mul3A_1718 = vector.broadcast %mul3A_1717 : f32 to vector<128x128xf32>
    %mul3A_1719 = arith.mulf %mul3A_1718, %add3A_1713 : vector<128x128xf32>
    %select_n3A_1720 = arith.select %ge3A_1716, %add3A_1713, %mul3A_1719 : vector<128x128xi1>, vector<128x128xf32>
    %mul3A_1721 = vector.broadcast %transpose3A_19 : vector<128x1xf32> to vector<128x128xf32>
    %mul3A_1722 = arith.mulf %select_n3A_1720, %mul3A_1721 : vector<128x128xf32>
    %reduce_sum3A_1723 = arith.constant dense<0.000000e+00> : vector<128xf32>
    %reduce_sum3A_1724 = vector.multi_reduction <add>, %mul3A_1722, %reduce_sum3A_1723 [0] : vector<128x128xf32> to vector<128xf32>
    %broadcast_in_dim3A_1725 = vector.shape_cast %reduce_sum3A_1724 : vector<128xf32> to vector<1x128xf32>
    %add3A_1726 = arith.addf %slice3A_1451, %slice3A_1468 : vector<128x128xf32>
    %ge3A_1727 = arith.constant 0.000000e+00 : f32
    %ge3A_1728 = vector.broadcast %ge3A_1727 : f32 to vector<128x128xf32>
    %ge3A_1729 = arith.cmpf oge, %add3A_1726, %ge3A_1728 : vector<128x128xf32>
    %mul3A_1730 = arith.constant 2.000000e-01 : f32
    %mul3A_1731 = vector.broadcast %mul3A_1730 : f32 to vector<128x128xf32>
    %mul3A_1732 = arith.mulf %mul3A_1731, %add3A_1726 : vector<128x128xf32>
    %select_n3A_1733 = arith.select %ge3A_1729, %add3A_1726, %mul3A_1732 : vector<128x128xi1>, vector<128x128xf32>
    %mul3A_1734 = vector.broadcast %transpose3A_19 : vector<128x1xf32> to vector<128x128xf32>
    %mul3A_1735 = arith.mulf %select_n3A_1733, %mul3A_1734 : vector<128x128xf32>
    %reduce_sum3A_1736 = arith.constant dense<0.000000e+00> : vector<128xf32>
    %reduce_sum3A_1737 = vector.multi_reduction <add>, %mul3A_1735, %reduce_sum3A_1736 [0] : vector<128x128xf32> to vector<128xf32>
    %broadcast_in_dim3A_1738 = vector.shape_cast %reduce_sum3A_1737 : vector<128xf32> to vector<1x128xf32>
    %add3A_1739 = arith.addf %slice3A_1445, %slice3A_1469 : vector<128x128xf32>
    %ge3A_1740 = arith.constant 0.000000e+00 : f32
    %ge3A_1741 = vector.broadcast %ge3A_1740 : f32 to vector<128x128xf32>
    %ge3A_1742 = arith.cmpf oge, %add3A_1739, %ge3A_1741 : vector<128x128xf32>
    %mul3A_1743 = arith.constant 2.000000e-01 : f32
    %mul3A_1744 = vector.broadcast %mul3A_1743 : f32 to vector<128x128xf32>
    %mul3A_1745 = arith.mulf %mul3A_1744, %add3A_1739 : vector<128x128xf32>
    %select_n3A_1746 = arith.select %ge3A_1742, %add3A_1739, %mul3A_1745 : vector<128x128xi1>, vector<128x128xf32>
    %mul3A_1747 = vector.broadcast %transpose3A_19 : vector<128x1xf32> to vector<128x128xf32>
    %mul3A_1748 = arith.mulf %select_n3A_1746, %mul3A_1747 : vector<128x128xf32>
    %reduce_sum3A_1749 = arith.constant dense<0.000000e+00> : vector<128xf32>
    %reduce_sum3A_1750 = vector.multi_reduction <add>, %mul3A_1748, %reduce_sum3A_1749 [0] : vector<128x128xf32> to vector<128xf32>
    %broadcast_in_dim3A_1751 = vector.shape_cast %reduce_sum3A_1750 : vector<128xf32> to vector<1x128xf32>
    %add3A_1752 = arith.addf %slice3A_1453, %slice3A_1469 : vector<128x128xf32>
    %ge3A_1753 = arith.constant 0.000000e+00 : f32
    %ge3A_1754 = vector.broadcast %ge3A_1753 : f32 to vector<128x128xf32>
    %ge3A_1755 = arith.cmpf oge, %add3A_1752, %ge3A_1754 : vector<128x128xf32>
    %mul3A_1756 = arith.constant 2.000000e-01 : f32
    %mul3A_1757 = vector.broadcast %mul3A_1756 : f32 to vector<128x128xf32>
    %mul3A_1758 = arith.mulf %mul3A_1757, %add3A_1752 : vector<128x128xf32>
    %select_n3A_1759 = arith.select %ge3A_1755, %add3A_1752, %mul3A_1758 : vector<128x128xi1>, vector<128x128xf32>
    %mul3A_1760 = vector.broadcast %transpose3A_19 : vector<128x1xf32> to vector<128x128xf32>
    %mul3A_1761 = arith.mulf %select_n3A_1759, %mul3A_1760 : vector<128x128xf32>
    %reduce_sum3A_1762 = arith.constant dense<0.000000e+00> : vector<128xf32>
    %reduce_sum3A_1763 = vector.multi_reduction <add>, %mul3A_1761, %reduce_sum3A_1762 [0] : vector<128x128xf32> to vector<128xf32>
    %broadcast_in_dim3A_1764 = vector.shape_cast %reduce_sum3A_1763 : vector<128xf32> to vector<1x128xf32>
    %add3A_1765 = arith.addf %slice3A_1452, %slice3A_1469 : vector<128x128xf32>
    %ge3A_1766 = arith.constant 0.000000e+00 : f32
    %ge3A_1767 = vector.broadcast %ge3A_1766 : f32 to vector<128x128xf32>
    %ge3A_1768 = arith.cmpf oge, %add3A_1765, %ge3A_1767 : vector<128x128xf32>
    %mul3A_1769 = arith.constant 2.000000e-01 : f32
    %mul3A_1770 = vector.broadcast %mul3A_1769 : f32 to vector<128x128xf32>
    %mul3A_1771 = arith.mulf %mul3A_1770, %add3A_1765 : vector<128x128xf32>
    %select_n3A_1772 = arith.select %ge3A_1768, %add3A_1765, %mul3A_1771 : vector<128x128xi1>, vector<128x128xf32>
    %mul3A_1773 = vector.broadcast %transpose3A_19 : vector<128x1xf32> to vector<128x128xf32>
    %mul3A_1774 = arith.mulf %select_n3A_1772, %mul3A_1773 : vector<128x128xf32>
    %reduce_sum3A_1775 = arith.constant dense<0.000000e+00> : vector<128xf32>
    %reduce_sum3A_1776 = vector.multi_reduction <add>, %mul3A_1774, %reduce_sum3A_1775 [0] : vector<128x128xf32> to vector<128xf32>
    %broadcast_in_dim3A_1777 = vector.shape_cast %reduce_sum3A_1776 : vector<128xf32> to vector<1x128xf32>
    %add3A_1778 = arith.addf %slice3A_1452, %slice3A_1470 : vector<128x128xf32>
    %ge3A_1779 = arith.constant 0.000000e+00 : f32
    %ge3A_1780 = vector.broadcast %ge3A_1779 : f32 to vector<128x128xf32>
    %ge3A_1781 = arith.cmpf oge, %add3A_1778, %ge3A_1780 : vector<128x128xf32>
    %mul3A_1782 = arith.constant 2.000000e-01 : f32
    %mul3A_1783 = vector.broadcast %mul3A_1782 : f32 to vector<128x128xf32>
    %mul3A_1784 = arith.mulf %mul3A_1783, %add3A_1778 : vector<128x128xf32>
    %select_n3A_1785 = arith.select %ge3A_1781, %add3A_1778, %mul3A_1784 : vector<128x128xi1>, vector<128x128xf32>
    %mul3A_1786 = vector.broadcast %transpose3A_19 : vector<128x1xf32> to vector<128x128xf32>
    %mul3A_1787 = arith.mulf %select_n3A_1785, %mul3A_1786 : vector<128x128xf32>
    %reduce_sum3A_1788 = arith.constant dense<0.000000e+00> : vector<128xf32>
    %reduce_sum3A_1789 = vector.multi_reduction <add>, %mul3A_1787, %reduce_sum3A_1788 [0] : vector<128x128xf32> to vector<128xf32>
    %broadcast_in_dim3A_1790 = vector.shape_cast %reduce_sum3A_1789 : vector<128xf32> to vector<1x128xf32>
    %add3A_1791 = arith.addf %slice3A_1454, %slice3A_1470 : vector<128x128xf32>
    %ge3A_1792 = arith.constant 0.000000e+00 : f32
    %ge3A_1793 = vector.broadcast %ge3A_1792 : f32 to vector<128x128xf32>
    %ge3A_1794 = arith.cmpf oge, %add3A_1791, %ge3A_1793 : vector<128x128xf32>
    %mul3A_1795 = arith.constant 2.000000e-01 : f32
    %mul3A_1796 = vector.broadcast %mul3A_1795 : f32 to vector<128x128xf32>
    %mul3A_1797 = arith.mulf %mul3A_1796, %add3A_1791 : vector<128x128xf32>
    %select_n3A_1798 = arith.select %ge3A_1794, %add3A_1791, %mul3A_1797 : vector<128x128xi1>, vector<128x128xf32>
    %mul3A_1799 = vector.broadcast %transpose3A_19 : vector<128x1xf32> to vector<128x128xf32>
    %mul3A_1800 = arith.mulf %select_n3A_1798, %mul3A_1799 : vector<128x128xf32>
    %reduce_sum3A_1801 = arith.constant dense<0.000000e+00> : vector<128xf32>
    %reduce_sum3A_1802 = vector.multi_reduction <add>, %mul3A_1800, %reduce_sum3A_1801 [0] : vector<128x128xf32> to vector<128xf32>
    %broadcast_in_dim3A_1803 = vector.shape_cast %reduce_sum3A_1802 : vector<128xf32> to vector<1x128xf32>
    %add3A_1804 = arith.addf %slice3A_1456, %slice3A_1470 : vector<128x128xf32>
    %ge3A_1805 = arith.constant 0.000000e+00 : f32
    %ge3A_1806 = vector.broadcast %ge3A_1805 : f32 to vector<128x128xf32>
    %ge3A_1807 = arith.cmpf oge, %add3A_1804, %ge3A_1806 : vector<128x128xf32>
    %mul3A_1808 = arith.constant 2.000000e-01 : f32
    %mul3A_1809 = vector.broadcast %mul3A_1808 : f32 to vector<128x128xf32>
    %mul3A_1810 = arith.mulf %mul3A_1809, %add3A_1804 : vector<128x128xf32>
    %select_n3A_1811 = arith.select %ge3A_1807, %add3A_1804, %mul3A_1810 : vector<128x128xi1>, vector<128x128xf32>
    %mul3A_1812 = vector.broadcast %transpose3A_19 : vector<128x1xf32> to vector<128x128xf32>
    %mul3A_1813 = arith.mulf %select_n3A_1811, %mul3A_1812 : vector<128x128xf32>
    %reduce_sum3A_1814 = arith.constant dense<0.000000e+00> : vector<128xf32>
    %reduce_sum3A_1815 = vector.multi_reduction <add>, %mul3A_1813, %reduce_sum3A_1814 [0] : vector<128x128xf32> to vector<128xf32>
    %broadcast_in_dim3A_1816 = vector.shape_cast %reduce_sum3A_1815 : vector<128xf32> to vector<1x128xf32>
    %add3A_1817 = arith.addf %slice3A_1459, %slice3A_1470 : vector<128x128xf32>
    %ge3A_1818 = arith.constant 0.000000e+00 : f32
    %ge3A_1819 = vector.broadcast %ge3A_1818 : f32 to vector<128x128xf32>
    %ge3A_1820 = arith.cmpf oge, %add3A_1817, %ge3A_1819 : vector<128x128xf32>
    %mul3A_1821 = arith.constant 2.000000e-01 : f32
    %mul3A_1822 = vector.broadcast %mul3A_1821 : f32 to vector<128x128xf32>
    %mul3A_1823 = arith.mulf %mul3A_1822, %add3A_1817 : vector<128x128xf32>
    %select_n3A_1824 = arith.select %ge3A_1820, %add3A_1817, %mul3A_1823 : vector<128x128xi1>, vector<128x128xf32>
    %mul3A_1825 = vector.broadcast %transpose3A_19 : vector<128x1xf32> to vector<128x128xf32>
    %mul3A_1826 = arith.mulf %select_n3A_1824, %mul3A_1825 : vector<128x128xf32>
    %reduce_sum3A_1827 = arith.constant dense<0.000000e+00> : vector<128xf32>
    %reduce_sum3A_1828 = vector.multi_reduction <add>, %mul3A_1826, %reduce_sum3A_1827 [0] : vector<128x128xf32> to vector<128xf32>
    %broadcast_in_dim3A_1829 = vector.shape_cast %reduce_sum3A_1828 : vector<128xf32> to vector<1x128xf32>
    %add3A_1830 = arith.addf %slice3A_1453, %slice3A_1470 : vector<128x128xf32>
    %ge3A_1831 = arith.constant 0.000000e+00 : f32
    %ge3A_1832 = vector.broadcast %ge3A_1831 : f32 to vector<128x128xf32>
    %ge3A_1833 = arith.cmpf oge, %add3A_1830, %ge3A_1832 : vector<128x128xf32>
    %mul3A_1834 = arith.constant 2.000000e-01 : f32
    %mul3A_1835 = vector.broadcast %mul3A_1834 : f32 to vector<128x128xf32>
    %mul3A_1836 = arith.mulf %mul3A_1835, %add3A_1830 : vector<128x128xf32>
    %select_n3A_1837 = arith.select %ge3A_1833, %add3A_1830, %mul3A_1836 : vector<128x128xi1>, vector<128x128xf32>
    %mul3A_1838 = vector.broadcast %transpose3A_19 : vector<128x1xf32> to vector<128x128xf32>
    %mul3A_1839 = arith.mulf %select_n3A_1837, %mul3A_1838 : vector<128x128xf32>
    %reduce_sum3A_1840 = arith.constant dense<0.000000e+00> : vector<128xf32>
    %reduce_sum3A_1841 = vector.multi_reduction <add>, %mul3A_1839, %reduce_sum3A_1840 [0] : vector<128x128xf32> to vector<128xf32>
    %broadcast_in_dim3A_1842 = vector.shape_cast %reduce_sum3A_1841 : vector<128xf32> to vector<1x128xf32>
    %add3A_1843 = arith.addf %slice3A_1453, %slice3A_1471 : vector<128x128xf32>
    %ge3A_1844 = arith.constant 0.000000e+00 : f32
    %ge3A_1845 = vector.broadcast %ge3A_1844 : f32 to vector<128x128xf32>
    %ge3A_1846 = arith.cmpf oge, %add3A_1843, %ge3A_1845 : vector<128x128xf32>
    %mul3A_1847 = arith.constant 2.000000e-01 : f32
    %mul3A_1848 = vector.broadcast %mul3A_1847 : f32 to vector<128x128xf32>
    %mul3A_1849 = arith.mulf %mul3A_1848, %add3A_1843 : vector<128x128xf32>
    %select_n3A_1850 = arith.select %ge3A_1846, %add3A_1843, %mul3A_1849 : vector<128x128xi1>, vector<128x128xf32>
    %mul3A_1851 = vector.broadcast %transpose3A_19 : vector<128x1xf32> to vector<128x128xf32>
    %mul3A_1852 = arith.mulf %select_n3A_1850, %mul3A_1851 : vector<128x128xf32>
    %reduce_sum3A_1853 = arith.constant dense<0.000000e+00> : vector<128xf32>
    %reduce_sum3A_1854 = vector.multi_reduction <add>, %mul3A_1852, %reduce_sum3A_1853 [0] : vector<128x128xf32> to vector<128xf32>
    %broadcast_in_dim3A_1855 = vector.shape_cast %reduce_sum3A_1854 : vector<128xf32> to vector<1x128xf32>
    %add3A_1856 = arith.addf %slice3A_1455, %slice3A_1471 : vector<128x128xf32>
    %ge3A_1857 = arith.constant 0.000000e+00 : f32
    %ge3A_1858 = vector.broadcast %ge3A_1857 : f32 to vector<128x128xf32>
    %ge3A_1859 = arith.cmpf oge, %add3A_1856, %ge3A_1858 : vector<128x128xf32>
    %mul3A_1860 = arith.constant 2.000000e-01 : f32
    %mul3A_1861 = vector.broadcast %mul3A_1860 : f32 to vector<128x128xf32>
    %mul3A_1862 = arith.mulf %mul3A_1861, %add3A_1856 : vector<128x128xf32>
    %select_n3A_1863 = arith.select %ge3A_1859, %add3A_1856, %mul3A_1862 : vector<128x128xi1>, vector<128x128xf32>
    %mul3A_1864 = vector.broadcast %transpose3A_19 : vector<128x1xf32> to vector<128x128xf32>
    %mul3A_1865 = arith.mulf %select_n3A_1863, %mul3A_1864 : vector<128x128xf32>
    %reduce_sum3A_1866 = arith.constant dense<0.000000e+00> : vector<128xf32>
    %reduce_sum3A_1867 = vector.multi_reduction <add>, %mul3A_1865, %reduce_sum3A_1866 [0] : vector<128x128xf32> to vector<128xf32>
    %broadcast_in_dim3A_1868 = vector.shape_cast %reduce_sum3A_1867 : vector<128xf32> to vector<1x128xf32>
    %add3A_1869 = arith.addf %slice3A_1454, %slice3A_1471 : vector<128x128xf32>
    %ge3A_1870 = arith.constant 0.000000e+00 : f32
    %ge3A_1871 = vector.broadcast %ge3A_1870 : f32 to vector<128x128xf32>
    %ge3A_1872 = arith.cmpf oge, %add3A_1869, %ge3A_1871 : vector<128x128xf32>
    %mul3A_1873 = arith.constant 2.000000e-01 : f32
    %mul3A_1874 = vector.broadcast %mul3A_1873 : f32 to vector<128x128xf32>
    %mul3A_1875 = arith.mulf %mul3A_1874, %add3A_1869 : vector<128x128xf32>
    %select_n3A_1876 = arith.select %ge3A_1872, %add3A_1869, %mul3A_1875 : vector<128x128xi1>, vector<128x128xf32>
    %mul3A_1877 = vector.broadcast %transpose3A_19 : vector<128x1xf32> to vector<128x128xf32>
    %mul3A_1878 = arith.mulf %select_n3A_1876, %mul3A_1877 : vector<128x128xf32>
    %reduce_sum3A_1879 = arith.constant dense<0.000000e+00> : vector<128xf32>
    %reduce_sum3A_1880 = vector.multi_reduction <add>, %mul3A_1878, %reduce_sum3A_1879 [0] : vector<128x128xf32> to vector<128xf32>
    %broadcast_in_dim3A_1881 = vector.shape_cast %reduce_sum3A_1880 : vector<128xf32> to vector<1x128xf32>
    %add3A_1882 = arith.addf %slice3A_1454, %slice3A_1472 : vector<128x128xf32>
    %ge3A_1883 = arith.constant 0.000000e+00 : f32
    %ge3A_1884 = vector.broadcast %ge3A_1883 : f32 to vector<128x128xf32>
    %ge3A_1885 = arith.cmpf oge, %add3A_1882, %ge3A_1884 : vector<128x128xf32>
    %mul3A_1886 = arith.constant 2.000000e-01 : f32
    %mul3A_1887 = vector.broadcast %mul3A_1886 : f32 to vector<128x128xf32>
    %mul3A_1888 = arith.mulf %mul3A_1887, %add3A_1882 : vector<128x128xf32>
    %select_n3A_1889 = arith.select %ge3A_1885, %add3A_1882, %mul3A_1888 : vector<128x128xi1>, vector<128x128xf32>
    %mul3A_1890 = vector.broadcast %transpose3A_19 : vector<128x1xf32> to vector<128x128xf32>
    %mul3A_1891 = arith.mulf %select_n3A_1889, %mul3A_1890 : vector<128x128xf32>
    %reduce_sum3A_1892 = arith.constant dense<0.000000e+00> : vector<128xf32>
    %reduce_sum3A_1893 = vector.multi_reduction <add>, %mul3A_1891, %reduce_sum3A_1892 [0] : vector<128x128xf32> to vector<128xf32>
    %broadcast_in_dim3A_1894 = vector.shape_cast %reduce_sum3A_1893 : vector<128xf32> to vector<1x128xf32>
    %add3A_1895 = arith.addf %slice3A_1455, %slice3A_1472 : vector<128x128xf32>
    %ge3A_1896 = arith.constant 0.000000e+00 : f32
    %ge3A_1897 = vector.broadcast %ge3A_1896 : f32 to vector<128x128xf32>
    %ge3A_1898 = arith.cmpf oge, %add3A_1895, %ge3A_1897 : vector<128x128xf32>
    %mul3A_1899 = arith.constant 2.000000e-01 : f32
    %mul3A_1900 = vector.broadcast %mul3A_1899 : f32 to vector<128x128xf32>
    %mul3A_1901 = arith.mulf %mul3A_1900, %add3A_1895 : vector<128x128xf32>
    %select_n3A_1902 = arith.select %ge3A_1898, %add3A_1895, %mul3A_1901 : vector<128x128xi1>, vector<128x128xf32>
    %mul3A_1903 = vector.broadcast %transpose3A_19 : vector<128x1xf32> to vector<128x128xf32>
    %mul3A_1904 = arith.mulf %select_n3A_1902, %mul3A_1903 : vector<128x128xf32>
    %reduce_sum3A_1905 = arith.constant dense<0.000000e+00> : vector<128xf32>
    %reduce_sum3A_1906 = vector.multi_reduction <add>, %mul3A_1904, %reduce_sum3A_1905 [0] : vector<128x128xf32> to vector<128xf32>
    %broadcast_in_dim3A_1907 = vector.shape_cast %reduce_sum3A_1906 : vector<128xf32> to vector<1x128xf32>
    %add3A_1908 = arith.addf %slice3A_1453, %slice3A_1473 : vector<128x128xf32>
    %ge3A_1909 = arith.constant 0.000000e+00 : f32
    %ge3A_1910 = vector.broadcast %ge3A_1909 : f32 to vector<128x128xf32>
    %ge3A_1911 = arith.cmpf oge, %add3A_1908, %ge3A_1910 : vector<128x128xf32>
    %mul3A_1912 = arith.constant 2.000000e-01 : f32
    %mul3A_1913 = vector.broadcast %mul3A_1912 : f32 to vector<128x128xf32>
    %mul3A_1914 = arith.mulf %mul3A_1913, %add3A_1908 : vector<128x128xf32>
    %select_n3A_1915 = arith.select %ge3A_1911, %add3A_1908, %mul3A_1914 : vector<128x128xi1>, vector<128x128xf32>
    %mul3A_1916 = vector.broadcast %transpose3A_19 : vector<128x1xf32> to vector<128x128xf32>
    %mul3A_1917 = arith.mulf %select_n3A_1915, %mul3A_1916 : vector<128x128xf32>
    %reduce_sum3A_1918 = arith.constant dense<0.000000e+00> : vector<128xf32>
    %reduce_sum3A_1919 = vector.multi_reduction <add>, %mul3A_1917, %reduce_sum3A_1918 [0] : vector<128x128xf32> to vector<128xf32>
    %broadcast_in_dim3A_1920 = vector.shape_cast %reduce_sum3A_1919 : vector<128xf32> to vector<1x128xf32>
    %add3A_1921 = arith.addf %slice3A_1457, %slice3A_1473 : vector<128x128xf32>
    %ge3A_1922 = arith.constant 0.000000e+00 : f32
    %ge3A_1923 = vector.broadcast %ge3A_1922 : f32 to vector<128x128xf32>
    %ge3A_1924 = arith.cmpf oge, %add3A_1921, %ge3A_1923 : vector<128x128xf32>
    %mul3A_1925 = arith.constant 2.000000e-01 : f32
    %mul3A_1926 = vector.broadcast %mul3A_1925 : f32 to vector<128x128xf32>
    %mul3A_1927 = arith.mulf %mul3A_1926, %add3A_1921 : vector<128x128xf32>
    %select_n3A_1928 = arith.select %ge3A_1924, %add3A_1921, %mul3A_1927 : vector<128x128xi1>, vector<128x128xf32>
    %mul3A_1929 = vector.broadcast %transpose3A_19 : vector<128x1xf32> to vector<128x128xf32>
    %mul3A_1930 = arith.mulf %select_n3A_1928, %mul3A_1929 : vector<128x128xf32>
    %reduce_sum3A_1931 = arith.constant dense<0.000000e+00> : vector<128xf32>
    %reduce_sum3A_1932 = vector.multi_reduction <add>, %mul3A_1930, %reduce_sum3A_1931 [0] : vector<128x128xf32> to vector<128xf32>
    %broadcast_in_dim3A_1933 = vector.shape_cast %reduce_sum3A_1932 : vector<128xf32> to vector<1x128xf32>
    %add3A_1934 = arith.addf %slice3A_1456, %slice3A_1473 : vector<128x128xf32>
    %ge3A_1935 = arith.constant 0.000000e+00 : f32
    %ge3A_1936 = vector.broadcast %ge3A_1935 : f32 to vector<128x128xf32>
    %ge3A_1937 = arith.cmpf oge, %add3A_1934, %ge3A_1936 : vector<128x128xf32>
    %mul3A_1938 = arith.constant 2.000000e-01 : f32
    %mul3A_1939 = vector.broadcast %mul3A_1938 : f32 to vector<128x128xf32>
    %mul3A_1940 = arith.mulf %mul3A_1939, %add3A_1934 : vector<128x128xf32>
    %select_n3A_1941 = arith.select %ge3A_1937, %add3A_1934, %mul3A_1940 : vector<128x128xi1>, vector<128x128xf32>
    %mul3A_1942 = vector.broadcast %transpose3A_19 : vector<128x1xf32> to vector<128x128xf32>
    %mul3A_1943 = arith.mulf %select_n3A_1941, %mul3A_1942 : vector<128x128xf32>
    %reduce_sum3A_1944 = arith.constant dense<0.000000e+00> : vector<128xf32>
    %reduce_sum3A_1945 = vector.multi_reduction <add>, %mul3A_1943, %reduce_sum3A_1944 [0] : vector<128x128xf32> to vector<128xf32>
    %broadcast_in_dim3A_1946 = vector.shape_cast %reduce_sum3A_1945 : vector<128xf32> to vector<1x128xf32>
    %add3A_1947 = arith.addf %slice3A_1456, %slice3A_1474 : vector<128x128xf32>
    %ge3A_1948 = arith.constant 0.000000e+00 : f32
    %ge3A_1949 = vector.broadcast %ge3A_1948 : f32 to vector<128x128xf32>
    %ge3A_1950 = arith.cmpf oge, %add3A_1947, %ge3A_1949 : vector<128x128xf32>
    %mul3A_1951 = arith.constant 2.000000e-01 : f32
    %mul3A_1952 = vector.broadcast %mul3A_1951 : f32 to vector<128x128xf32>
    %mul3A_1953 = arith.mulf %mul3A_1952, %add3A_1947 : vector<128x128xf32>
    %select_n3A_1954 = arith.select %ge3A_1950, %add3A_1947, %mul3A_1953 : vector<128x128xi1>, vector<128x128xf32>
    %mul3A_1955 = vector.broadcast %transpose3A_19 : vector<128x1xf32> to vector<128x128xf32>
    %mul3A_1956 = arith.mulf %select_n3A_1954, %mul3A_1955 : vector<128x128xf32>
    %reduce_sum3A_1957 = arith.constant dense<0.000000e+00> : vector<128xf32>
    %reduce_sum3A_1958 = vector.multi_reduction <add>, %mul3A_1956, %reduce_sum3A_1957 [0] : vector<128x128xf32> to vector<128xf32>
    %broadcast_in_dim3A_1959 = vector.shape_cast %reduce_sum3A_1958 : vector<128xf32> to vector<1x128xf32>
    %add3A_1960 = arith.addf %slice3A_1458, %slice3A_1474 : vector<128x128xf32>
    %ge3A_1961 = arith.constant 0.000000e+00 : f32
    %ge3A_1962 = vector.broadcast %ge3A_1961 : f32 to vector<128x128xf32>
    %ge3A_1963 = arith.cmpf oge, %add3A_1960, %ge3A_1962 : vector<128x128xf32>
    %mul3A_1964 = arith.constant 2.000000e-01 : f32
    %mul3A_1965 = vector.broadcast %mul3A_1964 : f32 to vector<128x128xf32>
    %mul3A_1966 = arith.mulf %mul3A_1965, %add3A_1960 : vector<128x128xf32>
    %select_n3A_1967 = arith.select %ge3A_1963, %add3A_1960, %mul3A_1966 : vector<128x128xi1>, vector<128x128xf32>
    %mul3A_1968 = vector.broadcast %transpose3A_19 : vector<128x1xf32> to vector<128x128xf32>
    %mul3A_1969 = arith.mulf %select_n3A_1967, %mul3A_1968 : vector<128x128xf32>
    %reduce_sum3A_1970 = arith.constant dense<0.000000e+00> : vector<128xf32>
    %reduce_sum3A_1971 = vector.multi_reduction <add>, %mul3A_1969, %reduce_sum3A_1970 [0] : vector<128x128xf32> to vector<128xf32>
    %broadcast_in_dim3A_1972 = vector.shape_cast %reduce_sum3A_1971 : vector<128xf32> to vector<1x128xf32>
    %add3A_1973 = arith.addf %slice3A_1457, %slice3A_1474 : vector<128x128xf32>
    %ge3A_1974 = arith.constant 0.000000e+00 : f32
    %ge3A_1975 = vector.broadcast %ge3A_1974 : f32 to vector<128x128xf32>
    %ge3A_1976 = arith.cmpf oge, %add3A_1973, %ge3A_1975 : vector<128x128xf32>
    %mul3A_1977 = arith.constant 2.000000e-01 : f32
    %mul3A_1978 = vector.broadcast %mul3A_1977 : f32 to vector<128x128xf32>
    %mul3A_1979 = arith.mulf %mul3A_1978, %add3A_1973 : vector<128x128xf32>
    %select_n3A_1980 = arith.select %ge3A_1976, %add3A_1973, %mul3A_1979 : vector<128x128xi1>, vector<128x128xf32>
    %mul3A_1981 = vector.broadcast %transpose3A_19 : vector<128x1xf32> to vector<128x128xf32>
    %mul3A_1982 = arith.mulf %select_n3A_1980, %mul3A_1981 : vector<128x128xf32>
    %reduce_sum3A_1983 = arith.constant dense<0.000000e+00> : vector<128xf32>
    %reduce_sum3A_1984 = vector.multi_reduction <add>, %mul3A_1982, %reduce_sum3A_1983 [0] : vector<128x128xf32> to vector<128xf32>
    %broadcast_in_dim3A_1985 = vector.shape_cast %reduce_sum3A_1984 : vector<128xf32> to vector<1x128xf32>
    %add3A_1986 = arith.addf %slice3A_1457, %slice3A_1475 : vector<128x128xf32>
    %ge3A_1987 = arith.constant 0.000000e+00 : f32
    %ge3A_1988 = vector.broadcast %ge3A_1987 : f32 to vector<128x128xf32>
    %ge3A_1989 = arith.cmpf oge, %add3A_1986, %ge3A_1988 : vector<128x128xf32>
    %mul3A_1990 = arith.constant 2.000000e-01 : f32
    %mul3A_1991 = vector.broadcast %mul3A_1990 : f32 to vector<128x128xf32>
    %mul3A_1992 = arith.mulf %mul3A_1991, %add3A_1986 : vector<128x128xf32>
    %select_n3A_1993 = arith.select %ge3A_1989, %add3A_1986, %mul3A_1992 : vector<128x128xi1>, vector<128x128xf32>
    %mul3A_1994 = vector.broadcast %transpose3A_19 : vector<128x1xf32> to vector<128x128xf32>
    %mul3A_1995 = arith.mulf %select_n3A_1993, %mul3A_1994 : vector<128x128xf32>
    %reduce_sum3A_1996 = arith.constant dense<0.000000e+00> : vector<128xf32>
    %reduce_sum3A_1997 = vector.multi_reduction <add>, %mul3A_1995, %reduce_sum3A_1996 [0] : vector<128x128xf32> to vector<128xf32>
    %broadcast_in_dim3A_1998 = vector.shape_cast %reduce_sum3A_1997 : vector<128xf32> to vector<1x128xf32>
    %add3A_1999 = arith.addf %slice3A_1458, %slice3A_1475 : vector<128x128xf32>
    %ge3A_2000 = arith.constant 0.000000e+00 : f32
    %ge3A_2001 = vector.broadcast %ge3A_2000 : f32 to vector<128x128xf32>
    %ge3A_2002 = arith.cmpf oge, %add3A_1999, %ge3A_2001 : vector<128x128xf32>
    %mul3A_2003 = arith.constant 2.000000e-01 : f32
    %mul3A_2004 = vector.broadcast %mul3A_2003 : f32 to vector<128x128xf32>
    %mul3A_2005 = arith.mulf %mul3A_2004, %add3A_1999 : vector<128x128xf32>
    %select_n3A_2006 = arith.select %ge3A_2002, %add3A_1999, %mul3A_2005 : vector<128x128xi1>, vector<128x128xf32>
    %mul3A_2007 = vector.broadcast %transpose3A_19 : vector<128x1xf32> to vector<128x128xf32>
    %mul3A_2008 = arith.mulf %select_n3A_2006, %mul3A_2007 : vector<128x128xf32>
    %reduce_sum3A_2009 = arith.constant dense<0.000000e+00> : vector<128xf32>
    %reduce_sum3A_2010 = vector.multi_reduction <add>, %mul3A_2008, %reduce_sum3A_2009 [0] : vector<128x128xf32> to vector<128xf32>
    %broadcast_in_dim3A_2011 = vector.shape_cast %reduce_sum3A_2010 : vector<128xf32> to vector<1x128xf32>
    %add3A_2012 = arith.addf %slice3A_1453, %slice3A_1476 : vector<128x128xf32>
    %ge3A_2013 = arith.constant 0.000000e+00 : f32
    %ge3A_2014 = vector.broadcast %ge3A_2013 : f32 to vector<128x128xf32>
    %ge3A_2015 = arith.cmpf oge, %add3A_2012, %ge3A_2014 : vector<128x128xf32>
    %mul3A_2016 = arith.constant 2.000000e-01 : f32
    %mul3A_2017 = vector.broadcast %mul3A_2016 : f32 to vector<128x128xf32>
    %mul3A_2018 = arith.mulf %mul3A_2017, %add3A_2012 : vector<128x128xf32>
    %select_n3A_2019 = arith.select %ge3A_2015, %add3A_2012, %mul3A_2018 : vector<128x128xi1>, vector<128x128xf32>
    %mul3A_2020 = vector.broadcast %transpose3A_19 : vector<128x1xf32> to vector<128x128xf32>
    %mul3A_2021 = arith.mulf %select_n3A_2019, %mul3A_2020 : vector<128x128xf32>
    %reduce_sum3A_2022 = arith.constant dense<0.000000e+00> : vector<128xf32>
    %reduce_sum3A_2023 = vector.multi_reduction <add>, %mul3A_2021, %reduce_sum3A_2022 [0] : vector<128x128xf32> to vector<128xf32>
    %broadcast_in_dim3A_2024 = vector.shape_cast %reduce_sum3A_2023 : vector<128xf32> to vector<1x128xf32>
    %add3A_2025 = arith.addf %slice3A_1460, %slice3A_1476 : vector<128x128xf32>
    %ge3A_2026 = arith.constant 0.000000e+00 : f32
    %ge3A_2027 = vector.broadcast %ge3A_2026 : f32 to vector<128x128xf32>
    %ge3A_2028 = arith.cmpf oge, %add3A_2025, %ge3A_2027 : vector<128x128xf32>
    %mul3A_2029 = arith.constant 2.000000e-01 : f32
    %mul3A_2030 = vector.broadcast %mul3A_2029 : f32 to vector<128x128xf32>
    %mul3A_2031 = arith.mulf %mul3A_2030, %add3A_2025 : vector<128x128xf32>
    %select_n3A_2032 = arith.select %ge3A_2028, %add3A_2025, %mul3A_2031 : vector<128x128xi1>, vector<128x128xf32>
    %mul3A_2033 = vector.broadcast %transpose3A_19 : vector<128x1xf32> to vector<128x128xf32>
    %mul3A_2034 = arith.mulf %select_n3A_2032, %mul3A_2033 : vector<128x128xf32>
    %reduce_sum3A_2035 = arith.constant dense<0.000000e+00> : vector<128xf32>
    %reduce_sum3A_2036 = vector.multi_reduction <add>, %mul3A_2034, %reduce_sum3A_2035 [0] : vector<128x128xf32> to vector<128xf32>
    %broadcast_in_dim3A_2037 = vector.shape_cast %reduce_sum3A_2036 : vector<128xf32> to vector<1x128xf32>
    %add3A_2038 = arith.addf %slice3A_1459, %slice3A_1476 : vector<128x128xf32>
    %ge3A_2039 = arith.constant 0.000000e+00 : f32
    %ge3A_2040 = vector.broadcast %ge3A_2039 : f32 to vector<128x128xf32>
    %ge3A_2041 = arith.cmpf oge, %add3A_2038, %ge3A_2040 : vector<128x128xf32>
    %mul3A_2042 = arith.constant 2.000000e-01 : f32
    %mul3A_2043 = vector.broadcast %mul3A_2042 : f32 to vector<128x128xf32>
    %mul3A_2044 = arith.mulf %mul3A_2043, %add3A_2038 : vector<128x128xf32>
    %select_n3A_2045 = arith.select %ge3A_2041, %add3A_2038, %mul3A_2044 : vector<128x128xi1>, vector<128x128xf32>
    %mul3A_2046 = vector.broadcast %transpose3A_19 : vector<128x1xf32> to vector<128x128xf32>
    %mul3A_2047 = arith.mulf %select_n3A_2045, %mul3A_2046 : vector<128x128xf32>
    %reduce_sum3A_2048 = arith.constant dense<0.000000e+00> : vector<128xf32>
    %reduce_sum3A_2049 = vector.multi_reduction <add>, %mul3A_2047, %reduce_sum3A_2048 [0] : vector<128x128xf32> to vector<128xf32>
    %broadcast_in_dim3A_2050 = vector.shape_cast %reduce_sum3A_2049 : vector<128xf32> to vector<1x128xf32>
    %add3A_2051 = arith.addf %slice3A_1459, %slice3A_1477 : vector<128x128xf32>
    %ge3A_2052 = arith.constant 0.000000e+00 : f32
    %ge3A_2053 = vector.broadcast %ge3A_2052 : f32 to vector<128x128xf32>
    %ge3A_2054 = arith.cmpf oge, %add3A_2051, %ge3A_2053 : vector<128x128xf32>
    %mul3A_2055 = arith.constant 2.000000e-01 : f32
    %mul3A_2056 = vector.broadcast %mul3A_2055 : f32 to vector<128x128xf32>
    %mul3A_2057 = arith.mulf %mul3A_2056, %add3A_2051 : vector<128x128xf32>
    %select_n3A_2058 = arith.select %ge3A_2054, %add3A_2051, %mul3A_2057 : vector<128x128xi1>, vector<128x128xf32>
    %mul3A_2059 = vector.broadcast %transpose3A_19 : vector<128x1xf32> to vector<128x128xf32>
    %mul3A_2060 = arith.mulf %select_n3A_2058, %mul3A_2059 : vector<128x128xf32>
    %reduce_sum3A_2061 = arith.constant dense<0.000000e+00> : vector<128xf32>
    %reduce_sum3A_2062 = vector.multi_reduction <add>, %mul3A_2060, %reduce_sum3A_2061 [0] : vector<128x128xf32> to vector<128xf32>
    %broadcast_in_dim3A_2063 = vector.shape_cast %reduce_sum3A_2062 : vector<128xf32> to vector<1x128xf32>
    %add3A_2064 = arith.addf %slice3A_1461, %slice3A_1477 : vector<128x128xf32>
    %ge3A_2065 = arith.constant 0.000000e+00 : f32
    %ge3A_2066 = vector.broadcast %ge3A_2065 : f32 to vector<128x128xf32>
    %ge3A_2067 = arith.cmpf oge, %add3A_2064, %ge3A_2066 : vector<128x128xf32>
    %mul3A_2068 = arith.constant 2.000000e-01 : f32
    %mul3A_2069 = vector.broadcast %mul3A_2068 : f32 to vector<128x128xf32>
    %mul3A_2070 = arith.mulf %mul3A_2069, %add3A_2064 : vector<128x128xf32>
    %select_n3A_2071 = arith.select %ge3A_2067, %add3A_2064, %mul3A_2070 : vector<128x128xi1>, vector<128x128xf32>
    %mul3A_2072 = vector.broadcast %transpose3A_19 : vector<128x1xf32> to vector<128x128xf32>
    %mul3A_2073 = arith.mulf %select_n3A_2071, %mul3A_2072 : vector<128x128xf32>
    %reduce_sum3A_2074 = arith.constant dense<0.000000e+00> : vector<128xf32>
    %reduce_sum3A_2075 = vector.multi_reduction <add>, %mul3A_2073, %reduce_sum3A_2074 [0] : vector<128x128xf32> to vector<128xf32>
    %broadcast_in_dim3A_2076 = vector.shape_cast %reduce_sum3A_2075 : vector<128xf32> to vector<1x128xf32>
    %add3A_2077 = arith.addf %slice3A_1460, %slice3A_1477 : vector<128x128xf32>
    %ge3A_2078 = arith.constant 0.000000e+00 : f32
    %ge3A_2079 = vector.broadcast %ge3A_2078 : f32 to vector<128x128xf32>
    %ge3A_2080 = arith.cmpf oge, %add3A_2077, %ge3A_2079 : vector<128x128xf32>
    %mul3A_2081 = arith.constant 2.000000e-01 : f32
    %mul3A_2082 = vector.broadcast %mul3A_2081 : f32 to vector<128x128xf32>
    %mul3A_2083 = arith.mulf %mul3A_2082, %add3A_2077 : vector<128x128xf32>
    %select_n3A_2084 = arith.select %ge3A_2080, %add3A_2077, %mul3A_2083 : vector<128x128xi1>, vector<128x128xf32>
    %mul3A_2085 = vector.broadcast %transpose3A_19 : vector<128x1xf32> to vector<128x128xf32>
    %mul3A_2086 = arith.mulf %select_n3A_2084, %mul3A_2085 : vector<128x128xf32>
    %reduce_sum3A_2087 = arith.constant dense<0.000000e+00> : vector<128xf32>
    %reduce_sum3A_2088 = vector.multi_reduction <add>, %mul3A_2086, %reduce_sum3A_2087 [0] : vector<128x128xf32> to vector<128xf32>
    %broadcast_in_dim3A_2089 = vector.shape_cast %reduce_sum3A_2088 : vector<128xf32> to vector<1x128xf32>
    %add3A_2090 = arith.addf %slice3A_1460, %slice3A_1478 : vector<128x128xf32>
    %ge3A_2091 = arith.constant 0.000000e+00 : f32
    %ge3A_2092 = vector.broadcast %ge3A_2091 : f32 to vector<128x128xf32>
    %ge3A_2093 = arith.cmpf oge, %add3A_2090, %ge3A_2092 : vector<128x128xf32>
    %mul3A_2094 = arith.constant 2.000000e-01 : f32
    %mul3A_2095 = vector.broadcast %mul3A_2094 : f32 to vector<128x128xf32>
    %mul3A_2096 = arith.mulf %mul3A_2095, %add3A_2090 : vector<128x128xf32>
    %select_n3A_2097 = arith.select %ge3A_2093, %add3A_2090, %mul3A_2096 : vector<128x128xi1>, vector<128x128xf32>
    %mul3A_2098 = vector.broadcast %transpose3A_19 : vector<128x1xf32> to vector<128x128xf32>
    %mul3A_2099 = arith.mulf %select_n3A_2097, %mul3A_2098 : vector<128x128xf32>
    %reduce_sum3A_2100 = arith.constant dense<0.000000e+00> : vector<128xf32>
    %reduce_sum3A_2101 = vector.multi_reduction <add>, %mul3A_2099, %reduce_sum3A_2100 [0] : vector<128x128xf32> to vector<128xf32>
    %broadcast_in_dim3A_2102 = vector.shape_cast %reduce_sum3A_2101 : vector<128xf32> to vector<1x128xf32>
    %add3A_2103 = arith.addf %slice3A_1461, %slice3A_1478 : vector<128x128xf32>
    %ge3A_2104 = arith.constant 0.000000e+00 : f32
    %ge3A_2105 = vector.broadcast %ge3A_2104 : f32 to vector<128x128xf32>
    %ge3A_2106 = arith.cmpf oge, %add3A_2103, %ge3A_2105 : vector<128x128xf32>
    %mul3A_2107 = arith.constant 2.000000e-01 : f32
    %mul3A_2108 = vector.broadcast %mul3A_2107 : f32 to vector<128x128xf32>
    %mul3A_2109 = arith.mulf %mul3A_2108, %add3A_2103 : vector<128x128xf32>
    %select_n3A_2110 = arith.select %ge3A_2106, %add3A_2103, %mul3A_2109 : vector<128x128xi1>, vector<128x128xf32>
    %mul3A_2111 = vector.broadcast %transpose3A_19 : vector<128x1xf32> to vector<128x128xf32>
    %mul3A_2112 = arith.mulf %select_n3A_2110, %mul3A_2111 : vector<128x128xf32>
    %reduce_sum3A_2113 = arith.constant dense<0.000000e+00> : vector<128xf32>
    %reduce_sum3A_2114 = vector.multi_reduction <add>, %mul3A_2112, %reduce_sum3A_2113 [0] : vector<128x128xf32> to vector<128xf32>
    %broadcast_in_dim3A_2115 = vector.shape_cast %reduce_sum3A_2114 : vector<128xf32> to vector<1x128xf32>
    %max3A_2116 = arith.maximumf %broadcast_in_dim3A_1491, %broadcast_in_dim3A_1504 : vector<1x128xf32>
    %max3A_2117 = arith.maximumf %max3A_2116, %broadcast_in_dim3A_1517 : vector<1x128xf32>
    %max3A_2118 = arith.maximumf %max3A_2117, %broadcast_in_dim3A_1530 : vector<1x128xf32>
    %sub3A_2119 = arith.subf %broadcast_in_dim3A_1491, %max3A_2118 : vector<1x128xf32>
    %exp3A_2120 = math.exp %sub3A_2119 : vector<1x128xf32>
    %mul3A_2121 = arith.constant 2.000000e+00 : f32
    %mul3A_2122 = vector.broadcast %mul3A_2121 : f32 to vector<1x128xf32>
    %mul3A_2123 = arith.mulf %exp3A_2120, %mul3A_2122 : vector<1x128xf32>
    %mul3A_2124 = vector.broadcast %mul3A_2123 : vector<1x128xf32> to vector<128x128xf32>
    %mul3A_2125 = arith.mulf %mul3A_2124, %slice3A_1446 : vector<128x128xf32>
    %sub3A_2126 = arith.subf %broadcast_in_dim3A_1504, %max3A_2118 : vector<1x128xf32>
    %exp3A_2127 = math.exp %sub3A_2126 : vector<1x128xf32>
    %mul3A_2128 = arith.constant 2.000000e+00 : f32
    %mul3A_2129 = vector.broadcast %mul3A_2128 : f32 to vector<1x128xf32>
    %mul3A_2130 = arith.mulf %exp3A_2127, %mul3A_2129 : vector<1x128xf32>
    %add3A_2131 = arith.addf %mul3A_2123, %mul3A_2130 : vector<1x128xf32>
    %mul3A_2132 = vector.broadcast %mul3A_2130 : vector<1x128xf32> to vector<128x128xf32>
    %mul3A_2133 = arith.mulf %mul3A_2132, %slice3A_1449 : vector<128x128xf32>
    %add3A_2134 = arith.addf %mul3A_2125, %mul3A_2133 : vector<128x128xf32>
    %sub3A_2135 = arith.subf %broadcast_in_dim3A_1517, %max3A_2118 : vector<1x128xf32>
    %exp3A_2136 = math.exp %sub3A_2135 : vector<1x128xf32>
    %mul3A_2137 = arith.constant 2.000000e+00 : f32
    %mul3A_2138 = vector.broadcast %mul3A_2137 : f32 to vector<1x128xf32>
    %mul3A_2139 = arith.mulf %exp3A_2136, %mul3A_2138 : vector<1x128xf32>
    %add3A_2140 = arith.addf %add3A_2131, %mul3A_2139 : vector<1x128xf32>
    %mul3A_2141 = vector.broadcast %mul3A_2139 : vector<1x128xf32> to vector<128x128xf32>
    %mul3A_2142 = arith.mulf %mul3A_2141, %slice3A_1452 : vector<128x128xf32>
    %add3A_2143 = arith.addf %add3A_2134, %mul3A_2142 : vector<128x128xf32>
    %sub3A_2144 = arith.subf %broadcast_in_dim3A_1530, %max3A_2118 : vector<1x128xf32>
    %exp3A_2145 = math.exp %sub3A_2144 : vector<1x128xf32>
    %mul3A_2146 = arith.constant 1.000000e+00 : f32
    %mul3A_2147 = vector.broadcast %mul3A_2146 : f32 to vector<1x128xf32>
    %mul3A_2148 = arith.mulf %exp3A_2145, %mul3A_2147 : vector<1x128xf32>
    %add3A_2149 = arith.addf %add3A_2140, %mul3A_2148 : vector<1x128xf32>
    %mul3A_2150 = vector.broadcast %mul3A_2148 : vector<1x128xf32> to vector<128x128xf32>
    %mul3A_2151 = arith.mulf %mul3A_2150, %slice3A_1445 : vector<128x128xf32>
    %add3A_2152 = arith.addf %add3A_2143, %mul3A_2151 : vector<128x128xf32>
    %add3A_2153 = arith.constant 1.000000e-16 : f32
    %add3A_2154 = vector.broadcast %add3A_2153 : f32 to vector<1x128xf32>
    %add3A_2155 = arith.addf %add3A_2149, %add3A_2154 : vector<1x128xf32>
    %div3A_2156 = arith.constant 1.000000e+00 : f32
    %div3A_2157 = vector.broadcast %div3A_2156 : f32 to vector<1x128xf32>
    %div3A_2158 = arith.divf %div3A_2157, %add3A_2155 : vector<1x128xf32>
    %mul3A_2159 = vector.broadcast %div3A_2158 : vector<1x128xf32> to vector<128x128xf32>
    %mul3A_2160 = arith.mulf %add3A_2152, %mul3A_2159 : vector<128x128xf32>
    %add3A_2161 = vector.broadcast %transpose3A_23 : vector<128x1xf32> to vector<128x128xf32>
    %add3A_2162 = arith.addf %mul3A_2160, %add3A_2161 : vector<128x128xf32>
    %max3A_2163 = arith.maximumf %broadcast_in_dim3A_1543, %broadcast_in_dim3A_1556 : vector<1x128xf32>
    %max3A_2164 = arith.maximumf %max3A_2163, %broadcast_in_dim3A_1569 : vector<1x128xf32>
    %sub3A_2165 = arith.subf %broadcast_in_dim3A_1543, %max3A_2164 : vector<1x128xf32>
    %exp3A_2166 = math.exp %sub3A_2165 : vector<1x128xf32>
    %mul3A_2167 = arith.constant 2.000000e+00 : f32
    %mul3A_2168 = vector.broadcast %mul3A_2167 : f32 to vector<1x128xf32>
    %mul3A_2169 = arith.mulf %exp3A_2166, %mul3A_2168 : vector<1x128xf32>
    %mul3A_2170 = vector.broadcast %mul3A_2169 : vector<1x128xf32> to vector<128x128xf32>
    %mul3A_2171 = arith.mulf %mul3A_2170, %slice3A_1445 : vector<128x128xf32>
    %sub3A_2172 = arith.subf %broadcast_in_dim3A_1556, %max3A_2164 : vector<1x128xf32>
    %exp3A_2173 = math.exp %sub3A_2172 : vector<1x128xf32>
    %mul3A_2174 = arith.constant 2.000000e+00 : f32
    %mul3A_2175 = vector.broadcast %mul3A_2174 : f32 to vector<1x128xf32>
    %mul3A_2176 = arith.mulf %exp3A_2173, %mul3A_2175 : vector<1x128xf32>
    %add3A_2177 = arith.addf %mul3A_2169, %mul3A_2176 : vector<1x128xf32>
    %mul3A_2178 = vector.broadcast %mul3A_2176 : vector<1x128xf32> to vector<128x128xf32>
    %mul3A_2179 = arith.mulf %mul3A_2178, %slice3A_1447 : vector<128x128xf32>
    %add3A_2180 = arith.addf %mul3A_2171, %mul3A_2179 : vector<128x128xf32>
    %sub3A_2181 = arith.subf %broadcast_in_dim3A_1569, %max3A_2164 : vector<1x128xf32>
    %exp3A_2182 = math.exp %sub3A_2181 : vector<1x128xf32>
    %mul3A_2183 = arith.constant 1.000000e+00 : f32
    %mul3A_2184 = vector.broadcast %mul3A_2183 : f32 to vector<1x128xf32>
    %mul3A_2185 = arith.mulf %exp3A_2182, %mul3A_2184 : vector<1x128xf32>
    %add3A_2186 = arith.addf %add3A_2177, %mul3A_2185 : vector<1x128xf32>
    %mul3A_2187 = vector.broadcast %mul3A_2185 : vector<1x128xf32> to vector<128x128xf32>
    %mul3A_2188 = arith.mulf %mul3A_2187, %slice3A_1446 : vector<128x128xf32>
    %add3A_2189 = arith.addf %add3A_2180, %mul3A_2188 : vector<128x128xf32>
    %add3A_2190 = arith.constant 1.000000e-16 : f32
    %add3A_2191 = vector.broadcast %add3A_2190 : f32 to vector<1x128xf32>
    %add3A_2192 = arith.addf %add3A_2186, %add3A_2191 : vector<1x128xf32>
    %div3A_2193 = arith.constant 1.000000e+00 : f32
    %div3A_2194 = vector.broadcast %div3A_2193 : f32 to vector<1x128xf32>
    %div3A_2195 = arith.divf %div3A_2194, %add3A_2192 : vector<1x128xf32>
    %mul3A_2196 = vector.broadcast %div3A_2195 : vector<1x128xf32> to vector<128x128xf32>
    %mul3A_2197 = arith.mulf %add3A_2189, %mul3A_2196 : vector<128x128xf32>
    %add3A_2198 = vector.broadcast %transpose3A_23 : vector<128x1xf32> to vector<128x128xf32>
    %add3A_2199 = arith.addf %mul3A_2197, %add3A_2198 : vector<128x128xf32>
    %max3A_2200 = arith.maximumf %broadcast_in_dim3A_1582, %broadcast_in_dim3A_1595 : vector<1x128xf32>
    %max3A_2201 = arith.maximumf %max3A_2200, %broadcast_in_dim3A_1608 : vector<1x128xf32>
    %sub3A_2202 = arith.subf %broadcast_in_dim3A_1582, %max3A_2201 : vector<1x128xf32>
    %exp3A_2203 = math.exp %sub3A_2202 : vector<1x128xf32>
    %mul3A_2204 = arith.constant 2.000000e+00 : f32
    %mul3A_2205 = vector.broadcast %mul3A_2204 : f32 to vector<1x128xf32>
    %mul3A_2206 = arith.mulf %exp3A_2203, %mul3A_2205 : vector<1x128xf32>
    %mul3A_2207 = vector.broadcast %mul3A_2206 : vector<1x128xf32> to vector<128x128xf32>
    %mul3A_2208 = arith.mulf %mul3A_2207, %slice3A_1446 : vector<128x128xf32>
    %sub3A_2209 = arith.subf %broadcast_in_dim3A_1595, %max3A_2201 : vector<1x128xf32>
    %exp3A_2210 = math.exp %sub3A_2209 : vector<1x128xf32>
    %mul3A_2211 = arith.constant 2.000000e+00 : f32
    %mul3A_2212 = vector.broadcast %mul3A_2211 : f32 to vector<1x128xf32>
    %mul3A_2213 = arith.mulf %exp3A_2210, %mul3A_2212 : vector<1x128xf32>
    %add3A_2214 = arith.addf %mul3A_2206, %mul3A_2213 : vector<1x128xf32>
    %mul3A_2215 = vector.broadcast %mul3A_2213 : vector<1x128xf32> to vector<128x128xf32>
    %mul3A_2216 = arith.mulf %mul3A_2215, %slice3A_1448 : vector<128x128xf32>
    %add3A_2217 = arith.addf %mul3A_2208, %mul3A_2216 : vector<128x128xf32>
    %sub3A_2218 = arith.subf %broadcast_in_dim3A_1608, %max3A_2201 : vector<1x128xf32>
    %exp3A_2219 = math.exp %sub3A_2218 : vector<1x128xf32>
    %mul3A_2220 = arith.constant 1.000000e+00 : f32
    %mul3A_2221 = vector.broadcast %mul3A_2220 : f32 to vector<1x128xf32>
    %mul3A_2222 = arith.mulf %exp3A_2219, %mul3A_2221 : vector<1x128xf32>
    %add3A_2223 = arith.addf %add3A_2214, %mul3A_2222 : vector<1x128xf32>
    %mul3A_2224 = vector.broadcast %mul3A_2222 : vector<1x128xf32> to vector<128x128xf32>
    %mul3A_2225 = arith.mulf %mul3A_2224, %slice3A_1447 : vector<128x128xf32>
    %add3A_2226 = arith.addf %add3A_2217, %mul3A_2225 : vector<128x128xf32>
    %add3A_2227 = arith.constant 1.000000e-16 : f32
    %add3A_2228 = vector.broadcast %add3A_2227 : f32 to vector<1x128xf32>
    %add3A_2229 = arith.addf %add3A_2223, %add3A_2228 : vector<1x128xf32>
    %div3A_2230 = arith.constant 1.000000e+00 : f32
    %div3A_2231 = vector.broadcast %div3A_2230 : f32 to vector<1x128xf32>
    %div3A_2232 = arith.divf %div3A_2231, %add3A_2229 : vector<1x128xf32>
    %mul3A_2233 = vector.broadcast %div3A_2232 : vector<1x128xf32> to vector<128x128xf32>
    %mul3A_2234 = arith.mulf %add3A_2226, %mul3A_2233 : vector<128x128xf32>
    %add3A_2235 = vector.broadcast %transpose3A_23 : vector<128x1xf32> to vector<128x128xf32>
    %add3A_2236 = arith.addf %mul3A_2234, %add3A_2235 : vector<128x128xf32>
    %max3A_2237 = arith.maximumf %broadcast_in_dim3A_1621, %broadcast_in_dim3A_1634 : vector<1x128xf32>
    %sub3A_2238 = arith.subf %broadcast_in_dim3A_1621, %max3A_2237 : vector<1x128xf32>
    %exp3A_2239 = math.exp %sub3A_2238 : vector<1x128xf32>
    %mul3A_2240 = arith.constant 2.000000e+00 : f32
    %mul3A_2241 = vector.broadcast %mul3A_2240 : f32 to vector<1x128xf32>
    %mul3A_2242 = arith.mulf %exp3A_2239, %mul3A_2241 : vector<1x128xf32>
    %mul3A_2243 = vector.broadcast %mul3A_2242 : vector<1x128xf32> to vector<128x128xf32>
    %mul3A_2244 = arith.mulf %mul3A_2243, %slice3A_1447 : vector<128x128xf32>
    %sub3A_2245 = arith.subf %broadcast_in_dim3A_1634, %max3A_2237 : vector<1x128xf32>
    %exp3A_2246 = math.exp %sub3A_2245 : vector<1x128xf32>
    %mul3A_2247 = arith.constant 1.000000e+00 : f32
    %mul3A_2248 = vector.broadcast %mul3A_2247 : f32 to vector<1x128xf32>
    %mul3A_2249 = arith.mulf %exp3A_2246, %mul3A_2248 : vector<1x128xf32>
    %add3A_2250 = arith.addf %mul3A_2242, %mul3A_2249 : vector<1x128xf32>
    %mul3A_2251 = vector.broadcast %mul3A_2249 : vector<1x128xf32> to vector<128x128xf32>
    %mul3A_2252 = arith.mulf %mul3A_2251, %slice3A_1448 : vector<128x128xf32>
    %add3A_2253 = arith.addf %mul3A_2244, %mul3A_2252 : vector<128x128xf32>
    %add3A_2254 = arith.constant 1.000000e-16 : f32
    %add3A_2255 = vector.broadcast %add3A_2254 : f32 to vector<1x128xf32>
    %add3A_2256 = arith.addf %add3A_2250, %add3A_2255 : vector<1x128xf32>
    %div3A_2257 = arith.constant 1.000000e+00 : f32
    %div3A_2258 = vector.broadcast %div3A_2257 : f32 to vector<1x128xf32>
    %div3A_2259 = arith.divf %div3A_2258, %add3A_2256 : vector<1x128xf32>
    %mul3A_2260 = vector.broadcast %div3A_2259 : vector<1x128xf32> to vector<128x128xf32>
    %mul3A_2261 = arith.mulf %add3A_2253, %mul3A_2260 : vector<128x128xf32>
    %add3A_2262 = vector.broadcast %transpose3A_23 : vector<128x1xf32> to vector<128x128xf32>
    %add3A_2263 = arith.addf %mul3A_2261, %add3A_2262 : vector<128x128xf32>
    %max3A_2264 = arith.maximumf %broadcast_in_dim3A_1647, %broadcast_in_dim3A_1660 : vector<1x128xf32>
    %max3A_2265 = arith.maximumf %max3A_2264, %broadcast_in_dim3A_1673 : vector<1x128xf32>
    %sub3A_2266 = arith.subf %broadcast_in_dim3A_1647, %max3A_2265 : vector<1x128xf32>
    %exp3A_2267 = math.exp %sub3A_2266 : vector<1x128xf32>
    %mul3A_2268 = arith.constant 2.000000e+00 : f32
    %mul3A_2269 = vector.broadcast %mul3A_2268 : f32 to vector<1x128xf32>
    %mul3A_2270 = arith.mulf %exp3A_2267, %mul3A_2269 : vector<1x128xf32>
    %mul3A_2271 = vector.broadcast %mul3A_2270 : vector<1x128xf32> to vector<128x128xf32>
    %mul3A_2272 = arith.mulf %mul3A_2271, %slice3A_1445 : vector<128x128xf32>
    %sub3A_2273 = arith.subf %broadcast_in_dim3A_1660, %max3A_2265 : vector<1x128xf32>
    %exp3A_2274 = math.exp %sub3A_2273 : vector<1x128xf32>
    %mul3A_2275 = arith.constant 2.000000e+00 : f32
    %mul3A_2276 = vector.broadcast %mul3A_2275 : f32 to vector<1x128xf32>
    %mul3A_2277 = arith.mulf %exp3A_2274, %mul3A_2276 : vector<1x128xf32>
    %add3A_2278 = arith.addf %mul3A_2270, %mul3A_2277 : vector<1x128xf32>
    %mul3A_2279 = vector.broadcast %mul3A_2277 : vector<1x128xf32> to vector<128x128xf32>
    %mul3A_2280 = arith.mulf %mul3A_2279, %slice3A_1450 : vector<128x128xf32>
    %add3A_2281 = arith.addf %mul3A_2272, %mul3A_2280 : vector<128x128xf32>
    %sub3A_2282 = arith.subf %broadcast_in_dim3A_1673, %max3A_2265 : vector<1x128xf32>
    %exp3A_2283 = math.exp %sub3A_2282 : vector<1x128xf32>
    %mul3A_2284 = arith.constant 1.000000e+00 : f32
    %mul3A_2285 = vector.broadcast %mul3A_2284 : f32 to vector<1x128xf32>
    %mul3A_2286 = arith.mulf %exp3A_2283, %mul3A_2285 : vector<1x128xf32>
    %add3A_2287 = arith.addf %add3A_2278, %mul3A_2286 : vector<1x128xf32>
    %mul3A_2288 = vector.broadcast %mul3A_2286 : vector<1x128xf32> to vector<128x128xf32>
    %mul3A_2289 = arith.mulf %mul3A_2288, %slice3A_1449 : vector<128x128xf32>
    %add3A_2290 = arith.addf %add3A_2281, %mul3A_2289 : vector<128x128xf32>
    %add3A_2291 = arith.constant 1.000000e-16 : f32
    %add3A_2292 = vector.broadcast %add3A_2291 : f32 to vector<1x128xf32>
    %add3A_2293 = arith.addf %add3A_2287, %add3A_2292 : vector<1x128xf32>
    %div3A_2294 = arith.constant 1.000000e+00 : f32
    %div3A_2295 = vector.broadcast %div3A_2294 : f32 to vector<1x128xf32>
    %div3A_2296 = arith.divf %div3A_2295, %add3A_2293 : vector<1x128xf32>
    %mul3A_2297 = vector.broadcast %div3A_2296 : vector<1x128xf32> to vector<128x128xf32>
    %mul3A_2298 = arith.mulf %add3A_2290, %mul3A_2297 : vector<128x128xf32>
    %add3A_2299 = vector.broadcast %transpose3A_23 : vector<128x1xf32> to vector<128x128xf32>
    %add3A_2300 = arith.addf %mul3A_2298, %add3A_2299 : vector<128x128xf32>
    %max3A_2301 = arith.maximumf %broadcast_in_dim3A_1686, %broadcast_in_dim3A_1699 : vector<1x128xf32>
    %max3A_2302 = arith.maximumf %max3A_2301, %broadcast_in_dim3A_1712 : vector<1x128xf32>
    %sub3A_2303 = arith.subf %broadcast_in_dim3A_1686, %max3A_2302 : vector<1x128xf32>
    %exp3A_2304 = math.exp %sub3A_2303 : vector<1x128xf32>
    %mul3A_2305 = arith.constant 2.000000e+00 : f32
    %mul3A_2306 = vector.broadcast %mul3A_2305 : f32 to vector<1x128xf32>
    %mul3A_2307 = arith.mulf %exp3A_2304, %mul3A_2306 : vector<1x128xf32>
    %mul3A_2308 = vector.broadcast %mul3A_2307 : vector<1x128xf32> to vector<128x128xf32>
    %mul3A_2309 = arith.mulf %mul3A_2308, %slice3A_1449 : vector<128x128xf32>
    %sub3A_2310 = arith.subf %broadcast_in_dim3A_1699, %max3A_2302 : vector<1x128xf32>
    %exp3A_2311 = math.exp %sub3A_2310 : vector<1x128xf32>
    %mul3A_2312 = arith.constant 2.000000e+00 : f32
    %mul3A_2313 = vector.broadcast %mul3A_2312 : f32 to vector<1x128xf32>
    %mul3A_2314 = arith.mulf %exp3A_2311, %mul3A_2313 : vector<1x128xf32>
    %add3A_2315 = arith.addf %mul3A_2307, %mul3A_2314 : vector<1x128xf32>
    %mul3A_2316 = vector.broadcast %mul3A_2314 : vector<1x128xf32> to vector<128x128xf32>
    %mul3A_2317 = arith.mulf %mul3A_2316, %slice3A_1451 : vector<128x128xf32>
    %add3A_2318 = arith.addf %mul3A_2309, %mul3A_2317 : vector<128x128xf32>
    %sub3A_2319 = arith.subf %broadcast_in_dim3A_1712, %max3A_2302 : vector<1x128xf32>
    %exp3A_2320 = math.exp %sub3A_2319 : vector<1x128xf32>
    %mul3A_2321 = arith.constant 1.000000e+00 : f32
    %mul3A_2322 = vector.broadcast %mul3A_2321 : f32 to vector<1x128xf32>
    %mul3A_2323 = arith.mulf %exp3A_2320, %mul3A_2322 : vector<1x128xf32>
    %add3A_2324 = arith.addf %add3A_2315, %mul3A_2323 : vector<1x128xf32>
    %mul3A_2325 = vector.broadcast %mul3A_2323 : vector<1x128xf32> to vector<128x128xf32>
    %mul3A_2326 = arith.mulf %mul3A_2325, %slice3A_1450 : vector<128x128xf32>
    %add3A_2327 = arith.addf %add3A_2318, %mul3A_2326 : vector<128x128xf32>
    %add3A_2328 = arith.constant 1.000000e-16 : f32
    %add3A_2329 = vector.broadcast %add3A_2328 : f32 to vector<1x128xf32>
    %add3A_2330 = arith.addf %add3A_2324, %add3A_2329 : vector<1x128xf32>
    %div3A_2331 = arith.constant 1.000000e+00 : f32
    %div3A_2332 = vector.broadcast %div3A_2331 : f32 to vector<1x128xf32>
    %div3A_2333 = arith.divf %div3A_2332, %add3A_2330 : vector<1x128xf32>
    %mul3A_2334 = vector.broadcast %div3A_2333 : vector<1x128xf32> to vector<128x128xf32>
    %mul3A_2335 = arith.mulf %add3A_2327, %mul3A_2334 : vector<128x128xf32>
    %add3A_2336 = vector.broadcast %transpose3A_23 : vector<128x1xf32> to vector<128x128xf32>
    %add3A_2337 = arith.addf %mul3A_2335, %add3A_2336 : vector<128x128xf32>
    %max3A_2338 = arith.maximumf %broadcast_in_dim3A_1725, %broadcast_in_dim3A_1738 : vector<1x128xf32>
    %sub3A_2339 = arith.subf %broadcast_in_dim3A_1725, %max3A_2338 : vector<1x128xf32>
    %exp3A_2340 = math.exp %sub3A_2339 : vector<1x128xf32>
    %mul3A_2341 = arith.constant 2.000000e+00 : f32
    %mul3A_2342 = vector.broadcast %mul3A_2341 : f32 to vector<1x128xf32>
    %mul3A_2343 = arith.mulf %exp3A_2340, %mul3A_2342 : vector<1x128xf32>
    %mul3A_2344 = vector.broadcast %mul3A_2343 : vector<1x128xf32> to vector<128x128xf32>
    %mul3A_2345 = arith.mulf %mul3A_2344, %slice3A_1450 : vector<128x128xf32>
    %sub3A_2346 = arith.subf %broadcast_in_dim3A_1738, %max3A_2338 : vector<1x128xf32>
    %exp3A_2347 = math.exp %sub3A_2346 : vector<1x128xf32>
    %mul3A_2348 = arith.constant 1.000000e+00 : f32
    %mul3A_2349 = vector.broadcast %mul3A_2348 : f32 to vector<1x128xf32>
    %mul3A_2350 = arith.mulf %exp3A_2347, %mul3A_2349 : vector<1x128xf32>
    %add3A_2351 = arith.addf %mul3A_2343, %mul3A_2350 : vector<1x128xf32>
    %mul3A_2352 = vector.broadcast %mul3A_2350 : vector<1x128xf32> to vector<128x128xf32>
    %mul3A_2353 = arith.mulf %mul3A_2352, %slice3A_1451 : vector<128x128xf32>
    %add3A_2354 = arith.addf %mul3A_2345, %mul3A_2353 : vector<128x128xf32>
    %add3A_2355 = arith.constant 1.000000e-16 : f32
    %add3A_2356 = vector.broadcast %add3A_2355 : f32 to vector<1x128xf32>
    %add3A_2357 = arith.addf %add3A_2351, %add3A_2356 : vector<1x128xf32>
    %div3A_2358 = arith.constant 1.000000e+00 : f32
    %div3A_2359 = vector.broadcast %div3A_2358 : f32 to vector<1x128xf32>
    %div3A_2360 = arith.divf %div3A_2359, %add3A_2357 : vector<1x128xf32>
    %mul3A_2361 = vector.broadcast %div3A_2360 : vector<1x128xf32> to vector<128x128xf32>
    %mul3A_2362 = arith.mulf %add3A_2354, %mul3A_2361 : vector<128x128xf32>
    %add3A_2363 = vector.broadcast %transpose3A_23 : vector<128x1xf32> to vector<128x128xf32>
    %add3A_2364 = arith.addf %mul3A_2362, %add3A_2363 : vector<128x128xf32>
    %max3A_2365 = arith.maximumf %broadcast_in_dim3A_1751, %broadcast_in_dim3A_1764 : vector<1x128xf32>
    %max3A_2366 = arith.maximumf %max3A_2365, %broadcast_in_dim3A_1777 : vector<1x128xf32>
    %sub3A_2367 = arith.subf %broadcast_in_dim3A_1751, %max3A_2366 : vector<1x128xf32>
    %exp3A_2368 = math.exp %sub3A_2367 : vector<1x128xf32>
    %mul3A_2369 = arith.constant 2.000000e+00 : f32
    %mul3A_2370 = vector.broadcast %mul3A_2369 : f32 to vector<1x128xf32>
    %mul3A_2371 = arith.mulf %exp3A_2368, %mul3A_2370 : vector<1x128xf32>
    %mul3A_2372 = vector.broadcast %mul3A_2371 : vector<1x128xf32> to vector<128x128xf32>
    %mul3A_2373 = arith.mulf %mul3A_2372, %slice3A_1445 : vector<128x128xf32>
    %sub3A_2374 = arith.subf %broadcast_in_dim3A_1764, %max3A_2366 : vector<1x128xf32>
    %exp3A_2375 = math.exp %sub3A_2374 : vector<1x128xf32>
    %mul3A_2376 = arith.constant 2.000000e+00 : f32
    %mul3A_2377 = vector.broadcast %mul3A_2376 : f32 to vector<1x128xf32>
    %mul3A_2378 = arith.mulf %exp3A_2375, %mul3A_2377 : vector<1x128xf32>
    %add3A_2379 = arith.addf %mul3A_2371, %mul3A_2378 : vector<1x128xf32>
    %mul3A_2380 = vector.broadcast %mul3A_2378 : vector<1x128xf32> to vector<128x128xf32>
    %mul3A_2381 = arith.mulf %mul3A_2380, %slice3A_1453 : vector<128x128xf32>
    %add3A_2382 = arith.addf %mul3A_2373, %mul3A_2381 : vector<128x128xf32>
    %sub3A_2383 = arith.subf %broadcast_in_dim3A_1777, %max3A_2366 : vector<1x128xf32>
    %exp3A_2384 = math.exp %sub3A_2383 : vector<1x128xf32>
    %mul3A_2385 = arith.constant 1.000000e+00 : f32
    %mul3A_2386 = vector.broadcast %mul3A_2385 : f32 to vector<1x128xf32>
    %mul3A_2387 = arith.mulf %exp3A_2384, %mul3A_2386 : vector<1x128xf32>
    %add3A_2388 = arith.addf %add3A_2379, %mul3A_2387 : vector<1x128xf32>
    %mul3A_2389 = vector.broadcast %mul3A_2387 : vector<1x128xf32> to vector<128x128xf32>
    %mul3A_2390 = arith.mulf %mul3A_2389, %slice3A_1452 : vector<128x128xf32>
    %add3A_2391 = arith.addf %add3A_2382, %mul3A_2390 : vector<128x128xf32>
    %add3A_2392 = arith.constant 1.000000e-16 : f32
    %add3A_2393 = vector.broadcast %add3A_2392 : f32 to vector<1x128xf32>
    %add3A_2394 = arith.addf %add3A_2388, %add3A_2393 : vector<1x128xf32>
    %div3A_2395 = arith.constant 1.000000e+00 : f32
    %div3A_2396 = vector.broadcast %div3A_2395 : f32 to vector<1x128xf32>
    %div3A_2397 = arith.divf %div3A_2396, %add3A_2394 : vector<1x128xf32>
    %mul3A_2398 = vector.broadcast %div3A_2397 : vector<1x128xf32> to vector<128x128xf32>
    %mul3A_2399 = arith.mulf %add3A_2391, %mul3A_2398 : vector<128x128xf32>
    %add3A_2400 = vector.broadcast %transpose3A_23 : vector<128x1xf32> to vector<128x128xf32>
    %add3A_2401 = arith.addf %mul3A_2399, %add3A_2400 : vector<128x128xf32>
    %max3A_2402 = arith.maximumf %broadcast_in_dim3A_1790, %broadcast_in_dim3A_1803 : vector<1x128xf32>
    %max3A_2403 = arith.maximumf %max3A_2402, %broadcast_in_dim3A_1816 : vector<1x128xf32>
    %max3A_2404 = arith.maximumf %max3A_2403, %broadcast_in_dim3A_1829 : vector<1x128xf32>
    %max3A_2405 = arith.maximumf %max3A_2404, %broadcast_in_dim3A_1842 : vector<1x128xf32>
    %sub3A_2406 = arith.subf %broadcast_in_dim3A_1790, %max3A_2405 : vector<1x128xf32>
    %exp3A_2407 = math.exp %sub3A_2406 : vector<1x128xf32>
    %mul3A_2408 = arith.constant 2.000000e+00 : f32
    %mul3A_2409 = vector.broadcast %mul3A_2408 : f32 to vector<1x128xf32>
    %mul3A_2410 = arith.mulf %exp3A_2407, %mul3A_2409 : vector<1x128xf32>
    %mul3A_2411 = vector.broadcast %mul3A_2410 : vector<1x128xf32> to vector<128x128xf32>
    %mul3A_2412 = arith.mulf %mul3A_2411, %slice3A_1452 : vector<128x128xf32>
    %sub3A_2413 = arith.subf %broadcast_in_dim3A_1803, %max3A_2405 : vector<1x128xf32>
    %exp3A_2414 = math.exp %sub3A_2413 : vector<1x128xf32>
    %mul3A_2415 = arith.constant 2.000000e+00 : f32
    %mul3A_2416 = vector.broadcast %mul3A_2415 : f32 to vector<1x128xf32>
    %mul3A_2417 = arith.mulf %exp3A_2414, %mul3A_2416 : vector<1x128xf32>
    %add3A_2418 = arith.addf %mul3A_2410, %mul3A_2417 : vector<1x128xf32>
    %mul3A_2419 = vector.broadcast %mul3A_2417 : vector<1x128xf32> to vector<128x128xf32>
    %mul3A_2420 = arith.mulf %mul3A_2419, %slice3A_1454 : vector<128x128xf32>
    %add3A_2421 = arith.addf %mul3A_2412, %mul3A_2420 : vector<128x128xf32>
    %sub3A_2422 = arith.subf %broadcast_in_dim3A_1816, %max3A_2405 : vector<1x128xf32>
    %exp3A_2423 = math.exp %sub3A_2422 : vector<1x128xf32>
    %mul3A_2424 = arith.constant 2.000000e+00 : f32
    %mul3A_2425 = vector.broadcast %mul3A_2424 : f32 to vector<1x128xf32>
    %mul3A_2426 = arith.mulf %exp3A_2423, %mul3A_2425 : vector<1x128xf32>
    %add3A_2427 = arith.addf %add3A_2418, %mul3A_2426 : vector<1x128xf32>
    %mul3A_2428 = vector.broadcast %mul3A_2426 : vector<1x128xf32> to vector<128x128xf32>
    %mul3A_2429 = arith.mulf %mul3A_2428, %slice3A_1456 : vector<128x128xf32>
    %add3A_2430 = arith.addf %add3A_2421, %mul3A_2429 : vector<128x128xf32>
    %sub3A_2431 = arith.subf %broadcast_in_dim3A_1829, %max3A_2405 : vector<1x128xf32>
    %exp3A_2432 = math.exp %sub3A_2431 : vector<1x128xf32>
    %mul3A_2433 = arith.constant 2.000000e+00 : f32
    %mul3A_2434 = vector.broadcast %mul3A_2433 : f32 to vector<1x128xf32>
    %mul3A_2435 = arith.mulf %exp3A_2432, %mul3A_2434 : vector<1x128xf32>
    %add3A_2436 = arith.addf %add3A_2427, %mul3A_2435 : vector<1x128xf32>
    %mul3A_2437 = vector.broadcast %mul3A_2435 : vector<1x128xf32> to vector<128x128xf32>
    %mul3A_2438 = arith.mulf %mul3A_2437, %slice3A_1459 : vector<128x128xf32>
    %add3A_2439 = arith.addf %add3A_2430, %mul3A_2438 : vector<128x128xf32>
    %sub3A_2440 = arith.subf %broadcast_in_dim3A_1842, %max3A_2405 : vector<1x128xf32>
    %exp3A_2441 = math.exp %sub3A_2440 : vector<1x128xf32>
    %mul3A_2442 = arith.constant 1.000000e+00 : f32
    %mul3A_2443 = vector.broadcast %mul3A_2442 : f32 to vector<1x128xf32>
    %mul3A_2444 = arith.mulf %exp3A_2441, %mul3A_2443 : vector<1x128xf32>
    %add3A_2445 = arith.addf %add3A_2436, %mul3A_2444 : vector<1x128xf32>
    %mul3A_2446 = vector.broadcast %mul3A_2444 : vector<1x128xf32> to vector<128x128xf32>
    %mul3A_2447 = arith.mulf %mul3A_2446, %slice3A_1453 : vector<128x128xf32>
    %add3A_2448 = arith.addf %add3A_2439, %mul3A_2447 : vector<128x128xf32>
    %add3A_2449 = arith.constant 1.000000e-16 : f32
    %add3A_2450 = vector.broadcast %add3A_2449 : f32 to vector<1x128xf32>
    %add3A_2451 = arith.addf %add3A_2445, %add3A_2450 : vector<1x128xf32>
    %div3A_2452 = arith.constant 1.000000e+00 : f32
    %div3A_2453 = vector.broadcast %div3A_2452 : f32 to vector<1x128xf32>
    %div3A_2454 = arith.divf %div3A_2453, %add3A_2451 : vector<1x128xf32>
    %mul3A_2455 = vector.broadcast %div3A_2454 : vector<1x128xf32> to vector<128x128xf32>
    %mul3A_2456 = arith.mulf %add3A_2448, %mul3A_2455 : vector<128x128xf32>
    %add3A_2457 = vector.broadcast %transpose3A_23 : vector<128x1xf32> to vector<128x128xf32>
    %add3A_2458 = arith.addf %mul3A_2456, %add3A_2457 : vector<128x128xf32>
    %max3A_2459 = arith.maximumf %broadcast_in_dim3A_1855, %broadcast_in_dim3A_1868 : vector<1x128xf32>
    %max3A_2460 = arith.maximumf %max3A_2459, %broadcast_in_dim3A_1881 : vector<1x128xf32>
    %sub3A_2461 = arith.subf %broadcast_in_dim3A_1855, %max3A_2460 : vector<1x128xf32>
    %exp3A_2462 = math.exp %sub3A_2461 : vector<1x128xf32>
    %mul3A_2463 = arith.constant 2.000000e+00 : f32
    %mul3A_2464 = vector.broadcast %mul3A_2463 : f32 to vector<1x128xf32>
    %mul3A_2465 = arith.mulf %exp3A_2462, %mul3A_2464 : vector<1x128xf32>
    %mul3A_2466 = vector.broadcast %mul3A_2465 : vector<1x128xf32> to vector<128x128xf32>
    %mul3A_2467 = arith.mulf %mul3A_2466, %slice3A_1453 : vector<128x128xf32>
    %sub3A_2468 = arith.subf %broadcast_in_dim3A_1868, %max3A_2460 : vector<1x128xf32>
    %exp3A_2469 = math.exp %sub3A_2468 : vector<1x128xf32>
    %mul3A_2470 = arith.constant 2.000000e+00 : f32
    %mul3A_2471 = vector.broadcast %mul3A_2470 : f32 to vector<1x128xf32>
    %mul3A_2472 = arith.mulf %exp3A_2469, %mul3A_2471 : vector<1x128xf32>
    %add3A_2473 = arith.addf %mul3A_2465, %mul3A_2472 : vector<1x128xf32>
    %mul3A_2474 = vector.broadcast %mul3A_2472 : vector<1x128xf32> to vector<128x128xf32>
    %mul3A_2475 = arith.mulf %mul3A_2474, %slice3A_1455 : vector<128x128xf32>
    %add3A_2476 = arith.addf %mul3A_2467, %mul3A_2475 : vector<128x128xf32>
    %sub3A_2477 = arith.subf %broadcast_in_dim3A_1881, %max3A_2460 : vector<1x128xf32>
    %exp3A_2478 = math.exp %sub3A_2477 : vector<1x128xf32>
    %mul3A_2479 = arith.constant 1.000000e+00 : f32
    %mul3A_2480 = vector.broadcast %mul3A_2479 : f32 to vector<1x128xf32>
    %mul3A_2481 = arith.mulf %exp3A_2478, %mul3A_2480 : vector<1x128xf32>
    %add3A_2482 = arith.addf %add3A_2473, %mul3A_2481 : vector<1x128xf32>
    %mul3A_2483 = vector.broadcast %mul3A_2481 : vector<1x128xf32> to vector<128x128xf32>
    %mul3A_2484 = arith.mulf %mul3A_2483, %slice3A_1454 : vector<128x128xf32>
    %add3A_2485 = arith.addf %add3A_2476, %mul3A_2484 : vector<128x128xf32>
    %add3A_2486 = arith.constant 1.000000e-16 : f32
    %add3A_2487 = vector.broadcast %add3A_2486 : f32 to vector<1x128xf32>
    %add3A_2488 = arith.addf %add3A_2482, %add3A_2487 : vector<1x128xf32>
    %div3A_2489 = arith.constant 1.000000e+00 : f32
    %div3A_2490 = vector.broadcast %div3A_2489 : f32 to vector<1x128xf32>
    %div3A_2491 = arith.divf %div3A_2490, %add3A_2488 : vector<1x128xf32>
    %mul3A_2492 = vector.broadcast %div3A_2491 : vector<1x128xf32> to vector<128x128xf32>
    %mul3A_2493 = arith.mulf %add3A_2485, %mul3A_2492 : vector<128x128xf32>
    %add3A_2494 = vector.broadcast %transpose3A_23 : vector<128x1xf32> to vector<128x128xf32>
    %add3A_2495 = arith.addf %mul3A_2493, %add3A_2494 : vector<128x128xf32>
    %max3A_2496 = arith.maximumf %broadcast_in_dim3A_1894, %broadcast_in_dim3A_1907 : vector<1x128xf32>
    %sub3A_2497 = arith.subf %broadcast_in_dim3A_1894, %max3A_2496 : vector<1x128xf32>
    %exp3A_2498 = math.exp %sub3A_2497 : vector<1x128xf32>
    %mul3A_2499 = arith.constant 2.000000e+00 : f32
    %mul3A_2500 = vector.broadcast %mul3A_2499 : f32 to vector<1x128xf32>
    %mul3A_2501 = arith.mulf %exp3A_2498, %mul3A_2500 : vector<1x128xf32>
    %mul3A_2502 = vector.broadcast %mul3A_2501 : vector<1x128xf32> to vector<128x128xf32>
    %mul3A_2503 = arith.mulf %mul3A_2502, %slice3A_1454 : vector<128x128xf32>
    %sub3A_2504 = arith.subf %broadcast_in_dim3A_1907, %max3A_2496 : vector<1x128xf32>
    %exp3A_2505 = math.exp %sub3A_2504 : vector<1x128xf32>
    %mul3A_2506 = arith.constant 1.000000e+00 : f32
    %mul3A_2507 = vector.broadcast %mul3A_2506 : f32 to vector<1x128xf32>
    %mul3A_2508 = arith.mulf %exp3A_2505, %mul3A_2507 : vector<1x128xf32>
    %add3A_2509 = arith.addf %mul3A_2501, %mul3A_2508 : vector<1x128xf32>
    %mul3A_2510 = vector.broadcast %mul3A_2508 : vector<1x128xf32> to vector<128x128xf32>
    %mul3A_2511 = arith.mulf %mul3A_2510, %slice3A_1455 : vector<128x128xf32>
    %add3A_2512 = arith.addf %mul3A_2503, %mul3A_2511 : vector<128x128xf32>
    %add3A_2513 = arith.constant 1.000000e-16 : f32
    %add3A_2514 = vector.broadcast %add3A_2513 : f32 to vector<1x128xf32>
    %add3A_2515 = arith.addf %add3A_2509, %add3A_2514 : vector<1x128xf32>
    %div3A_2516 = arith.constant 1.000000e+00 : f32
    %div3A_2517 = vector.broadcast %div3A_2516 : f32 to vector<1x128xf32>
    %div3A_2518 = arith.divf %div3A_2517, %add3A_2515 : vector<1x128xf32>
    %mul3A_2519 = vector.broadcast %div3A_2518 : vector<1x128xf32> to vector<128x128xf32>
    %mul3A_2520 = arith.mulf %add3A_2512, %mul3A_2519 : vector<128x128xf32>
    %add3A_2521 = vector.broadcast %transpose3A_23 : vector<128x1xf32> to vector<128x128xf32>
    %add3A_2522 = arith.addf %mul3A_2520, %add3A_2521 : vector<128x128xf32>
    %max3A_2523 = arith.maximumf %broadcast_in_dim3A_1920, %broadcast_in_dim3A_1933 : vector<1x128xf32>
    %max3A_2524 = arith.maximumf %max3A_2523, %broadcast_in_dim3A_1946 : vector<1x128xf32>
    %sub3A_2525 = arith.subf %broadcast_in_dim3A_1920, %max3A_2524 : vector<1x128xf32>
    %exp3A_2526 = math.exp %sub3A_2525 : vector<1x128xf32>
    %mul3A_2527 = arith.constant 2.000000e+00 : f32
    %mul3A_2528 = vector.broadcast %mul3A_2527 : f32 to vector<1x128xf32>
    %mul3A_2529 = arith.mulf %exp3A_2526, %mul3A_2528 : vector<1x128xf32>
    %mul3A_2530 = vector.broadcast %mul3A_2529 : vector<1x128xf32> to vector<128x128xf32>
    %mul3A_2531 = arith.mulf %mul3A_2530, %slice3A_1453 : vector<128x128xf32>
    %sub3A_2532 = arith.subf %broadcast_in_dim3A_1933, %max3A_2524 : vector<1x128xf32>
    %exp3A_2533 = math.exp %sub3A_2532 : vector<1x128xf32>
    %mul3A_2534 = arith.constant 2.000000e+00 : f32
    %mul3A_2535 = vector.broadcast %mul3A_2534 : f32 to vector<1x128xf32>
    %mul3A_2536 = arith.mulf %exp3A_2533, %mul3A_2535 : vector<1x128xf32>
    %add3A_2537 = arith.addf %mul3A_2529, %mul3A_2536 : vector<1x128xf32>
    %mul3A_2538 = vector.broadcast %mul3A_2536 : vector<1x128xf32> to vector<128x128xf32>
    %mul3A_2539 = arith.mulf %mul3A_2538, %slice3A_1457 : vector<128x128xf32>
    %add3A_2540 = arith.addf %mul3A_2531, %mul3A_2539 : vector<128x128xf32>
    %sub3A_2541 = arith.subf %broadcast_in_dim3A_1946, %max3A_2524 : vector<1x128xf32>
    %exp3A_2542 = math.exp %sub3A_2541 : vector<1x128xf32>
    %mul3A_2543 = arith.constant 1.000000e+00 : f32
    %mul3A_2544 = vector.broadcast %mul3A_2543 : f32 to vector<1x128xf32>
    %mul3A_2545 = arith.mulf %exp3A_2542, %mul3A_2544 : vector<1x128xf32>
    %add3A_2546 = arith.addf %add3A_2537, %mul3A_2545 : vector<1x128xf32>
    %mul3A_2547 = vector.broadcast %mul3A_2545 : vector<1x128xf32> to vector<128x128xf32>
    %mul3A_2548 = arith.mulf %mul3A_2547, %slice3A_1456 : vector<128x128xf32>
    %add3A_2549 = arith.addf %add3A_2540, %mul3A_2548 : vector<128x128xf32>
    %add3A_2550 = arith.constant 1.000000e-16 : f32
    %add3A_2551 = vector.broadcast %add3A_2550 : f32 to vector<1x128xf32>
    %add3A_2552 = arith.addf %add3A_2546, %add3A_2551 : vector<1x128xf32>
    %div3A_2553 = arith.constant 1.000000e+00 : f32
    %div3A_2554 = vector.broadcast %div3A_2553 : f32 to vector<1x128xf32>
    %div3A_2555 = arith.divf %div3A_2554, %add3A_2552 : vector<1x128xf32>
    %mul3A_2556 = vector.broadcast %div3A_2555 : vector<1x128xf32> to vector<128x128xf32>
    %mul3A_2557 = arith.mulf %add3A_2549, %mul3A_2556 : vector<128x128xf32>
    %add3A_2558 = vector.broadcast %transpose3A_23 : vector<128x1xf32> to vector<128x128xf32>
    %add3A_2559 = arith.addf %mul3A_2557, %add3A_2558 : vector<128x128xf32>
    %max3A_2560 = arith.maximumf %broadcast_in_dim3A_1959, %broadcast_in_dim3A_1972 : vector<1x128xf32>
    %max3A_2561 = arith.maximumf %max3A_2560, %broadcast_in_dim3A_1985 : vector<1x128xf32>
    %sub3A_2562 = arith.subf %broadcast_in_dim3A_1959, %max3A_2561 : vector<1x128xf32>
    %exp3A_2563 = math.exp %sub3A_2562 : vector<1x128xf32>
    %mul3A_2564 = arith.constant 2.000000e+00 : f32
    %mul3A_2565 = vector.broadcast %mul3A_2564 : f32 to vector<1x128xf32>
    %mul3A_2566 = arith.mulf %exp3A_2563, %mul3A_2565 : vector<1x128xf32>
    %mul3A_2567 = vector.broadcast %mul3A_2566 : vector<1x128xf32> to vector<128x128xf32>
    %mul3A_2568 = arith.mulf %mul3A_2567, %slice3A_1456 : vector<128x128xf32>
    %sub3A_2569 = arith.subf %broadcast_in_dim3A_1972, %max3A_2561 : vector<1x128xf32>
    %exp3A_2570 = math.exp %sub3A_2569 : vector<1x128xf32>
    %mul3A_2571 = arith.constant 2.000000e+00 : f32
    %mul3A_2572 = vector.broadcast %mul3A_2571 : f32 to vector<1x128xf32>
    %mul3A_2573 = arith.mulf %exp3A_2570, %mul3A_2572 : vector<1x128xf32>
    %add3A_2574 = arith.addf %mul3A_2566, %mul3A_2573 : vector<1x128xf32>
    %mul3A_2575 = vector.broadcast %mul3A_2573 : vector<1x128xf32> to vector<128x128xf32>
    %mul3A_2576 = arith.mulf %mul3A_2575, %slice3A_1458 : vector<128x128xf32>
    %add3A_2577 = arith.addf %mul3A_2568, %mul3A_2576 : vector<128x128xf32>
    %sub3A_2578 = arith.subf %broadcast_in_dim3A_1985, %max3A_2561 : vector<1x128xf32>
    %exp3A_2579 = math.exp %sub3A_2578 : vector<1x128xf32>
    %mul3A_2580 = arith.constant 1.000000e+00 : f32
    %mul3A_2581 = vector.broadcast %mul3A_2580 : f32 to vector<1x128xf32>
    %mul3A_2582 = arith.mulf %exp3A_2579, %mul3A_2581 : vector<1x128xf32>
    %add3A_2583 = arith.addf %add3A_2574, %mul3A_2582 : vector<1x128xf32>
    %mul3A_2584 = vector.broadcast %mul3A_2582 : vector<1x128xf32> to vector<128x128xf32>
    %mul3A_2585 = arith.mulf %mul3A_2584, %slice3A_1457 : vector<128x128xf32>
    %add3A_2586 = arith.addf %add3A_2577, %mul3A_2585 : vector<128x128xf32>
    %add3A_2587 = arith.constant 1.000000e-16 : f32
    %add3A_2588 = vector.broadcast %add3A_2587 : f32 to vector<1x128xf32>
    %add3A_2589 = arith.addf %add3A_2583, %add3A_2588 : vector<1x128xf32>
    %div3A_2590 = arith.constant 1.000000e+00 : f32
    %div3A_2591 = vector.broadcast %div3A_2590 : f32 to vector<1x128xf32>
    %div3A_2592 = arith.divf %div3A_2591, %add3A_2589 : vector<1x128xf32>
    %mul3A_2593 = vector.broadcast %div3A_2592 : vector<1x128xf32> to vector<128x128xf32>
    %mul3A_2594 = arith.mulf %add3A_2586, %mul3A_2593 : vector<128x128xf32>
    %add3A_2595 = vector.broadcast %transpose3A_23 : vector<128x1xf32> to vector<128x128xf32>
    %add3A_2596 = arith.addf %mul3A_2594, %add3A_2595 : vector<128x128xf32>
    %max3A_2597 = arith.maximumf %broadcast_in_dim3A_1998, %broadcast_in_dim3A_2011 : vector<1x128xf32>
    %sub3A_2598 = arith.subf %broadcast_in_dim3A_1998, %max3A_2597 : vector<1x128xf32>
    %exp3A_2599 = math.exp %sub3A_2598 : vector<1x128xf32>
    %mul3A_2600 = arith.constant 2.000000e+00 : f32
    %mul3A_2601 = vector.broadcast %mul3A_2600 : f32 to vector<1x128xf32>
    %mul3A_2602 = arith.mulf %exp3A_2599, %mul3A_2601 : vector<1x128xf32>
    %mul3A_2603 = vector.broadcast %mul3A_2602 : vector<1x128xf32> to vector<128x128xf32>
    %mul3A_2604 = arith.mulf %mul3A_2603, %slice3A_1457 : vector<128x128xf32>
    %sub3A_2605 = arith.subf %broadcast_in_dim3A_2011, %max3A_2597 : vector<1x128xf32>
    %exp3A_2606 = math.exp %sub3A_2605 : vector<1x128xf32>
    %mul3A_2607 = arith.constant 1.000000e+00 : f32
    %mul3A_2608 = vector.broadcast %mul3A_2607 : f32 to vector<1x128xf32>
    %mul3A_2609 = arith.mulf %exp3A_2606, %mul3A_2608 : vector<1x128xf32>
    %add3A_2610 = arith.addf %mul3A_2602, %mul3A_2609 : vector<1x128xf32>
    %mul3A_2611 = vector.broadcast %mul3A_2609 : vector<1x128xf32> to vector<128x128xf32>
    %mul3A_2612 = arith.mulf %mul3A_2611, %slice3A_1458 : vector<128x128xf32>
    %add3A_2613 = arith.addf %mul3A_2604, %mul3A_2612 : vector<128x128xf32>
    %add3A_2614 = arith.constant 1.000000e-16 : f32
    %add3A_2615 = vector.broadcast %add3A_2614 : f32 to vector<1x128xf32>
    %add3A_2616 = arith.addf %add3A_2610, %add3A_2615 : vector<1x128xf32>
    %div3A_2617 = arith.constant 1.000000e+00 : f32
    %div3A_2618 = vector.broadcast %div3A_2617 : f32 to vector<1x128xf32>
    %div3A_2619 = arith.divf %div3A_2618, %add3A_2616 : vector<1x128xf32>
    %mul3A_2620 = vector.broadcast %div3A_2619 : vector<1x128xf32> to vector<128x128xf32>
    %mul3A_2621 = arith.mulf %add3A_2613, %mul3A_2620 : vector<128x128xf32>
    %add3A_2622 = vector.broadcast %transpose3A_23 : vector<128x1xf32> to vector<128x128xf32>
    %add3A_2623 = arith.addf %mul3A_2621, %add3A_2622 : vector<128x128xf32>
    %max3A_2624 = arith.maximumf %broadcast_in_dim3A_2024, %broadcast_in_dim3A_2037 : vector<1x128xf32>
    %max3A_2625 = arith.maximumf %max3A_2624, %broadcast_in_dim3A_2050 : vector<1x128xf32>
    %sub3A_2626 = arith.subf %broadcast_in_dim3A_2024, %max3A_2625 : vector<1x128xf32>
    %exp3A_2627 = math.exp %sub3A_2626 : vector<1x128xf32>
    %mul3A_2628 = arith.constant 2.000000e+00 : f32
    %mul3A_2629 = vector.broadcast %mul3A_2628 : f32 to vector<1x128xf32>
    %mul3A_2630 = arith.mulf %exp3A_2627, %mul3A_2629 : vector<1x128xf32>
    %mul3A_2631 = vector.broadcast %mul3A_2630 : vector<1x128xf32> to vector<128x128xf32>
    %mul3A_2632 = arith.mulf %mul3A_2631, %slice3A_1453 : vector<128x128xf32>
    %sub3A_2633 = arith.subf %broadcast_in_dim3A_2037, %max3A_2625 : vector<1x128xf32>
    %exp3A_2634 = math.exp %sub3A_2633 : vector<1x128xf32>
    %mul3A_2635 = arith.constant 2.000000e+00 : f32
    %mul3A_2636 = vector.broadcast %mul3A_2635 : f32 to vector<1x128xf32>
    %mul3A_2637 = arith.mulf %exp3A_2634, %mul3A_2636 : vector<1x128xf32>
    %add3A_2638 = arith.addf %mul3A_2630, %mul3A_2637 : vector<1x128xf32>
    %mul3A_2639 = vector.broadcast %mul3A_2637 : vector<1x128xf32> to vector<128x128xf32>
    %mul3A_2640 = arith.mulf %mul3A_2639, %slice3A_1460 : vector<128x128xf32>
    %add3A_2641 = arith.addf %mul3A_2632, %mul3A_2640 : vector<128x128xf32>
    %sub3A_2642 = arith.subf %broadcast_in_dim3A_2050, %max3A_2625 : vector<1x128xf32>
    %exp3A_2643 = math.exp %sub3A_2642 : vector<1x128xf32>
    %mul3A_2644 = arith.constant 1.000000e+00 : f32
    %mul3A_2645 = vector.broadcast %mul3A_2644 : f32 to vector<1x128xf32>
    %mul3A_2646 = arith.mulf %exp3A_2643, %mul3A_2645 : vector<1x128xf32>
    %add3A_2647 = arith.addf %add3A_2638, %mul3A_2646 : vector<1x128xf32>
    %mul3A_2648 = vector.broadcast %mul3A_2646 : vector<1x128xf32> to vector<128x128xf32>
    %mul3A_2649 = arith.mulf %mul3A_2648, %slice3A_1459 : vector<128x128xf32>
    %add3A_2650 = arith.addf %add3A_2641, %mul3A_2649 : vector<128x128xf32>
    %add3A_2651 = arith.constant 1.000000e-16 : f32
    %add3A_2652 = vector.broadcast %add3A_2651 : f32 to vector<1x128xf32>
    %add3A_2653 = arith.addf %add3A_2647, %add3A_2652 : vector<1x128xf32>
    %div3A_2654 = arith.constant 1.000000e+00 : f32
    %div3A_2655 = vector.broadcast %div3A_2654 : f32 to vector<1x128xf32>
    %div3A_2656 = arith.divf %div3A_2655, %add3A_2653 : vector<1x128xf32>
    %mul3A_2657 = vector.broadcast %div3A_2656 : vector<1x128xf32> to vector<128x128xf32>
    %mul3A_2658 = arith.mulf %add3A_2650, %mul3A_2657 : vector<128x128xf32>
    %add3A_2659 = vector.broadcast %transpose3A_23 : vector<128x1xf32> to vector<128x128xf32>
    %add3A_2660 = arith.addf %mul3A_2658, %add3A_2659 : vector<128x128xf32>
    %max3A_2661 = arith.maximumf %broadcast_in_dim3A_2063, %broadcast_in_dim3A_2076 : vector<1x128xf32>
    %max3A_2662 = arith.maximumf %max3A_2661, %broadcast_in_dim3A_2089 : vector<1x128xf32>
    %sub3A_2663 = arith.subf %broadcast_in_dim3A_2063, %max3A_2662 : vector<1x128xf32>
    %exp3A_2664 = math.exp %sub3A_2663 : vector<1x128xf32>
    %mul3A_2665 = arith.constant 2.000000e+00 : f32
    %mul3A_2666 = vector.broadcast %mul3A_2665 : f32 to vector<1x128xf32>
    %mul3A_2667 = arith.mulf %exp3A_2664, %mul3A_2666 : vector<1x128xf32>
    %mul3A_2668 = vector.broadcast %mul3A_2667 : vector<1x128xf32> to vector<128x128xf32>
    %mul3A_2669 = arith.mulf %mul3A_2668, %slice3A_1459 : vector<128x128xf32>
    %sub3A_2670 = arith.subf %broadcast_in_dim3A_2076, %max3A_2662 : vector<1x128xf32>
    %exp3A_2671 = math.exp %sub3A_2670 : vector<1x128xf32>
    %mul3A_2672 = arith.constant 2.000000e+00 : f32
    %mul3A_2673 = vector.broadcast %mul3A_2672 : f32 to vector<1x128xf32>
    %mul3A_2674 = arith.mulf %exp3A_2671, %mul3A_2673 : vector<1x128xf32>
    %add3A_2675 = arith.addf %mul3A_2667, %mul3A_2674 : vector<1x128xf32>
    %mul3A_2676 = vector.broadcast %mul3A_2674 : vector<1x128xf32> to vector<128x128xf32>
    %mul3A_2677 = arith.mulf %mul3A_2676, %slice3A_1461 : vector<128x128xf32>
    %add3A_2678 = arith.addf %mul3A_2669, %mul3A_2677 : vector<128x128xf32>
    %sub3A_2679 = arith.subf %broadcast_in_dim3A_2089, %max3A_2662 : vector<1x128xf32>
    %exp3A_2680 = math.exp %sub3A_2679 : vector<1x128xf32>
    %mul3A_2681 = arith.constant 1.000000e+00 : f32
    %mul3A_2682 = vector.broadcast %mul3A_2681 : f32 to vector<1x128xf32>
    %mul3A_2683 = arith.mulf %exp3A_2680, %mul3A_2682 : vector<1x128xf32>
    %add3A_2684 = arith.addf %add3A_2675, %mul3A_2683 : vector<1x128xf32>
    %mul3A_2685 = vector.broadcast %mul3A_2683 : vector<1x128xf32> to vector<128x128xf32>
    %mul3A_2686 = arith.mulf %mul3A_2685, %slice3A_1460 : vector<128x128xf32>
    %add3A_2687 = arith.addf %add3A_2678, %mul3A_2686 : vector<128x128xf32>
    %add3A_2688 = arith.constant 1.000000e-16 : f32
    %add3A_2689 = vector.broadcast %add3A_2688 : f32 to vector<1x128xf32>
    %add3A_2690 = arith.addf %add3A_2684, %add3A_2689 : vector<1x128xf32>
    %div3A_2691 = arith.constant 1.000000e+00 : f32
    %div3A_2692 = vector.broadcast %div3A_2691 : f32 to vector<1x128xf32>
    %div3A_2693 = arith.divf %div3A_2692, %add3A_2690 : vector<1x128xf32>
    %mul3A_2694 = vector.broadcast %div3A_2693 : vector<1x128xf32> to vector<128x128xf32>
    %mul3A_2695 = arith.mulf %add3A_2687, %mul3A_2694 : vector<128x128xf32>
    %add3A_2696 = vector.broadcast %transpose3A_23 : vector<128x1xf32> to vector<128x128xf32>
    %add3A_2697 = arith.addf %mul3A_2695, %add3A_2696 : vector<128x128xf32>
    %max3A_2698 = arith.maximumf %broadcast_in_dim3A_2102, %broadcast_in_dim3A_2115 : vector<1x128xf32>
    %sub3A_2699 = arith.subf %broadcast_in_dim3A_2102, %max3A_2698 : vector<1x128xf32>
    %exp3A_2700 = math.exp %sub3A_2699 : vector<1x128xf32>
    %mul3A_2701 = arith.constant 2.000000e+00 : f32
    %mul3A_2702 = vector.broadcast %mul3A_2701 : f32 to vector<1x128xf32>
    %mul3A_2703 = arith.mulf %exp3A_2700, %mul3A_2702 : vector<1x128xf32>
    %mul3A_2704 = vector.broadcast %mul3A_2703 : vector<1x128xf32> to vector<128x128xf32>
    %mul3A_2705 = arith.mulf %mul3A_2704, %slice3A_1460 : vector<128x128xf32>
    %sub3A_2706 = arith.subf %broadcast_in_dim3A_2115, %max3A_2698 : vector<1x128xf32>
    %exp3A_2707 = math.exp %sub3A_2706 : vector<1x128xf32>
    %mul3A_2708 = arith.constant 1.000000e+00 : f32
    %mul3A_2709 = vector.broadcast %mul3A_2708 : f32 to vector<1x128xf32>
    %mul3A_2710 = arith.mulf %exp3A_2707, %mul3A_2709 : vector<1x128xf32>
    %add3A_2711 = arith.addf %mul3A_2703, %mul3A_2710 : vector<1x128xf32>
    %mul3A_2712 = vector.broadcast %mul3A_2710 : vector<1x128xf32> to vector<128x128xf32>
    %mul3A_2713 = arith.mulf %mul3A_2712, %slice3A_1461 : vector<128x128xf32>
    %add3A_2714 = arith.addf %mul3A_2705, %mul3A_2713 : vector<128x128xf32>
    %add3A_2715 = arith.constant 1.000000e-16 : f32
    %add3A_2716 = vector.broadcast %add3A_2715 : f32 to vector<1x128xf32>
    %add3A_2717 = arith.addf %add3A_2711, %add3A_2716 : vector<1x128xf32>
    %div3A_2718 = arith.constant 1.000000e+00 : f32
    %div3A_2719 = vector.broadcast %div3A_2718 : f32 to vector<1x128xf32>
    %div3A_2720 = arith.divf %div3A_2719, %add3A_2717 : vector<1x128xf32>
    %mul3A_2721 = vector.broadcast %div3A_2720 : vector<1x128xf32> to vector<128x128xf32>
    %mul3A_2722 = arith.mulf %add3A_2714, %mul3A_2721 : vector<128x128xf32>
    %add3A_2723 = vector.broadcast %transpose3A_23 : vector<128x1xf32> to vector<128x128xf32>
    %add3A_2724 = arith.addf %mul3A_2722, %add3A_2723 : vector<128x128xf32>
    %concatenate3A_2725 = tpu.concatenate %add3A_2162, %add3A_2199, %add3A_2236, %add3A_2263, %add3A_2300, %add3A_2337, %add3A_2364, %add3A_2401, %add3A_2458, %add3A_2495, %add3A_2522, %add3A_2559, %add3A_2596, %add3A_2623, %add3A_2660, %add3A_2697, %add3A_2724 in 1 : vector<128x128xf32>, vector<128x128xf32>, vector<128x128xf32>, vector<128x128xf32>, vector<128x128xf32>, vector<128x128xf32>, vector<128x128xf32>, vector<128x128xf32>, vector<128x128xf32>, vector<128x128xf32>, vector<128x128xf32>, vector<128x128xf32>, vector<128x128xf32>, vector<128x128xf32>, vector<128x128xf32>, vector<128x128xf32>, vector<128x128xf32> -> vector<128x2176xf32>
    %mul3A_2726 = vector.broadcast %sub3A_1436 : f32 to vector<128x2176xf32>
    %mul3A_2727 = arith.mulf %mul3A_2726, %concatenate3A_2725 : vector<128x2176xf32>
    %mul3A_2728 = vector.broadcast %get3A_2 : f32 to vector<128x2176xf32>
    %mul3A_2729 = arith.mulf %mul3A_2728, %concatenate3A : vector<128x2176xf32>
    %add3A_2730 = arith.addf %mul3A_2727, %mul3A_2729 : vector<128x2176xf32>
    %sub3A_2731 = arith.constant 1.000000e+00 : f32
    %sub3A_2732 = arith.subf %sub3A_2731, %get3A_2 : f32
    %dot_general3A_2733 = arith.constant dense<0.000000e+00> : vector<128x2176xf32>
    %dot_general3A_2734 = tpu.matmul %get3A_5, %add3A_2730, %dot_general3A_2733 {dimension_numbers = #tpu.dot_dimension_numbers<[0], [0], [1], [1], [0, 1, 1, 1], [], []>, transpose_lhs_hint = false} : vector<128x128xf32>, vector<128x2176xf32>, vector<128x2176xf32> -> vector<128x2176xf32>
    %add3A_2735 = vector.broadcast %transpose3A : vector<128x1xf32> to vector<128x2176xf32>
    %add3A_2736 = arith.addf %dot_general3A_2734, %add3A_2735 : vector<128x2176xf32>
    %dot_general3A_2737 = arith.constant dense<0.000000e+00> : vector<128x2176xf32>
    %dot_general3A_2738 = tpu.matmul %get3A_8, %add3A_2730, %dot_general3A_2737 {dimension_numbers = #tpu.dot_dimension_numbers<[0], [0], [1], [1], [0, 1, 1, 1], [], []>, transpose_lhs_hint = false} : vector<128x128xf32>, vector<128x2176xf32>, vector<128x2176xf32> -> vector<128x2176xf32>
    %add3A_2739 = vector.broadcast %transpose3A_15 : vector<128x1xf32> to vector<128x2176xf32>
    %add3A_2740 = arith.addf %dot_general3A_2738, %add3A_2739 : vector<128x2176xf32>
    %slice3A_2741 = vector.extract_strided_slice %add3A_2736 {offsets = [0, 0], sizes = [128, 128], strides = [1, 1]} : vector<128x2176xf32> to vector<128x128xf32>
    %slice3A_2742 = vector.extract_strided_slice %add3A_2736 {offsets = [0, 128], sizes = [128, 128], strides = [1, 1]} : vector<128x2176xf32> to vector<128x128xf32>
    %slice3A_2743 = vector.extract_strided_slice %add3A_2736 {offsets = [0, 256], sizes = [128, 128], strides = [1, 1]} : vector<128x2176xf32> to vector<128x128xf32>
    %slice3A_2744 = vector.extract_strided_slice %add3A_2736 {offsets = [0, 384], sizes = [128, 128], strides = [1, 1]} : vector<128x2176xf32> to vector<128x128xf32>
    %slice3A_2745 = vector.extract_strided_slice %add3A_2736 {offsets = [0, 512], sizes = [128, 128], strides = [1, 1]} : vector<128x2176xf32> to vector<128x128xf32>
    %slice3A_2746 = vector.extract_strided_slice %add3A_2736 {offsets = [0, 640], sizes = [128, 128], strides = [1, 1]} : vector<128x2176xf32> to vector<128x128xf32>
    %slice3A_2747 = vector.extract_strided_slice %add3A_2736 {offsets = [0, 768], sizes = [128, 128], strides = [1, 1]} : vector<128x2176xf32> to vector<128x128xf32>
    %slice3A_2748 = vector.extract_strided_slice %add3A_2736 {offsets = [0, 896], sizes = [128, 128], strides = [1, 1]} : vector<128x2176xf32> to vector<128x128xf32>
    %slice3A_2749 = vector.extract_strided_slice %add3A_2736 {offsets = [0, 1024], sizes = [128, 128], strides = [1, 1]} : vector<128x2176xf32> to vector<128x128xf32>
    %slice3A_2750 = vector.extract_strided_slice %add3A_2736 {offsets = [0, 1152], sizes = [128, 128], strides = [1, 1]} : vector<128x2176xf32> to vector<128x128xf32>
    %slice3A_2751 = vector.extract_strided_slice %add3A_2736 {offsets = [0, 1280], sizes = [128, 128], strides = [1, 1]} : vector<128x2176xf32> to vector<128x128xf32>
    %slice3A_2752 = vector.extract_strided_slice %add3A_2736 {offsets = [0, 1408], sizes = [128, 128], strides = [1, 1]} : vector<128x2176xf32> to vector<128x128xf32>
    %slice3A_2753 = vector.extract_strided_slice %add3A_2736 {offsets = [0, 1536], sizes = [128, 128], strides = [1, 1]} : vector<128x2176xf32> to vector<128x128xf32>
    %slice3A_2754 = vector.extract_strided_slice %add3A_2736 {offsets = [0, 1664], sizes = [128, 128], strides = [1, 1]} : vector<128x2176xf32> to vector<128x128xf32>
    %slice3A_2755 = vector.extract_strided_slice %add3A_2736 {offsets = [0, 1792], sizes = [128, 128], strides = [1, 1]} : vector<128x2176xf32> to vector<128x128xf32>
    %slice3A_2756 = vector.extract_strided_slice %add3A_2736 {offsets = [0, 1920], sizes = [128, 128], strides = [1, 1]} : vector<128x2176xf32> to vector<128x128xf32>
    %slice3A_2757 = vector.extract_strided_slice %add3A_2736 {offsets = [0, 2048], sizes = [128, 128], strides = [1, 1]} : vector<128x2176xf32> to vector<128x128xf32>
    %slice3A_2758 = vector.extract_strided_slice %add3A_2740 {offsets = [0, 0], sizes = [128, 128], strides = [1, 1]} : vector<128x2176xf32> to vector<128x128xf32>
    %slice3A_2759 = vector.extract_strided_slice %add3A_2740 {offsets = [0, 128], sizes = [128, 128], strides = [1, 1]} : vector<128x2176xf32> to vector<128x128xf32>
    %slice3A_2760 = vector.extract_strided_slice %add3A_2740 {offsets = [0, 256], sizes = [128, 128], strides = [1, 1]} : vector<128x2176xf32> to vector<128x128xf32>
    %slice3A_2761 = vector.extract_strided_slice %add3A_2740 {offsets = [0, 384], sizes = [128, 128], strides = [1, 1]} : vector<128x2176xf32> to vector<128x128xf32>
    %slice3A_2762 = vector.extract_strided_slice %add3A_2740 {offsets = [0, 512], sizes = [128, 128], strides = [1, 1]} : vector<128x2176xf32> to vector<128x128xf32>
    %slice3A_2763 = vector.extract_strided_slice %add3A_2740 {offsets = [0, 640], sizes = [128, 128], strides = [1, 1]} : vector<128x2176xf32> to vector<128x128xf32>
    %slice3A_2764 = vector.extract_strided_slice %add3A_2740 {offsets = [0, 768], sizes = [128, 128], strides = [1, 1]} : vector<128x2176xf32> to vector<128x128xf32>
    %slice3A_2765 = vector.extract_strided_slice %add3A_2740 {offsets = [0, 896], sizes = [128, 128], strides = [1, 1]} : vector<128x2176xf32> to vector<128x128xf32>
    %slice3A_2766 = vector.extract_strided_slice %add3A_2740 {offsets = [0, 1024], sizes = [128, 128], strides = [1, 1]} : vector<128x2176xf32> to vector<128x128xf32>
    %slice3A_2767 = vector.extract_strided_slice %add3A_2740 {offsets = [0, 1152], sizes = [128, 128], strides = [1, 1]} : vector<128x2176xf32> to vector<128x128xf32>
    %slice3A_2768 = vector.extract_strided_slice %add3A_2740 {offsets = [0, 1280], sizes = [128, 128], strides = [1, 1]} : vector<128x2176xf32> to vector<128x128xf32>
    %slice3A_2769 = vector.extract_strided_slice %add3A_2740 {offsets = [0, 1408], sizes = [128, 128], strides = [1, 1]} : vector<128x2176xf32> to vector<128x128xf32>
    %slice3A_2770 = vector.extract_strided_slice %add3A_2740 {offsets = [0, 1536], sizes = [128, 128], strides = [1, 1]} : vector<128x2176xf32> to vector<128x128xf32>
    %slice3A_2771 = vector.extract_strided_slice %add3A_2740 {offsets = [0, 1664], sizes = [128, 128], strides = [1, 1]} : vector<128x2176xf32> to vector<128x128xf32>
    %slice3A_2772 = vector.extract_strided_slice %add3A_2740 {offsets = [0, 1792], sizes = [128, 128], strides = [1, 1]} : vector<128x2176xf32> to vector<128x128xf32>
    %slice3A_2773 = vector.extract_strided_slice %add3A_2740 {offsets = [0, 1920], sizes = [128, 128], strides = [1, 1]} : vector<128x2176xf32> to vector<128x128xf32>
    %slice3A_2774 = vector.extract_strided_slice %add3A_2740 {offsets = [0, 2048], sizes = [128, 128], strides = [1, 1]} : vector<128x2176xf32> to vector<128x128xf32>
    %add3A_2775 = arith.addf %slice3A_2742, %slice3A_2758 : vector<128x128xf32>
    %ge3A_2776 = arith.constant 0.000000e+00 : f32
    %ge3A_2777 = vector.broadcast %ge3A_2776 : f32 to vector<128x128xf32>
    %ge3A_2778 = arith.cmpf oge, %add3A_2775, %ge3A_2777 : vector<128x128xf32>
    %mul3A_2779 = arith.constant 2.000000e-01 : f32
    %mul3A_2780 = vector.broadcast %mul3A_2779 : f32 to vector<128x128xf32>
    %mul3A_2781 = arith.mulf %mul3A_2780, %add3A_2775 : vector<128x128xf32>
    %select_n3A_2782 = arith.select %ge3A_2778, %add3A_2775, %mul3A_2781 : vector<128x128xi1>, vector<128x128xf32>
    %mul3A_2783 = vector.broadcast %transpose3A_19 : vector<128x1xf32> to vector<128x128xf32>
    %mul3A_2784 = arith.mulf %select_n3A_2782, %mul3A_2783 : vector<128x128xf32>
    %reduce_sum3A_2785 = arith.constant dense<0.000000e+00> : vector<128xf32>
    %reduce_sum3A_2786 = vector.multi_reduction <add>, %mul3A_2784, %reduce_sum3A_2785 [0] : vector<128x128xf32> to vector<128xf32>
    %broadcast_in_dim3A_2787 = vector.shape_cast %reduce_sum3A_2786 : vector<128xf32> to vector<1x128xf32>
    %add3A_2788 = arith.addf %slice3A_2745, %slice3A_2758 : vector<128x128xf32>
    %ge3A_2789 = arith.constant 0.000000e+00 : f32
    %ge3A_2790 = vector.broadcast %ge3A_2789 : f32 to vector<128x128xf32>
    %ge3A_2791 = arith.cmpf oge, %add3A_2788, %ge3A_2790 : vector<128x128xf32>
    %mul3A_2792 = arith.constant 2.000000e-01 : f32
    %mul3A_2793 = vector.broadcast %mul3A_2792 : f32 to vector<128x128xf32>
    %mul3A_2794 = arith.mulf %mul3A_2793, %add3A_2788 : vector<128x128xf32>
    %select_n3A_2795 = arith.select %ge3A_2791, %add3A_2788, %mul3A_2794 : vector<128x128xi1>, vector<128x128xf32>
    %mul3A_2796 = vector.broadcast %transpose3A_19 : vector<128x1xf32> to vector<128x128xf32>
    %mul3A_2797 = arith.mulf %select_n3A_2795, %mul3A_2796 : vector<128x128xf32>
    %reduce_sum3A_2798 = arith.constant dense<0.000000e+00> : vector<128xf32>
    %reduce_sum3A_2799 = vector.multi_reduction <add>, %mul3A_2797, %reduce_sum3A_2798 [0] : vector<128x128xf32> to vector<128xf32>
    %broadcast_in_dim3A_2800 = vector.shape_cast %reduce_sum3A_2799 : vector<128xf32> to vector<1x128xf32>
    %add3A_2801 = arith.addf %slice3A_2748, %slice3A_2758 : vector<128x128xf32>
    %ge3A_2802 = arith.constant 0.000000e+00 : f32
    %ge3A_2803 = vector.broadcast %ge3A_2802 : f32 to vector<128x128xf32>
    %ge3A_2804 = arith.cmpf oge, %add3A_2801, %ge3A_2803 : vector<128x128xf32>
    %mul3A_2805 = arith.constant 2.000000e-01 : f32
    %mul3A_2806 = vector.broadcast %mul3A_2805 : f32 to vector<128x128xf32>
    %mul3A_2807 = arith.mulf %mul3A_2806, %add3A_2801 : vector<128x128xf32>
    %select_n3A_2808 = arith.select %ge3A_2804, %add3A_2801, %mul3A_2807 : vector<128x128xi1>, vector<128x128xf32>
    %mul3A_2809 = vector.broadcast %transpose3A_19 : vector<128x1xf32> to vector<128x128xf32>
    %mul3A_2810 = arith.mulf %select_n3A_2808, %mul3A_2809 : vector<128x128xf32>
    %reduce_sum3A_2811 = arith.constant dense<0.000000e+00> : vector<128xf32>
    %reduce_sum3A_2812 = vector.multi_reduction <add>, %mul3A_2810, %reduce_sum3A_2811 [0] : vector<128x128xf32> to vector<128xf32>
    %broadcast_in_dim3A_2813 = vector.shape_cast %reduce_sum3A_2812 : vector<128xf32> to vector<1x128xf32>
    %add3A_2814 = arith.addf %slice3A_2741, %slice3A_2758 : vector<128x128xf32>
    %ge3A_2815 = arith.constant 0.000000e+00 : f32
    %ge3A_2816 = vector.broadcast %ge3A_2815 : f32 to vector<128x128xf32>
    %ge3A_2817 = arith.cmpf oge, %add3A_2814, %ge3A_2816 : vector<128x128xf32>
    %mul3A_2818 = arith.constant 2.000000e-01 : f32
    %mul3A_2819 = vector.broadcast %mul3A_2818 : f32 to vector<128x128xf32>
    %mul3A_2820 = arith.mulf %mul3A_2819, %add3A_2814 : vector<128x128xf32>
    %select_n3A_2821 = arith.select %ge3A_2817, %add3A_2814, %mul3A_2820 : vector<128x128xi1>, vector<128x128xf32>
    %mul3A_2822 = vector.broadcast %transpose3A_19 : vector<128x1xf32> to vector<128x128xf32>
    %mul3A_2823 = arith.mulf %select_n3A_2821, %mul3A_2822 : vector<128x128xf32>
    %reduce_sum3A_2824 = arith.constant dense<0.000000e+00> : vector<128xf32>
    %reduce_sum3A_2825 = vector.multi_reduction <add>, %mul3A_2823, %reduce_sum3A_2824 [0] : vector<128x128xf32> to vector<128xf32>
    %broadcast_in_dim3A_2826 = vector.shape_cast %reduce_sum3A_2825 : vector<128xf32> to vector<1x128xf32>
    %add3A_2827 = arith.addf %slice3A_2741, %slice3A_2759 : vector<128x128xf32>
    %ge3A_2828 = arith.constant 0.000000e+00 : f32
    %ge3A_2829 = vector.broadcast %ge3A_2828 : f32 to vector<128x128xf32>
    %ge3A_2830 = arith.cmpf oge, %add3A_2827, %ge3A_2829 : vector<128x128xf32>
    %mul3A_2831 = arith.constant 2.000000e-01 : f32
    %mul3A_2832 = vector.broadcast %mul3A_2831 : f32 to vector<128x128xf32>
    %mul3A_2833 = arith.mulf %mul3A_2832, %add3A_2827 : vector<128x128xf32>
    %select_n3A_2834 = arith.select %ge3A_2830, %add3A_2827, %mul3A_2833 : vector<128x128xi1>, vector<128x128xf32>
    %mul3A_2835 = vector.broadcast %transpose3A_19 : vector<128x1xf32> to vector<128x128xf32>
    %mul3A_2836 = arith.mulf %select_n3A_2834, %mul3A_2835 : vector<128x128xf32>
    %reduce_sum3A_2837 = arith.constant dense<0.000000e+00> : vector<128xf32>
    %reduce_sum3A_2838 = vector.multi_reduction <add>, %mul3A_2836, %reduce_sum3A_2837 [0] : vector<128x128xf32> to vector<128xf32>
    %broadcast_in_dim3A_2839 = vector.shape_cast %reduce_sum3A_2838 : vector<128xf32> to vector<1x128xf32>
    %add3A_2840 = arith.addf %slice3A_2743, %slice3A_2759 : vector<128x128xf32>
    %ge3A_2841 = arith.constant 0.000000e+00 : f32
    %ge3A_2842 = vector.broadcast %ge3A_2841 : f32 to vector<128x128xf32>
    %ge3A_2843 = arith.cmpf oge, %add3A_2840, %ge3A_2842 : vector<128x128xf32>
    %mul3A_2844 = arith.constant 2.000000e-01 : f32
    %mul3A_2845 = vector.broadcast %mul3A_2844 : f32 to vector<128x128xf32>
    %mul3A_2846 = arith.mulf %mul3A_2845, %add3A_2840 : vector<128x128xf32>
    %select_n3A_2847 = arith.select %ge3A_2843, %add3A_2840, %mul3A_2846 : vector<128x128xi1>, vector<128x128xf32>
    %mul3A_2848 = vector.broadcast %transpose3A_19 : vector<128x1xf32> to vector<128x128xf32>
    %mul3A_2849 = arith.mulf %select_n3A_2847, %mul3A_2848 : vector<128x128xf32>
    %reduce_sum3A_2850 = arith.constant dense<0.000000e+00> : vector<128xf32>
    %reduce_sum3A_2851 = vector.multi_reduction <add>, %mul3A_2849, %reduce_sum3A_2850 [0] : vector<128x128xf32> to vector<128xf32>
    %broadcast_in_dim3A_2852 = vector.shape_cast %reduce_sum3A_2851 : vector<128xf32> to vector<1x128xf32>
    %add3A_2853 = arith.addf %slice3A_2742, %slice3A_2759 : vector<128x128xf32>
    %ge3A_2854 = arith.constant 0.000000e+00 : f32
    %ge3A_2855 = vector.broadcast %ge3A_2854 : f32 to vector<128x128xf32>
    %ge3A_2856 = arith.cmpf oge, %add3A_2853, %ge3A_2855 : vector<128x128xf32>
    %mul3A_2857 = arith.constant 2.000000e-01 : f32
    %mul3A_2858 = vector.broadcast %mul3A_2857 : f32 to vector<128x128xf32>
    %mul3A_2859 = arith.mulf %mul3A_2858, %add3A_2853 : vector<128x128xf32>
    %select_n3A_2860 = arith.select %ge3A_2856, %add3A_2853, %mul3A_2859 : vector<128x128xi1>, vector<128x128xf32>
    %mul3A_2861 = vector.broadcast %transpose3A_19 : vector<128x1xf32> to vector<128x128xf32>
    %mul3A_2862 = arith.mulf %select_n3A_2860, %mul3A_2861 : vector<128x128xf32>
    %reduce_sum3A_2863 = arith.constant dense<0.000000e+00> : vector<128xf32>
    %reduce_sum3A_2864 = vector.multi_reduction <add>, %mul3A_2862, %reduce_sum3A_2863 [0] : vector<128x128xf32> to vector<128xf32>
    %broadcast_in_dim3A_2865 = vector.shape_cast %reduce_sum3A_2864 : vector<128xf32> to vector<1x128xf32>
    %add3A_2866 = arith.addf %slice3A_2742, %slice3A_2760 : vector<128x128xf32>
    %ge3A_2867 = arith.constant 0.000000e+00 : f32
    %ge3A_2868 = vector.broadcast %ge3A_2867 : f32 to vector<128x128xf32>
    %ge3A_2869 = arith.cmpf oge, %add3A_2866, %ge3A_2868 : vector<128x128xf32>
    %mul3A_2870 = arith.constant 2.000000e-01 : f32
    %mul3A_2871 = vector.broadcast %mul3A_2870 : f32 to vector<128x128xf32>
    %mul3A_2872 = arith.mulf %mul3A_2871, %add3A_2866 : vector<128x128xf32>
    %select_n3A_2873 = arith.select %ge3A_2869, %add3A_2866, %mul3A_2872 : vector<128x128xi1>, vector<128x128xf32>
    %mul3A_2874 = vector.broadcast %transpose3A_19 : vector<128x1xf32> to vector<128x128xf32>
    %mul3A_2875 = arith.mulf %select_n3A_2873, %mul3A_2874 : vector<128x128xf32>
    %reduce_sum3A_2876 = arith.constant dense<0.000000e+00> : vector<128xf32>
    %reduce_sum3A_2877 = vector.multi_reduction <add>, %mul3A_2875, %reduce_sum3A_2876 [0] : vector<128x128xf32> to vector<128xf32>
    %broadcast_in_dim3A_2878 = vector.shape_cast %reduce_sum3A_2877 : vector<128xf32> to vector<1x128xf32>
    %add3A_2879 = arith.addf %slice3A_2744, %slice3A_2760 : vector<128x128xf32>
    %ge3A_2880 = arith.constant 0.000000e+00 : f32
    %ge3A_2881 = vector.broadcast %ge3A_2880 : f32 to vector<128x128xf32>
    %ge3A_2882 = arith.cmpf oge, %add3A_2879, %ge3A_2881 : vector<128x128xf32>
    %mul3A_2883 = arith.constant 2.000000e-01 : f32
    %mul3A_2884 = vector.broadcast %mul3A_2883 : f32 to vector<128x128xf32>
    %mul3A_2885 = arith.mulf %mul3A_2884, %add3A_2879 : vector<128x128xf32>
    %select_n3A_2886 = arith.select %ge3A_2882, %add3A_2879, %mul3A_2885 : vector<128x128xi1>, vector<128x128xf32>
    %mul3A_2887 = vector.broadcast %transpose3A_19 : vector<128x1xf32> to vector<128x128xf32>
    %mul3A_2888 = arith.mulf %select_n3A_2886, %mul3A_2887 : vector<128x128xf32>
    %reduce_sum3A_2889 = arith.constant dense<0.000000e+00> : vector<128xf32>
    %reduce_sum3A_2890 = vector.multi_reduction <add>, %mul3A_2888, %reduce_sum3A_2889 [0] : vector<128x128xf32> to vector<128xf32>
    %broadcast_in_dim3A_2891 = vector.shape_cast %reduce_sum3A_2890 : vector<128xf32> to vector<1x128xf32>
    %add3A_2892 = arith.addf %slice3A_2743, %slice3A_2760 : vector<128x128xf32>
    %ge3A_2893 = arith.constant 0.000000e+00 : f32
    %ge3A_2894 = vector.broadcast %ge3A_2893 : f32 to vector<128x128xf32>
    %ge3A_2895 = arith.cmpf oge, %add3A_2892, %ge3A_2894 : vector<128x128xf32>
    %mul3A_2896 = arith.constant 2.000000e-01 : f32
    %mul3A_2897 = vector.broadcast %mul3A_2896 : f32 to vector<128x128xf32>
    %mul3A_2898 = arith.mulf %mul3A_2897, %add3A_2892 : vector<128x128xf32>
    %select_n3A_2899 = arith.select %ge3A_2895, %add3A_2892, %mul3A_2898 : vector<128x128xi1>, vector<128x128xf32>
    %mul3A_2900 = vector.broadcast %transpose3A_19 : vector<128x1xf32> to vector<128x128xf32>
    %mul3A_2901 = arith.mulf %select_n3A_2899, %mul3A_2900 : vector<128x128xf32>
    %reduce_sum3A_2902 = arith.constant dense<0.000000e+00> : vector<128xf32>
    %reduce_sum3A_2903 = vector.multi_reduction <add>, %mul3A_2901, %reduce_sum3A_2902 [0] : vector<128x128xf32> to vector<128xf32>
    %broadcast_in_dim3A_2904 = vector.shape_cast %reduce_sum3A_2903 : vector<128xf32> to vector<1x128xf32>
    %add3A_2905 = arith.addf %slice3A_2743, %slice3A_2761 : vector<128x128xf32>
    %ge3A_2906 = arith.constant 0.000000e+00 : f32
    %ge3A_2907 = vector.broadcast %ge3A_2906 : f32 to vector<128x128xf32>
    %ge3A_2908 = arith.cmpf oge, %add3A_2905, %ge3A_2907 : vector<128x128xf32>
    %mul3A_2909 = arith.constant 2.000000e-01 : f32
    %mul3A_2910 = vector.broadcast %mul3A_2909 : f32 to vector<128x128xf32>
    %mul3A_2911 = arith.mulf %mul3A_2910, %add3A_2905 : vector<128x128xf32>
    %select_n3A_2912 = arith.select %ge3A_2908, %add3A_2905, %mul3A_2911 : vector<128x128xi1>, vector<128x128xf32>
    %mul3A_2913 = vector.broadcast %transpose3A_19 : vector<128x1xf32> to vector<128x128xf32>
    %mul3A_2914 = arith.mulf %select_n3A_2912, %mul3A_2913 : vector<128x128xf32>
    %reduce_sum3A_2915 = arith.constant dense<0.000000e+00> : vector<128xf32>
    %reduce_sum3A_2916 = vector.multi_reduction <add>, %mul3A_2914, %reduce_sum3A_2915 [0] : vector<128x128xf32> to vector<128xf32>
    %broadcast_in_dim3A_2917 = vector.shape_cast %reduce_sum3A_2916 : vector<128xf32> to vector<1x128xf32>
    %add3A_2918 = arith.addf %slice3A_2744, %slice3A_2761 : vector<128x128xf32>
    %ge3A_2919 = arith.constant 0.000000e+00 : f32
    %ge3A_2920 = vector.broadcast %ge3A_2919 : f32 to vector<128x128xf32>
    %ge3A_2921 = arith.cmpf oge, %add3A_2918, %ge3A_2920 : vector<128x128xf32>
    %mul3A_2922 = arith.constant 2.000000e-01 : f32
    %mul3A_2923 = vector.broadcast %mul3A_2922 : f32 to vector<128x128xf32>
    %mul3A_2924 = arith.mulf %mul3A_2923, %add3A_2918 : vector<128x128xf32>
    %select_n3A_2925 = arith.select %ge3A_2921, %add3A_2918, %mul3A_2924 : vector<128x128xi1>, vector<128x128xf32>
    %mul3A_2926 = vector.broadcast %transpose3A_19 : vector<128x1xf32> to vector<128x128xf32>
    %mul3A_2927 = arith.mulf %select_n3A_2925, %mul3A_2926 : vector<128x128xf32>
    %reduce_sum3A_2928 = arith.constant dense<0.000000e+00> : vector<128xf32>
    %reduce_sum3A_2929 = vector.multi_reduction <add>, %mul3A_2927, %reduce_sum3A_2928 [0] : vector<128x128xf32> to vector<128xf32>
    %broadcast_in_dim3A_2930 = vector.shape_cast %reduce_sum3A_2929 : vector<128xf32> to vector<1x128xf32>
    %add3A_2931 = arith.addf %slice3A_2741, %slice3A_2762 : vector<128x128xf32>
    %ge3A_2932 = arith.constant 0.000000e+00 : f32
    %ge3A_2933 = vector.broadcast %ge3A_2932 : f32 to vector<128x128xf32>
    %ge3A_2934 = arith.cmpf oge, %add3A_2931, %ge3A_2933 : vector<128x128xf32>
    %mul3A_2935 = arith.constant 2.000000e-01 : f32
    %mul3A_2936 = vector.broadcast %mul3A_2935 : f32 to vector<128x128xf32>
    %mul3A_2937 = arith.mulf %mul3A_2936, %add3A_2931 : vector<128x128xf32>
    %select_n3A_2938 = arith.select %ge3A_2934, %add3A_2931, %mul3A_2937 : vector<128x128xi1>, vector<128x128xf32>
    %mul3A_2939 = vector.broadcast %transpose3A_19 : vector<128x1xf32> to vector<128x128xf32>
    %mul3A_2940 = arith.mulf %select_n3A_2938, %mul3A_2939 : vector<128x128xf32>
    %reduce_sum3A_2941 = arith.constant dense<0.000000e+00> : vector<128xf32>
    %reduce_sum3A_2942 = vector.multi_reduction <add>, %mul3A_2940, %reduce_sum3A_2941 [0] : vector<128x128xf32> to vector<128xf32>
    %broadcast_in_dim3A_2943 = vector.shape_cast %reduce_sum3A_2942 : vector<128xf32> to vector<1x128xf32>
    %add3A_2944 = arith.addf %slice3A_2746, %slice3A_2762 : vector<128x128xf32>
    %ge3A_2945 = arith.constant 0.000000e+00 : f32
    %ge3A_2946 = vector.broadcast %ge3A_2945 : f32 to vector<128x128xf32>
    %ge3A_2947 = arith.cmpf oge, %add3A_2944, %ge3A_2946 : vector<128x128xf32>
    %mul3A_2948 = arith.constant 2.000000e-01 : f32
    %mul3A_2949 = vector.broadcast %mul3A_2948 : f32 to vector<128x128xf32>
    %mul3A_2950 = arith.mulf %mul3A_2949, %add3A_2944 : vector<128x128xf32>
    %select_n3A_2951 = arith.select %ge3A_2947, %add3A_2944, %mul3A_2950 : vector<128x128xi1>, vector<128x128xf32>
    %mul3A_2952 = vector.broadcast %transpose3A_19 : vector<128x1xf32> to vector<128x128xf32>
    %mul3A_2953 = arith.mulf %select_n3A_2951, %mul3A_2952 : vector<128x128xf32>
    %reduce_sum3A_2954 = arith.constant dense<0.000000e+00> : vector<128xf32>
    %reduce_sum3A_2955 = vector.multi_reduction <add>, %mul3A_2953, %reduce_sum3A_2954 [0] : vector<128x128xf32> to vector<128xf32>
    %broadcast_in_dim3A_2956 = vector.shape_cast %reduce_sum3A_2955 : vector<128xf32> to vector<1x128xf32>
    %add3A_2957 = arith.addf %slice3A_2745, %slice3A_2762 : vector<128x128xf32>
    %ge3A_2958 = arith.constant 0.000000e+00 : f32
    %ge3A_2959 = vector.broadcast %ge3A_2958 : f32 to vector<128x128xf32>
    %ge3A_2960 = arith.cmpf oge, %add3A_2957, %ge3A_2959 : vector<128x128xf32>
    %mul3A_2961 = arith.constant 2.000000e-01 : f32
    %mul3A_2962 = vector.broadcast %mul3A_2961 : f32 to vector<128x128xf32>
    %mul3A_2963 = arith.mulf %mul3A_2962, %add3A_2957 : vector<128x128xf32>
    %select_n3A_2964 = arith.select %ge3A_2960, %add3A_2957, %mul3A_2963 : vector<128x128xi1>, vector<128x128xf32>
    %mul3A_2965 = vector.broadcast %transpose3A_19 : vector<128x1xf32> to vector<128x128xf32>
    %mul3A_2966 = arith.mulf %select_n3A_2964, %mul3A_2965 : vector<128x128xf32>
    %reduce_sum3A_2967 = arith.constant dense<0.000000e+00> : vector<128xf32>
    %reduce_sum3A_2968 = vector.multi_reduction <add>, %mul3A_2966, %reduce_sum3A_2967 [0] : vector<128x128xf32> to vector<128xf32>
    %broadcast_in_dim3A_2969 = vector.shape_cast %reduce_sum3A_2968 : vector<128xf32> to vector<1x128xf32>
    %add3A_2970 = arith.addf %slice3A_2745, %slice3A_2763 : vector<128x128xf32>
    %ge3A_2971 = arith.constant 0.000000e+00 : f32
    %ge3A_2972 = vector.broadcast %ge3A_2971 : f32 to vector<128x128xf32>
    %ge3A_2973 = arith.cmpf oge, %add3A_2970, %ge3A_2972 : vector<128x128xf32>
    %mul3A_2974 = arith.constant 2.000000e-01 : f32
    %mul3A_2975 = vector.broadcast %mul3A_2974 : f32 to vector<128x128xf32>
    %mul3A_2976 = arith.mulf %mul3A_2975, %add3A_2970 : vector<128x128xf32>
    %select_n3A_2977 = arith.select %ge3A_2973, %add3A_2970, %mul3A_2976 : vector<128x128xi1>, vector<128x128xf32>
    %mul3A_2978 = vector.broadcast %transpose3A_19 : vector<128x1xf32> to vector<128x128xf32>
    %mul3A_2979 = arith.mulf %select_n3A_2977, %mul3A_2978 : vector<128x128xf32>
    %reduce_sum3A_2980 = arith.constant dense<0.000000e+00> : vector<128xf32>
    %reduce_sum3A_2981 = vector.multi_reduction <add>, %mul3A_2979, %reduce_sum3A_2980 [0] : vector<128x128xf32> to vector<128xf32>
    %broadcast_in_dim3A_2982 = vector.shape_cast %reduce_sum3A_2981 : vector<128xf32> to vector<1x128xf32>
    %add3A_2983 = arith.addf %slice3A_2747, %slice3A_2763 : vector<128x128xf32>
    %ge3A_2984 = arith.constant 0.000000e+00 : f32
    %ge3A_2985 = vector.broadcast %ge3A_2984 : f32 to vector<128x128xf32>
    %ge3A_2986 = arith.cmpf oge, %add3A_2983, %ge3A_2985 : vector<128x128xf32>
    %mul3A_2987 = arith.constant 2.000000e-01 : f32
    %mul3A_2988 = vector.broadcast %mul3A_2987 : f32 to vector<128x128xf32>
    %mul3A_2989 = arith.mulf %mul3A_2988, %add3A_2983 : vector<128x128xf32>
    %select_n3A_2990 = arith.select %ge3A_2986, %add3A_2983, %mul3A_2989 : vector<128x128xi1>, vector<128x128xf32>
    %mul3A_2991 = vector.broadcast %transpose3A_19 : vector<128x1xf32> to vector<128x128xf32>
    %mul3A_2992 = arith.mulf %select_n3A_2990, %mul3A_2991 : vector<128x128xf32>
    %reduce_sum3A_2993 = arith.constant dense<0.000000e+00> : vector<128xf32>
    %reduce_sum3A_2994 = vector.multi_reduction <add>, %mul3A_2992, %reduce_sum3A_2993 [0] : vector<128x128xf32> to vector<128xf32>
    %broadcast_in_dim3A_2995 = vector.shape_cast %reduce_sum3A_2994 : vector<128xf32> to vector<1x128xf32>
    %add3A_2996 = arith.addf %slice3A_2746, %slice3A_2763 : vector<128x128xf32>
    %ge3A_2997 = arith.constant 0.000000e+00 : f32
    %ge3A_2998 = vector.broadcast %ge3A_2997 : f32 to vector<128x128xf32>
    %ge3A_2999 = arith.cmpf oge, %add3A_2996, %ge3A_2998 : vector<128x128xf32>
    %mul3A_3000 = arith.constant 2.000000e-01 : f32
    %mul3A_3001 = vector.broadcast %mul3A_3000 : f32 to vector<128x128xf32>
    %mul3A_3002 = arith.mulf %mul3A_3001, %add3A_2996 : vector<128x128xf32>
    %select_n3A_3003 = arith.select %ge3A_2999, %add3A_2996, %mul3A_3002 : vector<128x128xi1>, vector<128x128xf32>
    %mul3A_3004 = vector.broadcast %transpose3A_19 : vector<128x1xf32> to vector<128x128xf32>
    %mul3A_3005 = arith.mulf %select_n3A_3003, %mul3A_3004 : vector<128x128xf32>
    %reduce_sum3A_3006 = arith.constant dense<0.000000e+00> : vector<128xf32>
    %reduce_sum3A_3007 = vector.multi_reduction <add>, %mul3A_3005, %reduce_sum3A_3006 [0] : vector<128x128xf32> to vector<128xf32>
    %broadcast_in_dim3A_3008 = vector.shape_cast %reduce_sum3A_3007 : vector<128xf32> to vector<1x128xf32>
    %add3A_3009 = arith.addf %slice3A_2746, %slice3A_2764 : vector<128x128xf32>
    %ge3A_3010 = arith.constant 0.000000e+00 : f32
    %ge3A_3011 = vector.broadcast %ge3A_3010 : f32 to vector<128x128xf32>
    %ge3A_3012 = arith.cmpf oge, %add3A_3009, %ge3A_3011 : vector<128x128xf32>
    %mul3A_3013 = arith.constant 2.000000e-01 : f32
    %mul3A_3014 = vector.broadcast %mul3A_3013 : f32 to vector<128x128xf32>
    %mul3A_3015 = arith.mulf %mul3A_3014, %add3A_3009 : vector<128x128xf32>
    %select_n3A_3016 = arith.select %ge3A_3012, %add3A_3009, %mul3A_3015 : vector<128x128xi1>, vector<128x128xf32>
    %mul3A_3017 = vector.broadcast %transpose3A_19 : vector<128x1xf32> to vector<128x128xf32>
    %mul3A_3018 = arith.mulf %select_n3A_3016, %mul3A_3017 : vector<128x128xf32>
    %reduce_sum3A_3019 = arith.constant dense<0.000000e+00> : vector<128xf32>
    %reduce_sum3A_3020 = vector.multi_reduction <add>, %mul3A_3018, %reduce_sum3A_3019 [0] : vector<128x128xf32> to vector<128xf32>
    %broadcast_in_dim3A_3021 = vector.shape_cast %reduce_sum3A_3020 : vector<128xf32> to vector<1x128xf32>
    %add3A_3022 = arith.addf %slice3A_2747, %slice3A_2764 : vector<128x128xf32>
    %ge3A_3023 = arith.constant 0.000000e+00 : f32
    %ge3A_3024 = vector.broadcast %ge3A_3023 : f32 to vector<128x128xf32>
    %ge3A_3025 = arith.cmpf oge, %add3A_3022, %ge3A_3024 : vector<128x128xf32>
    %mul3A_3026 = arith.constant 2.000000e-01 : f32
    %mul3A_3027 = vector.broadcast %mul3A_3026 : f32 to vector<128x128xf32>
    %mul3A_3028 = arith.mulf %mul3A_3027, %add3A_3022 : vector<128x128xf32>
    %select_n3A_3029 = arith.select %ge3A_3025, %add3A_3022, %mul3A_3028 : vector<128x128xi1>, vector<128x128xf32>
    %mul3A_3030 = vector.broadcast %transpose3A_19 : vector<128x1xf32> to vector<128x128xf32>
    %mul3A_3031 = arith.mulf %select_n3A_3029, %mul3A_3030 : vector<128x128xf32>
    %reduce_sum3A_3032 = arith.constant dense<0.000000e+00> : vector<128xf32>
    %reduce_sum3A_3033 = vector.multi_reduction <add>, %mul3A_3031, %reduce_sum3A_3032 [0] : vector<128x128xf32> to vector<128xf32>
    %broadcast_in_dim3A_3034 = vector.shape_cast %reduce_sum3A_3033 : vector<128xf32> to vector<1x128xf32>
    %add3A_3035 = arith.addf %slice3A_2741, %slice3A_2765 : vector<128x128xf32>
    %ge3A_3036 = arith.constant 0.000000e+00 : f32
    %ge3A_3037 = vector.broadcast %ge3A_3036 : f32 to vector<128x128xf32>
    %ge3A_3038 = arith.cmpf oge, %add3A_3035, %ge3A_3037 : vector<128x128xf32>
    %mul3A_3039 = arith.constant 2.000000e-01 : f32
    %mul3A_3040 = vector.broadcast %mul3A_3039 : f32 to vector<128x128xf32>
    %mul3A_3041 = arith.mulf %mul3A_3040, %add3A_3035 : vector<128x128xf32>
    %select_n3A_3042 = arith.select %ge3A_3038, %add3A_3035, %mul3A_3041 : vector<128x128xi1>, vector<128x128xf32>
    %mul3A_3043 = vector.broadcast %transpose3A_19 : vector<128x1xf32> to vector<128x128xf32>
    %mul3A_3044 = arith.mulf %select_n3A_3042, %mul3A_3043 : vector<128x128xf32>
    %reduce_sum3A_3045 = arith.constant dense<0.000000e+00> : vector<128xf32>
    %reduce_sum3A_3046 = vector.multi_reduction <add>, %mul3A_3044, %reduce_sum3A_3045 [0] : vector<128x128xf32> to vector<128xf32>
    %broadcast_in_dim3A_3047 = vector.shape_cast %reduce_sum3A_3046 : vector<128xf32> to vector<1x128xf32>
    %add3A_3048 = arith.addf %slice3A_2749, %slice3A_2765 : vector<128x128xf32>
    %ge3A_3049 = arith.constant 0.000000e+00 : f32
    %ge3A_3050 = vector.broadcast %ge3A_3049 : f32 to vector<128x128xf32>
    %ge3A_3051 = arith.cmpf oge, %add3A_3048, %ge3A_3050 : vector<128x128xf32>
    %mul3A_3052 = arith.constant 2.000000e-01 : f32
    %mul3A_3053 = vector.broadcast %mul3A_3052 : f32 to vector<128x128xf32>
    %mul3A_3054 = arith.mulf %mul3A_3053, %add3A_3048 : vector<128x128xf32>
    %select_n3A_3055 = arith.select %ge3A_3051, %add3A_3048, %mul3A_3054 : vector<128x128xi1>, vector<128x128xf32>
    %mul3A_3056 = vector.broadcast %transpose3A_19 : vector<128x1xf32> to vector<128x128xf32>
    %mul3A_3057 = arith.mulf %select_n3A_3055, %mul3A_3056 : vector<128x128xf32>
    %reduce_sum3A_3058 = arith.constant dense<0.000000e+00> : vector<128xf32>
    %reduce_sum3A_3059 = vector.multi_reduction <add>, %mul3A_3057, %reduce_sum3A_3058 [0] : vector<128x128xf32> to vector<128xf32>
    %broadcast_in_dim3A_3060 = vector.shape_cast %reduce_sum3A_3059 : vector<128xf32> to vector<1x128xf32>
    %add3A_3061 = arith.addf %slice3A_2748, %slice3A_2765 : vector<128x128xf32>
    %ge3A_3062 = arith.constant 0.000000e+00 : f32
    %ge3A_3063 = vector.broadcast %ge3A_3062 : f32 to vector<128x128xf32>
    %ge3A_3064 = arith.cmpf oge, %add3A_3061, %ge3A_3063 : vector<128x128xf32>
    %mul3A_3065 = arith.constant 2.000000e-01 : f32
    %mul3A_3066 = vector.broadcast %mul3A_3065 : f32 to vector<128x128xf32>
    %mul3A_3067 = arith.mulf %mul3A_3066, %add3A_3061 : vector<128x128xf32>
    %select_n3A_3068 = arith.select %ge3A_3064, %add3A_3061, %mul3A_3067 : vector<128x128xi1>, vector<128x128xf32>
    %mul3A_3069 = vector.broadcast %transpose3A_19 : vector<128x1xf32> to vector<128x128xf32>
    %mul3A_3070 = arith.mulf %select_n3A_3068, %mul3A_3069 : vector<128x128xf32>
    %reduce_sum3A_3071 = arith.constant dense<0.000000e+00> : vector<128xf32>
    %reduce_sum3A_3072 = vector.multi_reduction <add>, %mul3A_3070, %reduce_sum3A_3071 [0] : vector<128x128xf32> to vector<128xf32>
    %broadcast_in_dim3A_3073 = vector.shape_cast %reduce_sum3A_3072 : vector<128xf32> to vector<1x128xf32>
    %add3A_3074 = arith.addf %slice3A_2748, %slice3A_2766 : vector<128x128xf32>
    %ge3A_3075 = arith.constant 0.000000e+00 : f32
    %ge3A_3076 = vector.broadcast %ge3A_3075 : f32 to vector<128x128xf32>
    %ge3A_3077 = arith.cmpf oge, %add3A_3074, %ge3A_3076 : vector<128x128xf32>
    %mul3A_3078 = arith.constant 2.000000e-01 : f32
    %mul3A_3079 = vector.broadcast %mul3A_3078 : f32 to vector<128x128xf32>
    %mul3A_3080 = arith.mulf %mul3A_3079, %add3A_3074 : vector<128x128xf32>
    %select_n3A_3081 = arith.select %ge3A_3077, %add3A_3074, %mul3A_3080 : vector<128x128xi1>, vector<128x128xf32>
    %mul3A_3082 = vector.broadcast %transpose3A_19 : vector<128x1xf32> to vector<128x128xf32>
    %mul3A_3083 = arith.mulf %select_n3A_3081, %mul3A_3082 : vector<128x128xf32>
    %reduce_sum3A_3084 = arith.constant dense<0.000000e+00> : vector<128xf32>
    %reduce_sum3A_3085 = vector.multi_reduction <add>, %mul3A_3083, %reduce_sum3A_3084 [0] : vector<128x128xf32> to vector<128xf32>
    %broadcast_in_dim3A_3086 = vector.shape_cast %reduce_sum3A_3085 : vector<128xf32> to vector<1x128xf32>
    %add3A_3087 = arith.addf %slice3A_2750, %slice3A_2766 : vector<128x128xf32>
    %ge3A_3088 = arith.constant 0.000000e+00 : f32
    %ge3A_3089 = vector.broadcast %ge3A_3088 : f32 to vector<128x128xf32>
    %ge3A_3090 = arith.cmpf oge, %add3A_3087, %ge3A_3089 : vector<128x128xf32>
    %mul3A_3091 = arith.constant 2.000000e-01 : f32
    %mul3A_3092 = vector.broadcast %mul3A_3091 : f32 to vector<128x128xf32>
    %mul3A_3093 = arith.mulf %mul3A_3092, %add3A_3087 : vector<128x128xf32>
    %select_n3A_3094 = arith.select %ge3A_3090, %add3A_3087, %mul3A_3093 : vector<128x128xi1>, vector<128x128xf32>
    %mul3A_3095 = vector.broadcast %transpose3A_19 : vector<128x1xf32> to vector<128x128xf32>
    %mul3A_3096 = arith.mulf %select_n3A_3094, %mul3A_3095 : vector<128x128xf32>
    %reduce_sum3A_3097 = arith.constant dense<0.000000e+00> : vector<128xf32>
    %reduce_sum3A_3098 = vector.multi_reduction <add>, %mul3A_3096, %reduce_sum3A_3097 [0] : vector<128x128xf32> to vector<128xf32>
    %broadcast_in_dim3A_3099 = vector.shape_cast %reduce_sum3A_3098 : vector<128xf32> to vector<1x128xf32>
    %add3A_3100 = arith.addf %slice3A_2752, %slice3A_2766 : vector<128x128xf32>
    %ge3A_3101 = arith.constant 0.000000e+00 : f32
    %ge3A_3102 = vector.broadcast %ge3A_3101 : f32 to vector<128x128xf32>
    %ge3A_3103 = arith.cmpf oge, %add3A_3100, %ge3A_3102 : vector<128x128xf32>
    %mul3A_3104 = arith.constant 2.000000e-01 : f32
    %mul3A_3105 = vector.broadcast %mul3A_3104 : f32 to vector<128x128xf32>
    %mul3A_3106 = arith.mulf %mul3A_3105, %add3A_3100 : vector<128x128xf32>
    %select_n3A_3107 = arith.select %ge3A_3103, %add3A_3100, %mul3A_3106 : vector<128x128xi1>, vector<128x128xf32>
    %mul3A_3108 = vector.broadcast %transpose3A_19 : vector<128x1xf32> to vector<128x128xf32>
    %mul3A_3109 = arith.mulf %select_n3A_3107, %mul3A_3108 : vector<128x128xf32>
    %reduce_sum3A_3110 = arith.constant dense<0.000000e+00> : vector<128xf32>
    %reduce_sum3A_3111 = vector.multi_reduction <add>, %mul3A_3109, %reduce_sum3A_3110 [0] : vector<128x128xf32> to vector<128xf32>
    %broadcast_in_dim3A_3112 = vector.shape_cast %reduce_sum3A_3111 : vector<128xf32> to vector<1x128xf32>
    %add3A_3113 = arith.addf %slice3A_2755, %slice3A_2766 : vector<128x128xf32>
    %ge3A_3114 = arith.constant 0.000000e+00 : f32
    %ge3A_3115 = vector.broadcast %ge3A_3114 : f32 to vector<128x128xf32>
    %ge3A_3116 = arith.cmpf oge, %add3A_3113, %ge3A_3115 : vector<128x128xf32>
    %mul3A_3117 = arith.constant 2.000000e-01 : f32
    %mul3A_3118 = vector.broadcast %mul3A_3117 : f32 to vector<128x128xf32>
    %mul3A_3119 = arith.mulf %mul3A_3118, %add3A_3113 : vector<128x128xf32>
    %select_n3A_3120 = arith.select %ge3A_3116, %add3A_3113, %mul3A_3119 : vector<128x128xi1>, vector<128x128xf32>
    %mul3A_3121 = vector.broadcast %transpose3A_19 : vector<128x1xf32> to vector<128x128xf32>
    %mul3A_3122 = arith.mulf %select_n3A_3120, %mul3A_3121 : vector<128x128xf32>
    %reduce_sum3A_3123 = arith.constant dense<0.000000e+00> : vector<128xf32>
    %reduce_sum3A_3124 = vector.multi_reduction <add>, %mul3A_3122, %reduce_sum3A_3123 [0] : vector<128x128xf32> to vector<128xf32>
    %broadcast_in_dim3A_3125 = vector.shape_cast %reduce_sum3A_3124 : vector<128xf32> to vector<1x128xf32>
    %add3A_3126 = arith.addf %slice3A_2749, %slice3A_2766 : vector<128x128xf32>
    %ge3A_3127 = arith.constant 0.000000e+00 : f32
    %ge3A_3128 = vector.broadcast %ge3A_3127 : f32 to vector<128x128xf32>
    %ge3A_3129 = arith.cmpf oge, %add3A_3126, %ge3A_3128 : vector<128x128xf32>
    %mul3A_3130 = arith.constant 2.000000e-01 : f32
    %mul3A_3131 = vector.broadcast %mul3A_3130 : f32 to vector<128x128xf32>
    %mul3A_3132 = arith.mulf %mul3A_3131, %add3A_3126 : vector<128x128xf32>
    %select_n3A_3133 = arith.select %ge3A_3129, %add3A_3126, %mul3A_3132 : vector<128x128xi1>, vector<128x128xf32>
    %mul3A_3134 = vector.broadcast %transpose3A_19 : vector<128x1xf32> to vector<128x128xf32>
    %mul3A_3135 = arith.mulf %select_n3A_3133, %mul3A_3134 : vector<128x128xf32>
    %reduce_sum3A_3136 = arith.constant dense<0.000000e+00> : vector<128xf32>
    %reduce_sum3A_3137 = vector.multi_reduction <add>, %mul3A_3135, %reduce_sum3A_3136 [0] : vector<128x128xf32> to vector<128xf32>
    %broadcast_in_dim3A_3138 = vector.shape_cast %reduce_sum3A_3137 : vector<128xf32> to vector<1x128xf32>
    %add3A_3139 = arith.addf %slice3A_2749, %slice3A_2767 : vector<128x128xf32>
    %ge3A_3140 = arith.constant 0.000000e+00 : f32
    %ge3A_3141 = vector.broadcast %ge3A_3140 : f32 to vector<128x128xf32>
    %ge3A_3142 = arith.cmpf oge, %add3A_3139, %ge3A_3141 : vector<128x128xf32>
    %mul3A_3143 = arith.constant 2.000000e-01 : f32
    %mul3A_3144 = vector.broadcast %mul3A_3143 : f32 to vector<128x128xf32>
    %mul3A_3145 = arith.mulf %mul3A_3144, %add3A_3139 : vector<128x128xf32>
    %select_n3A_3146 = arith.select %ge3A_3142, %add3A_3139, %mul3A_3145 : vector<128x128xi1>, vector<128x128xf32>
    %mul3A_3147 = vector.broadcast %transpose3A_19 : vector<128x1xf32> to vector<128x128xf32>
    %mul3A_3148 = arith.mulf %select_n3A_3146, %mul3A_3147 : vector<128x128xf32>
    %reduce_sum3A_3149 = arith.constant dense<0.000000e+00> : vector<128xf32>
    %reduce_sum3A_3150 = vector.multi_reduction <add>, %mul3A_3148, %reduce_sum3A_3149 [0] : vector<128x128xf32> to vector<128xf32>
    %broadcast_in_dim3A_3151 = vector.shape_cast %reduce_sum3A_3150 : vector<128xf32> to vector<1x128xf32>
    %add3A_3152 = arith.addf %slice3A_2751, %slice3A_2767 : vector<128x128xf32>
    %ge3A_3153 = arith.constant 0.000000e+00 : f32
    %ge3A_3154 = vector.broadcast %ge3A_3153 : f32 to vector<128x128xf32>
    %ge3A_3155 = arith.cmpf oge, %add3A_3152, %ge3A_3154 : vector<128x128xf32>
    %mul3A_3156 = arith.constant 2.000000e-01 : f32
    %mul3A_3157 = vector.broadcast %mul3A_3156 : f32 to vector<128x128xf32>
    %mul3A_3158 = arith.mulf %mul3A_3157, %add3A_3152 : vector<128x128xf32>
    %select_n3A_3159 = arith.select %ge3A_3155, %add3A_3152, %mul3A_3158 : vector<128x128xi1>, vector<128x128xf32>
    %mul3A_3160 = vector.broadcast %transpose3A_19 : vector<128x1xf32> to vector<128x128xf32>
    %mul3A_3161 = arith.mulf %select_n3A_3159, %mul3A_3160 : vector<128x128xf32>
    %reduce_sum3A_3162 = arith.constant dense<0.000000e+00> : vector<128xf32>
    %reduce_sum3A_3163 = vector.multi_reduction <add>, %mul3A_3161, %reduce_sum3A_3162 [0] : vector<128x128xf32> to vector<128xf32>
    %broadcast_in_dim3A_3164 = vector.shape_cast %reduce_sum3A_3163 : vector<128xf32> to vector<1x128xf32>
    %add3A_3165 = arith.addf %slice3A_2750, %slice3A_2767 : vector<128x128xf32>
    %ge3A_3166 = arith.constant 0.000000e+00 : f32
    %ge3A_3167 = vector.broadcast %ge3A_3166 : f32 to vector<128x128xf32>
    %ge3A_3168 = arith.cmpf oge, %add3A_3165, %ge3A_3167 : vector<128x128xf32>
    %mul3A_3169 = arith.constant 2.000000e-01 : f32
    %mul3A_3170 = vector.broadcast %mul3A_3169 : f32 to vector<128x128xf32>
    %mul3A_3171 = arith.mulf %mul3A_3170, %add3A_3165 : vector<128x128xf32>
    %select_n3A_3172 = arith.select %ge3A_3168, %add3A_3165, %mul3A_3171 : vector<128x128xi1>, vector<128x128xf32>
    %mul3A_3173 = vector.broadcast %transpose3A_19 : vector<128x1xf32> to vector<128x128xf32>
    %mul3A_3174 = arith.mulf %select_n3A_3172, %mul3A_3173 : vector<128x128xf32>
    %reduce_sum3A_3175 = arith.constant dense<0.000000e+00> : vector<128xf32>
    %reduce_sum3A_3176 = vector.multi_reduction <add>, %mul3A_3174, %reduce_sum3A_3175 [0] : vector<128x128xf32> to vector<128xf32>
    %broadcast_in_dim3A_3177 = vector.shape_cast %reduce_sum3A_3176 : vector<128xf32> to vector<1x128xf32>
    %add3A_3178 = arith.addf %slice3A_2750, %slice3A_2768 : vector<128x128xf32>
    %ge3A_3179 = arith.constant 0.000000e+00 : f32
    %ge3A_3180 = vector.broadcast %ge3A_3179 : f32 to vector<128x128xf32>
    %ge3A_3181 = arith.cmpf oge, %add3A_3178, %ge3A_3180 : vector<128x128xf32>
    %mul3A_3182 = arith.constant 2.000000e-01 : f32
    %mul3A_3183 = vector.broadcast %mul3A_3182 : f32 to vector<128x128xf32>
    %mul3A_3184 = arith.mulf %mul3A_3183, %add3A_3178 : vector<128x128xf32>
    %select_n3A_3185 = arith.select %ge3A_3181, %add3A_3178, %mul3A_3184 : vector<128x128xi1>, vector<128x128xf32>
    %mul3A_3186 = vector.broadcast %transpose3A_19 : vector<128x1xf32> to vector<128x128xf32>
    %mul3A_3187 = arith.mulf %select_n3A_3185, %mul3A_3186 : vector<128x128xf32>
    %reduce_sum3A_3188 = arith.constant dense<0.000000e+00> : vector<128xf32>
    %reduce_sum3A_3189 = vector.multi_reduction <add>, %mul3A_3187, %reduce_sum3A_3188 [0] : vector<128x128xf32> to vector<128xf32>
    %broadcast_in_dim3A_3190 = vector.shape_cast %reduce_sum3A_3189 : vector<128xf32> to vector<1x128xf32>
    %add3A_3191 = arith.addf %slice3A_2751, %slice3A_2768 : vector<128x128xf32>
    %ge3A_3192 = arith.constant 0.000000e+00 : f32
    %ge3A_3193 = vector.broadcast %ge3A_3192 : f32 to vector<128x128xf32>
    %ge3A_3194 = arith.cmpf oge, %add3A_3191, %ge3A_3193 : vector<128x128xf32>
    %mul3A_3195 = arith.constant 2.000000e-01 : f32
    %mul3A_3196 = vector.broadcast %mul3A_3195 : f32 to vector<128x128xf32>
    %mul3A_3197 = arith.mulf %mul3A_3196, %add3A_3191 : vector<128x128xf32>
    %select_n3A_3198 = arith.select %ge3A_3194, %add3A_3191, %mul3A_3197 : vector<128x128xi1>, vector<128x128xf32>
    %mul3A_3199 = vector.broadcast %transpose3A_19 : vector<128x1xf32> to vector<128x128xf32>
    %mul3A_3200 = arith.mulf %select_n3A_3198, %mul3A_3199 : vector<128x128xf32>
    %reduce_sum3A_3201 = arith.constant dense<0.000000e+00> : vector<128xf32>
    %reduce_sum3A_3202 = vector.multi_reduction <add>, %mul3A_3200, %reduce_sum3A_3201 [0] : vector<128x128xf32> to vector<128xf32>
    %broadcast_in_dim3A_3203 = vector.shape_cast %reduce_sum3A_3202 : vector<128xf32> to vector<1x128xf32>
    %add3A_3204 = arith.addf %slice3A_2749, %slice3A_2769 : vector<128x128xf32>
    %ge3A_3205 = arith.constant 0.000000e+00 : f32
    %ge3A_3206 = vector.broadcast %ge3A_3205 : f32 to vector<128x128xf32>
    %ge3A_3207 = arith.cmpf oge, %add3A_3204, %ge3A_3206 : vector<128x128xf32>
    %mul3A_3208 = arith.constant 2.000000e-01 : f32
    %mul3A_3209 = vector.broadcast %mul3A_3208 : f32 to vector<128x128xf32>
    %mul3A_3210 = arith.mulf %mul3A_3209, %add3A_3204 : vector<128x128xf32>
    %select_n3A_3211 = arith.select %ge3A_3207, %add3A_3204, %mul3A_3210 : vector<128x128xi1>, vector<128x128xf32>
    %mul3A_3212 = vector.broadcast %transpose3A_19 : vector<128x1xf32> to vector<128x128xf32>
    %mul3A_3213 = arith.mulf %select_n3A_3211, %mul3A_3212 : vector<128x128xf32>
    %reduce_sum3A_3214 = arith.constant dense<0.000000e+00> : vector<128xf32>
    %reduce_sum3A_3215 = vector.multi_reduction <add>, %mul3A_3213, %reduce_sum3A_3214 [0] : vector<128x128xf32> to vector<128xf32>
    %broadcast_in_dim3A_3216 = vector.shape_cast %reduce_sum3A_3215 : vector<128xf32> to vector<1x128xf32>
    %add3A_3217 = arith.addf %slice3A_2753, %slice3A_2769 : vector<128x128xf32>
    %ge3A_3218 = arith.constant 0.000000e+00 : f32
    %ge3A_3219 = vector.broadcast %ge3A_3218 : f32 to vector<128x128xf32>
    %ge3A_3220 = arith.cmpf oge, %add3A_3217, %ge3A_3219 : vector<128x128xf32>
    %mul3A_3221 = arith.constant 2.000000e-01 : f32
    %mul3A_3222 = vector.broadcast %mul3A_3221 : f32 to vector<128x128xf32>
    %mul3A_3223 = arith.mulf %mul3A_3222, %add3A_3217 : vector<128x128xf32>
    %select_n3A_3224 = arith.select %ge3A_3220, %add3A_3217, %mul3A_3223 : vector<128x128xi1>, vector<128x128xf32>
    %mul3A_3225 = vector.broadcast %transpose3A_19 : vector<128x1xf32> to vector<128x128xf32>
    %mul3A_3226 = arith.mulf %select_n3A_3224, %mul3A_3225 : vector<128x128xf32>
    %reduce_sum3A_3227 = arith.constant dense<0.000000e+00> : vector<128xf32>
    %reduce_sum3A_3228 = vector.multi_reduction <add>, %mul3A_3226, %reduce_sum3A_3227 [0] : vector<128x128xf32> to vector<128xf32>
    %broadcast_in_dim3A_3229 = vector.shape_cast %reduce_sum3A_3228 : vector<128xf32> to vector<1x128xf32>
    %add3A_3230 = arith.addf %slice3A_2752, %slice3A_2769 : vector<128x128xf32>
    %ge3A_3231 = arith.constant 0.000000e+00 : f32
    %ge3A_3232 = vector.broadcast %ge3A_3231 : f32 to vector<128x128xf32>
    %ge3A_3233 = arith.cmpf oge, %add3A_3230, %ge3A_3232 : vector<128x128xf32>
    %mul3A_3234 = arith.constant 2.000000e-01 : f32
    %mul3A_3235 = vector.broadcast %mul3A_3234 : f32 to vector<128x128xf32>
    %mul3A_3236 = arith.mulf %mul3A_3235, %add3A_3230 : vector<128x128xf32>
    %select_n3A_3237 = arith.select %ge3A_3233, %add3A_3230, %mul3A_3236 : vector<128x128xi1>, vector<128x128xf32>
    %mul3A_3238 = vector.broadcast %transpose3A_19 : vector<128x1xf32> to vector<128x128xf32>
    %mul3A_3239 = arith.mulf %select_n3A_3237, %mul3A_3238 : vector<128x128xf32>
    %reduce_sum3A_3240 = arith.constant dense<0.000000e+00> : vector<128xf32>
    %reduce_sum3A_3241 = vector.multi_reduction <add>, %mul3A_3239, %reduce_sum3A_3240 [0] : vector<128x128xf32> to vector<128xf32>
    %broadcast_in_dim3A_3242 = vector.shape_cast %reduce_sum3A_3241 : vector<128xf32> to vector<1x128xf32>
    %add3A_3243 = arith.addf %slice3A_2752, %slice3A_2770 : vector<128x128xf32>
    %ge3A_3244 = arith.constant 0.000000e+00 : f32
    %ge3A_3245 = vector.broadcast %ge3A_3244 : f32 to vector<128x128xf32>
    %ge3A_3246 = arith.cmpf oge, %add3A_3243, %ge3A_3245 : vector<128x128xf32>
    %mul3A_3247 = arith.constant 2.000000e-01 : f32
    %mul3A_3248 = vector.broadcast %mul3A_3247 : f32 to vector<128x128xf32>
    %mul3A_3249 = arith.mulf %mul3A_3248, %add3A_3243 : vector<128x128xf32>
    %select_n3A_3250 = arith.select %ge3A_3246, %add3A_3243, %mul3A_3249 : vector<128x128xi1>, vector<128x128xf32>
    %mul3A_3251 = vector.broadcast %transpose3A_19 : vector<128x1xf32> to vector<128x128xf32>
    %mul3A_3252 = arith.mulf %select_n3A_3250, %mul3A_3251 : vector<128x128xf32>
    %reduce_sum3A_3253 = arith.constant dense<0.000000e+00> : vector<128xf32>
    %reduce_sum3A_3254 = vector.multi_reduction <add>, %mul3A_3252, %reduce_sum3A_3253 [0] : vector<128x128xf32> to vector<128xf32>
    %broadcast_in_dim3A_3255 = vector.shape_cast %reduce_sum3A_3254 : vector<128xf32> to vector<1x128xf32>
    %add3A_3256 = arith.addf %slice3A_2754, %slice3A_2770 : vector<128x128xf32>
    %ge3A_3257 = arith.constant 0.000000e+00 : f32
    %ge3A_3258 = vector.broadcast %ge3A_3257 : f32 to vector<128x128xf32>
    %ge3A_3259 = arith.cmpf oge, %add3A_3256, %ge3A_3258 : vector<128x128xf32>
    %mul3A_3260 = arith.constant 2.000000e-01 : f32
    %mul3A_3261 = vector.broadcast %mul3A_3260 : f32 to vector<128x128xf32>
    %mul3A_3262 = arith.mulf %mul3A_3261, %add3A_3256 : vector<128x128xf32>
    %select_n3A_3263 = arith.select %ge3A_3259, %add3A_3256, %mul3A_3262 : vector<128x128xi1>, vector<128x128xf32>
    %mul3A_3264 = vector.broadcast %transpose3A_19 : vector<128x1xf32> to vector<128x128xf32>
    %mul3A_3265 = arith.mulf %select_n3A_3263, %mul3A_3264 : vector<128x128xf32>
    %reduce_sum3A_3266 = arith.constant dense<0.000000e+00> : vector<128xf32>
    %reduce_sum3A_3267 = vector.multi_reduction <add>, %mul3A_3265, %reduce_sum3A_3266 [0] : vector<128x128xf32> to vector<128xf32>
    %broadcast_in_dim3A_3268 = vector.shape_cast %reduce_sum3A_3267 : vector<128xf32> to vector<1x128xf32>
    %add3A_3269 = arith.addf %slice3A_2753, %slice3A_2770 : vector<128x128xf32>
    %ge3A_3270 = arith.constant 0.000000e+00 : f32
    %ge3A_3271 = vector.broadcast %ge3A_3270 : f32 to vector<128x128xf32>
    %ge3A_3272 = arith.cmpf oge, %add3A_3269, %ge3A_3271 : vector<128x128xf32>
    %mul3A_3273 = arith.constant 2.000000e-01 : f32
    %mul3A_3274 = vector.broadcast %mul3A_3273 : f32 to vector<128x128xf32>
    %mul3A_3275 = arith.mulf %mul3A_3274, %add3A_3269 : vector<128x128xf32>
    %select_n3A_3276 = arith.select %ge3A_3272, %add3A_3269, %mul3A_3275 : vector<128x128xi1>, vector<128x128xf32>
    %mul3A_3277 = vector.broadcast %transpose3A_19 : vector<128x1xf32> to vector<128x128xf32>
    %mul3A_3278 = arith.mulf %select_n3A_3276, %mul3A_3277 : vector<128x128xf32>
    %reduce_sum3A_3279 = arith.constant dense<0.000000e+00> : vector<128xf32>
    %reduce_sum3A_3280 = vector.multi_reduction <add>, %mul3A_3278, %reduce_sum3A_3279 [0] : vector<128x128xf32> to vector<128xf32>
    %broadcast_in_dim3A_3281 = vector.shape_cast %reduce_sum3A_3280 : vector<128xf32> to vector<1x128xf32>
    %add3A_3282 = arith.addf %slice3A_2753, %slice3A_2771 : vector<128x128xf32>
    %ge3A_3283 = arith.constant 0.000000e+00 : f32
    %ge3A_3284 = vector.broadcast %ge3A_3283 : f32 to vector<128x128xf32>
    %ge3A_3285 = arith.cmpf oge, %add3A_3282, %ge3A_3284 : vector<128x128xf32>
    %mul3A_3286 = arith.constant 2.000000e-01 : f32
    %mul3A_3287 = vector.broadcast %mul3A_3286 : f32 to vector<128x128xf32>
    %mul3A_3288 = arith.mulf %mul3A_3287, %add3A_3282 : vector<128x128xf32>
    %select_n3A_3289 = arith.select %ge3A_3285, %add3A_3282, %mul3A_3288 : vector<128x128xi1>, vector<128x128xf32>
    %mul3A_3290 = vector.broadcast %transpose3A_19 : vector<128x1xf32> to vector<128x128xf32>
    %mul3A_3291 = arith.mulf %select_n3A_3289, %mul3A_3290 : vector<128x128xf32>
    %reduce_sum3A_3292 = arith.constant dense<0.000000e+00> : vector<128xf32>
    %reduce_sum3A_3293 = vector.multi_reduction <add>, %mul3A_3291, %reduce_sum3A_3292 [0] : vector<128x128xf32> to vector<128xf32>
    %broadcast_in_dim3A_3294 = vector.shape_cast %reduce_sum3A_3293 : vector<128xf32> to vector<1x128xf32>
    %add3A_3295 = arith.addf %slice3A_2754, %slice3A_2771 : vector<128x128xf32>
    %ge3A_3296 = arith.constant 0.000000e+00 : f32
    %ge3A_3297 = vector.broadcast %ge3A_3296 : f32 to vector<128x128xf32>
    %ge3A_3298 = arith.cmpf oge, %add3A_3295, %ge3A_3297 : vector<128x128xf32>
    %mul3A_3299 = arith.constant 2.000000e-01 : f32
    %mul3A_3300 = vector.broadcast %mul3A_3299 : f32 to vector<128x128xf32>
    %mul3A_3301 = arith.mulf %mul3A_3300, %add3A_3295 : vector<128x128xf32>
    %select_n3A_3302 = arith.select %ge3A_3298, %add3A_3295, %mul3A_3301 : vector<128x128xi1>, vector<128x128xf32>
    %mul3A_3303 = vector.broadcast %transpose3A_19 : vector<128x1xf32> to vector<128x128xf32>
    %mul3A_3304 = arith.mulf %select_n3A_3302, %mul3A_3303 : vector<128x128xf32>
    %reduce_sum3A_3305 = arith.constant dense<0.000000e+00> : vector<128xf32>
    %reduce_sum3A_3306 = vector.multi_reduction <add>, %mul3A_3304, %reduce_sum3A_3305 [0] : vector<128x128xf32> to vector<128xf32>
    %broadcast_in_dim3A_3307 = vector.shape_cast %reduce_sum3A_3306 : vector<128xf32> to vector<1x128xf32>
    %add3A_3308 = arith.addf %slice3A_2749, %slice3A_2772 : vector<128x128xf32>
    %ge3A_3309 = arith.constant 0.000000e+00 : f32
    %ge3A_3310 = vector.broadcast %ge3A_3309 : f32 to vector<128x128xf32>
    %ge3A_3311 = arith.cmpf oge, %add3A_3308, %ge3A_3310 : vector<128x128xf32>
    %mul3A_3312 = arith.constant 2.000000e-01 : f32
    %mul3A_3313 = vector.broadcast %mul3A_3312 : f32 to vector<128x128xf32>
    %mul3A_3314 = arith.mulf %mul3A_3313, %add3A_3308 : vector<128x128xf32>
    %select_n3A_3315 = arith.select %ge3A_3311, %add3A_3308, %mul3A_3314 : vector<128x128xi1>, vector<128x128xf32>
    %mul3A_3316 = vector.broadcast %transpose3A_19 : vector<128x1xf32> to vector<128x128xf32>
    %mul3A_3317 = arith.mulf %select_n3A_3315, %mul3A_3316 : vector<128x128xf32>
    %reduce_sum3A_3318 = arith.constant dense<0.000000e+00> : vector<128xf32>
    %reduce_sum3A_3319 = vector.multi_reduction <add>, %mul3A_3317, %reduce_sum3A_3318 [0] : vector<128x128xf32> to vector<128xf32>
    %broadcast_in_dim3A_3320 = vector.shape_cast %reduce_sum3A_3319 : vector<128xf32> to vector<1x128xf32>
    %add3A_3321 = arith.addf %slice3A_2756, %slice3A_2772 : vector<128x128xf32>
    %ge3A_3322 = arith.constant 0.000000e+00 : f32
    %ge3A_3323 = vector.broadcast %ge3A_3322 : f32 to vector<128x128xf32>
    %ge3A_3324 = arith.cmpf oge, %add3A_3321, %ge3A_3323 : vector<128x128xf32>
    %mul3A_3325 = arith.constant 2.000000e-01 : f32
    %mul3A_3326 = vector.broadcast %mul3A_3325 : f32 to vector<128x128xf32>
    %mul3A_3327 = arith.mulf %mul3A_3326, %add3A_3321 : vector<128x128xf32>
    %select_n3A_3328 = arith.select %ge3A_3324, %add3A_3321, %mul3A_3327 : vector<128x128xi1>, vector<128x128xf32>
    %mul3A_3329 = vector.broadcast %transpose3A_19 : vector<128x1xf32> to vector<128x128xf32>
    %mul3A_3330 = arith.mulf %select_n3A_3328, %mul3A_3329 : vector<128x128xf32>
    %reduce_sum3A_3331 = arith.constant dense<0.000000e+00> : vector<128xf32>
    %reduce_sum3A_3332 = vector.multi_reduction <add>, %mul3A_3330, %reduce_sum3A_3331 [0] : vector<128x128xf32> to vector<128xf32>
    %broadcast_in_dim3A_3333 = vector.shape_cast %reduce_sum3A_3332 : vector<128xf32> to vector<1x128xf32>
    %add3A_3334 = arith.addf %slice3A_2755, %slice3A_2772 : vector<128x128xf32>
    %ge3A_3335 = arith.constant 0.000000e+00 : f32
    %ge3A_3336 = vector.broadcast %ge3A_3335 : f32 to vector<128x128xf32>
    %ge3A_3337 = arith.cmpf oge, %add3A_3334, %ge3A_3336 : vector<128x128xf32>
    %mul3A_3338 = arith.constant 2.000000e-01 : f32
    %mul3A_3339 = vector.broadcast %mul3A_3338 : f32 to vector<128x128xf32>
    %mul3A_3340 = arith.mulf %mul3A_3339, %add3A_3334 : vector<128x128xf32>
    %select_n3A_3341 = arith.select %ge3A_3337, %add3A_3334, %mul3A_3340 : vector<128x128xi1>, vector<128x128xf32>
    %mul3A_3342 = vector.broadcast %transpose3A_19 : vector<128x1xf32> to vector<128x128xf32>
    %mul3A_3343 = arith.mulf %select_n3A_3341, %mul3A_3342 : vector<128x128xf32>
    %reduce_sum3A_3344 = arith.constant dense<0.000000e+00> : vector<128xf32>
    %reduce_sum3A_3345 = vector.multi_reduction <add>, %mul3A_3343, %reduce_sum3A_3344 [0] : vector<128x128xf32> to vector<128xf32>
    %broadcast_in_dim3A_3346 = vector.shape_cast %reduce_sum3A_3345 : vector<128xf32> to vector<1x128xf32>
    %add3A_3347 = arith.addf %slice3A_2755, %slice3A_2773 : vector<128x128xf32>
    %ge3A_3348 = arith.constant 0.000000e+00 : f32
    %ge3A_3349 = vector.broadcast %ge3A_3348 : f32 to vector<128x128xf32>
    %ge3A_3350 = arith.cmpf oge, %add3A_3347, %ge3A_3349 : vector<128x128xf32>
    %mul3A_3351 = arith.constant 2.000000e-01 : f32
    %mul3A_3352 = vector.broadcast %mul3A_3351 : f32 to vector<128x128xf32>
    %mul3A_3353 = arith.mulf %mul3A_3352, %add3A_3347 : vector<128x128xf32>
    %select_n3A_3354 = arith.select %ge3A_3350, %add3A_3347, %mul3A_3353 : vector<128x128xi1>, vector<128x128xf32>
    %mul3A_3355 = vector.broadcast %transpose3A_19 : vector<128x1xf32> to vector<128x128xf32>
    %mul3A_3356 = arith.mulf %select_n3A_3354, %mul3A_3355 : vector<128x128xf32>
    %reduce_sum3A_3357 = arith.constant dense<0.000000e+00> : vector<128xf32>
    %reduce_sum3A_3358 = vector.multi_reduction <add>, %mul3A_3356, %reduce_sum3A_3357 [0] : vector<128x128xf32> to vector<128xf32>
    %broadcast_in_dim3A_3359 = vector.shape_cast %reduce_sum3A_3358 : vector<128xf32> to vector<1x128xf32>
    %add3A_3360 = arith.addf %slice3A_2757, %slice3A_2773 : vector<128x128xf32>
    %ge3A_3361 = arith.constant 0.000000e+00 : f32
    %ge3A_3362 = vector.broadcast %ge3A_3361 : f32 to vector<128x128xf32>
    %ge3A_3363 = arith.cmpf oge, %add3A_3360, %ge3A_3362 : vector<128x128xf32>
    %mul3A_3364 = arith.constant 2.000000e-01 : f32
    %mul3A_3365 = vector.broadcast %mul3A_3364 : f32 to vector<128x128xf32>
    %mul3A_3366 = arith.mulf %mul3A_3365, %add3A_3360 : vector<128x128xf32>
    %select_n3A_3367 = arith.select %ge3A_3363, %add3A_3360, %mul3A_3366 : vector<128x128xi1>, vector<128x128xf32>
    %mul3A_3368 = vector.broadcast %transpose3A_19 : vector<128x1xf32> to vector<128x128xf32>
    %mul3A_3369 = arith.mulf %select_n3A_3367, %mul3A_3368 : vector<128x128xf32>
    %reduce_sum3A_3370 = arith.constant dense<0.000000e+00> : vector<128xf32>
    %reduce_sum3A_3371 = vector.multi_reduction <add>, %mul3A_3369, %reduce_sum3A_3370 [0] : vector<128x128xf32> to vector<128xf32>
    %broadcast_in_dim3A_3372 = vector.shape_cast %reduce_sum3A_3371 : vector<128xf32> to vector<1x128xf32>
    %add3A_3373 = arith.addf %slice3A_2756, %slice3A_2773 : vector<128x128xf32>
    %ge3A_3374 = arith.constant 0.000000e+00 : f32
    %ge3A_3375 = vector.broadcast %ge3A_3374 : f32 to vector<128x128xf32>
    %ge3A_3376 = arith.cmpf oge, %add3A_3373, %ge3A_3375 : vector<128x128xf32>
    %mul3A_3377 = arith.constant 2.000000e-01 : f32
    %mul3A_3378 = vector.broadcast %mul3A_3377 : f32 to vector<128x128xf32>
    %mul3A_3379 = arith.mulf %mul3A_3378, %add3A_3373 : vector<128x128xf32>
    %select_n3A_3380 = arith.select %ge3A_3376, %add3A_3373, %mul3A_3379 : vector<128x128xi1>, vector<128x128xf32>
    %mul3A_3381 = vector.broadcast %transpose3A_19 : vector<128x1xf32> to vector<128x128xf32>
    %mul3A_3382 = arith.mulf %select_n3A_3380, %mul3A_3381 : vector<128x128xf32>
    %reduce_sum3A_3383 = arith.constant dense<0.000000e+00> : vector<128xf32>
    %reduce_sum3A_3384 = vector.multi_reduction <add>, %mul3A_3382, %reduce_sum3A_3383 [0] : vector<128x128xf32> to vector<128xf32>
    %broadcast_in_dim3A_3385 = vector.shape_cast %reduce_sum3A_3384 : vector<128xf32> to vector<1x128xf32>
    %add3A_3386 = arith.addf %slice3A_2756, %slice3A_2774 : vector<128x128xf32>
    %ge3A_3387 = arith.constant 0.000000e+00 : f32
    %ge3A_3388 = vector.broadcast %ge3A_3387 : f32 to vector<128x128xf32>
    %ge3A_3389 = arith.cmpf oge, %add3A_3386, %ge3A_3388 : vector<128x128xf32>
    %mul3A_3390 = arith.constant 2.000000e-01 : f32
    %mul3A_3391 = vector.broadcast %mul3A_3390 : f32 to vector<128x128xf32>
    %mul3A_3392 = arith.mulf %mul3A_3391, %add3A_3386 : vector<128x128xf32>
    %select_n3A_3393 = arith.select %ge3A_3389, %add3A_3386, %mul3A_3392 : vector<128x128xi1>, vector<128x128xf32>
    %mul3A_3394 = vector.broadcast %transpose3A_19 : vector<128x1xf32> to vector<128x128xf32>
    %mul3A_3395 = arith.mulf %select_n3A_3393, %mul3A_3394 : vector<128x128xf32>
    %reduce_sum3A_3396 = arith.constant dense<0.000000e+00> : vector<128xf32>
    %reduce_sum3A_3397 = vector.multi_reduction <add>, %mul3A_3395, %reduce_sum3A_3396 [0] : vector<128x128xf32> to vector<128xf32>
    %broadcast_in_dim3A_3398 = vector.shape_cast %reduce_sum3A_3397 : vector<128xf32> to vector<1x128xf32>
    %add3A_3399 = arith.addf %slice3A_2757, %slice3A_2774 : vector<128x128xf32>
    %ge3A_3400 = arith.constant 0.000000e+00 : f32
    %ge3A_3401 = vector.broadcast %ge3A_3400 : f32 to vector<128x128xf32>
    %ge3A_3402 = arith.cmpf oge, %add3A_3399, %ge3A_3401 : vector<128x128xf32>
    %mul3A_3403 = arith.constant 2.000000e-01 : f32
    %mul3A_3404 = vector.broadcast %mul3A_3403 : f32 to vector<128x128xf32>
    %mul3A_3405 = arith.mulf %mul3A_3404, %add3A_3399 : vector<128x128xf32>
    %select_n3A_3406 = arith.select %ge3A_3402, %add3A_3399, %mul3A_3405 : vector<128x128xi1>, vector<128x128xf32>
    %mul3A_3407 = vector.broadcast %transpose3A_19 : vector<128x1xf32> to vector<128x128xf32>
    %mul3A_3408 = arith.mulf %select_n3A_3406, %mul3A_3407 : vector<128x128xf32>
    %reduce_sum3A_3409 = arith.constant dense<0.000000e+00> : vector<128xf32>
    %reduce_sum3A_3410 = vector.multi_reduction <add>, %mul3A_3408, %reduce_sum3A_3409 [0] : vector<128x128xf32> to vector<128xf32>
    %broadcast_in_dim3A_3411 = vector.shape_cast %reduce_sum3A_3410 : vector<128xf32> to vector<1x128xf32>
    %max3A_3412 = arith.maximumf %broadcast_in_dim3A_2787, %broadcast_in_dim3A_2800 : vector<1x128xf32>
    %max3A_3413 = arith.maximumf %max3A_3412, %broadcast_in_dim3A_2813 : vector<1x128xf32>
    %max3A_3414 = arith.maximumf %max3A_3413, %broadcast_in_dim3A_2826 : vector<1x128xf32>
    %sub3A_3415 = arith.subf %broadcast_in_dim3A_2787, %max3A_3414 : vector<1x128xf32>
    %exp3A_3416 = math.exp %sub3A_3415 : vector<1x128xf32>
    %mul3A_3417 = arith.constant 2.000000e+00 : f32
    %mul3A_3418 = vector.broadcast %mul3A_3417 : f32 to vector<1x128xf32>
    %mul3A_3419 = arith.mulf %exp3A_3416, %mul3A_3418 : vector<1x128xf32>
    %mul3A_3420 = vector.broadcast %mul3A_3419 : vector<1x128xf32> to vector<128x128xf32>
    %mul3A_3421 = arith.mulf %mul3A_3420, %slice3A_2742 : vector<128x128xf32>
    %sub3A_3422 = arith.subf %broadcast_in_dim3A_2800, %max3A_3414 : vector<1x128xf32>
    %exp3A_3423 = math.exp %sub3A_3422 : vector<1x128xf32>
    %mul3A_3424 = arith.constant 2.000000e+00 : f32
    %mul3A_3425 = vector.broadcast %mul3A_3424 : f32 to vector<1x128xf32>
    %mul3A_3426 = arith.mulf %exp3A_3423, %mul3A_3425 : vector<1x128xf32>
    %add3A_3427 = arith.addf %mul3A_3419, %mul3A_3426 : vector<1x128xf32>
    %mul3A_3428 = vector.broadcast %mul3A_3426 : vector<1x128xf32> to vector<128x128xf32>
    %mul3A_3429 = arith.mulf %mul3A_3428, %slice3A_2745 : vector<128x128xf32>
    %add3A_3430 = arith.addf %mul3A_3421, %mul3A_3429 : vector<128x128xf32>
    %sub3A_3431 = arith.subf %broadcast_in_dim3A_2813, %max3A_3414 : vector<1x128xf32>
    %exp3A_3432 = math.exp %sub3A_3431 : vector<1x128xf32>
    %mul3A_3433 = arith.constant 2.000000e+00 : f32
    %mul3A_3434 = vector.broadcast %mul3A_3433 : f32 to vector<1x128xf32>
    %mul3A_3435 = arith.mulf %exp3A_3432, %mul3A_3434 : vector<1x128xf32>
    %add3A_3436 = arith.addf %add3A_3427, %mul3A_3435 : vector<1x128xf32>
    %mul3A_3437 = vector.broadcast %mul3A_3435 : vector<1x128xf32> to vector<128x128xf32>
    %mul3A_3438 = arith.mulf %mul3A_3437, %slice3A_2748 : vector<128x128xf32>
    %add3A_3439 = arith.addf %add3A_3430, %mul3A_3438 : vector<128x128xf32>
    %sub3A_3440 = arith.subf %broadcast_in_dim3A_2826, %max3A_3414 : vector<1x128xf32>
    %exp3A_3441 = math.exp %sub3A_3440 : vector<1x128xf32>
    %mul3A_3442 = arith.constant 1.000000e+00 : f32
    %mul3A_3443 = vector.broadcast %mul3A_3442 : f32 to vector<1x128xf32>
    %mul3A_3444 = arith.mulf %exp3A_3441, %mul3A_3443 : vector<1x128xf32>
    %add3A_3445 = arith.addf %add3A_3436, %mul3A_3444 : vector<1x128xf32>
    %mul3A_3446 = vector.broadcast %mul3A_3444 : vector<1x128xf32> to vector<128x128xf32>
    %mul3A_3447 = arith.mulf %mul3A_3446, %slice3A_2741 : vector<128x128xf32>
    %add3A_3448 = arith.addf %add3A_3439, %mul3A_3447 : vector<128x128xf32>
    %add3A_3449 = arith.constant 1.000000e-16 : f32
    %add3A_3450 = vector.broadcast %add3A_3449 : f32 to vector<1x128xf32>
    %add3A_3451 = arith.addf %add3A_3445, %add3A_3450 : vector<1x128xf32>
    %div3A_3452 = arith.constant 1.000000e+00 : f32
    %div3A_3453 = vector.broadcast %div3A_3452 : f32 to vector<1x128xf32>
    %div3A_3454 = arith.divf %div3A_3453, %add3A_3451 : vector<1x128xf32>
    %mul3A_3455 = vector.broadcast %div3A_3454 : vector<1x128xf32> to vector<128x128xf32>
    %mul3A_3456 = arith.mulf %add3A_3448, %mul3A_3455 : vector<128x128xf32>
    %add3A_3457 = vector.broadcast %transpose3A_23 : vector<128x1xf32> to vector<128x128xf32>
    %add3A_3458 = arith.addf %mul3A_3456, %add3A_3457 : vector<128x128xf32>
    %max3A_3459 = arith.maximumf %broadcast_in_dim3A_2839, %broadcast_in_dim3A_2852 : vector<1x128xf32>
    %max3A_3460 = arith.maximumf %max3A_3459, %broadcast_in_dim3A_2865 : vector<1x128xf32>
    %sub3A_3461 = arith.subf %broadcast_in_dim3A_2839, %max3A_3460 : vector<1x128xf32>
    %exp3A_3462 = math.exp %sub3A_3461 : vector<1x128xf32>
    %mul3A_3463 = arith.constant 2.000000e+00 : f32
    %mul3A_3464 = vector.broadcast %mul3A_3463 : f32 to vector<1x128xf32>
    %mul3A_3465 = arith.mulf %exp3A_3462, %mul3A_3464 : vector<1x128xf32>
    %mul3A_3466 = vector.broadcast %mul3A_3465 : vector<1x128xf32> to vector<128x128xf32>
    %mul3A_3467 = arith.mulf %mul3A_3466, %slice3A_2741 : vector<128x128xf32>
    %sub3A_3468 = arith.subf %broadcast_in_dim3A_2852, %max3A_3460 : vector<1x128xf32>
    %exp3A_3469 = math.exp %sub3A_3468 : vector<1x128xf32>
    %mul3A_3470 = arith.constant 2.000000e+00 : f32
    %mul3A_3471 = vector.broadcast %mul3A_3470 : f32 to vector<1x128xf32>
    %mul3A_3472 = arith.mulf %exp3A_3469, %mul3A_3471 : vector<1x128xf32>
    %add3A_3473 = arith.addf %mul3A_3465, %mul3A_3472 : vector<1x128xf32>
    %mul3A_3474 = vector.broadcast %mul3A_3472 : vector<1x128xf32> to vector<128x128xf32>
    %mul3A_3475 = arith.mulf %mul3A_3474, %slice3A_2743 : vector<128x128xf32>
    %add3A_3476 = arith.addf %mul3A_3467, %mul3A_3475 : vector<128x128xf32>
    %sub3A_3477 = arith.subf %broadcast_in_dim3A_2865, %max3A_3460 : vector<1x128xf32>
    %exp3A_3478 = math.exp %sub3A_3477 : vector<1x128xf32>
    %mul3A_3479 = arith.constant 1.000000e+00 : f32
    %mul3A_3480 = vector.broadcast %mul3A_3479 : f32 to vector<1x128xf32>
    %mul3A_3481 = arith.mulf %exp3A_3478, %mul3A_3480 : vector<1x128xf32>
    %add3A_3482 = arith.addf %add3A_3473, %mul3A_3481 : vector<1x128xf32>
    %mul3A_3483 = vector.broadcast %mul3A_3481 : vector<1x128xf32> to vector<128x128xf32>
    %mul3A_3484 = arith.mulf %mul3A_3483, %slice3A_2742 : vector<128x128xf32>
    %add3A_3485 = arith.addf %add3A_3476, %mul3A_3484 : vector<128x128xf32>
    %add3A_3486 = arith.constant 1.000000e-16 : f32
    %add3A_3487 = vector.broadcast %add3A_3486 : f32 to vector<1x128xf32>
    %add3A_3488 = arith.addf %add3A_3482, %add3A_3487 : vector<1x128xf32>
    %div3A_3489 = arith.constant 1.000000e+00 : f32
    %div3A_3490 = vector.broadcast %div3A_3489 : f32 to vector<1x128xf32>
    %div3A_3491 = arith.divf %div3A_3490, %add3A_3488 : vector<1x128xf32>
    %mul3A_3492 = vector.broadcast %div3A_3491 : vector<1x128xf32> to vector<128x128xf32>
    %mul3A_3493 = arith.mulf %add3A_3485, %mul3A_3492 : vector<128x128xf32>
    %add3A_3494 = vector.broadcast %transpose3A_23 : vector<128x1xf32> to vector<128x128xf32>
    %add3A_3495 = arith.addf %mul3A_3493, %add3A_3494 : vector<128x128xf32>
    %max3A_3496 = arith.maximumf %broadcast_in_dim3A_2878, %broadcast_in_dim3A_2891 : vector<1x128xf32>
    %max3A_3497 = arith.maximumf %max3A_3496, %broadcast_in_dim3A_2904 : vector<1x128xf32>
    %sub3A_3498 = arith.subf %broadcast_in_dim3A_2878, %max3A_3497 : vector<1x128xf32>
    %exp3A_3499 = math.exp %sub3A_3498 : vector<1x128xf32>
    %mul3A_3500 = arith.constant 2.000000e+00 : f32
    %mul3A_3501 = vector.broadcast %mul3A_3500 : f32 to vector<1x128xf32>
    %mul3A_3502 = arith.mulf %exp3A_3499, %mul3A_3501 : vector<1x128xf32>
    %mul3A_3503 = vector.broadcast %mul3A_3502 : vector<1x128xf32> to vector<128x128xf32>
    %mul3A_3504 = arith.mulf %mul3A_3503, %slice3A_2742 : vector<128x128xf32>
    %sub3A_3505 = arith.subf %broadcast_in_dim3A_2891, %max3A_3497 : vector<1x128xf32>
    %exp3A_3506 = math.exp %sub3A_3505 : vector<1x128xf32>
    %mul3A_3507 = arith.constant 2.000000e+00 : f32
    %mul3A_3508 = vector.broadcast %mul3A_3507 : f32 to vector<1x128xf32>
    %mul3A_3509 = arith.mulf %exp3A_3506, %mul3A_3508 : vector<1x128xf32>
    %add3A_3510 = arith.addf %mul3A_3502, %mul3A_3509 : vector<1x128xf32>
    %mul3A_3511 = vector.broadcast %mul3A_3509 : vector<1x128xf32> to vector<128x128xf32>
    %mul3A_3512 = arith.mulf %mul3A_3511, %slice3A_2744 : vector<128x128xf32>
    %add3A_3513 = arith.addf %mul3A_3504, %mul3A_3512 : vector<128x128xf32>
    %sub3A_3514 = arith.subf %broadcast_in_dim3A_2904, %max3A_3497 : vector<1x128xf32>
    %exp3A_3515 = math.exp %sub3A_3514 : vector<1x128xf32>
    %mul3A_3516 = arith.constant 1.000000e+00 : f32
    %mul3A_3517 = vector.broadcast %mul3A_3516 : f32 to vector<1x128xf32>
    %mul3A_3518 = arith.mulf %exp3A_3515, %mul3A_3517 : vector<1x128xf32>
    %add3A_3519 = arith.addf %add3A_3510, %mul3A_3518 : vector<1x128xf32>
    %mul3A_3520 = vector.broadcast %mul3A_3518 : vector<1x128xf32> to vector<128x128xf32>
    %mul3A_3521 = arith.mulf %mul3A_3520, %slice3A_2743 : vector<128x128xf32>
    %add3A_3522 = arith.addf %add3A_3513, %mul3A_3521 : vector<128x128xf32>
    %add3A_3523 = arith.constant 1.000000e-16 : f32
    %add3A_3524 = vector.broadcast %add3A_3523 : f32 to vector<1x128xf32>
    %add3A_3525 = arith.addf %add3A_3519, %add3A_3524 : vector<1x128xf32>
    %div3A_3526 = arith.constant 1.000000e+00 : f32
    %div3A_3527 = vector.broadcast %div3A_3526 : f32 to vector<1x128xf32>
    %div3A_3528 = arith.divf %div3A_3527, %add3A_3525 : vector<1x128xf32>
    %mul3A_3529 = vector.broadcast %div3A_3528 : vector<1x128xf32> to vector<128x128xf32>
    %mul3A_3530 = arith.mulf %add3A_3522, %mul3A_3529 : vector<128x128xf32>
    %add3A_3531 = vector.broadcast %transpose3A_23 : vector<128x1xf32> to vector<128x128xf32>
    %add3A_3532 = arith.addf %mul3A_3530, %add3A_3531 : vector<128x128xf32>
    %max3A_3533 = arith.maximumf %broadcast_in_dim3A_2917, %broadcast_in_dim3A_2930 : vector<1x128xf32>
    %sub3A_3534 = arith.subf %broadcast_in_dim3A_2917, %max3A_3533 : vector<1x128xf32>
    %exp3A_3535 = math.exp %sub3A_3534 : vector<1x128xf32>
    %mul3A_3536 = arith.constant 2.000000e+00 : f32
    %mul3A_3537 = vector.broadcast %mul3A_3536 : f32 to vector<1x128xf32>
    %mul3A_3538 = arith.mulf %exp3A_3535, %mul3A_3537 : vector<1x128xf32>
    %mul3A_3539 = vector.broadcast %mul3A_3538 : vector<1x128xf32> to vector<128x128xf32>
    %mul3A_3540 = arith.mulf %mul3A_3539, %slice3A_2743 : vector<128x128xf32>
    %sub3A_3541 = arith.subf %broadcast_in_dim3A_2930, %max3A_3533 : vector<1x128xf32>
    %exp3A_3542 = math.exp %sub3A_3541 : vector<1x128xf32>
    %mul3A_3543 = arith.constant 1.000000e+00 : f32
    %mul3A_3544 = vector.broadcast %mul3A_3543 : f32 to vector<1x128xf32>
    %mul3A_3545 = arith.mulf %exp3A_3542, %mul3A_3544 : vector<1x128xf32>
    %add3A_3546 = arith.addf %mul3A_3538, %mul3A_3545 : vector<1x128xf32>
    %mul3A_3547 = vector.broadcast %mul3A_3545 : vector<1x128xf32> to vector<128x128xf32>
    %mul3A_3548 = arith.mulf %mul3A_3547, %slice3A_2744 : vector<128x128xf32>
    %add3A_3549 = arith.addf %mul3A_3540, %mul3A_3548 : vector<128x128xf32>
    %add3A_3550 = arith.constant 1.000000e-16 : f32
    %add3A_3551 = vector.broadcast %add3A_3550 : f32 to vector<1x128xf32>
    %add3A_3552 = arith.addf %add3A_3546, %add3A_3551 : vector<1x128xf32>
    %div3A_3553 = arith.constant 1.000000e+00 : f32
    %div3A_3554 = vector.broadcast %div3A_3553 : f32 to vector<1x128xf32>
    %div3A_3555 = arith.divf %div3A_3554, %add3A_3552 : vector<1x128xf32>
    %mul3A_3556 = vector.broadcast %div3A_3555 : vector<1x128xf32> to vector<128x128xf32>
    %mul3A_3557 = arith.mulf %add3A_3549, %mul3A_3556 : vector<128x128xf32>
    %add3A_3558 = vector.broadcast %transpose3A_23 : vector<128x1xf32> to vector<128x128xf32>
    %add3A_3559 = arith.addf %mul3A_3557, %add3A_3558 : vector<128x128xf32>
    %max3A_3560 = arith.maximumf %broadcast_in_dim3A_2943, %broadcast_in_dim3A_2956 : vector<1x128xf32>
    %max3A_3561 = arith.maximumf %max3A_3560, %broadcast_in_dim3A_2969 : vector<1x128xf32>
    %sub3A_3562 = arith.subf %broadcast_in_dim3A_2943, %max3A_3561 : vector<1x128xf32>
    %exp3A_3563 = math.exp %sub3A_3562 : vector<1x128xf32>
    %mul3A_3564 = arith.constant 2.000000e+00 : f32
    %mul3A_3565 = vector.broadcast %mul3A_3564 : f32 to vector<1x128xf32>
    %mul3A_3566 = arith.mulf %exp3A_3563, %mul3A_3565 : vector<1x128xf32>
    %mul3A_3567 = vector.broadcast %mul3A_3566 : vector<1x128xf32> to vector<128x128xf32>
    %mul3A_3568 = arith.mulf %mul3A_3567, %slice3A_2741 : vector<128x128xf32>
    %sub3A_3569 = arith.subf %broadcast_in_dim3A_2956, %max3A_3561 : vector<1x128xf32>
    %exp3A_3570 = math.exp %sub3A_3569 : vector<1x128xf32>
    %mul3A_3571 = arith.constant 2.000000e+00 : f32
    %mul3A_3572 = vector.broadcast %mul3A_3571 : f32 to vector<1x128xf32>
    %mul3A_3573 = arith.mulf %exp3A_3570, %mul3A_3572 : vector<1x128xf32>
    %add3A_3574 = arith.addf %mul3A_3566, %mul3A_3573 : vector<1x128xf32>
    %mul3A_3575 = vector.broadcast %mul3A_3573 : vector<1x128xf32> to vector<128x128xf32>
    %mul3A_3576 = arith.mulf %mul3A_3575, %slice3A_2746 : vector<128x128xf32>
    %add3A_3577 = arith.addf %mul3A_3568, %mul3A_3576 : vector<128x128xf32>
    %sub3A_3578 = arith.subf %broadcast_in_dim3A_2969, %max3A_3561 : vector<1x128xf32>
    %exp3A_3579 = math.exp %sub3A_3578 : vector<1x128xf32>
    %mul3A_3580 = arith.constant 1.000000e+00 : f32
    %mul3A_3581 = vector.broadcast %mul3A_3580 : f32 to vector<1x128xf32>
    %mul3A_3582 = arith.mulf %exp3A_3579, %mul3A_3581 : vector<1x128xf32>
    %add3A_3583 = arith.addf %add3A_3574, %mul3A_3582 : vector<1x128xf32>
    %mul3A_3584 = vector.broadcast %mul3A_3582 : vector<1x128xf32> to vector<128x128xf32>
    %mul3A_3585 = arith.mulf %mul3A_3584, %slice3A_2745 : vector<128x128xf32>
    %add3A_3586 = arith.addf %add3A_3577, %mul3A_3585 : vector<128x128xf32>
    %add3A_3587 = arith.constant 1.000000e-16 : f32
    %add3A_3588 = vector.broadcast %add3A_3587 : f32 to vector<1x128xf32>
    %add3A_3589 = arith.addf %add3A_3583, %add3A_3588 : vector<1x128xf32>
    %div3A_3590 = arith.constant 1.000000e+00 : f32
    %div3A_3591 = vector.broadcast %div3A_3590 : f32 to vector<1x128xf32>
    %div3A_3592 = arith.divf %div3A_3591, %add3A_3589 : vector<1x128xf32>
    %mul3A_3593 = vector.broadcast %div3A_3592 : vector<1x128xf32> to vector<128x128xf32>
    %mul3A_3594 = arith.mulf %add3A_3586, %mul3A_3593 : vector<128x128xf32>
    %add3A_3595 = vector.broadcast %transpose3A_23 : vector<128x1xf32> to vector<128x128xf32>
    %add3A_3596 = arith.addf %mul3A_3594, %add3A_3595 : vector<128x128xf32>
    %max3A_3597 = arith.maximumf %broadcast_in_dim3A_2982, %broadcast_in_dim3A_2995 : vector<1x128xf32>
    %max3A_3598 = arith.maximumf %max3A_3597, %broadcast_in_dim3A_3008 : vector<1x128xf32>
    %sub3A_3599 = arith.subf %broadcast_in_dim3A_2982, %max3A_3598 : vector<1x128xf32>
    %exp3A_3600 = math.exp %sub3A_3599 : vector<1x128xf32>
    %mul3A_3601 = arith.constant 2.000000e+00 : f32
    %mul3A_3602 = vector.broadcast %mul3A_3601 : f32 to vector<1x128xf32>
    %mul3A_3603 = arith.mulf %exp3A_3600, %mul3A_3602 : vector<1x128xf32>
    %mul3A_3604 = vector.broadcast %mul3A_3603 : vector<1x128xf32> to vector<128x128xf32>
    %mul3A_3605 = arith.mulf %mul3A_3604, %slice3A_2745 : vector<128x128xf32>
    %sub3A_3606 = arith.subf %broadcast_in_dim3A_2995, %max3A_3598 : vector<1x128xf32>
    %exp3A_3607 = math.exp %sub3A_3606 : vector<1x128xf32>
    %mul3A_3608 = arith.constant 2.000000e+00 : f32
    %mul3A_3609 = vector.broadcast %mul3A_3608 : f32 to vector<1x128xf32>
    %mul3A_3610 = arith.mulf %exp3A_3607, %mul3A_3609 : vector<1x128xf32>
    %add3A_3611 = arith.addf %mul3A_3603, %mul3A_3610 : vector<1x128xf32>
    %mul3A_3612 = vector.broadcast %mul3A_3610 : vector<1x128xf32> to vector<128x128xf32>
    %mul3A_3613 = arith.mulf %mul3A_3612, %slice3A_2747 : vector<128x128xf32>
    %add3A_3614 = arith.addf %mul3A_3605, %mul3A_3613 : vector<128x128xf32>
    %sub3A_3615 = arith.subf %broadcast_in_dim3A_3008, %max3A_3598 : vector<1x128xf32>
    %exp3A_3616 = math.exp %sub3A_3615 : vector<1x128xf32>
    %mul3A_3617 = arith.constant 1.000000e+00 : f32
    %mul3A_3618 = vector.broadcast %mul3A_3617 : f32 to vector<1x128xf32>
    %mul3A_3619 = arith.mulf %exp3A_3616, %mul3A_3618 : vector<1x128xf32>
    %add3A_3620 = arith.addf %add3A_3611, %mul3A_3619 : vector<1x128xf32>
    %mul3A_3621 = vector.broadcast %mul3A_3619 : vector<1x128xf32> to vector<128x128xf32>
    %mul3A_3622 = arith.mulf %mul3A_3621, %slice3A_2746 : vector<128x128xf32>
    %add3A_3623 = arith.addf %add3A_3614, %mul3A_3622 : vector<128x128xf32>
    %add3A_3624 = arith.constant 1.000000e-16 : f32
    %add3A_3625 = vector.broadcast %add3A_3624 : f32 to vector<1x128xf32>
    %add3A_3626 = arith.addf %add3A_3620, %add3A_3625 : vector<1x128xf32>
    %div3A_3627 = arith.constant 1.000000e+00 : f32
    %div3A_3628 = vector.broadcast %div3A_3627 : f32 to vector<1x128xf32>
    %div3A_3629 = arith.divf %div3A_3628, %add3A_3626 : vector<1x128xf32>
    %mul3A_3630 = vector.broadcast %div3A_3629 : vector<1x128xf32> to vector<128x128xf32>
    %mul3A_3631 = arith.mulf %add3A_3623, %mul3A_3630 : vector<128x128xf32>
    %add3A_3632 = vector.broadcast %transpose3A_23 : vector<128x1xf32> to vector<128x128xf32>
    %add3A_3633 = arith.addf %mul3A_3631, %add3A_3632 : vector<128x128xf32>
    %max3A_3634 = arith.maximumf %broadcast_in_dim3A_3021, %broadcast_in_dim3A_3034 : vector<1x128xf32>
    %sub3A_3635 = arith.subf %broadcast_in_dim3A_3021, %max3A_3634 : vector<1x128xf32>
    %exp3A_3636 = math.exp %sub3A_3635 : vector<1x128xf32>
    %mul3A_3637 = arith.constant 2.000000e+00 : f32
    %mul3A_3638 = vector.broadcast %mul3A_3637 : f32 to vector<1x128xf32>
    %mul3A_3639 = arith.mulf %exp3A_3636, %mul3A_3638 : vector<1x128xf32>
    %mul3A_3640 = vector.broadcast %mul3A_3639 : vector<1x128xf32> to vector<128x128xf32>
    %mul3A_3641 = arith.mulf %mul3A_3640, %slice3A_2746 : vector<128x128xf32>
    %sub3A_3642 = arith.subf %broadcast_in_dim3A_3034, %max3A_3634 : vector<1x128xf32>
    %exp3A_3643 = math.exp %sub3A_3642 : vector<1x128xf32>
    %mul3A_3644 = arith.constant 1.000000e+00 : f32
    %mul3A_3645 = vector.broadcast %mul3A_3644 : f32 to vector<1x128xf32>
    %mul3A_3646 = arith.mulf %exp3A_3643, %mul3A_3645 : vector<1x128xf32>
    %add3A_3647 = arith.addf %mul3A_3639, %mul3A_3646 : vector<1x128xf32>
    %mul3A_3648 = vector.broadcast %mul3A_3646 : vector<1x128xf32> to vector<128x128xf32>
    %mul3A_3649 = arith.mulf %mul3A_3648, %slice3A_2747 : vector<128x128xf32>
    %add3A_3650 = arith.addf %mul3A_3641, %mul3A_3649 : vector<128x128xf32>
    %add3A_3651 = arith.constant 1.000000e-16 : f32
    %add3A_3652 = vector.broadcast %add3A_3651 : f32 to vector<1x128xf32>
    %add3A_3653 = arith.addf %add3A_3647, %add3A_3652 : vector<1x128xf32>
    %div3A_3654 = arith.constant 1.000000e+00 : f32
    %div3A_3655 = vector.broadcast %div3A_3654 : f32 to vector<1x128xf32>
    %div3A_3656 = arith.divf %div3A_3655, %add3A_3653 : vector<1x128xf32>
    %mul3A_3657 = vector.broadcast %div3A_3656 : vector<1x128xf32> to vector<128x128xf32>
    %mul3A_3658 = arith.mulf %add3A_3650, %mul3A_3657 : vector<128x128xf32>
    %add3A_3659 = vector.broadcast %transpose3A_23 : vector<128x1xf32> to vector<128x128xf32>
    %add3A_3660 = arith.addf %mul3A_3658, %add3A_3659 : vector<128x128xf32>
    %max3A_3661 = arith.maximumf %broadcast_in_dim3A_3047, %broadcast_in_dim3A_3060 : vector<1x128xf32>
    %max3A_3662 = arith.maximumf %max3A_3661, %broadcast_in_dim3A_3073 : vector<1x128xf32>
    %sub3A_3663 = arith.subf %broadcast_in_dim3A_3047, %max3A_3662 : vector<1x128xf32>
    %exp3A_3664 = math.exp %sub3A_3663 : vector<1x128xf32>
    %mul3A_3665 = arith.constant 2.000000e+00 : f32
    %mul3A_3666 = vector.broadcast %mul3A_3665 : f32 to vector<1x128xf32>
    %mul3A_3667 = arith.mulf %exp3A_3664, %mul3A_3666 : vector<1x128xf32>
    %mul3A_3668 = vector.broadcast %mul3A_3667 : vector<1x128xf32> to vector<128x128xf32>
    %mul3A_3669 = arith.mulf %mul3A_3668, %slice3A_2741 : vector<128x128xf32>
    %sub3A_3670 = arith.subf %broadcast_in_dim3A_3060, %max3A_3662 : vector<1x128xf32>
    %exp3A_3671 = math.exp %sub3A_3670 : vector<1x128xf32>
    %mul3A_3672 = arith.constant 2.000000e+00 : f32
    %mul3A_3673 = vector.broadcast %mul3A_3672 : f32 to vector<1x128xf32>
    %mul3A_3674 = arith.mulf %exp3A_3671, %mul3A_3673 : vector<1x128xf32>
    %add3A_3675 = arith.addf %mul3A_3667, %mul3A_3674 : vector<1x128xf32>
    %mul3A_3676 = vector.broadcast %mul3A_3674 : vector<1x128xf32> to vector<128x128xf32>
    %mul3A_3677 = arith.mulf %mul3A_3676, %slice3A_2749 : vector<128x128xf32>
    %add3A_3678 = arith.addf %mul3A_3669, %mul3A_3677 : vector<128x128xf32>
    %sub3A_3679 = arith.subf %broadcast_in_dim3A_3073, %max3A_3662 : vector<1x128xf32>
    %exp3A_3680 = math.exp %sub3A_3679 : vector<1x128xf32>
    %mul3A_3681 = arith.constant 1.000000e+00 : f32
    %mul3A_3682 = vector.broadcast %mul3A_3681 : f32 to vector<1x128xf32>
    %mul3A_3683 = arith.mulf %exp3A_3680, %mul3A_3682 : vector<1x128xf32>
    %add3A_3684 = arith.addf %add3A_3675, %mul3A_3683 : vector<1x128xf32>
    %mul3A_3685 = vector.broadcast %mul3A_3683 : vector<1x128xf32> to vector<128x128xf32>
    %mul3A_3686 = arith.mulf %mul3A_3685, %slice3A_2748 : vector<128x128xf32>
    %add3A_3687 = arith.addf %add3A_3678, %mul3A_3686 : vector<128x128xf32>
    %add3A_3688 = arith.constant 1.000000e-16 : f32
    %add3A_3689 = vector.broadcast %add3A_3688 : f32 to vector<1x128xf32>
    %add3A_3690 = arith.addf %add3A_3684, %add3A_3689 : vector<1x128xf32>
    %div3A_3691 = arith.constant 1.000000e+00 : f32
    %div3A_3692 = vector.broadcast %div3A_3691 : f32 to vector<1x128xf32>
    %div3A_3693 = arith.divf %div3A_3692, %add3A_3690 : vector<1x128xf32>
    %mul3A_3694 = vector.broadcast %div3A_3693 : vector<1x128xf32> to vector<128x128xf32>
    %mul3A_3695 = arith.mulf %add3A_3687, %mul3A_3694 : vector<128x128xf32>
    %add3A_3696 = vector.broadcast %transpose3A_23 : vector<128x1xf32> to vector<128x128xf32>
    %add3A_3697 = arith.addf %mul3A_3695, %add3A_3696 : vector<128x128xf32>
    %max3A_3698 = arith.maximumf %broadcast_in_dim3A_3086, %broadcast_in_dim3A_3099 : vector<1x128xf32>
    %max3A_3699 = arith.maximumf %max3A_3698, %broadcast_in_dim3A_3112 : vector<1x128xf32>
    %max3A_3700 = arith.maximumf %max3A_3699, %broadcast_in_dim3A_3125 : vector<1x128xf32>
    %max3A_3701 = arith.maximumf %max3A_3700, %broadcast_in_dim3A_3138 : vector<1x128xf32>
    %sub3A_3702 = arith.subf %broadcast_in_dim3A_3086, %max3A_3701 : vector<1x128xf32>
    %exp3A_3703 = math.exp %sub3A_3702 : vector<1x128xf32>
    %mul3A_3704 = arith.constant 2.000000e+00 : f32
    %mul3A_3705 = vector.broadcast %mul3A_3704 : f32 to vector<1x128xf32>
    %mul3A_3706 = arith.mulf %exp3A_3703, %mul3A_3705 : vector<1x128xf32>
    %mul3A_3707 = vector.broadcast %mul3A_3706 : vector<1x128xf32> to vector<128x128xf32>
    %mul3A_3708 = arith.mulf %mul3A_3707, %slice3A_2748 : vector<128x128xf32>
    %sub3A_3709 = arith.subf %broadcast_in_dim3A_3099, %max3A_3701 : vector<1x128xf32>
    %exp3A_3710 = math.exp %sub3A_3709 : vector<1x128xf32>
    %mul3A_3711 = arith.constant 2.000000e+00 : f32
    %mul3A_3712 = vector.broadcast %mul3A_3711 : f32 to vector<1x128xf32>
    %mul3A_3713 = arith.mulf %exp3A_3710, %mul3A_3712 : vector<1x128xf32>
    %add3A_3714 = arith.addf %mul3A_3706, %mul3A_3713 : vector<1x128xf32>
    %mul3A_3715 = vector.broadcast %mul3A_3713 : vector<1x128xf32> to vector<128x128xf32>
    %mul3A_3716 = arith.mulf %mul3A_3715, %slice3A_2750 : vector<128x128xf32>
    %add3A_3717 = arith.addf %mul3A_3708, %mul3A_3716 : vector<128x128xf32>
    %sub3A_3718 = arith.subf %broadcast_in_dim3A_3112, %max3A_3701 : vector<1x128xf32>
    %exp3A_3719 = math.exp %sub3A_3718 : vector<1x128xf32>
    %mul3A_3720 = arith.constant 2.000000e+00 : f32
    %mul3A_3721 = vector.broadcast %mul3A_3720 : f32 to vector<1x128xf32>
    %mul3A_3722 = arith.mulf %exp3A_3719, %mul3A_3721 : vector<1x128xf32>
    %add3A_3723 = arith.addf %add3A_3714, %mul3A_3722 : vector<1x128xf32>
    %mul3A_3724 = vector.broadcast %mul3A_3722 : vector<1x128xf32> to vector<128x128xf32>
    %mul3A_3725 = arith.mulf %mul3A_3724, %slice3A_2752 : vector<128x128xf32>
    %add3A_3726 = arith.addf %add3A_3717, %mul3A_3725 : vector<128x128xf32>
    %sub3A_3727 = arith.subf %broadcast_in_dim3A_3125, %max3A_3701 : vector<1x128xf32>
    %exp3A_3728 = math.exp %sub3A_3727 : vector<1x128xf32>
    %mul3A_3729 = arith.constant 2.000000e+00 : f32
    %mul3A_3730 = vector.broadcast %mul3A_3729 : f32 to vector<1x128xf32>
    %mul3A_3731 = arith.mulf %exp3A_3728, %mul3A_3730 : vector<1x128xf32>
    %add3A_3732 = arith.addf %add3A_3723, %mul3A_3731 : vector<1x128xf32>
    %mul3A_3733 = vector.broadcast %mul3A_3731 : vector<1x128xf32> to vector<128x128xf32>
    %mul3A_3734 = arith.mulf %mul3A_3733, %slice3A_2755 : vector<128x128xf32>
    %add3A_3735 = arith.addf %add3A_3726, %mul3A_3734 : vector<128x128xf32>
    %sub3A_3736 = arith.subf %broadcast_in_dim3A_3138, %max3A_3701 : vector<1x128xf32>
    %exp3A_3737 = math.exp %sub3A_3736 : vector<1x128xf32>
    %mul3A_3738 = arith.constant 1.000000e+00 : f32
    %mul3A_3739 = vector.broadcast %mul3A_3738 : f32 to vector<1x128xf32>
    %mul3A_3740 = arith.mulf %exp3A_3737, %mul3A_3739 : vector<1x128xf32>
    %add3A_3741 = arith.addf %add3A_3732, %mul3A_3740 : vector<1x128xf32>
    %mul3A_3742 = vector.broadcast %mul3A_3740 : vector<1x128xf32> to vector<128x128xf32>
    %mul3A_3743 = arith.mulf %mul3A_3742, %slice3A_2749 : vector<128x128xf32>
    %add3A_3744 = arith.addf %add3A_3735, %mul3A_3743 : vector<128x128xf32>
    %add3A_3745 = arith.constant 1.000000e-16 : f32
    %add3A_3746 = vector.broadcast %add3A_3745 : f32 to vector<1x128xf32>
    %add3A_3747 = arith.addf %add3A_3741, %add3A_3746 : vector<1x128xf32>
    %div3A_3748 = arith.constant 1.000000e+00 : f32
    %div3A_3749 = vector.broadcast %div3A_3748 : f32 to vector<1x128xf32>
    %div3A_3750 = arith.divf %div3A_3749, %add3A_3747 : vector<1x128xf32>
    %mul3A_3751 = vector.broadcast %div3A_3750 : vector<1x128xf32> to vector<128x128xf32>
    %mul3A_3752 = arith.mulf %add3A_3744, %mul3A_3751 : vector<128x128xf32>
    %add3A_3753 = vector.broadcast %transpose3A_23 : vector<128x1xf32> to vector<128x128xf32>
    %add3A_3754 = arith.addf %mul3A_3752, %add3A_3753 : vector<128x128xf32>
    %max3A_3755 = arith.maximumf %broadcast_in_dim3A_3151, %broadcast_in_dim3A_3164 : vector<1x128xf32>
    %max3A_3756 = arith.maximumf %max3A_3755, %broadcast_in_dim3A_3177 : vector<1x128xf32>
    %sub3A_3757 = arith.subf %broadcast_in_dim3A_3151, %max3A_3756 : vector<1x128xf32>
    %exp3A_3758 = math.exp %sub3A_3757 : vector<1x128xf32>
    %mul3A_3759 = arith.constant 2.000000e+00 : f32
    %mul3A_3760 = vector.broadcast %mul3A_3759 : f32 to vector<1x128xf32>
    %mul3A_3761 = arith.mulf %exp3A_3758, %mul3A_3760 : vector<1x128xf32>
    %mul3A_3762 = vector.broadcast %mul3A_3761 : vector<1x128xf32> to vector<128x128xf32>
    %mul3A_3763 = arith.mulf %mul3A_3762, %slice3A_2749 : vector<128x128xf32>
    %sub3A_3764 = arith.subf %broadcast_in_dim3A_3164, %max3A_3756 : vector<1x128xf32>
    %exp3A_3765 = math.exp %sub3A_3764 : vector<1x128xf32>
    %mul3A_3766 = arith.constant 2.000000e+00 : f32
    %mul3A_3767 = vector.broadcast %mul3A_3766 : f32 to vector<1x128xf32>
    %mul3A_3768 = arith.mulf %exp3A_3765, %mul3A_3767 : vector<1x128xf32>
    %add3A_3769 = arith.addf %mul3A_3761, %mul3A_3768 : vector<1x128xf32>
    %mul3A_3770 = vector.broadcast %mul3A_3768 : vector<1x128xf32> to vector<128x128xf32>
    %mul3A_3771 = arith.mulf %mul3A_3770, %slice3A_2751 : vector<128x128xf32>
    %add3A_3772 = arith.addf %mul3A_3763, %mul3A_3771 : vector<128x128xf32>
    %sub3A_3773 = arith.subf %broadcast_in_dim3A_3177, %max3A_3756 : vector<1x128xf32>
    %exp3A_3774 = math.exp %sub3A_3773 : vector<1x128xf32>
    %mul3A_3775 = arith.constant 1.000000e+00 : f32
    %mul3A_3776 = vector.broadcast %mul3A_3775 : f32 to vector<1x128xf32>
    %mul3A_3777 = arith.mulf %exp3A_3774, %mul3A_3776 : vector<1x128xf32>
    %add3A_3778 = arith.addf %add3A_3769, %mul3A_3777 : vector<1x128xf32>
    %mul3A_3779 = vector.broadcast %mul3A_3777 : vector<1x128xf32> to vector<128x128xf32>
    %mul3A_3780 = arith.mulf %mul3A_3779, %slice3A_2750 : vector<128x128xf32>
    %add3A_3781 = arith.addf %add3A_3772, %mul3A_3780 : vector<128x128xf32>
    %add3A_3782 = arith.constant 1.000000e-16 : f32
    %add3A_3783 = vector.broadcast %add3A_3782 : f32 to vector<1x128xf32>
    %add3A_3784 = arith.addf %add3A_3778, %add3A_3783 : vector<1x128xf32>
    %div3A_3785 = arith.constant 1.000000e+00 : f32
    %div3A_3786 = vector.broadcast %div3A_3785 : f32 to vector<1x128xf32>
    %div3A_3787 = arith.divf %div3A_3786, %add3A_3784 : vector<1x128xf32>
    %mul3A_3788 = vector.broadcast %div3A_3787 : vector<1x128xf32> to vector<128x128xf32>
    %mul3A_3789 = arith.mulf %add3A_3781, %mul3A_3788 : vector<128x128xf32>
    %add3A_3790 = vector.broadcast %transpose3A_23 : vector<128x1xf32> to vector<128x128xf32>
    %add3A_3791 = arith.addf %mul3A_3789, %add3A_3790 : vector<128x128xf32>
    %max3A_3792 = arith.maximumf %broadcast_in_dim3A_3190, %broadcast_in_dim3A_3203 : vector<1x128xf32>
    %sub3A_3793 = arith.subf %broadcast_in_dim3A_3190, %max3A_3792 : vector<1x128xf32>
    %exp3A_3794 = math.exp %sub3A_3793 : vector<1x128xf32>
    %mul3A_3795 = arith.constant 2.000000e+00 : f32
    %mul3A_3796 = vector.broadcast %mul3A_3795 : f32 to vector<1x128xf32>
    %mul3A_3797 = arith.mulf %exp3A_3794, %mul3A_3796 : vector<1x128xf32>
    %mul3A_3798 = vector.broadcast %mul3A_3797 : vector<1x128xf32> to vector<128x128xf32>
    %mul3A_3799 = arith.mulf %mul3A_3798, %slice3A_2750 : vector<128x128xf32>
    %sub3A_3800 = arith.subf %broadcast_in_dim3A_3203, %max3A_3792 : vector<1x128xf32>
    %exp3A_3801 = math.exp %sub3A_3800 : vector<1x128xf32>
    %mul3A_3802 = arith.constant 1.000000e+00 : f32
    %mul3A_3803 = vector.broadcast %mul3A_3802 : f32 to vector<1x128xf32>
    %mul3A_3804 = arith.mulf %exp3A_3801, %mul3A_3803 : vector<1x128xf32>
    %add3A_3805 = arith.addf %mul3A_3797, %mul3A_3804 : vector<1x128xf32>
    %mul3A_3806 = vector.broadcast %mul3A_3804 : vector<1x128xf32> to vector<128x128xf32>
    %mul3A_3807 = arith.mulf %mul3A_3806, %slice3A_2751 : vector<128x128xf32>
    %add3A_3808 = arith.addf %mul3A_3799, %mul3A_3807 : vector<128x128xf32>
    %add3A_3809 = arith.constant 1.000000e-16 : f32
    %add3A_3810 = vector.broadcast %add3A_3809 : f32 to vector<1x128xf32>
    %add3A_3811 = arith.addf %add3A_3805, %add3A_3810 : vector<1x128xf32>
    %div3A_3812 = arith.constant 1.000000e+00 : f32
    %div3A_3813 = vector.broadcast %div3A_3812 : f32 to vector<1x128xf32>
    %div3A_3814 = arith.divf %div3A_3813, %add3A_3811 : vector<1x128xf32>
    %mul3A_3815 = vector.broadcast %div3A_3814 : vector<1x128xf32> to vector<128x128xf32>
    %mul3A_3816 = arith.mulf %add3A_3808, %mul3A_3815 : vector<128x128xf32>
    %add3A_3817 = vector.broadcast %transpose3A_23 : vector<128x1xf32> to vector<128x128xf32>
    %add3A_3818 = arith.addf %mul3A_3816, %add3A_3817 : vector<128x128xf32>
    %max3A_3819 = arith.maximumf %broadcast_in_dim3A_3216, %broadcast_in_dim3A_3229 : vector<1x128xf32>
    %max3A_3820 = arith.maximumf %max3A_3819, %broadcast_in_dim3A_3242 : vector<1x128xf32>
    %sub3A_3821 = arith.subf %broadcast_in_dim3A_3216, %max3A_3820 : vector<1x128xf32>
    %exp3A_3822 = math.exp %sub3A_3821 : vector<1x128xf32>
    %mul3A_3823 = arith.constant 2.000000e+00 : f32
    %mul3A_3824 = vector.broadcast %mul3A_3823 : f32 to vector<1x128xf32>
    %mul3A_3825 = arith.mulf %exp3A_3822, %mul3A_3824 : vector<1x128xf32>
    %mul3A_3826 = vector.broadcast %mul3A_3825 : vector<1x128xf32> to vector<128x128xf32>
    %mul3A_3827 = arith.mulf %mul3A_3826, %slice3A_2749 : vector<128x128xf32>
    %sub3A_3828 = arith.subf %broadcast_in_dim3A_3229, %max3A_3820 : vector<1x128xf32>
    %exp3A_3829 = math.exp %sub3A_3828 : vector<1x128xf32>
    %mul3A_3830 = arith.constant 2.000000e+00 : f32
    %mul3A_3831 = vector.broadcast %mul3A_3830 : f32 to vector<1x128xf32>
    %mul3A_3832 = arith.mulf %exp3A_3829, %mul3A_3831 : vector<1x128xf32>
    %add3A_3833 = arith.addf %mul3A_3825, %mul3A_3832 : vector<1x128xf32>
    %mul3A_3834 = vector.broadcast %mul3A_3832 : vector<1x128xf32> to vector<128x128xf32>
    %mul3A_3835 = arith.mulf %mul3A_3834, %slice3A_2753 : vector<128x128xf32>
    %add3A_3836 = arith.addf %mul3A_3827, %mul3A_3835 : vector<128x128xf32>
    %sub3A_3837 = arith.subf %broadcast_in_dim3A_3242, %max3A_3820 : vector<1x128xf32>
    %exp3A_3838 = math.exp %sub3A_3837 : vector<1x128xf32>
    %mul3A_3839 = arith.constant 1.000000e+00 : f32
    %mul3A_3840 = vector.broadcast %mul3A_3839 : f32 to vector<1x128xf32>
    %mul3A_3841 = arith.mulf %exp3A_3838, %mul3A_3840 : vector<1x128xf32>
    %add3A_3842 = arith.addf %add3A_3833, %mul3A_3841 : vector<1x128xf32>
    %mul3A_3843 = vector.broadcast %mul3A_3841 : vector<1x128xf32> to vector<128x128xf32>
    %mul3A_3844 = arith.mulf %mul3A_3843, %slice3A_2752 : vector<128x128xf32>
    %add3A_3845 = arith.addf %add3A_3836, %mul3A_3844 : vector<128x128xf32>
    %add3A_3846 = arith.constant 1.000000e-16 : f32
    %add3A_3847 = vector.broadcast %add3A_3846 : f32 to vector<1x128xf32>
    %add3A_3848 = arith.addf %add3A_3842, %add3A_3847 : vector<1x128xf32>
    %div3A_3849 = arith.constant 1.000000e+00 : f32
    %div3A_3850 = vector.broadcast %div3A_3849 : f32 to vector<1x128xf32>
    %div3A_3851 = arith.divf %div3A_3850, %add3A_3848 : vector<1x128xf32>
    %mul3A_3852 = vector.broadcast %div3A_3851 : vector<1x128xf32> to vector<128x128xf32>
    %mul3A_3853 = arith.mulf %add3A_3845, %mul3A_3852 : vector<128x128xf32>
    %add3A_3854 = vector.broadcast %transpose3A_23 : vector<128x1xf32> to vector<128x128xf32>
    %add3A_3855 = arith.addf %mul3A_3853, %add3A_3854 : vector<128x128xf32>
    %max3A_3856 = arith.maximumf %broadcast_in_dim3A_3255, %broadcast_in_dim3A_3268 : vector<1x128xf32>
    %max3A_3857 = arith.maximumf %max3A_3856, %broadcast_in_dim3A_3281 : vector<1x128xf32>
    %sub3A_3858 = arith.subf %broadcast_in_dim3A_3255, %max3A_3857 : vector<1x128xf32>
    %exp3A_3859 = math.exp %sub3A_3858 : vector<1x128xf32>
    %mul3A_3860 = arith.constant 2.000000e+00 : f32
    %mul3A_3861 = vector.broadcast %mul3A_3860 : f32 to vector<1x128xf32>
    %mul3A_3862 = arith.mulf %exp3A_3859, %mul3A_3861 : vector<1x128xf32>
    %mul3A_3863 = vector.broadcast %mul3A_3862 : vector<1x128xf32> to vector<128x128xf32>
    %mul3A_3864 = arith.mulf %mul3A_3863, %slice3A_2752 : vector<128x128xf32>
    %sub3A_3865 = arith.subf %broadcast_in_dim3A_3268, %max3A_3857 : vector<1x128xf32>
    %exp3A_3866 = math.exp %sub3A_3865 : vector<1x128xf32>
    %mul3A_3867 = arith.constant 2.000000e+00 : f32
    %mul3A_3868 = vector.broadcast %mul3A_3867 : f32 to vector<1x128xf32>
    %mul3A_3869 = arith.mulf %exp3A_3866, %mul3A_3868 : vector<1x128xf32>
    %add3A_3870 = arith.addf %mul3A_3862, %mul3A_3869 : vector<1x128xf32>
    %mul3A_3871 = vector.broadcast %mul3A_3869 : vector<1x128xf32> to vector<128x128xf32>
    %mul3A_3872 = arith.mulf %mul3A_3871, %slice3A_2754 : vector<128x128xf32>
    %add3A_3873 = arith.addf %mul3A_3864, %mul3A_3872 : vector<128x128xf32>
    %sub3A_3874 = arith.subf %broadcast_in_dim3A_3281, %max3A_3857 : vector<1x128xf32>
    %exp3A_3875 = math.exp %sub3A_3874 : vector<1x128xf32>
    %mul3A_3876 = arith.constant 1.000000e+00 : f32
    %mul3A_3877 = vector.broadcast %mul3A_3876 : f32 to vector<1x128xf32>
    %mul3A_3878 = arith.mulf %exp3A_3875, %mul3A_3877 : vector<1x128xf32>
    %add3A_3879 = arith.addf %add3A_3870, %mul3A_3878 : vector<1x128xf32>
    %mul3A_3880 = vector.broadcast %mul3A_3878 : vector<1x128xf32> to vector<128x128xf32>
    %mul3A_3881 = arith.mulf %mul3A_3880, %slice3A_2753 : vector<128x128xf32>
    %add3A_3882 = arith.addf %add3A_3873, %mul3A_3881 : vector<128x128xf32>
    %add3A_3883 = arith.constant 1.000000e-16 : f32
    %add3A_3884 = vector.broadcast %add3A_3883 : f32 to vector<1x128xf32>
    %add3A_3885 = arith.addf %add3A_3879, %add3A_3884 : vector<1x128xf32>
    %div3A_3886 = arith.constant 1.000000e+00 : f32
    %div3A_3887 = vector.broadcast %div3A_3886 : f32 to vector<1x128xf32>
    %div3A_3888 = arith.divf %div3A_3887, %add3A_3885 : vector<1x128xf32>
    %mul3A_3889 = vector.broadcast %div3A_3888 : vector<1x128xf32> to vector<128x128xf32>
    %mul3A_3890 = arith.mulf %add3A_3882, %mul3A_3889 : vector<128x128xf32>
    %add3A_3891 = vector.broadcast %transpose3A_23 : vector<128x1xf32> to vector<128x128xf32>
    %add3A_3892 = arith.addf %mul3A_3890, %add3A_3891 : vector<128x128xf32>
    %max3A_3893 = arith.maximumf %broadcast_in_dim3A_3294, %broadcast_in_dim3A_3307 : vector<1x128xf32>
    %sub3A_3894 = arith.subf %broadcast_in_dim3A_3294, %max3A_3893 : vector<1x128xf32>
    %exp3A_3895 = math.exp %sub3A_3894 : vector<1x128xf32>
    %mul3A_3896 = arith.constant 2.000000e+00 : f32
    %mul3A_3897 = vector.broadcast %mul3A_3896 : f32 to vector<1x128xf32>
    %mul3A_3898 = arith.mulf %exp3A_3895, %mul3A_3897 : vector<1x128xf32>
    %mul3A_3899 = vector.broadcast %mul3A_3898 : vector<1x128xf32> to vector<128x128xf32>
    %mul3A_3900 = arith.mulf %mul3A_3899, %slice3A_2753 : vector<128x128xf32>
    %sub3A_3901 = arith.subf %broadcast_in_dim3A_3307, %max3A_3893 : vector<1x128xf32>
    %exp3A_3902 = math.exp %sub3A_3901 : vector<1x128xf32>
    %mul3A_3903 = arith.constant 1.000000e+00 : f32
    %mul3A_3904 = vector.broadcast %mul3A_3903 : f32 to vector<1x128xf32>
    %mul3A_3905 = arith.mulf %exp3A_3902, %mul3A_3904 : vector<1x128xf32>
    %add3A_3906 = arith.addf %mul3A_3898, %mul3A_3905 : vector<1x128xf32>
    %mul3A_3907 = vector.broadcast %mul3A_3905 : vector<1x128xf32> to vector<128x128xf32>
    %mul3A_3908 = arith.mulf %mul3A_3907, %slice3A_2754 : vector<128x128xf32>
    %add3A_3909 = arith.addf %mul3A_3900, %mul3A_3908 : vector<128x128xf32>
    %add3A_3910 = arith.constant 1.000000e-16 : f32
    %add3A_3911 = vector.broadcast %add3A_3910 : f32 to vector<1x128xf32>
    %add3A_3912 = arith.addf %add3A_3906, %add3A_3911 : vector<1x128xf32>
    %div3A_3913 = arith.constant 1.000000e+00 : f32
    %div3A_3914 = vector.broadcast %div3A_3913 : f32 to vector<1x128xf32>
    %div3A_3915 = arith.divf %div3A_3914, %add3A_3912 : vector<1x128xf32>
    %mul3A_3916 = vector.broadcast %div3A_3915 : vector<1x128xf32> to vector<128x128xf32>
    %mul3A_3917 = arith.mulf %add3A_3909, %mul3A_3916 : vector<128x128xf32>
    %add3A_3918 = vector.broadcast %transpose3A_23 : vector<128x1xf32> to vector<128x128xf32>
    %add3A_3919 = arith.addf %mul3A_3917, %add3A_3918 : vector<128x128xf32>
    %max3A_3920 = arith.maximumf %broadcast_in_dim3A_3320, %broadcast_in_dim3A_3333 : vector<1x128xf32>
    %max3A_3921 = arith.maximumf %max3A_3920, %broadcast_in_dim3A_3346 : vector<1x128xf32>
    %sub3A_3922 = arith.subf %broadcast_in_dim3A_3320, %max3A_3921 : vector<1x128xf32>
    %exp3A_3923 = math.exp %sub3A_3922 : vector<1x128xf32>
    %mul3A_3924 = arith.constant 2.000000e+00 : f32
    %mul3A_3925 = vector.broadcast %mul3A_3924 : f32 to vector<1x128xf32>
    %mul3A_3926 = arith.mulf %exp3A_3923, %mul3A_3925 : vector<1x128xf32>
    %mul3A_3927 = vector.broadcast %mul3A_3926 : vector<1x128xf32> to vector<128x128xf32>
    %mul3A_3928 = arith.mulf %mul3A_3927, %slice3A_2749 : vector<128x128xf32>
    %sub3A_3929 = arith.subf %broadcast_in_dim3A_3333, %max3A_3921 : vector<1x128xf32>
    %exp3A_3930 = math.exp %sub3A_3929 : vector<1x128xf32>
    %mul3A_3931 = arith.constant 2.000000e+00 : f32
    %mul3A_3932 = vector.broadcast %mul3A_3931 : f32 to vector<1x128xf32>
    %mul3A_3933 = arith.mulf %exp3A_3930, %mul3A_3932 : vector<1x128xf32>
    %add3A_3934 = arith.addf %mul3A_3926, %mul3A_3933 : vector<1x128xf32>
    %mul3A_3935 = vector.broadcast %mul3A_3933 : vector<1x128xf32> to vector<128x128xf32>
    %mul3A_3936 = arith.mulf %mul3A_3935, %slice3A_2756 : vector<128x128xf32>
    %add3A_3937 = arith.addf %mul3A_3928, %mul3A_3936 : vector<128x128xf32>
    %sub3A_3938 = arith.subf %broadcast_in_dim3A_3346, %max3A_3921 : vector<1x128xf32>
    %exp3A_3939 = math.exp %sub3A_3938 : vector<1x128xf32>
    %mul3A_3940 = arith.constant 1.000000e+00 : f32
    %mul3A_3941 = vector.broadcast %mul3A_3940 : f32 to vector<1x128xf32>
    %mul3A_3942 = arith.mulf %exp3A_3939, %mul3A_3941 : vector<1x128xf32>
    %add3A_3943 = arith.addf %add3A_3934, %mul3A_3942 : vector<1x128xf32>
    %mul3A_3944 = vector.broadcast %mul3A_3942 : vector<1x128xf32> to vector<128x128xf32>
    %mul3A_3945 = arith.mulf %mul3A_3944, %slice3A_2755 : vector<128x128xf32>
    %add3A_3946 = arith.addf %add3A_3937, %mul3A_3945 : vector<128x128xf32>
    %add3A_3947 = arith.constant 1.000000e-16 : f32
    %add3A_3948 = vector.broadcast %add3A_3947 : f32 to vector<1x128xf32>
    %add3A_3949 = arith.addf %add3A_3943, %add3A_3948 : vector<1x128xf32>
    %div3A_3950 = arith.constant 1.000000e+00 : f32
    %div3A_3951 = vector.broadcast %div3A_3950 : f32 to vector<1x128xf32>
    %div3A_3952 = arith.divf %div3A_3951, %add3A_3949 : vector<1x128xf32>
    %mul3A_3953 = vector.broadcast %div3A_3952 : vector<1x128xf32> to vector<128x128xf32>
    %mul3A_3954 = arith.mulf %add3A_3946, %mul3A_3953 : vector<128x128xf32>
    %add3A_3955 = vector.broadcast %transpose3A_23 : vector<128x1xf32> to vector<128x128xf32>
    %add3A_3956 = arith.addf %mul3A_3954, %add3A_3955 : vector<128x128xf32>
    %max3A_3957 = arith.maximumf %broadcast_in_dim3A_3359, %broadcast_in_dim3A_3372 : vector<1x128xf32>
    %max3A_3958 = arith.maximumf %max3A_3957, %broadcast_in_dim3A_3385 : vector<1x128xf32>
    %sub3A_3959 = arith.subf %broadcast_in_dim3A_3359, %max3A_3958 : vector<1x128xf32>
    %exp3A_3960 = math.exp %sub3A_3959 : vector<1x128xf32>
    %mul3A_3961 = arith.constant 2.000000e+00 : f32
    %mul3A_3962 = vector.broadcast %mul3A_3961 : f32 to vector<1x128xf32>
    %mul3A_3963 = arith.mulf %exp3A_3960, %mul3A_3962 : vector<1x128xf32>
    %mul3A_3964 = vector.broadcast %mul3A_3963 : vector<1x128xf32> to vector<128x128xf32>
    %mul3A_3965 = arith.mulf %mul3A_3964, %slice3A_2755 : vector<128x128xf32>
    %sub3A_3966 = arith.subf %broadcast_in_dim3A_3372, %max3A_3958 : vector<1x128xf32>
    %exp3A_3967 = math.exp %sub3A_3966 : vector<1x128xf32>
    %mul3A_3968 = arith.constant 2.000000e+00 : f32
    %mul3A_3969 = vector.broadcast %mul3A_3968 : f32 to vector<1x128xf32>
    %mul3A_3970 = arith.mulf %exp3A_3967, %mul3A_3969 : vector<1x128xf32>
    %add3A_3971 = arith.addf %mul3A_3963, %mul3A_3970 : vector<1x128xf32>
    %mul3A_3972 = vector.broadcast %mul3A_3970 : vector<1x128xf32> to vector<128x128xf32>
    %mul3A_3973 = arith.mulf %mul3A_3972, %slice3A_2757 : vector<128x128xf32>
    %add3A_3974 = arith.addf %mul3A_3965, %mul3A_3973 : vector<128x128xf32>
    %sub3A_3975 = arith.subf %broadcast_in_dim3A_3385, %max3A_3958 : vector<1x128xf32>
    %exp3A_3976 = math.exp %sub3A_3975 : vector<1x128xf32>
    %mul3A_3977 = arith.constant 1.000000e+00 : f32
    %mul3A_3978 = vector.broadcast %mul3A_3977 : f32 to vector<1x128xf32>
    %mul3A_3979 = arith.mulf %exp3A_3976, %mul3A_3978 : vector<1x128xf32>
    %add3A_3980 = arith.addf %add3A_3971, %mul3A_3979 : vector<1x128xf32>
    %mul3A_3981 = vector.broadcast %mul3A_3979 : vector<1x128xf32> to vector<128x128xf32>
    %mul3A_3982 = arith.mulf %mul3A_3981, %slice3A_2756 : vector<128x128xf32>
    %add3A_3983 = arith.addf %add3A_3974, %mul3A_3982 : vector<128x128xf32>
    %add3A_3984 = arith.constant 1.000000e-16 : f32
    %add3A_3985 = vector.broadcast %add3A_3984 : f32 to vector<1x128xf32>
    %add3A_3986 = arith.addf %add3A_3980, %add3A_3985 : vector<1x128xf32>
    %div3A_3987 = arith.constant 1.000000e+00 : f32
    %div3A_3988 = vector.broadcast %div3A_3987 : f32 to vector<1x128xf32>
    %div3A_3989 = arith.divf %div3A_3988, %add3A_3986 : vector<1x128xf32>
    %mul3A_3990 = vector.broadcast %div3A_3989 : vector<1x128xf32> to vector<128x128xf32>
    %mul3A_3991 = arith.mulf %add3A_3983, %mul3A_3990 : vector<128x128xf32>
    %add3A_3992 = vector.broadcast %transpose3A_23 : vector<128x1xf32> to vector<128x128xf32>
    %add3A_3993 = arith.addf %mul3A_3991, %add3A_3992 : vector<128x128xf32>
    %max3A_3994 = arith.maximumf %broadcast_in_dim3A_3398, %broadcast_in_dim3A_3411 : vector<1x128xf32>
    %sub3A_3995 = arith.subf %broadcast_in_dim3A_3398, %max3A_3994 : vector<1x128xf32>
    %exp3A_3996 = math.exp %sub3A_3995 : vector<1x128xf32>
    %mul3A_3997 = arith.constant 2.000000e+00 : f32
    %mul3A_3998 = vector.broadcast %mul3A_3997 : f32 to vector<1x128xf32>
    %mul3A_3999 = arith.mulf %exp3A_3996, %mul3A_3998 : vector<1x128xf32>
    %mul3A_4000 = vector.broadcast %mul3A_3999 : vector<1x128xf32> to vector<128x128xf32>
    %mul3A_4001 = arith.mulf %mul3A_4000, %slice3A_2756 : vector<128x128xf32>
    %sub3A_4002 = arith.subf %broadcast_in_dim3A_3411, %max3A_3994 : vector<1x128xf32>
    %exp3A_4003 = math.exp %sub3A_4002 : vector<1x128xf32>
    %mul3A_4004 = arith.constant 1.000000e+00 : f32
    %mul3A_4005 = vector.broadcast %mul3A_4004 : f32 to vector<1x128xf32>
    %mul3A_4006 = arith.mulf %exp3A_4003, %mul3A_4005 : vector<1x128xf32>
    %add3A_4007 = arith.addf %mul3A_3999, %mul3A_4006 : vector<1x128xf32>
    %mul3A_4008 = vector.broadcast %mul3A_4006 : vector<1x128xf32> to vector<128x128xf32>
    %mul3A_4009 = arith.mulf %mul3A_4008, %slice3A_2757 : vector<128x128xf32>
    %add3A_4010 = arith.addf %mul3A_4001, %mul3A_4009 : vector<128x128xf32>
    %add3A_4011 = arith.constant 1.000000e-16 : f32
    %add3A_4012 = vector.broadcast %add3A_4011 : f32 to vector<1x128xf32>
    %add3A_4013 = arith.addf %add3A_4007, %add3A_4012 : vector<1x128xf32>
    %div3A_4014 = arith.constant 1.000000e+00 : f32
    %div3A_4015 = vector.broadcast %div3A_4014 : f32 to vector<1x128xf32>
    %div3A_4016 = arith.divf %div3A_4015, %add3A_4013 : vector<1x128xf32>
    %mul3A_4017 = vector.broadcast %div3A_4016 : vector<1x128xf32> to vector<128x128xf32>
    %mul3A_4018 = arith.mulf %add3A_4010, %mul3A_4017 : vector<128x128xf32>
    %add3A_4019 = vector.broadcast %transpose3A_23 : vector<128x1xf32> to vector<128x128xf32>
    %add3A_4020 = arith.addf %mul3A_4018, %add3A_4019 : vector<128x128xf32>
    %concatenate3A_4021 = tpu.concatenate %add3A_3458, %add3A_3495, %add3A_3532, %add3A_3559, %add3A_3596, %add3A_3633, %add3A_3660, %add3A_3697, %add3A_3754, %add3A_3791, %add3A_3818, %add3A_3855, %add3A_3892, %add3A_3919, %add3A_3956, %add3A_3993, %add3A_4020 in 1 : vector<128x128xf32>, vector<128x128xf32>, vector<128x128xf32>, vector<128x128xf32>, vector<128x128xf32>, vector<128x128xf32>, vector<128x128xf32>, vector<128x128xf32>, vector<128x128xf32>, vector<128x128xf32>, vector<128x128xf32>, vector<128x128xf32>, vector<128x128xf32>, vector<128x128xf32>, vector<128x128xf32>, vector<128x128xf32>, vector<128x128xf32> -> vector<128x2176xf32>
    %mul3A_4022 = vector.broadcast %sub3A_2732 : f32 to vector<128x2176xf32>
    %mul3A_4023 = arith.mulf %mul3A_4022, %concatenate3A_4021 : vector<128x2176xf32>
    %mul3A_4024 = vector.broadcast %get3A_2 : f32 to vector<128x2176xf32>
    %mul3A_4025 = arith.mulf %mul3A_4024, %concatenate3A : vector<128x2176xf32>
    %add3A_4026 = arith.addf %mul3A_4023, %mul3A_4025 : vector<128x2176xf32>
    %sub3A_4027 = arith.constant 1.000000e+00 : f32
    %sub3A_4028 = arith.subf %sub3A_4027, %get3A_2 : f32
    %dot_general3A_4029 = arith.constant dense<0.000000e+00> : vector<128x2176xf32>
    %dot_general3A_4030 = tpu.matmul %get3A_5, %add3A_4026, %dot_general3A_4029 {dimension_numbers = #tpu.dot_dimension_numbers<[0], [0], [1], [1], [0, 1, 1, 1], [], []>, transpose_lhs_hint = false} : vector<128x128xf32>, vector<128x2176xf32>, vector<128x2176xf32> -> vector<128x2176xf32>
    %add3A_4031 = vector.broadcast %transpose3A : vector<128x1xf32> to vector<128x2176xf32>
    %add3A_4032 = arith.addf %dot_general3A_4030, %add3A_4031 : vector<128x2176xf32>
    %dot_general3A_4033 = arith.constant dense<0.000000e+00> : vector<128x2176xf32>
    %dot_general3A_4034 = tpu.matmul %get3A_8, %add3A_4026, %dot_general3A_4033 {dimension_numbers = #tpu.dot_dimension_numbers<[0], [0], [1], [1], [0, 1, 1, 1], [], []>, transpose_lhs_hint = false} : vector<128x128xf32>, vector<128x2176xf32>, vector<128x2176xf32> -> vector<128x2176xf32>
    %add3A_4035 = vector.broadcast %transpose3A_15 : vector<128x1xf32> to vector<128x2176xf32>
    %add3A_4036 = arith.addf %dot_general3A_4034, %add3A_4035 : vector<128x2176xf32>
    %slice3A_4037 = vector.extract_strided_slice %add3A_4032 {offsets = [0, 0], sizes = [128, 128], strides = [1, 1]} : vector<128x2176xf32> to vector<128x128xf32>
    %slice3A_4038 = vector.extract_strided_slice %add3A_4032 {offsets = [0, 128], sizes = [128, 128], strides = [1, 1]} : vector<128x2176xf32> to vector<128x128xf32>
    %slice3A_4039 = vector.extract_strided_slice %add3A_4032 {offsets = [0, 256], sizes = [128, 128], strides = [1, 1]} : vector<128x2176xf32> to vector<128x128xf32>
    %slice3A_4040 = vector.extract_strided_slice %add3A_4032 {offsets = [0, 384], sizes = [128, 128], strides = [1, 1]} : vector<128x2176xf32> to vector<128x128xf32>
    %slice3A_4041 = vector.extract_strided_slice %add3A_4032 {offsets = [0, 512], sizes = [128, 128], strides = [1, 1]} : vector<128x2176xf32> to vector<128x128xf32>
    %slice3A_4042 = vector.extract_strided_slice %add3A_4032 {offsets = [0, 640], sizes = [128, 128], strides = [1, 1]} : vector<128x2176xf32> to vector<128x128xf32>
    %slice3A_4043 = vector.extract_strided_slice %add3A_4032 {offsets = [0, 768], sizes = [128, 128], strides = [1, 1]} : vector<128x2176xf32> to vector<128x128xf32>
    %slice3A_4044 = vector.extract_strided_slice %add3A_4032 {offsets = [0, 896], sizes = [128, 128], strides = [1, 1]} : vector<128x2176xf32> to vector<128x128xf32>
    %slice3A_4045 = vector.extract_strided_slice %add3A_4032 {offsets = [0, 1024], sizes = [128, 128], strides = [1, 1]} : vector<128x2176xf32> to vector<128x128xf32>
    %slice3A_4046 = vector.extract_strided_slice %add3A_4032 {offsets = [0, 1152], sizes = [128, 128], strides = [1, 1]} : vector<128x2176xf32> to vector<128x128xf32>
    %slice3A_4047 = vector.extract_strided_slice %add3A_4032 {offsets = [0, 1280], sizes = [128, 128], strides = [1, 1]} : vector<128x2176xf32> to vector<128x128xf32>
    %slice3A_4048 = vector.extract_strided_slice %add3A_4032 {offsets = [0, 1408], sizes = [128, 128], strides = [1, 1]} : vector<128x2176xf32> to vector<128x128xf32>
    %slice3A_4049 = vector.extract_strided_slice %add3A_4032 {offsets = [0, 1536], sizes = [128, 128], strides = [1, 1]} : vector<128x2176xf32> to vector<128x128xf32>
    %slice3A_4050 = vector.extract_strided_slice %add3A_4032 {offsets = [0, 1664], sizes = [128, 128], strides = [1, 1]} : vector<128x2176xf32> to vector<128x128xf32>
    %slice3A_4051 = vector.extract_strided_slice %add3A_4032 {offsets = [0, 1792], sizes = [128, 128], strides = [1, 1]} : vector<128x2176xf32> to vector<128x128xf32>
    %slice3A_4052 = vector.extract_strided_slice %add3A_4032 {offsets = [0, 1920], sizes = [128, 128], strides = [1, 1]} : vector<128x2176xf32> to vector<128x128xf32>
    %slice3A_4053 = vector.extract_strided_slice %add3A_4032 {offsets = [0, 2048], sizes = [128, 128], strides = [1, 1]} : vector<128x2176xf32> to vector<128x128xf32>
    %slice3A_4054 = vector.extract_strided_slice %add3A_4036 {offsets = [0, 0], sizes = [128, 128], strides = [1, 1]} : vector<128x2176xf32> to vector<128x128xf32>
    %slice3A_4055 = vector.extract_strided_slice %add3A_4036 {offsets = [0, 128], sizes = [128, 128], strides = [1, 1]} : vector<128x2176xf32> to vector<128x128xf32>
    %slice3A_4056 = vector.extract_strided_slice %add3A_4036 {offsets = [0, 256], sizes = [128, 128], strides = [1, 1]} : vector<128x2176xf32> to vector<128x128xf32>
    %slice3A_4057 = vector.extract_strided_slice %add3A_4036 {offsets = [0, 384], sizes = [128, 128], strides = [1, 1]} : vector<128x2176xf32> to vector<128x128xf32>
    %slice3A_4058 = vector.extract_strided_slice %add3A_4036 {offsets = [0, 512], sizes = [128, 128], strides = [1, 1]} : vector<128x2176xf32> to vector<128x128xf32>
    %slice3A_4059 = vector.extract_strided_slice %add3A_4036 {offsets = [0, 640], sizes = [128, 128], strides = [1, 1]} : vector<128x2176xf32> to vector<128x128xf32>
    %slice3A_4060 = vector.extract_strided_slice %add3A_4036 {offsets = [0, 768], sizes = [128, 128], strides = [1, 1]} : vector<128x2176xf32> to vector<128x128xf32>
    %slice3A_4061 = vector.extract_strided_slice %add3A_4036 {offsets = [0, 896], sizes = [128, 128], strides = [1, 1]} : vector<128x2176xf32> to vector<128x128xf32>
    %slice3A_4062 = vector.extract_strided_slice %add3A_4036 {offsets = [0, 1024], sizes = [128, 128], strides = [1, 1]} : vector<128x2176xf32> to vector<128x128xf32>
    %slice3A_4063 = vector.extract_strided_slice %add3A_4036 {offsets = [0, 1152], sizes = [128, 128], strides = [1, 1]} : vector<128x2176xf32> to vector<128x128xf32>
    %slice3A_4064 = vector.extract_strided_slice %add3A_4036 {offsets = [0, 1280], sizes = [128, 128], strides = [1, 1]} : vector<128x2176xf32> to vector<128x128xf32>
    %slice3A_4065 = vector.extract_strided_slice %add3A_4036 {offsets = [0, 1408], sizes = [128, 128], strides = [1, 1]} : vector<128x2176xf32> to vector<128x128xf32>
    %slice3A_4066 = vector.extract_strided_slice %add3A_4036 {offsets = [0, 1536], sizes = [128, 128], strides = [1, 1]} : vector<128x2176xf32> to vector<128x128xf32>
    %slice3A_4067 = vector.extract_strided_slice %add3A_4036 {offsets = [0, 1664], sizes = [128, 128], strides = [1, 1]} : vector<128x2176xf32> to vector<128x128xf32>
    %slice3A_4068 = vector.extract_strided_slice %add3A_4036 {offsets = [0, 1792], sizes = [128, 128], strides = [1, 1]} : vector<128x2176xf32> to vector<128x128xf32>
    %slice3A_4069 = vector.extract_strided_slice %add3A_4036 {offsets = [0, 1920], sizes = [128, 128], strides = [1, 1]} : vector<128x2176xf32> to vector<128x128xf32>
    %slice3A_4070 = vector.extract_strided_slice %add3A_4036 {offsets = [0, 2048], sizes = [128, 128], strides = [1, 1]} : vector<128x2176xf32> to vector<128x128xf32>
    %add3A_4071 = arith.addf %slice3A_4038, %slice3A_4054 : vector<128x128xf32>
    %ge3A_4072 = arith.constant 0.000000e+00 : f32
    %ge3A_4073 = vector.broadcast %ge3A_4072 : f32 to vector<128x128xf32>
    %ge3A_4074 = arith.cmpf oge, %add3A_4071, %ge3A_4073 : vector<128x128xf32>
    %mul3A_4075 = arith.constant 2.000000e-01 : f32
    %mul3A_4076 = vector.broadcast %mul3A_4075 : f32 to vector<128x128xf32>
    %mul3A_4077 = arith.mulf %mul3A_4076, %add3A_4071 : vector<128x128xf32>
    %select_n3A_4078 = arith.select %ge3A_4074, %add3A_4071, %mul3A_4077 : vector<128x128xi1>, vector<128x128xf32>
    %mul3A_4079 = vector.broadcast %transpose3A_19 : vector<128x1xf32> to vector<128x128xf32>
    %mul3A_4080 = arith.mulf %select_n3A_4078, %mul3A_4079 : vector<128x128xf32>
    %reduce_sum3A_4081 = arith.constant dense<0.000000e+00> : vector<128xf32>
    %reduce_sum3A_4082 = vector.multi_reduction <add>, %mul3A_4080, %reduce_sum3A_4081 [0] : vector<128x128xf32> to vector<128xf32>
    %broadcast_in_dim3A_4083 = vector.shape_cast %reduce_sum3A_4082 : vector<128xf32> to vector<1x128xf32>
    %add3A_4084 = arith.addf %slice3A_4041, %slice3A_4054 : vector<128x128xf32>
    %ge3A_4085 = arith.constant 0.000000e+00 : f32
    %ge3A_4086 = vector.broadcast %ge3A_4085 : f32 to vector<128x128xf32>
    %ge3A_4087 = arith.cmpf oge, %add3A_4084, %ge3A_4086 : vector<128x128xf32>
    %mul3A_4088 = arith.constant 2.000000e-01 : f32
    %mul3A_4089 = vector.broadcast %mul3A_4088 : f32 to vector<128x128xf32>
    %mul3A_4090 = arith.mulf %mul3A_4089, %add3A_4084 : vector<128x128xf32>
    %select_n3A_4091 = arith.select %ge3A_4087, %add3A_4084, %mul3A_4090 : vector<128x128xi1>, vector<128x128xf32>
    %mul3A_4092 = vector.broadcast %transpose3A_19 : vector<128x1xf32> to vector<128x128xf32>
    %mul3A_4093 = arith.mulf %select_n3A_4091, %mul3A_4092 : vector<128x128xf32>
    %reduce_sum3A_4094 = arith.constant dense<0.000000e+00> : vector<128xf32>
    %reduce_sum3A_4095 = vector.multi_reduction <add>, %mul3A_4093, %reduce_sum3A_4094 [0] : vector<128x128xf32> to vector<128xf32>
    %broadcast_in_dim3A_4096 = vector.shape_cast %reduce_sum3A_4095 : vector<128xf32> to vector<1x128xf32>
    %add3A_4097 = arith.addf %slice3A_4044, %slice3A_4054 : vector<128x128xf32>
    %ge3A_4098 = arith.constant 0.000000e+00 : f32
    %ge3A_4099 = vector.broadcast %ge3A_4098 : f32 to vector<128x128xf32>
    %ge3A_4100 = arith.cmpf oge, %add3A_4097, %ge3A_4099 : vector<128x128xf32>
    %mul3A_4101 = arith.constant 2.000000e-01 : f32
    %mul3A_4102 = vector.broadcast %mul3A_4101 : f32 to vector<128x128xf32>
    %mul3A_4103 = arith.mulf %mul3A_4102, %add3A_4097 : vector<128x128xf32>
    %select_n3A_4104 = arith.select %ge3A_4100, %add3A_4097, %mul3A_4103 : vector<128x128xi1>, vector<128x128xf32>
    %mul3A_4105 = vector.broadcast %transpose3A_19 : vector<128x1xf32> to vector<128x128xf32>
    %mul3A_4106 = arith.mulf %select_n3A_4104, %mul3A_4105 : vector<128x128xf32>
    %reduce_sum3A_4107 = arith.constant dense<0.000000e+00> : vector<128xf32>
    %reduce_sum3A_4108 = vector.multi_reduction <add>, %mul3A_4106, %reduce_sum3A_4107 [0] : vector<128x128xf32> to vector<128xf32>
    %broadcast_in_dim3A_4109 = vector.shape_cast %reduce_sum3A_4108 : vector<128xf32> to vector<1x128xf32>
    %add3A_4110 = arith.addf %slice3A_4037, %slice3A_4054 : vector<128x128xf32>
    %ge3A_4111 = arith.constant 0.000000e+00 : f32
    %ge3A_4112 = vector.broadcast %ge3A_4111 : f32 to vector<128x128xf32>
    %ge3A_4113 = arith.cmpf oge, %add3A_4110, %ge3A_4112 : vector<128x128xf32>
    %mul3A_4114 = arith.constant 2.000000e-01 : f32
    %mul3A_4115 = vector.broadcast %mul3A_4114 : f32 to vector<128x128xf32>
    %mul3A_4116 = arith.mulf %mul3A_4115, %add3A_4110 : vector<128x128xf32>
    %select_n3A_4117 = arith.select %ge3A_4113, %add3A_4110, %mul3A_4116 : vector<128x128xi1>, vector<128x128xf32>
    %mul3A_4118 = vector.broadcast %transpose3A_19 : vector<128x1xf32> to vector<128x128xf32>
    %mul3A_4119 = arith.mulf %select_n3A_4117, %mul3A_4118 : vector<128x128xf32>
    %reduce_sum3A_4120 = arith.constant dense<0.000000e+00> : vector<128xf32>
    %reduce_sum3A_4121 = vector.multi_reduction <add>, %mul3A_4119, %reduce_sum3A_4120 [0] : vector<128x128xf32> to vector<128xf32>
    %broadcast_in_dim3A_4122 = vector.shape_cast %reduce_sum3A_4121 : vector<128xf32> to vector<1x128xf32>
    %add3A_4123 = arith.addf %slice3A_4037, %slice3A_4055 : vector<128x128xf32>
    %ge3A_4124 = arith.constant 0.000000e+00 : f32
    %ge3A_4125 = vector.broadcast %ge3A_4124 : f32 to vector<128x128xf32>
    %ge3A_4126 = arith.cmpf oge, %add3A_4123, %ge3A_4125 : vector<128x128xf32>
    %mul3A_4127 = arith.constant 2.000000e-01 : f32
    %mul3A_4128 = vector.broadcast %mul3A_4127 : f32 to vector<128x128xf32>
    %mul3A_4129 = arith.mulf %mul3A_4128, %add3A_4123 : vector<128x128xf32>
    %select_n3A_4130 = arith.select %ge3A_4126, %add3A_4123, %mul3A_4129 : vector<128x128xi1>, vector<128x128xf32>
    %mul3A_4131 = vector.broadcast %transpose3A_19 : vector<128x1xf32> to vector<128x128xf32>
    %mul3A_4132 = arith.mulf %select_n3A_4130, %mul3A_4131 : vector<128x128xf32>
    %reduce_sum3A_4133 = arith.constant dense<0.000000e+00> : vector<128xf32>
    %reduce_sum3A_4134 = vector.multi_reduction <add>, %mul3A_4132, %reduce_sum3A_4133 [0] : vector<128x128xf32> to vector<128xf32>
    %broadcast_in_dim3A_4135 = vector.shape_cast %reduce_sum3A_4134 : vector<128xf32> to vector<1x128xf32>
    %add3A_4136 = arith.addf %slice3A_4039, %slice3A_4055 : vector<128x128xf32>
    %ge3A_4137 = arith.constant 0.000000e+00 : f32
    %ge3A_4138 = vector.broadcast %ge3A_4137 : f32 to vector<128x128xf32>
    %ge3A_4139 = arith.cmpf oge, %add3A_4136, %ge3A_4138 : vector<128x128xf32>
    %mul3A_4140 = arith.constant 2.000000e-01 : f32
    %mul3A_4141 = vector.broadcast %mul3A_4140 : f32 to vector<128x128xf32>
    %mul3A_4142 = arith.mulf %mul3A_4141, %add3A_4136 : vector<128x128xf32>
    %select_n3A_4143 = arith.select %ge3A_4139, %add3A_4136, %mul3A_4142 : vector<128x128xi1>, vector<128x128xf32>
    %mul3A_4144 = vector.broadcast %transpose3A_19 : vector<128x1xf32> to vector<128x128xf32>
    %mul3A_4145 = arith.mulf %select_n3A_4143, %mul3A_4144 : vector<128x128xf32>
    %reduce_sum3A_4146 = arith.constant dense<0.000000e+00> : vector<128xf32>
    %reduce_sum3A_4147 = vector.multi_reduction <add>, %mul3A_4145, %reduce_sum3A_4146 [0] : vector<128x128xf32> to vector<128xf32>
    %broadcast_in_dim3A_4148 = vector.shape_cast %reduce_sum3A_4147 : vector<128xf32> to vector<1x128xf32>
    %add3A_4149 = arith.addf %slice3A_4038, %slice3A_4055 : vector<128x128xf32>
    %ge3A_4150 = arith.constant 0.000000e+00 : f32
    %ge3A_4151 = vector.broadcast %ge3A_4150 : f32 to vector<128x128xf32>
    %ge3A_4152 = arith.cmpf oge, %add3A_4149, %ge3A_4151 : vector<128x128xf32>
    %mul3A_4153 = arith.constant 2.000000e-01 : f32
    %mul3A_4154 = vector.broadcast %mul3A_4153 : f32 to vector<128x128xf32>
    %mul3A_4155 = arith.mulf %mul3A_4154, %add3A_4149 : vector<128x128xf32>
    %select_n3A_4156 = arith.select %ge3A_4152, %add3A_4149, %mul3A_4155 : vector<128x128xi1>, vector<128x128xf32>
    %mul3A_4157 = vector.broadcast %transpose3A_19 : vector<128x1xf32> to vector<128x128xf32>
    %mul3A_4158 = arith.mulf %select_n3A_4156, %mul3A_4157 : vector<128x128xf32>
    %reduce_sum3A_4159 = arith.constant dense<0.000000e+00> : vector<128xf32>
    %reduce_sum3A_4160 = vector.multi_reduction <add>, %mul3A_4158, %reduce_sum3A_4159 [0] : vector<128x128xf32> to vector<128xf32>
    %broadcast_in_dim3A_4161 = vector.shape_cast %reduce_sum3A_4160 : vector<128xf32> to vector<1x128xf32>
    %add3A_4162 = arith.addf %slice3A_4038, %slice3A_4056 : vector<128x128xf32>
    %ge3A_4163 = arith.constant 0.000000e+00 : f32
    %ge3A_4164 = vector.broadcast %ge3A_4163 : f32 to vector<128x128xf32>
    %ge3A_4165 = arith.cmpf oge, %add3A_4162, %ge3A_4164 : vector<128x128xf32>
    %mul3A_4166 = arith.constant 2.000000e-01 : f32
    %mul3A_4167 = vector.broadcast %mul3A_4166 : f32 to vector<128x128xf32>
    %mul3A_4168 = arith.mulf %mul3A_4167, %add3A_4162 : vector<128x128xf32>
    %select_n3A_4169 = arith.select %ge3A_4165, %add3A_4162, %mul3A_4168 : vector<128x128xi1>, vector<128x128xf32>
    %mul3A_4170 = vector.broadcast %transpose3A_19 : vector<128x1xf32> to vector<128x128xf32>
    %mul3A_4171 = arith.mulf %select_n3A_4169, %mul3A_4170 : vector<128x128xf32>
    %reduce_sum3A_4172 = arith.constant dense<0.000000e+00> : vector<128xf32>
    %reduce_sum3A_4173 = vector.multi_reduction <add>, %mul3A_4171, %reduce_sum3A_4172 [0] : vector<128x128xf32> to vector<128xf32>
    %broadcast_in_dim3A_4174 = vector.shape_cast %reduce_sum3A_4173 : vector<128xf32> to vector<1x128xf32>
    %add3A_4175 = arith.addf %slice3A_4040, %slice3A_4056 : vector<128x128xf32>
    %ge3A_4176 = arith.constant 0.000000e+00 : f32
    %ge3A_4177 = vector.broadcast %ge3A_4176 : f32 to vector<128x128xf32>
    %ge3A_4178 = arith.cmpf oge, %add3A_4175, %ge3A_4177 : vector<128x128xf32>
    %mul3A_4179 = arith.constant 2.000000e-01 : f32
    %mul3A_4180 = vector.broadcast %mul3A_4179 : f32 to vector<128x128xf32>
    %mul3A_4181 = arith.mulf %mul3A_4180, %add3A_4175 : vector<128x128xf32>
    %select_n3A_4182 = arith.select %ge3A_4178, %add3A_4175, %mul3A_4181 : vector<128x128xi1>, vector<128x128xf32>
    %mul3A_4183 = vector.broadcast %transpose3A_19 : vector<128x1xf32> to vector<128x128xf32>
    %mul3A_4184 = arith.mulf %select_n3A_4182, %mul3A_4183 : vector<128x128xf32>
    %reduce_sum3A_4185 = arith.constant dense<0.000000e+00> : vector<128xf32>
    %reduce_sum3A_4186 = vector.multi_reduction <add>, %mul3A_4184, %reduce_sum3A_4185 [0] : vector<128x128xf32> to vector<128xf32>
    %broadcast_in_dim3A_4187 = vector.shape_cast %reduce_sum3A_4186 : vector<128xf32> to vector<1x128xf32>
    %add3A_4188 = arith.addf %slice3A_4039, %slice3A_4056 : vector<128x128xf32>
    %ge3A_4189 = arith.constant 0.000000e+00 : f32
    %ge3A_4190 = vector.broadcast %ge3A_4189 : f32 to vector<128x128xf32>
    %ge3A_4191 = arith.cmpf oge, %add3A_4188, %ge3A_4190 : vector<128x128xf32>
    %mul3A_4192 = arith.constant 2.000000e-01 : f32
    %mul3A_4193 = vector.broadcast %mul3A_4192 : f32 to vector<128x128xf32>
    %mul3A_4194 = arith.mulf %mul3A_4193, %add3A_4188 : vector<128x128xf32>
    %select_n3A_4195 = arith.select %ge3A_4191, %add3A_4188, %mul3A_4194 : vector<128x128xi1>, vector<128x128xf32>
    %mul3A_4196 = vector.broadcast %transpose3A_19 : vector<128x1xf32> to vector<128x128xf32>
    %mul3A_4197 = arith.mulf %select_n3A_4195, %mul3A_4196 : vector<128x128xf32>
    %reduce_sum3A_4198 = arith.constant dense<0.000000e+00> : vector<128xf32>
    %reduce_sum3A_4199 = vector.multi_reduction <add>, %mul3A_4197, %reduce_sum3A_4198 [0] : vector<128x128xf32> to vector<128xf32>
    %broadcast_in_dim3A_4200 = vector.shape_cast %reduce_sum3A_4199 : vector<128xf32> to vector<1x128xf32>
    %add3A_4201 = arith.addf %slice3A_4039, %slice3A_4057 : vector<128x128xf32>
    %ge3A_4202 = arith.constant 0.000000e+00 : f32
    %ge3A_4203 = vector.broadcast %ge3A_4202 : f32 to vector<128x128xf32>
    %ge3A_4204 = arith.cmpf oge, %add3A_4201, %ge3A_4203 : vector<128x128xf32>
    %mul3A_4205 = arith.constant 2.000000e-01 : f32
    %mul3A_4206 = vector.broadcast %mul3A_4205 : f32 to vector<128x128xf32>
    %mul3A_4207 = arith.mulf %mul3A_4206, %add3A_4201 : vector<128x128xf32>
    %select_n3A_4208 = arith.select %ge3A_4204, %add3A_4201, %mul3A_4207 : vector<128x128xi1>, vector<128x128xf32>
    %mul3A_4209 = vector.broadcast %transpose3A_19 : vector<128x1xf32> to vector<128x128xf32>
    %mul3A_4210 = arith.mulf %select_n3A_4208, %mul3A_4209 : vector<128x128xf32>
    %reduce_sum3A_4211 = arith.constant dense<0.000000e+00> : vector<128xf32>
    %reduce_sum3A_4212 = vector.multi_reduction <add>, %mul3A_4210, %reduce_sum3A_4211 [0] : vector<128x128xf32> to vector<128xf32>
    %broadcast_in_dim3A_4213 = vector.shape_cast %reduce_sum3A_4212 : vector<128xf32> to vector<1x128xf32>
    %add3A_4214 = arith.addf %slice3A_4040, %slice3A_4057 : vector<128x128xf32>
    %ge3A_4215 = arith.constant 0.000000e+00 : f32
    %ge3A_4216 = vector.broadcast %ge3A_4215 : f32 to vector<128x128xf32>
    %ge3A_4217 = arith.cmpf oge, %add3A_4214, %ge3A_4216 : vector<128x128xf32>
    %mul3A_4218 = arith.constant 2.000000e-01 : f32
    %mul3A_4219 = vector.broadcast %mul3A_4218 : f32 to vector<128x128xf32>
    %mul3A_4220 = arith.mulf %mul3A_4219, %add3A_4214 : vector<128x128xf32>
    %select_n3A_4221 = arith.select %ge3A_4217, %add3A_4214, %mul3A_4220 : vector<128x128xi1>, vector<128x128xf32>
    %mul3A_4222 = vector.broadcast %transpose3A_19 : vector<128x1xf32> to vector<128x128xf32>
    %mul3A_4223 = arith.mulf %select_n3A_4221, %mul3A_4222 : vector<128x128xf32>
    %reduce_sum3A_4224 = arith.constant dense<0.000000e+00> : vector<128xf32>
    %reduce_sum3A_4225 = vector.multi_reduction <add>, %mul3A_4223, %reduce_sum3A_4224 [0] : vector<128x128xf32> to vector<128xf32>
    %broadcast_in_dim3A_4226 = vector.shape_cast %reduce_sum3A_4225 : vector<128xf32> to vector<1x128xf32>
    %add3A_4227 = arith.addf %slice3A_4037, %slice3A_4058 : vector<128x128xf32>
    %ge3A_4228 = arith.constant 0.000000e+00 : f32
    %ge3A_4229 = vector.broadcast %ge3A_4228 : f32 to vector<128x128xf32>
    %ge3A_4230 = arith.cmpf oge, %add3A_4227, %ge3A_4229 : vector<128x128xf32>
    %mul3A_4231 = arith.constant 2.000000e-01 : f32
    %mul3A_4232 = vector.broadcast %mul3A_4231 : f32 to vector<128x128xf32>
    %mul3A_4233 = arith.mulf %mul3A_4232, %add3A_4227 : vector<128x128xf32>
    %select_n3A_4234 = arith.select %ge3A_4230, %add3A_4227, %mul3A_4233 : vector<128x128xi1>, vector<128x128xf32>
    %mul3A_4235 = vector.broadcast %transpose3A_19 : vector<128x1xf32> to vector<128x128xf32>
    %mul3A_4236 = arith.mulf %select_n3A_4234, %mul3A_4235 : vector<128x128xf32>
    %reduce_sum3A_4237 = arith.constant dense<0.000000e+00> : vector<128xf32>
    %reduce_sum3A_4238 = vector.multi_reduction <add>, %mul3A_4236, %reduce_sum3A_4237 [0] : vector<128x128xf32> to vector<128xf32>
    %broadcast_in_dim3A_4239 = vector.shape_cast %reduce_sum3A_4238 : vector<128xf32> to vector<1x128xf32>
    %add3A_4240 = arith.addf %slice3A_4042, %slice3A_4058 : vector<128x128xf32>
    %ge3A_4241 = arith.constant 0.000000e+00 : f32
    %ge3A_4242 = vector.broadcast %ge3A_4241 : f32 to vector<128x128xf32>
    %ge3A_4243 = arith.cmpf oge, %add3A_4240, %ge3A_4242 : vector<128x128xf32>
    %mul3A_4244 = arith.constant 2.000000e-01 : f32
    %mul3A_4245 = vector.broadcast %mul3A_4244 : f32 to vector<128x128xf32>
    %mul3A_4246 = arith.mulf %mul3A_4245, %add3A_4240 : vector<128x128xf32>
    %select_n3A_4247 = arith.select %ge3A_4243, %add3A_4240, %mul3A_4246 : vector<128x128xi1>, vector<128x128xf32>
    %mul3A_4248 = vector.broadcast %transpose3A_19 : vector<128x1xf32> to vector<128x128xf32>
    %mul3A_4249 = arith.mulf %select_n3A_4247, %mul3A_4248 : vector<128x128xf32>
    %reduce_sum3A_4250 = arith.constant dense<0.000000e+00> : vector<128xf32>
    %reduce_sum3A_4251 = vector.multi_reduction <add>, %mul3A_4249, %reduce_sum3A_4250 [0] : vector<128x128xf32> to vector<128xf32>
    %broadcast_in_dim3A_4252 = vector.shape_cast %reduce_sum3A_4251 : vector<128xf32> to vector<1x128xf32>
    %add3A_4253 = arith.addf %slice3A_4041, %slice3A_4058 : vector<128x128xf32>
    %ge3A_4254 = arith.constant 0.000000e+00 : f32
    %ge3A_4255 = vector.broadcast %ge3A_4254 : f32 to vector<128x128xf32>
    %ge3A_4256 = arith.cmpf oge, %add3A_4253, %ge3A_4255 : vector<128x128xf32>
    %mul3A_4257 = arith.constant 2.000000e-01 : f32
    %mul3A_4258 = vector.broadcast %mul3A_4257 : f32 to vector<128x128xf32>
    %mul3A_4259 = arith.mulf %mul3A_4258, %add3A_4253 : vector<128x128xf32>
    %select_n3A_4260 = arith.select %ge3A_4256, %add3A_4253, %mul3A_4259 : vector<128x128xi1>, vector<128x128xf32>
    %mul3A_4261 = vector.broadcast %transpose3A_19 : vector<128x1xf32> to vector<128x128xf32>
    %mul3A_4262 = arith.mulf %select_n3A_4260, %mul3A_4261 : vector<128x128xf32>
    %reduce_sum3A_4263 = arith.constant dense<0.000000e+00> : vector<128xf32>
    %reduce_sum3A_4264 = vector.multi_reduction <add>, %mul3A_4262, %reduce_sum3A_4263 [0] : vector<128x128xf32> to vector<128xf32>
    %broadcast_in_dim3A_4265 = vector.shape_cast %reduce_sum3A_4264 : vector<128xf32> to vector<1x128xf32>
    %add3A_4266 = arith.addf %slice3A_4041, %slice3A_4059 : vector<128x128xf32>
    %ge3A_4267 = arith.constant 0.000000e+00 : f32
    %ge3A_4268 = vector.broadcast %ge3A_4267 : f32 to vector<128x128xf32>
    %ge3A_4269 = arith.cmpf oge, %add3A_4266, %ge3A_4268 : vector<128x128xf32>
    %mul3A_4270 = arith.constant 2.000000e-01 : f32
    %mul3A_4271 = vector.broadcast %mul3A_4270 : f32 to vector<128x128xf32>
    %mul3A_4272 = arith.mulf %mul3A_4271, %add3A_4266 : vector<128x128xf32>
    %select_n3A_4273 = arith.select %ge3A_4269, %add3A_4266, %mul3A_4272 : vector<128x128xi1>, vector<128x128xf32>
    %mul3A_4274 = vector.broadcast %transpose3A_19 : vector<128x1xf32> to vector<128x128xf32>
    %mul3A_4275 = arith.mulf %select_n3A_4273, %mul3A_4274 : vector<128x128xf32>
    %reduce_sum3A_4276 = arith.constant dense<0.000000e+00> : vector<128xf32>
    %reduce_sum3A_4277 = vector.multi_reduction <add>, %mul3A_4275, %reduce_sum3A_4276 [0] : vector<128x128xf32> to vector<128xf32>
    %broadcast_in_dim3A_4278 = vector.shape_cast %reduce_sum3A_4277 : vector<128xf32> to vector<1x128xf32>
    %add3A_4279 = arith.addf %slice3A_4043, %slice3A_4059 : vector<128x128xf32>
    %ge3A_4280 = arith.constant 0.000000e+00 : f32
    %ge3A_4281 = vector.broadcast %ge3A_4280 : f32 to vector<128x128xf32>
    %ge3A_4282 = arith.cmpf oge, %add3A_4279, %ge3A_4281 : vector<128x128xf32>
    %mul3A_4283 = arith.constant 2.000000e-01 : f32
    %mul3A_4284 = vector.broadcast %mul3A_4283 : f32 to vector<128x128xf32>
    %mul3A_4285 = arith.mulf %mul3A_4284, %add3A_4279 : vector<128x128xf32>
    %select_n3A_4286 = arith.select %ge3A_4282, %add3A_4279, %mul3A_4285 : vector<128x128xi1>, vector<128x128xf32>
    %mul3A_4287 = vector.broadcast %transpose3A_19 : vector<128x1xf32> to vector<128x128xf32>
    %mul3A_4288 = arith.mulf %select_n3A_4286, %mul3A_4287 : vector<128x128xf32>
    %reduce_sum3A_4289 = arith.constant dense<0.000000e+00> : vector<128xf32>
    %reduce_sum3A_4290 = vector.multi_reduction <add>, %mul3A_4288, %reduce_sum3A_4289 [0] : vector<128x128xf32> to vector<128xf32>
    %broadcast_in_dim3A_4291 = vector.shape_cast %reduce_sum3A_4290 : vector<128xf32> to vector<1x128xf32>
    %add3A_4292 = arith.addf %slice3A_4042, %slice3A_4059 : vector<128x128xf32>
    %ge3A_4293 = arith.constant 0.000000e+00 : f32
    %ge3A_4294 = vector.broadcast %ge3A_4293 : f32 to vector<128x128xf32>
    %ge3A_4295 = arith.cmpf oge, %add3A_4292, %ge3A_4294 : vector<128x128xf32>
    %mul3A_4296 = arith.constant 2.000000e-01 : f32
    %mul3A_4297 = vector.broadcast %mul3A_4296 : f32 to vector<128x128xf32>
    %mul3A_4298 = arith.mulf %mul3A_4297, %add3A_4292 : vector<128x128xf32>
    %select_n3A_4299 = arith.select %ge3A_4295, %add3A_4292, %mul3A_4298 : vector<128x128xi1>, vector<128x128xf32>
    %mul3A_4300 = vector.broadcast %transpose3A_19 : vector<128x1xf32> to vector<128x128xf32>
    %mul3A_4301 = arith.mulf %select_n3A_4299, %mul3A_4300 : vector<128x128xf32>
    %reduce_sum3A_4302 = arith.constant dense<0.000000e+00> : vector<128xf32>
    %reduce_sum3A_4303 = vector.multi_reduction <add>, %mul3A_4301, %reduce_sum3A_4302 [0] : vector<128x128xf32> to vector<128xf32>
    %broadcast_in_dim3A_4304 = vector.shape_cast %reduce_sum3A_4303 : vector<128xf32> to vector<1x128xf32>
    %add3A_4305 = arith.addf %slice3A_4042, %slice3A_4060 : vector<128x128xf32>
    %ge3A_4306 = arith.constant 0.000000e+00 : f32
    %ge3A_4307 = vector.broadcast %ge3A_4306 : f32 to vector<128x128xf32>
    %ge3A_4308 = arith.cmpf oge, %add3A_4305, %ge3A_4307 : vector<128x128xf32>
    %mul3A_4309 = arith.constant 2.000000e-01 : f32
    %mul3A_4310 = vector.broadcast %mul3A_4309 : f32 to vector<128x128xf32>
    %mul3A_4311 = arith.mulf %mul3A_4310, %add3A_4305 : vector<128x128xf32>
    %select_n3A_4312 = arith.select %ge3A_4308, %add3A_4305, %mul3A_4311 : vector<128x128xi1>, vector<128x128xf32>
    %mul3A_4313 = vector.broadcast %transpose3A_19 : vector<128x1xf32> to vector<128x128xf32>
    %mul3A_4314 = arith.mulf %select_n3A_4312, %mul3A_4313 : vector<128x128xf32>
    %reduce_sum3A_4315 = arith.constant dense<0.000000e+00> : vector<128xf32>
    %reduce_sum3A_4316 = vector.multi_reduction <add>, %mul3A_4314, %reduce_sum3A_4315 [0] : vector<128x128xf32> to vector<128xf32>
    %broadcast_in_dim3A_4317 = vector.shape_cast %reduce_sum3A_4316 : vector<128xf32> to vector<1x128xf32>
    %add3A_4318 = arith.addf %slice3A_4043, %slice3A_4060 : vector<128x128xf32>
    %ge3A_4319 = arith.constant 0.000000e+00 : f32
    %ge3A_4320 = vector.broadcast %ge3A_4319 : f32 to vector<128x128xf32>
    %ge3A_4321 = arith.cmpf oge, %add3A_4318, %ge3A_4320 : vector<128x128xf32>
    %mul3A_4322 = arith.constant 2.000000e-01 : f32
    %mul3A_4323 = vector.broadcast %mul3A_4322 : f32 to vector<128x128xf32>
    %mul3A_4324 = arith.mulf %mul3A_4323, %add3A_4318 : vector<128x128xf32>
    %select_n3A_4325 = arith.select %ge3A_4321, %add3A_4318, %mul3A_4324 : vector<128x128xi1>, vector<128x128xf32>
    %mul3A_4326 = vector.broadcast %transpose3A_19 : vector<128x1xf32> to vector<128x128xf32>
    %mul3A_4327 = arith.mulf %select_n3A_4325, %mul3A_4326 : vector<128x128xf32>
    %reduce_sum3A_4328 = arith.constant dense<0.000000e+00> : vector<128xf32>
    %reduce_sum3A_4329 = vector.multi_reduction <add>, %mul3A_4327, %reduce_sum3A_4328 [0] : vector<128x128xf32> to vector<128xf32>
    %broadcast_in_dim3A_4330 = vector.shape_cast %reduce_sum3A_4329 : vector<128xf32> to vector<1x128xf32>
    %add3A_4331 = arith.addf %slice3A_4037, %slice3A_4061 : vector<128x128xf32>
    %ge3A_4332 = arith.constant 0.000000e+00 : f32
    %ge3A_4333 = vector.broadcast %ge3A_4332 : f32 to vector<128x128xf32>
    %ge3A_4334 = arith.cmpf oge, %add3A_4331, %ge3A_4333 : vector<128x128xf32>
    %mul3A_4335 = arith.constant 2.000000e-01 : f32
    %mul3A_4336 = vector.broadcast %mul3A_4335 : f32 to vector<128x128xf32>
    %mul3A_4337 = arith.mulf %mul3A_4336, %add3A_4331 : vector<128x128xf32>
    %select_n3A_4338 = arith.select %ge3A_4334, %add3A_4331, %mul3A_4337 : vector<128x128xi1>, vector<128x128xf32>
    %mul3A_4339 = vector.broadcast %transpose3A_19 : vector<128x1xf32> to vector<128x128xf32>
    %mul3A_4340 = arith.mulf %select_n3A_4338, %mul3A_4339 : vector<128x128xf32>
    %reduce_sum3A_4341 = arith.constant dense<0.000000e+00> : vector<128xf32>
    %reduce_sum3A_4342 = vector.multi_reduction <add>, %mul3A_4340, %reduce_sum3A_4341 [0] : vector<128x128xf32> to vector<128xf32>
    %broadcast_in_dim3A_4343 = vector.shape_cast %reduce_sum3A_4342 : vector<128xf32> to vector<1x128xf32>
    %add3A_4344 = arith.addf %slice3A_4045, %slice3A_4061 : vector<128x128xf32>
    %ge3A_4345 = arith.constant 0.000000e+00 : f32
    %ge3A_4346 = vector.broadcast %ge3A_4345 : f32 to vector<128x128xf32>
    %ge3A_4347 = arith.cmpf oge, %add3A_4344, %ge3A_4346 : vector<128x128xf32>
    %mul3A_4348 = arith.constant 2.000000e-01 : f32
    %mul3A_4349 = vector.broadcast %mul3A_4348 : f32 to vector<128x128xf32>
    %mul3A_4350 = arith.mulf %mul3A_4349, %add3A_4344 : vector<128x128xf32>
    %select_n3A_4351 = arith.select %ge3A_4347, %add3A_4344, %mul3A_4350 : vector<128x128xi1>, vector<128x128xf32>
    %mul3A_4352 = vector.broadcast %transpose3A_19 : vector<128x1xf32> to vector<128x128xf32>
    %mul3A_4353 = arith.mulf %select_n3A_4351, %mul3A_4352 : vector<128x128xf32>
    %reduce_sum3A_4354 = arith.constant dense<0.000000e+00> : vector<128xf32>
    %reduce_sum3A_4355 = vector.multi_reduction <add>, %mul3A_4353, %reduce_sum3A_4354 [0] : vector<128x128xf32> to vector<128xf32>
    %broadcast_in_dim3A_4356 = vector.shape_cast %reduce_sum3A_4355 : vector<128xf32> to vector<1x128xf32>
    %add3A_4357 = arith.addf %slice3A_4044, %slice3A_4061 : vector<128x128xf32>
    %ge3A_4358 = arith.constant 0.000000e+00 : f32
    %ge3A_4359 = vector.broadcast %ge3A_4358 : f32 to vector<128x128xf32>
    %ge3A_4360 = arith.cmpf oge, %add3A_4357, %ge3A_4359 : vector<128x128xf32>
    %mul3A_4361 = arith.constant 2.000000e-01 : f32
    %mul3A_4362 = vector.broadcast %mul3A_4361 : f32 to vector<128x128xf32>
    %mul3A_4363 = arith.mulf %mul3A_4362, %add3A_4357 : vector<128x128xf32>
    %select_n3A_4364 = arith.select %ge3A_4360, %add3A_4357, %mul3A_4363 : vector<128x128xi1>, vector<128x128xf32>
    %mul3A_4365 = vector.broadcast %transpose3A_19 : vector<128x1xf32> to vector<128x128xf32>
    %mul3A_4366 = arith.mulf %select_n3A_4364, %mul3A_4365 : vector<128x128xf32>
    %reduce_sum3A_4367 = arith.constant dense<0.000000e+00> : vector<128xf32>
    %reduce_sum3A_4368 = vector.multi_reduction <add>, %mul3A_4366, %reduce_sum3A_4367 [0] : vector<128x128xf32> to vector<128xf32>
    %broadcast_in_dim3A_4369 = vector.shape_cast %reduce_sum3A_4368 : vector<128xf32> to vector<1x128xf32>
    %add3A_4370 = arith.addf %slice3A_4044, %slice3A_4062 : vector<128x128xf32>
    %ge3A_4371 = arith.constant 0.000000e+00 : f32
    %ge3A_4372 = vector.broadcast %ge3A_4371 : f32 to vector<128x128xf32>
    %ge3A_4373 = arith.cmpf oge, %add3A_4370, %ge3A_4372 : vector<128x128xf32>
    %mul3A_4374 = arith.constant 2.000000e-01 : f32
    %mul3A_4375 = vector.broadcast %mul3A_4374 : f32 to vector<128x128xf32>
    %mul3A_4376 = arith.mulf %mul3A_4375, %add3A_4370 : vector<128x128xf32>
    %select_n3A_4377 = arith.select %ge3A_4373, %add3A_4370, %mul3A_4376 : vector<128x128xi1>, vector<128x128xf32>
    %mul3A_4378 = vector.broadcast %transpose3A_19 : vector<128x1xf32> to vector<128x128xf32>
    %mul3A_4379 = arith.mulf %select_n3A_4377, %mul3A_4378 : vector<128x128xf32>
    %reduce_sum3A_4380 = arith.constant dense<0.000000e+00> : vector<128xf32>
    %reduce_sum3A_4381 = vector.multi_reduction <add>, %mul3A_4379, %reduce_sum3A_4380 [0] : vector<128x128xf32> to vector<128xf32>
    %broadcast_in_dim3A_4382 = vector.shape_cast %reduce_sum3A_4381 : vector<128xf32> to vector<1x128xf32>
    %add3A_4383 = arith.addf %slice3A_4046, %slice3A_4062 : vector<128x128xf32>
    %ge3A_4384 = arith.constant 0.000000e+00 : f32
    %ge3A_4385 = vector.broadcast %ge3A_4384 : f32 to vector<128x128xf32>
    %ge3A_4386 = arith.cmpf oge, %add3A_4383, %ge3A_4385 : vector<128x128xf32>
    %mul3A_4387 = arith.constant 2.000000e-01 : f32
    %mul3A_4388 = vector.broadcast %mul3A_4387 : f32 to vector<128x128xf32>
    %mul3A_4389 = arith.mulf %mul3A_4388, %add3A_4383 : vector<128x128xf32>
    %select_n3A_4390 = arith.select %ge3A_4386, %add3A_4383, %mul3A_4389 : vector<128x128xi1>, vector<128x128xf32>
    %mul3A_4391 = vector.broadcast %transpose3A_19 : vector<128x1xf32> to vector<128x128xf32>
    %mul3A_4392 = arith.mulf %select_n3A_4390, %mul3A_4391 : vector<128x128xf32>
    %reduce_sum3A_4393 = arith.constant dense<0.000000e+00> : vector<128xf32>
    %reduce_sum3A_4394 = vector.multi_reduction <add>, %mul3A_4392, %reduce_sum3A_4393 [0] : vector<128x128xf32> to vector<128xf32>
    %broadcast_in_dim3A_4395 = vector.shape_cast %reduce_sum3A_4394 : vector<128xf32> to vector<1x128xf32>
    %add3A_4396 = arith.addf %slice3A_4048, %slice3A_4062 : vector<128x128xf32>
    %ge3A_4397 = arith.constant 0.000000e+00 : f32
    %ge3A_4398 = vector.broadcast %ge3A_4397 : f32 to vector<128x128xf32>
    %ge3A_4399 = arith.cmpf oge, %add3A_4396, %ge3A_4398 : vector<128x128xf32>
    %mul3A_4400 = arith.constant 2.000000e-01 : f32
    %mul3A_4401 = vector.broadcast %mul3A_4400 : f32 to vector<128x128xf32>
    %mul3A_4402 = arith.mulf %mul3A_4401, %add3A_4396 : vector<128x128xf32>
    %select_n3A_4403 = arith.select %ge3A_4399, %add3A_4396, %mul3A_4402 : vector<128x128xi1>, vector<128x128xf32>
    %mul3A_4404 = vector.broadcast %transpose3A_19 : vector<128x1xf32> to vector<128x128xf32>
    %mul3A_4405 = arith.mulf %select_n3A_4403, %mul3A_4404 : vector<128x128xf32>
    %reduce_sum3A_4406 = arith.constant dense<0.000000e+00> : vector<128xf32>
    %reduce_sum3A_4407 = vector.multi_reduction <add>, %mul3A_4405, %reduce_sum3A_4406 [0] : vector<128x128xf32> to vector<128xf32>
    %broadcast_in_dim3A_4408 = vector.shape_cast %reduce_sum3A_4407 : vector<128xf32> to vector<1x128xf32>
    %add3A_4409 = arith.addf %slice3A_4051, %slice3A_4062 : vector<128x128xf32>
    %ge3A_4410 = arith.constant 0.000000e+00 : f32
    %ge3A_4411 = vector.broadcast %ge3A_4410 : f32 to vector<128x128xf32>
    %ge3A_4412 = arith.cmpf oge, %add3A_4409, %ge3A_4411 : vector<128x128xf32>
    %mul3A_4413 = arith.constant 2.000000e-01 : f32
    %mul3A_4414 = vector.broadcast %mul3A_4413 : f32 to vector<128x128xf32>
    %mul3A_4415 = arith.mulf %mul3A_4414, %add3A_4409 : vector<128x128xf32>
    %select_n3A_4416 = arith.select %ge3A_4412, %add3A_4409, %mul3A_4415 : vector<128x128xi1>, vector<128x128xf32>
    %mul3A_4417 = vector.broadcast %transpose3A_19 : vector<128x1xf32> to vector<128x128xf32>
    %mul3A_4418 = arith.mulf %select_n3A_4416, %mul3A_4417 : vector<128x128xf32>
    %reduce_sum3A_4419 = arith.constant dense<0.000000e+00> : vector<128xf32>
    %reduce_sum3A_4420 = vector.multi_reduction <add>, %mul3A_4418, %reduce_sum3A_4419 [0] : vector<128x128xf32> to vector<128xf32>
    %broadcast_in_dim3A_4421 = vector.shape_cast %reduce_sum3A_4420 : vector<128xf32> to vector<1x128xf32>
    %add3A_4422 = arith.addf %slice3A_4045, %slice3A_4062 : vector<128x128xf32>
    %ge3A_4423 = arith.constant 0.000000e+00 : f32
    %ge3A_4424 = vector.broadcast %ge3A_4423 : f32 to vector<128x128xf32>
    %ge3A_4425 = arith.cmpf oge, %add3A_4422, %ge3A_4424 : vector<128x128xf32>
    %mul3A_4426 = arith.constant 2.000000e-01 : f32
    %mul3A_4427 = vector.broadcast %mul3A_4426 : f32 to vector<128x128xf32>
    %mul3A_4428 = arith.mulf %mul3A_4427, %add3A_4422 : vector<128x128xf32>
    %select_n3A_4429 = arith.select %ge3A_4425, %add3A_4422, %mul3A_4428 : vector<128x128xi1>, vector<128x128xf32>
    %mul3A_4430 = vector.broadcast %transpose3A_19 : vector<128x1xf32> to vector<128x128xf32>
    %mul3A_4431 = arith.mulf %select_n3A_4429, %mul3A_4430 : vector<128x128xf32>
    %reduce_sum3A_4432 = arith.constant dense<0.000000e+00> : vector<128xf32>
    %reduce_sum3A_4433 = vector.multi_reduction <add>, %mul3A_4431, %reduce_sum3A_4432 [0] : vector<128x128xf32> to vector<128xf32>
    %broadcast_in_dim3A_4434 = vector.shape_cast %reduce_sum3A_4433 : vector<128xf32> to vector<1x128xf32>
    %add3A_4435 = arith.addf %slice3A_4045, %slice3A_4063 : vector<128x128xf32>
    %ge3A_4436 = arith.constant 0.000000e+00 : f32
    %ge3A_4437 = vector.broadcast %ge3A_4436 : f32 to vector<128x128xf32>
    %ge3A_4438 = arith.cmpf oge, %add3A_4435, %ge3A_4437 : vector<128x128xf32>
    %mul3A_4439 = arith.constant 2.000000e-01 : f32
    %mul3A_4440 = vector.broadcast %mul3A_4439 : f32 to vector<128x128xf32>
    %mul3A_4441 = arith.mulf %mul3A_4440, %add3A_4435 : vector<128x128xf32>
    %select_n3A_4442 = arith.select %ge3A_4438, %add3A_4435, %mul3A_4441 : vector<128x128xi1>, vector<128x128xf32>
    %mul3A_4443 = vector.broadcast %transpose3A_19 : vector<128x1xf32> to vector<128x128xf32>
    %mul3A_4444 = arith.mulf %select_n3A_4442, %mul3A_4443 : vector<128x128xf32>
    %reduce_sum3A_4445 = arith.constant dense<0.000000e+00> : vector<128xf32>
    %reduce_sum3A_4446 = vector.multi_reduction <add>, %mul3A_4444, %reduce_sum3A_4445 [0] : vector<128x128xf32> to vector<128xf32>
    %broadcast_in_dim3A_4447 = vector.shape_cast %reduce_sum3A_4446 : vector<128xf32> to vector<1x128xf32>
    %add3A_4448 = arith.addf %slice3A_4047, %slice3A_4063 : vector<128x128xf32>
    %ge3A_4449 = arith.constant 0.000000e+00 : f32
    %ge3A_4450 = vector.broadcast %ge3A_4449 : f32 to vector<128x128xf32>
    %ge3A_4451 = arith.cmpf oge, %add3A_4448, %ge3A_4450 : vector<128x128xf32>
    %mul3A_4452 = arith.constant 2.000000e-01 : f32
    %mul3A_4453 = vector.broadcast %mul3A_4452 : f32 to vector<128x128xf32>
    %mul3A_4454 = arith.mulf %mul3A_4453, %add3A_4448 : vector<128x128xf32>
    %select_n3A_4455 = arith.select %ge3A_4451, %add3A_4448, %mul3A_4454 : vector<128x128xi1>, vector<128x128xf32>
    %mul3A_4456 = vector.broadcast %transpose3A_19 : vector<128x1xf32> to vector<128x128xf32>
    %mul3A_4457 = arith.mulf %select_n3A_4455, %mul3A_4456 : vector<128x128xf32>
    %reduce_sum3A_4458 = arith.constant dense<0.000000e+00> : vector<128xf32>
    %reduce_sum3A_4459 = vector.multi_reduction <add>, %mul3A_4457, %reduce_sum3A_4458 [0] : vector<128x128xf32> to vector<128xf32>
    %broadcast_in_dim3A_4460 = vector.shape_cast %reduce_sum3A_4459 : vector<128xf32> to vector<1x128xf32>
    %add3A_4461 = arith.addf %slice3A_4046, %slice3A_4063 : vector<128x128xf32>
    %ge3A_4462 = arith.constant 0.000000e+00 : f32
    %ge3A_4463 = vector.broadcast %ge3A_4462 : f32 to vector<128x128xf32>
    %ge3A_4464 = arith.cmpf oge, %add3A_4461, %ge3A_4463 : vector<128x128xf32>
    %mul3A_4465 = arith.constant 2.000000e-01 : f32
    %mul3A_4466 = vector.broadcast %mul3A_4465 : f32 to vector<128x128xf32>
    %mul3A_4467 = arith.mulf %mul3A_4466, %add3A_4461 : vector<128x128xf32>
    %select_n3A_4468 = arith.select %ge3A_4464, %add3A_4461, %mul3A_4467 : vector<128x128xi1>, vector<128x128xf32>
    %mul3A_4469 = vector.broadcast %transpose3A_19 : vector<128x1xf32> to vector<128x128xf32>
    %mul3A_4470 = arith.mulf %select_n3A_4468, %mul3A_4469 : vector<128x128xf32>
    %reduce_sum3A_4471 = arith.constant dense<0.000000e+00> : vector<128xf32>
    %reduce_sum3A_4472 = vector.multi_reduction <add>, %mul3A_4470, %reduce_sum3A_4471 [0] : vector<128x128xf32> to vector<128xf32>
    %broadcast_in_dim3A_4473 = vector.shape_cast %reduce_sum3A_4472 : vector<128xf32> to vector<1x128xf32>
    %add3A_4474 = arith.addf %slice3A_4046, %slice3A_4064 : vector<128x128xf32>
    %ge3A_4475 = arith.constant 0.000000e+00 : f32
    %ge3A_4476 = vector.broadcast %ge3A_4475 : f32 to vector<128x128xf32>
    %ge3A_4477 = arith.cmpf oge, %add3A_4474, %ge3A_4476 : vector<128x128xf32>
    %mul3A_4478 = arith.constant 2.000000e-01 : f32
    %mul3A_4479 = vector.broadcast %mul3A_4478 : f32 to vector<128x128xf32>
    %mul3A_4480 = arith.mulf %mul3A_4479, %add3A_4474 : vector<128x128xf32>
    %select_n3A_4481 = arith.select %ge3A_4477, %add3A_4474, %mul3A_4480 : vector<128x128xi1>, vector<128x128xf32>
    %mul3A_4482 = vector.broadcast %transpose3A_19 : vector<128x1xf32> to vector<128x128xf32>
    %mul3A_4483 = arith.mulf %select_n3A_4481, %mul3A_4482 : vector<128x128xf32>
    %reduce_sum3A_4484 = arith.constant dense<0.000000e+00> : vector<128xf32>
    %reduce_sum3A_4485 = vector.multi_reduction <add>, %mul3A_4483, %reduce_sum3A_4484 [0] : vector<128x128xf32> to vector<128xf32>
    %broadcast_in_dim3A_4486 = vector.shape_cast %reduce_sum3A_4485 : vector<128xf32> to vector<1x128xf32>
    %add3A_4487 = arith.addf %slice3A_4047, %slice3A_4064 : vector<128x128xf32>
    %ge3A_4488 = arith.constant 0.000000e+00 : f32
    %ge3A_4489 = vector.broadcast %ge3A_4488 : f32 to vector<128x128xf32>
    %ge3A_4490 = arith.cmpf oge, %add3A_4487, %ge3A_4489 : vector<128x128xf32>
    %mul3A_4491 = arith.constant 2.000000e-01 : f32
    %mul3A_4492 = vector.broadcast %mul3A_4491 : f32 to vector<128x128xf32>
    %mul3A_4493 = arith.mulf %mul3A_4492, %add3A_4487 : vector<128x128xf32>
    %select_n3A_4494 = arith.select %ge3A_4490, %add3A_4487, %mul3A_4493 : vector<128x128xi1>, vector<128x128xf32>
    %mul3A_4495 = vector.broadcast %transpose3A_19 : vector<128x1xf32> to vector<128x128xf32>
    %mul3A_4496 = arith.mulf %select_n3A_4494, %mul3A_4495 : vector<128x128xf32>
    %reduce_sum3A_4497 = arith.constant dense<0.000000e+00> : vector<128xf32>
    %reduce_sum3A_4498 = vector.multi_reduction <add>, %mul3A_4496, %reduce_sum3A_4497 [0] : vector<128x128xf32> to vector<128xf32>
    %broadcast_in_dim3A_4499 = vector.shape_cast %reduce_sum3A_4498 : vector<128xf32> to vector<1x128xf32>
    %add3A_4500 = arith.addf %slice3A_4045, %slice3A_4065 : vector<128x128xf32>
    %ge3A_4501 = arith.constant 0.000000e+00 : f32
    %ge3A_4502 = vector.broadcast %ge3A_4501 : f32 to vector<128x128xf32>
    %ge3A_4503 = arith.cmpf oge, %add3A_4500, %ge3A_4502 : vector<128x128xf32>
    %mul3A_4504 = arith.constant 2.000000e-01 : f32
    %mul3A_4505 = vector.broadcast %mul3A_4504 : f32 to vector<128x128xf32>
    %mul3A_4506 = arith.mulf %mul3A_4505, %add3A_4500 : vector<128x128xf32>
    %select_n3A_4507 = arith.select %ge3A_4503, %add3A_4500, %mul3A_4506 : vector<128x128xi1>, vector<128x128xf32>
    %mul3A_4508 = vector.broadcast %transpose3A_19 : vector<128x1xf32> to vector<128x128xf32>
    %mul3A_4509 = arith.mulf %select_n3A_4507, %mul3A_4508 : vector<128x128xf32>
    %reduce_sum3A_4510 = arith.constant dense<0.000000e+00> : vector<128xf32>
    %reduce_sum3A_4511 = vector.multi_reduction <add>, %mul3A_4509, %reduce_sum3A_4510 [0] : vector<128x128xf32> to vector<128xf32>
    %broadcast_in_dim3A_4512 = vector.shape_cast %reduce_sum3A_4511 : vector<128xf32> to vector<1x128xf32>
    %add3A_4513 = arith.addf %slice3A_4049, %slice3A_4065 : vector<128x128xf32>
    %ge3A_4514 = arith.constant 0.000000e+00 : f32
    %ge3A_4515 = vector.broadcast %ge3A_4514 : f32 to vector<128x128xf32>
    %ge3A_4516 = arith.cmpf oge, %add3A_4513, %ge3A_4515 : vector<128x128xf32>
    %mul3A_4517 = arith.constant 2.000000e-01 : f32
    %mul3A_4518 = vector.broadcast %mul3A_4517 : f32 to vector<128x128xf32>
    %mul3A_4519 = arith.mulf %mul3A_4518, %add3A_4513 : vector<128x128xf32>
    %select_n3A_4520 = arith.select %ge3A_4516, %add3A_4513, %mul3A_4519 : vector<128x128xi1>, vector<128x128xf32>
    %mul3A_4521 = vector.broadcast %transpose3A_19 : vector<128x1xf32> to vector<128x128xf32>
    %mul3A_4522 = arith.mulf %select_n3A_4520, %mul3A_4521 : vector<128x128xf32>
    %reduce_sum3A_4523 = arith.constant dense<0.000000e+00> : vector<128xf32>
    %reduce_sum3A_4524 = vector.multi_reduction <add>, %mul3A_4522, %reduce_sum3A_4523 [0] : vector<128x128xf32> to vector<128xf32>
    %broadcast_in_dim3A_4525 = vector.shape_cast %reduce_sum3A_4524 : vector<128xf32> to vector<1x128xf32>
    %add3A_4526 = arith.addf %slice3A_4048, %slice3A_4065 : vector<128x128xf32>
    %ge3A_4527 = arith.constant 0.000000e+00 : f32
    %ge3A_4528 = vector.broadcast %ge3A_4527 : f32 to vector<128x128xf32>
    %ge3A_4529 = arith.cmpf oge, %add3A_4526, %ge3A_4528 : vector<128x128xf32>
    %mul3A_4530 = arith.constant 2.000000e-01 : f32
    %mul3A_4531 = vector.broadcast %mul3A_4530 : f32 to vector<128x128xf32>
    %mul3A_4532 = arith.mulf %mul3A_4531, %add3A_4526 : vector<128x128xf32>
    %select_n3A_4533 = arith.select %ge3A_4529, %add3A_4526, %mul3A_4532 : vector<128x128xi1>, vector<128x128xf32>
    %mul3A_4534 = vector.broadcast %transpose3A_19 : vector<128x1xf32> to vector<128x128xf32>
    %mul3A_4535 = arith.mulf %select_n3A_4533, %mul3A_4534 : vector<128x128xf32>
    %reduce_sum3A_4536 = arith.constant dense<0.000000e+00> : vector<128xf32>
    %reduce_sum3A_4537 = vector.multi_reduction <add>, %mul3A_4535, %reduce_sum3A_4536 [0] : vector<128x128xf32> to vector<128xf32>
    %broadcast_in_dim3A_4538 = vector.shape_cast %reduce_sum3A_4537 : vector<128xf32> to vector<1x128xf32>
    %add3A_4539 = arith.addf %slice3A_4048, %slice3A_4066 : vector<128x128xf32>
    %ge3A_4540 = arith.constant 0.000000e+00 : f32
    %ge3A_4541 = vector.broadcast %ge3A_4540 : f32 to vector<128x128xf32>
    %ge3A_4542 = arith.cmpf oge, %add3A_4539, %ge3A_4541 : vector<128x128xf32>
    %mul3A_4543 = arith.constant 2.000000e-01 : f32
    %mul3A_4544 = vector.broadcast %mul3A_4543 : f32 to vector<128x128xf32>
    %mul3A_4545 = arith.mulf %mul3A_4544, %add3A_4539 : vector<128x128xf32>
    %select_n3A_4546 = arith.select %ge3A_4542, %add3A_4539, %mul3A_4545 : vector<128x128xi1>, vector<128x128xf32>
    %mul3A_4547 = vector.broadcast %transpose3A_19 : vector<128x1xf32> to vector<128x128xf32>
    %mul3A_4548 = arith.mulf %select_n3A_4546, %mul3A_4547 : vector<128x128xf32>
    %reduce_sum3A_4549 = arith.constant dense<0.000000e+00> : vector<128xf32>
    %reduce_sum3A_4550 = vector.multi_reduction <add>, %mul3A_4548, %reduce_sum3A_4549 [0] : vector<128x128xf32> to vector<128xf32>
    %broadcast_in_dim3A_4551 = vector.shape_cast %reduce_sum3A_4550 : vector<128xf32> to vector<1x128xf32>
    %add3A_4552 = arith.addf %slice3A_4050, %slice3A_4066 : vector<128x128xf32>
    %ge3A_4553 = arith.constant 0.000000e+00 : f32
    %ge3A_4554 = vector.broadcast %ge3A_4553 : f32 to vector<128x128xf32>
    %ge3A_4555 = arith.cmpf oge, %add3A_4552, %ge3A_4554 : vector<128x128xf32>
    %mul3A_4556 = arith.constant 2.000000e-01 : f32
    %mul3A_4557 = vector.broadcast %mul3A_4556 : f32 to vector<128x128xf32>
    %mul3A_4558 = arith.mulf %mul3A_4557, %add3A_4552 : vector<128x128xf32>
    %select_n3A_4559 = arith.select %ge3A_4555, %add3A_4552, %mul3A_4558 : vector<128x128xi1>, vector<128x128xf32>
    %mul3A_4560 = vector.broadcast %transpose3A_19 : vector<128x1xf32> to vector<128x128xf32>
    %mul3A_4561 = arith.mulf %select_n3A_4559, %mul3A_4560 : vector<128x128xf32>
    %reduce_sum3A_4562 = arith.constant dense<0.000000e+00> : vector<128xf32>
    %reduce_sum3A_4563 = vector.multi_reduction <add>, %mul3A_4561, %reduce_sum3A_4562 [0] : vector<128x128xf32> to vector<128xf32>
    %broadcast_in_dim3A_4564 = vector.shape_cast %reduce_sum3A_4563 : vector<128xf32> to vector<1x128xf32>
    %add3A_4565 = arith.addf %slice3A_4049, %slice3A_4066 : vector<128x128xf32>
    %ge3A_4566 = arith.constant 0.000000e+00 : f32
    %ge3A_4567 = vector.broadcast %ge3A_4566 : f32 to vector<128x128xf32>
    %ge3A_4568 = arith.cmpf oge, %add3A_4565, %ge3A_4567 : vector<128x128xf32>
    %mul3A_4569 = arith.constant 2.000000e-01 : f32
    %mul3A_4570 = vector.broadcast %mul3A_4569 : f32 to vector<128x128xf32>
    %mul3A_4571 = arith.mulf %mul3A_4570, %add3A_4565 : vector<128x128xf32>
    %select_n3A_4572 = arith.select %ge3A_4568, %add3A_4565, %mul3A_4571 : vector<128x128xi1>, vector<128x128xf32>
    %mul3A_4573 = vector.broadcast %transpose3A_19 : vector<128x1xf32> to vector<128x128xf32>
    %mul3A_4574 = arith.mulf %select_n3A_4572, %mul3A_4573 : vector<128x128xf32>
    %reduce_sum3A_4575 = arith.constant dense<0.000000e+00> : vector<128xf32>
    %reduce_sum3A_4576 = vector.multi_reduction <add>, %mul3A_4574, %reduce_sum3A_4575 [0] : vector<128x128xf32> to vector<128xf32>
    %broadcast_in_dim3A_4577 = vector.shape_cast %reduce_sum3A_4576 : vector<128xf32> to vector<1x128xf32>
    %add3A_4578 = arith.addf %slice3A_4049, %slice3A_4067 : vector<128x128xf32>
    %ge3A_4579 = arith.constant 0.000000e+00 : f32
    %ge3A_4580 = vector.broadcast %ge3A_4579 : f32 to vector<128x128xf32>
    %ge3A_4581 = arith.cmpf oge, %add3A_4578, %ge3A_4580 : vector<128x128xf32>
    %mul3A_4582 = arith.constant 2.000000e-01 : f32
    %mul3A_4583 = vector.broadcast %mul3A_4582 : f32 to vector<128x128xf32>
    %mul3A_4584 = arith.mulf %mul3A_4583, %add3A_4578 : vector<128x128xf32>
    %select_n3A_4585 = arith.select %ge3A_4581, %add3A_4578, %mul3A_4584 : vector<128x128xi1>, vector<128x128xf32>
    %mul3A_4586 = vector.broadcast %transpose3A_19 : vector<128x1xf32> to vector<128x128xf32>
    %mul3A_4587 = arith.mulf %select_n3A_4585, %mul3A_4586 : vector<128x128xf32>
    %reduce_sum3A_4588 = arith.constant dense<0.000000e+00> : vector<128xf32>
    %reduce_sum3A_4589 = vector.multi_reduction <add>, %mul3A_4587, %reduce_sum3A_4588 [0] : vector<128x128xf32> to vector<128xf32>
    %broadcast_in_dim3A_4590 = vector.shape_cast %reduce_sum3A_4589 : vector<128xf32> to vector<1x128xf32>
    %add3A_4591 = arith.addf %slice3A_4050, %slice3A_4067 : vector<128x128xf32>
    %ge3A_4592 = arith.constant 0.000000e+00 : f32
    %ge3A_4593 = vector.broadcast %ge3A_4592 : f32 to vector<128x128xf32>
    %ge3A_4594 = arith.cmpf oge, %add3A_4591, %ge3A_4593 : vector<128x128xf32>
    %mul3A_4595 = arith.constant 2.000000e-01 : f32
    %mul3A_4596 = vector.broadcast %mul3A_4595 : f32 to vector<128x128xf32>
    %mul3A_4597 = arith.mulf %mul3A_4596, %add3A_4591 : vector<128x128xf32>
    %select_n3A_4598 = arith.select %ge3A_4594, %add3A_4591, %mul3A_4597 : vector<128x128xi1>, vector<128x128xf32>
    %mul3A_4599 = vector.broadcast %transpose3A_19 : vector<128x1xf32> to vector<128x128xf32>
    %mul3A_4600 = arith.mulf %select_n3A_4598, %mul3A_4599 : vector<128x128xf32>
    %reduce_sum3A_4601 = arith.constant dense<0.000000e+00> : vector<128xf32>
    %reduce_sum3A_4602 = vector.multi_reduction <add>, %mul3A_4600, %reduce_sum3A_4601 [0] : vector<128x128xf32> to vector<128xf32>
    %broadcast_in_dim3A_4603 = vector.shape_cast %reduce_sum3A_4602 : vector<128xf32> to vector<1x128xf32>
    %add3A_4604 = arith.addf %slice3A_4045, %slice3A_4068 : vector<128x128xf32>
    %ge3A_4605 = arith.constant 0.000000e+00 : f32
    %ge3A_4606 = vector.broadcast %ge3A_4605 : f32 to vector<128x128xf32>
    %ge3A_4607 = arith.cmpf oge, %add3A_4604, %ge3A_4606 : vector<128x128xf32>
    %mul3A_4608 = arith.constant 2.000000e-01 : f32
    %mul3A_4609 = vector.broadcast %mul3A_4608 : f32 to vector<128x128xf32>
    %mul3A_4610 = arith.mulf %mul3A_4609, %add3A_4604 : vector<128x128xf32>
    %select_n3A_4611 = arith.select %ge3A_4607, %add3A_4604, %mul3A_4610 : vector<128x128xi1>, vector<128x128xf32>
    %mul3A_4612 = vector.broadcast %transpose3A_19 : vector<128x1xf32> to vector<128x128xf32>
    %mul3A_4613 = arith.mulf %select_n3A_4611, %mul3A_4612 : vector<128x128xf32>
    %reduce_sum3A_4614 = arith.constant dense<0.000000e+00> : vector<128xf32>
    %reduce_sum3A_4615 = vector.multi_reduction <add>, %mul3A_4613, %reduce_sum3A_4614 [0] : vector<128x128xf32> to vector<128xf32>
    %broadcast_in_dim3A_4616 = vector.shape_cast %reduce_sum3A_4615 : vector<128xf32> to vector<1x128xf32>
    %add3A_4617 = arith.addf %slice3A_4052, %slice3A_4068 : vector<128x128xf32>
    %ge3A_4618 = arith.constant 0.000000e+00 : f32
    %ge3A_4619 = vector.broadcast %ge3A_4618 : f32 to vector<128x128xf32>
    %ge3A_4620 = arith.cmpf oge, %add3A_4617, %ge3A_4619 : vector<128x128xf32>
    %mul3A_4621 = arith.constant 2.000000e-01 : f32
    %mul3A_4622 = vector.broadcast %mul3A_4621 : f32 to vector<128x128xf32>
    %mul3A_4623 = arith.mulf %mul3A_4622, %add3A_4617 : vector<128x128xf32>
    %select_n3A_4624 = arith.select %ge3A_4620, %add3A_4617, %mul3A_4623 : vector<128x128xi1>, vector<128x128xf32>
    %mul3A_4625 = vector.broadcast %transpose3A_19 : vector<128x1xf32> to vector<128x128xf32>
    %mul3A_4626 = arith.mulf %select_n3A_4624, %mul3A_4625 : vector<128x128xf32>
    %reduce_sum3A_4627 = arith.constant dense<0.000000e+00> : vector<128xf32>
    %reduce_sum3A_4628 = vector.multi_reduction <add>, %mul3A_4626, %reduce_sum3A_4627 [0] : vector<128x128xf32> to vector<128xf32>
    %broadcast_in_dim3A_4629 = vector.shape_cast %reduce_sum3A_4628 : vector<128xf32> to vector<1x128xf32>
    %add3A_4630 = arith.addf %slice3A_4051, %slice3A_4068 : vector<128x128xf32>
    %ge3A_4631 = arith.constant 0.000000e+00 : f32
    %ge3A_4632 = vector.broadcast %ge3A_4631 : f32 to vector<128x128xf32>
    %ge3A_4633 = arith.cmpf oge, %add3A_4630, %ge3A_4632 : vector<128x128xf32>
    %mul3A_4634 = arith.constant 2.000000e-01 : f32
    %mul3A_4635 = vector.broadcast %mul3A_4634 : f32 to vector<128x128xf32>
    %mul3A_4636 = arith.mulf %mul3A_4635, %add3A_4630 : vector<128x128xf32>
    %select_n3A_4637 = arith.select %ge3A_4633, %add3A_4630, %mul3A_4636 : vector<128x128xi1>, vector<128x128xf32>
    %mul3A_4638 = vector.broadcast %transpose3A_19 : vector<128x1xf32> to vector<128x128xf32>
    %mul3A_4639 = arith.mulf %select_n3A_4637, %mul3A_4638 : vector<128x128xf32>
    %reduce_sum3A_4640 = arith.constant dense<0.000000e+00> : vector<128xf32>
    %reduce_sum3A_4641 = vector.multi_reduction <add>, %mul3A_4639, %reduce_sum3A_4640 [0] : vector<128x128xf32> to vector<128xf32>
    %broadcast_in_dim3A_4642 = vector.shape_cast %reduce_sum3A_4641 : vector<128xf32> to vector<1x128xf32>
    %add3A_4643 = arith.addf %slice3A_4051, %slice3A_4069 : vector<128x128xf32>
    %ge3A_4644 = arith.constant 0.000000e+00 : f32
    %ge3A_4645 = vector.broadcast %ge3A_4644 : f32 to vector<128x128xf32>
    %ge3A_4646 = arith.cmpf oge, %add3A_4643, %ge3A_4645 : vector<128x128xf32>
    %mul3A_4647 = arith.constant 2.000000e-01 : f32
    %mul3A_4648 = vector.broadcast %mul3A_4647 : f32 to vector<128x128xf32>
    %mul3A_4649 = arith.mulf %mul3A_4648, %add3A_4643 : vector<128x128xf32>
    %select_n3A_4650 = arith.select %ge3A_4646, %add3A_4643, %mul3A_4649 : vector<128x128xi1>, vector<128x128xf32>
    %mul3A_4651 = vector.broadcast %transpose3A_19 : vector<128x1xf32> to vector<128x128xf32>
    %mul3A_4652 = arith.mulf %select_n3A_4650, %mul3A_4651 : vector<128x128xf32>
    %reduce_sum3A_4653 = arith.constant dense<0.000000e+00> : vector<128xf32>
    %reduce_sum3A_4654 = vector.multi_reduction <add>, %mul3A_4652, %reduce_sum3A_4653 [0] : vector<128x128xf32> to vector<128xf32>
    %broadcast_in_dim3A_4655 = vector.shape_cast %reduce_sum3A_4654 : vector<128xf32> to vector<1x128xf32>
    %add3A_4656 = arith.addf %slice3A_4053, %slice3A_4069 : vector<128x128xf32>
    %ge3A_4657 = arith.constant 0.000000e+00 : f32
    %ge3A_4658 = vector.broadcast %ge3A_4657 : f32 to vector<128x128xf32>
    %ge3A_4659 = arith.cmpf oge, %add3A_4656, %ge3A_4658 : vector<128x128xf32>
    %mul3A_4660 = arith.constant 2.000000e-01 : f32
    %mul3A_4661 = vector.broadcast %mul3A_4660 : f32 to vector<128x128xf32>
    %mul3A_4662 = arith.mulf %mul3A_4661, %add3A_4656 : vector<128x128xf32>
    %select_n3A_4663 = arith.select %ge3A_4659, %add3A_4656, %mul3A_4662 : vector<128x128xi1>, vector<128x128xf32>
    %mul3A_4664 = vector.broadcast %transpose3A_19 : vector<128x1xf32> to vector<128x128xf32>
    %mul3A_4665 = arith.mulf %select_n3A_4663, %mul3A_4664 : vector<128x128xf32>
    %reduce_sum3A_4666 = arith.constant dense<0.000000e+00> : vector<128xf32>
    %reduce_sum3A_4667 = vector.multi_reduction <add>, %mul3A_4665, %reduce_sum3A_4666 [0] : vector<128x128xf32> to vector<128xf32>
    %broadcast_in_dim3A_4668 = vector.shape_cast %reduce_sum3A_4667 : vector<128xf32> to vector<1x128xf32>
    %add3A_4669 = arith.addf %slice3A_4052, %slice3A_4069 : vector<128x128xf32>
    %ge3A_4670 = arith.constant 0.000000e+00 : f32
    %ge3A_4671 = vector.broadcast %ge3A_4670 : f32 to vector<128x128xf32>
    %ge3A_4672 = arith.cmpf oge, %add3A_4669, %ge3A_4671 : vector<128x128xf32>
    %mul3A_4673 = arith.constant 2.000000e-01 : f32
    %mul3A_4674 = vector.broadcast %mul3A_4673 : f32 to vector<128x128xf32>
    %mul3A_4675 = arith.mulf %mul3A_4674, %add3A_4669 : vector<128x128xf32>
    %select_n3A_4676 = arith.select %ge3A_4672, %add3A_4669, %mul3A_4675 : vector<128x128xi1>, vector<128x128xf32>
    %mul3A_4677 = vector.broadcast %transpose3A_19 : vector<128x1xf32> to vector<128x128xf32>
    %mul3A_4678 = arith.mulf %select_n3A_4676, %mul3A_4677 : vector<128x128xf32>
    %reduce_sum3A_4679 = arith.constant dense<0.000000e+00> : vector<128xf32>
    %reduce_sum3A_4680 = vector.multi_reduction <add>, %mul3A_4678, %reduce_sum3A_4679 [0] : vector<128x128xf32> to vector<128xf32>
    %broadcast_in_dim3A_4681 = vector.shape_cast %reduce_sum3A_4680 : vector<128xf32> to vector<1x128xf32>
    %add3A_4682 = arith.addf %slice3A_4052, %slice3A_4070 : vector<128x128xf32>
    %ge3A_4683 = arith.constant 0.000000e+00 : f32
    %ge3A_4684 = vector.broadcast %ge3A_4683 : f32 to vector<128x128xf32>
    %ge3A_4685 = arith.cmpf oge, %add3A_4682, %ge3A_4684 : vector<128x128xf32>
    %mul3A_4686 = arith.constant 2.000000e-01 : f32
    %mul3A_4687 = vector.broadcast %mul3A_4686 : f32 to vector<128x128xf32>
    %mul3A_4688 = arith.mulf %mul3A_4687, %add3A_4682 : vector<128x128xf32>
    %select_n3A_4689 = arith.select %ge3A_4685, %add3A_4682, %mul3A_4688 : vector<128x128xi1>, vector<128x128xf32>
    %mul3A_4690 = vector.broadcast %transpose3A_19 : vector<128x1xf32> to vector<128x128xf32>
    %mul3A_4691 = arith.mulf %select_n3A_4689, %mul3A_4690 : vector<128x128xf32>
    %reduce_sum3A_4692 = arith.constant dense<0.000000e+00> : vector<128xf32>
    %reduce_sum3A_4693 = vector.multi_reduction <add>, %mul3A_4691, %reduce_sum3A_4692 [0] : vector<128x128xf32> to vector<128xf32>
    %broadcast_in_dim3A_4694 = vector.shape_cast %reduce_sum3A_4693 : vector<128xf32> to vector<1x128xf32>
    %add3A_4695 = arith.addf %slice3A_4053, %slice3A_4070 : vector<128x128xf32>
    %ge3A_4696 = arith.constant 0.000000e+00 : f32
    %ge3A_4697 = vector.broadcast %ge3A_4696 : f32 to vector<128x128xf32>
    %ge3A_4698 = arith.cmpf oge, %add3A_4695, %ge3A_4697 : vector<128x128xf32>
    %mul3A_4699 = arith.constant 2.000000e-01 : f32
    %mul3A_4700 = vector.broadcast %mul3A_4699 : f32 to vector<128x128xf32>
    %mul3A_4701 = arith.mulf %mul3A_4700, %add3A_4695 : vector<128x128xf32>
    %select_n3A_4702 = arith.select %ge3A_4698, %add3A_4695, %mul3A_4701 : vector<128x128xi1>, vector<128x128xf32>
    %mul3A_4703 = vector.broadcast %transpose3A_19 : vector<128x1xf32> to vector<128x128xf32>
    %mul3A_4704 = arith.mulf %select_n3A_4702, %mul3A_4703 : vector<128x128xf32>
    %reduce_sum3A_4705 = arith.constant dense<0.000000e+00> : vector<128xf32>
    %reduce_sum3A_4706 = vector.multi_reduction <add>, %mul3A_4704, %reduce_sum3A_4705 [0] : vector<128x128xf32> to vector<128xf32>
    %broadcast_in_dim3A_4707 = vector.shape_cast %reduce_sum3A_4706 : vector<128xf32> to vector<1x128xf32>
    %max3A_4708 = arith.maximumf %broadcast_in_dim3A_4083, %broadcast_in_dim3A_4096 : vector<1x128xf32>
    %max3A_4709 = arith.maximumf %max3A_4708, %broadcast_in_dim3A_4109 : vector<1x128xf32>
    %max3A_4710 = arith.maximumf %max3A_4709, %broadcast_in_dim3A_4122 : vector<1x128xf32>
    %sub3A_4711 = arith.subf %broadcast_in_dim3A_4083, %max3A_4710 : vector<1x128xf32>
    %exp3A_4712 = math.exp %sub3A_4711 : vector<1x128xf32>
    %mul3A_4713 = arith.constant 2.000000e+00 : f32
    %mul3A_4714 = vector.broadcast %mul3A_4713 : f32 to vector<1x128xf32>
    %mul3A_4715 = arith.mulf %exp3A_4712, %mul3A_4714 : vector<1x128xf32>
    %mul3A_4716 = vector.broadcast %mul3A_4715 : vector<1x128xf32> to vector<128x128xf32>
    %mul3A_4717 = arith.mulf %mul3A_4716, %slice3A_4038 : vector<128x128xf32>
    %sub3A_4718 = arith.subf %broadcast_in_dim3A_4096, %max3A_4710 : vector<1x128xf32>
    %exp3A_4719 = math.exp %sub3A_4718 : vector<1x128xf32>
    %mul3A_4720 = arith.constant 2.000000e+00 : f32
    %mul3A_4721 = vector.broadcast %mul3A_4720 : f32 to vector<1x128xf32>
    %mul3A_4722 = arith.mulf %exp3A_4719, %mul3A_4721 : vector<1x128xf32>
    %add3A_4723 = arith.addf %mul3A_4715, %mul3A_4722 : vector<1x128xf32>
    %mul3A_4724 = vector.broadcast %mul3A_4722 : vector<1x128xf32> to vector<128x128xf32>
    %mul3A_4725 = arith.mulf %mul3A_4724, %slice3A_4041 : vector<128x128xf32>
    %add3A_4726 = arith.addf %mul3A_4717, %mul3A_4725 : vector<128x128xf32>
    %sub3A_4727 = arith.subf %broadcast_in_dim3A_4109, %max3A_4710 : vector<1x128xf32>
    %exp3A_4728 = math.exp %sub3A_4727 : vector<1x128xf32>
    %mul3A_4729 = arith.constant 2.000000e+00 : f32
    %mul3A_4730 = vector.broadcast %mul3A_4729 : f32 to vector<1x128xf32>
    %mul3A_4731 = arith.mulf %exp3A_4728, %mul3A_4730 : vector<1x128xf32>
    %add3A_4732 = arith.addf %add3A_4723, %mul3A_4731 : vector<1x128xf32>
    %mul3A_4733 = vector.broadcast %mul3A_4731 : vector<1x128xf32> to vector<128x128xf32>
    %mul3A_4734 = arith.mulf %mul3A_4733, %slice3A_4044 : vector<128x128xf32>
    %add3A_4735 = arith.addf %add3A_4726, %mul3A_4734 : vector<128x128xf32>
    %sub3A_4736 = arith.subf %broadcast_in_dim3A_4122, %max3A_4710 : vector<1x128xf32>
    %exp3A_4737 = math.exp %sub3A_4736 : vector<1x128xf32>
    %mul3A_4738 = arith.constant 1.000000e+00 : f32
    %mul3A_4739 = vector.broadcast %mul3A_4738 : f32 to vector<1x128xf32>
    %mul3A_4740 = arith.mulf %exp3A_4737, %mul3A_4739 : vector<1x128xf32>
    %add3A_4741 = arith.addf %add3A_4732, %mul3A_4740 : vector<1x128xf32>
    %mul3A_4742 = vector.broadcast %mul3A_4740 : vector<1x128xf32> to vector<128x128xf32>
    %mul3A_4743 = arith.mulf %mul3A_4742, %slice3A_4037 : vector<128x128xf32>
    %add3A_4744 = arith.addf %add3A_4735, %mul3A_4743 : vector<128x128xf32>
    %add3A_4745 = arith.constant 1.000000e-16 : f32
    %add3A_4746 = vector.broadcast %add3A_4745 : f32 to vector<1x128xf32>
    %add3A_4747 = arith.addf %add3A_4741, %add3A_4746 : vector<1x128xf32>
    %div3A_4748 = arith.constant 1.000000e+00 : f32
    %div3A_4749 = vector.broadcast %div3A_4748 : f32 to vector<1x128xf32>
    %div3A_4750 = arith.divf %div3A_4749, %add3A_4747 : vector<1x128xf32>
    %mul3A_4751 = vector.broadcast %div3A_4750 : vector<1x128xf32> to vector<128x128xf32>
    %mul3A_4752 = arith.mulf %add3A_4744, %mul3A_4751 : vector<128x128xf32>
    %add3A_4753 = vector.broadcast %transpose3A_23 : vector<128x1xf32> to vector<128x128xf32>
    %add3A_4754 = arith.addf %mul3A_4752, %add3A_4753 : vector<128x128xf32>
    %max3A_4755 = arith.maximumf %broadcast_in_dim3A_4135, %broadcast_in_dim3A_4148 : vector<1x128xf32>
    %max3A_4756 = arith.maximumf %max3A_4755, %broadcast_in_dim3A_4161 : vector<1x128xf32>
    %sub3A_4757 = arith.subf %broadcast_in_dim3A_4135, %max3A_4756 : vector<1x128xf32>
    %exp3A_4758 = math.exp %sub3A_4757 : vector<1x128xf32>
    %mul3A_4759 = arith.constant 2.000000e+00 : f32
    %mul3A_4760 = vector.broadcast %mul3A_4759 : f32 to vector<1x128xf32>
    %mul3A_4761 = arith.mulf %exp3A_4758, %mul3A_4760 : vector<1x128xf32>
    %mul3A_4762 = vector.broadcast %mul3A_4761 : vector<1x128xf32> to vector<128x128xf32>
    %mul3A_4763 = arith.mulf %mul3A_4762, %slice3A_4037 : vector<128x128xf32>
    %sub3A_4764 = arith.subf %broadcast_in_dim3A_4148, %max3A_4756 : vector<1x128xf32>
    %exp3A_4765 = math.exp %sub3A_4764 : vector<1x128xf32>
    %mul3A_4766 = arith.constant 2.000000e+00 : f32
    %mul3A_4767 = vector.broadcast %mul3A_4766 : f32 to vector<1x128xf32>
    %mul3A_4768 = arith.mulf %exp3A_4765, %mul3A_4767 : vector<1x128xf32>
    %add3A_4769 = arith.addf %mul3A_4761, %mul3A_4768 : vector<1x128xf32>
    %mul3A_4770 = vector.broadcast %mul3A_4768 : vector<1x128xf32> to vector<128x128xf32>
    %mul3A_4771 = arith.mulf %mul3A_4770, %slice3A_4039 : vector<128x128xf32>
    %add3A_4772 = arith.addf %mul3A_4763, %mul3A_4771 : vector<128x128xf32>
    %sub3A_4773 = arith.subf %broadcast_in_dim3A_4161, %max3A_4756 : vector<1x128xf32>
    %exp3A_4774 = math.exp %sub3A_4773 : vector<1x128xf32>
    %mul3A_4775 = arith.constant 1.000000e+00 : f32
    %mul3A_4776 = vector.broadcast %mul3A_4775 : f32 to vector<1x128xf32>
    %mul3A_4777 = arith.mulf %exp3A_4774, %mul3A_4776 : vector<1x128xf32>
    %add3A_4778 = arith.addf %add3A_4769, %mul3A_4777 : vector<1x128xf32>
    %mul3A_4779 = vector.broadcast %mul3A_4777 : vector<1x128xf32> to vector<128x128xf32>
    %mul3A_4780 = arith.mulf %mul3A_4779, %slice3A_4038 : vector<128x128xf32>
    %add3A_4781 = arith.addf %add3A_4772, %mul3A_4780 : vector<128x128xf32>
    %add3A_4782 = arith.constant 1.000000e-16 : f32
    %add3A_4783 = vector.broadcast %add3A_4782 : f32 to vector<1x128xf32>
    %add3A_4784 = arith.addf %add3A_4778, %add3A_4783 : vector<1x128xf32>
    %div3A_4785 = arith.constant 1.000000e+00 : f32
    %div3A_4786 = vector.broadcast %div3A_4785 : f32 to vector<1x128xf32>
    %div3A_4787 = arith.divf %div3A_4786, %add3A_4784 : vector<1x128xf32>
    %mul3A_4788 = vector.broadcast %div3A_4787 : vector<1x128xf32> to vector<128x128xf32>
    %mul3A_4789 = arith.mulf %add3A_4781, %mul3A_4788 : vector<128x128xf32>
    %add3A_4790 = vector.broadcast %transpose3A_23 : vector<128x1xf32> to vector<128x128xf32>
    %add3A_4791 = arith.addf %mul3A_4789, %add3A_4790 : vector<128x128xf32>
    %max3A_4792 = arith.maximumf %broadcast_in_dim3A_4174, %broadcast_in_dim3A_4187 : vector<1x128xf32>
    %max3A_4793 = arith.maximumf %max3A_4792, %broadcast_in_dim3A_4200 : vector<1x128xf32>
    %sub3A_4794 = arith.subf %broadcast_in_dim3A_4174, %max3A_4793 : vector<1x128xf32>
    %exp3A_4795 = math.exp %sub3A_4794 : vector<1x128xf32>
    %mul3A_4796 = arith.constant 2.000000e+00 : f32
    %mul3A_4797 = vector.broadcast %mul3A_4796 : f32 to vector<1x128xf32>
    %mul3A_4798 = arith.mulf %exp3A_4795, %mul3A_4797 : vector<1x128xf32>
    %mul3A_4799 = vector.broadcast %mul3A_4798 : vector<1x128xf32> to vector<128x128xf32>
    %mul3A_4800 = arith.mulf %mul3A_4799, %slice3A_4038 : vector<128x128xf32>
    %sub3A_4801 = arith.subf %broadcast_in_dim3A_4187, %max3A_4793 : vector<1x128xf32>
    %exp3A_4802 = math.exp %sub3A_4801 : vector<1x128xf32>
    %mul3A_4803 = arith.constant 2.000000e+00 : f32
    %mul3A_4804 = vector.broadcast %mul3A_4803 : f32 to vector<1x128xf32>
    %mul3A_4805 = arith.mulf %exp3A_4802, %mul3A_4804 : vector<1x128xf32>
    %add3A_4806 = arith.addf %mul3A_4798, %mul3A_4805 : vector<1x128xf32>
    %mul3A_4807 = vector.broadcast %mul3A_4805 : vector<1x128xf32> to vector<128x128xf32>
    %mul3A_4808 = arith.mulf %mul3A_4807, %slice3A_4040 : vector<128x128xf32>
    %add3A_4809 = arith.addf %mul3A_4800, %mul3A_4808 : vector<128x128xf32>
    %sub3A_4810 = arith.subf %broadcast_in_dim3A_4200, %max3A_4793 : vector<1x128xf32>
    %exp3A_4811 = math.exp %sub3A_4810 : vector<1x128xf32>
    %mul3A_4812 = arith.constant 1.000000e+00 : f32
    %mul3A_4813 = vector.broadcast %mul3A_4812 : f32 to vector<1x128xf32>
    %mul3A_4814 = arith.mulf %exp3A_4811, %mul3A_4813 : vector<1x128xf32>
    %add3A_4815 = arith.addf %add3A_4806, %mul3A_4814 : vector<1x128xf32>
    %mul3A_4816 = vector.broadcast %mul3A_4814 : vector<1x128xf32> to vector<128x128xf32>
    %mul3A_4817 = arith.mulf %mul3A_4816, %slice3A_4039 : vector<128x128xf32>
    %add3A_4818 = arith.addf %add3A_4809, %mul3A_4817 : vector<128x128xf32>
    %add3A_4819 = arith.constant 1.000000e-16 : f32
    %add3A_4820 = vector.broadcast %add3A_4819 : f32 to vector<1x128xf32>
    %add3A_4821 = arith.addf %add3A_4815, %add3A_4820 : vector<1x128xf32>
    %div3A_4822 = arith.constant 1.000000e+00 : f32
    %div3A_4823 = vector.broadcast %div3A_4822 : f32 to vector<1x128xf32>
    %div3A_4824 = arith.divf %div3A_4823, %add3A_4821 : vector<1x128xf32>
    %mul3A_4825 = vector.broadcast %div3A_4824 : vector<1x128xf32> to vector<128x128xf32>
    %mul3A_4826 = arith.mulf %add3A_4818, %mul3A_4825 : vector<128x128xf32>
    %add3A_4827 = vector.broadcast %transpose3A_23 : vector<128x1xf32> to vector<128x128xf32>
    %add3A_4828 = arith.addf %mul3A_4826, %add3A_4827 : vector<128x128xf32>
    %max3A_4829 = arith.maximumf %broadcast_in_dim3A_4213, %broadcast_in_dim3A_4226 : vector<1x128xf32>
    %sub3A_4830 = arith.subf %broadcast_in_dim3A_4213, %max3A_4829 : vector<1x128xf32>
    %exp3A_4831 = math.exp %sub3A_4830 : vector<1x128xf32>
    %mul3A_4832 = arith.constant 2.000000e+00 : f32
    %mul3A_4833 = vector.broadcast %mul3A_4832 : f32 to vector<1x128xf32>
    %mul3A_4834 = arith.mulf %exp3A_4831, %mul3A_4833 : vector<1x128xf32>
    %mul3A_4835 = vector.broadcast %mul3A_4834 : vector<1x128xf32> to vector<128x128xf32>
    %mul3A_4836 = arith.mulf %mul3A_4835, %slice3A_4039 : vector<128x128xf32>
    %sub3A_4837 = arith.subf %broadcast_in_dim3A_4226, %max3A_4829 : vector<1x128xf32>
    %exp3A_4838 = math.exp %sub3A_4837 : vector<1x128xf32>
    %mul3A_4839 = arith.constant 1.000000e+00 : f32
    %mul3A_4840 = vector.broadcast %mul3A_4839 : f32 to vector<1x128xf32>
    %mul3A_4841 = arith.mulf %exp3A_4838, %mul3A_4840 : vector<1x128xf32>
    %add3A_4842 = arith.addf %mul3A_4834, %mul3A_4841 : vector<1x128xf32>
    %mul3A_4843 = vector.broadcast %mul3A_4841 : vector<1x128xf32> to vector<128x128xf32>
    %mul3A_4844 = arith.mulf %mul3A_4843, %slice3A_4040 : vector<128x128xf32>
    %add3A_4845 = arith.addf %mul3A_4836, %mul3A_4844 : vector<128x128xf32>
    %add3A_4846 = arith.constant 1.000000e-16 : f32
    %add3A_4847 = vector.broadcast %add3A_4846 : f32 to vector<1x128xf32>
    %add3A_4848 = arith.addf %add3A_4842, %add3A_4847 : vector<1x128xf32>
    %div3A_4849 = arith.constant 1.000000e+00 : f32
    %div3A_4850 = vector.broadcast %div3A_4849 : f32 to vector<1x128xf32>
    %div3A_4851 = arith.divf %div3A_4850, %add3A_4848 : vector<1x128xf32>
    %mul3A_4852 = vector.broadcast %div3A_4851 : vector<1x128xf32> to vector<128x128xf32>
    %mul3A_4853 = arith.mulf %add3A_4845, %mul3A_4852 : vector<128x128xf32>
    %add3A_4854 = vector.broadcast %transpose3A_23 : vector<128x1xf32> to vector<128x128xf32>
    %add3A_4855 = arith.addf %mul3A_4853, %add3A_4854 : vector<128x128xf32>
    %max3A_4856 = arith.maximumf %broadcast_in_dim3A_4239, %broadcast_in_dim3A_4252 : vector<1x128xf32>
    %max3A_4857 = arith.maximumf %max3A_4856, %broadcast_in_dim3A_4265 : vector<1x128xf32>
    %sub3A_4858 = arith.subf %broadcast_in_dim3A_4239, %max3A_4857 : vector<1x128xf32>
    %exp3A_4859 = math.exp %sub3A_4858 : vector<1x128xf32>
    %mul3A_4860 = arith.constant 2.000000e+00 : f32
    %mul3A_4861 = vector.broadcast %mul3A_4860 : f32 to vector<1x128xf32>
    %mul3A_4862 = arith.mulf %exp3A_4859, %mul3A_4861 : vector<1x128xf32>
    %mul3A_4863 = vector.broadcast %mul3A_4862 : vector<1x128xf32> to vector<128x128xf32>
    %mul3A_4864 = arith.mulf %mul3A_4863, %slice3A_4037 : vector<128x128xf32>
    %sub3A_4865 = arith.subf %broadcast_in_dim3A_4252, %max3A_4857 : vector<1x128xf32>
    %exp3A_4866 = math.exp %sub3A_4865 : vector<1x128xf32>
    %mul3A_4867 = arith.constant 2.000000e+00 : f32
    %mul3A_4868 = vector.broadcast %mul3A_4867 : f32 to vector<1x128xf32>
    %mul3A_4869 = arith.mulf %exp3A_4866, %mul3A_4868 : vector<1x128xf32>
    %add3A_4870 = arith.addf %mul3A_4862, %mul3A_4869 : vector<1x128xf32>
    %mul3A_4871 = vector.broadcast %mul3A_4869 : vector<1x128xf32> to vector<128x128xf32>
    %mul3A_4872 = arith.mulf %mul3A_4871, %slice3A_4042 : vector<128x128xf32>
    %add3A_4873 = arith.addf %mul3A_4864, %mul3A_4872 : vector<128x128xf32>
    %sub3A_4874 = arith.subf %broadcast_in_dim3A_4265, %max3A_4857 : vector<1x128xf32>
    %exp3A_4875 = math.exp %sub3A_4874 : vector<1x128xf32>
    %mul3A_4876 = arith.constant 1.000000e+00 : f32
    %mul3A_4877 = vector.broadcast %mul3A_4876 : f32 to vector<1x128xf32>
    %mul3A_4878 = arith.mulf %exp3A_4875, %mul3A_4877 : vector<1x128xf32>
    %add3A_4879 = arith.addf %add3A_4870, %mul3A_4878 : vector<1x128xf32>
    %mul3A_4880 = vector.broadcast %mul3A_4878 : vector<1x128xf32> to vector<128x128xf32>
    %mul3A_4881 = arith.mulf %mul3A_4880, %slice3A_4041 : vector<128x128xf32>
    %add3A_4882 = arith.addf %add3A_4873, %mul3A_4881 : vector<128x128xf32>
    %add3A_4883 = arith.constant 1.000000e-16 : f32
    %add3A_4884 = vector.broadcast %add3A_4883 : f32 to vector<1x128xf32>
    %add3A_4885 = arith.addf %add3A_4879, %add3A_4884 : vector<1x128xf32>
    %div3A_4886 = arith.constant 1.000000e+00 : f32
    %div3A_4887 = vector.broadcast %div3A_4886 : f32 to vector<1x128xf32>
    %div3A_4888 = arith.divf %div3A_4887, %add3A_4885 : vector<1x128xf32>
    %mul3A_4889 = vector.broadcast %div3A_4888 : vector<1x128xf32> to vector<128x128xf32>
    %mul3A_4890 = arith.mulf %add3A_4882, %mul3A_4889 : vector<128x128xf32>
    %add3A_4891 = vector.broadcast %transpose3A_23 : vector<128x1xf32> to vector<128x128xf32>
    %add3A_4892 = arith.addf %mul3A_4890, %add3A_4891 : vector<128x128xf32>
    %max3A_4893 = arith.maximumf %broadcast_in_dim3A_4278, %broadcast_in_dim3A_4291 : vector<1x128xf32>
    %max3A_4894 = arith.maximumf %max3A_4893, %broadcast_in_dim3A_4304 : vector<1x128xf32>
    %sub3A_4895 = arith.subf %broadcast_in_dim3A_4278, %max3A_4894 : vector<1x128xf32>
    %exp3A_4896 = math.exp %sub3A_4895 : vector<1x128xf32>
    %mul3A_4897 = arith.constant 2.000000e+00 : f32
    %mul3A_4898 = vector.broadcast %mul3A_4897 : f32 to vector<1x128xf32>
    %mul3A_4899 = arith.mulf %exp3A_4896, %mul3A_4898 : vector<1x128xf32>
    %mul3A_4900 = vector.broadcast %mul3A_4899 : vector<1x128xf32> to vector<128x128xf32>
    %mul3A_4901 = arith.mulf %mul3A_4900, %slice3A_4041 : vector<128x128xf32>
    %sub3A_4902 = arith.subf %broadcast_in_dim3A_4291, %max3A_4894 : vector<1x128xf32>
    %exp3A_4903 = math.exp %sub3A_4902 : vector<1x128xf32>
    %mul3A_4904 = arith.constant 2.000000e+00 : f32
    %mul3A_4905 = vector.broadcast %mul3A_4904 : f32 to vector<1x128xf32>
    %mul3A_4906 = arith.mulf %exp3A_4903, %mul3A_4905 : vector<1x128xf32>
    %add3A_4907 = arith.addf %mul3A_4899, %mul3A_4906 : vector<1x128xf32>
    %mul3A_4908 = vector.broadcast %mul3A_4906 : vector<1x128xf32> to vector<128x128xf32>
    %mul3A_4909 = arith.mulf %mul3A_4908, %slice3A_4043 : vector<128x128xf32>
    %add3A_4910 = arith.addf %mul3A_4901, %mul3A_4909 : vector<128x128xf32>
    %sub3A_4911 = arith.subf %broadcast_in_dim3A_4304, %max3A_4894 : vector<1x128xf32>
    %exp3A_4912 = math.exp %sub3A_4911 : vector<1x128xf32>
    %mul3A_4913 = arith.constant 1.000000e+00 : f32
    %mul3A_4914 = vector.broadcast %mul3A_4913 : f32 to vector<1x128xf32>
    %mul3A_4915 = arith.mulf %exp3A_4912, %mul3A_4914 : vector<1x128xf32>
    %add3A_4916 = arith.addf %add3A_4907, %mul3A_4915 : vector<1x128xf32>
    %mul3A_4917 = vector.broadcast %mul3A_4915 : vector<1x128xf32> to vector<128x128xf32>
    %mul3A_4918 = arith.mulf %mul3A_4917, %slice3A_4042 : vector<128x128xf32>
    %add3A_4919 = arith.addf %add3A_4910, %mul3A_4918 : vector<128x128xf32>
    %add3A_4920 = arith.constant 1.000000e-16 : f32
    %add3A_4921 = vector.broadcast %add3A_4920 : f32 to vector<1x128xf32>
    %add3A_4922 = arith.addf %add3A_4916, %add3A_4921 : vector<1x128xf32>
    %div3A_4923 = arith.constant 1.000000e+00 : f32
    %div3A_4924 = vector.broadcast %div3A_4923 : f32 to vector<1x128xf32>
    %div3A_4925 = arith.divf %div3A_4924, %add3A_4922 : vector<1x128xf32>
    %mul3A_4926 = vector.broadcast %div3A_4925 : vector<1x128xf32> to vector<128x128xf32>
    %mul3A_4927 = arith.mulf %add3A_4919, %mul3A_4926 : vector<128x128xf32>
    %add3A_4928 = vector.broadcast %transpose3A_23 : vector<128x1xf32> to vector<128x128xf32>
    %add3A_4929 = arith.addf %mul3A_4927, %add3A_4928 : vector<128x128xf32>
    %max3A_4930 = arith.maximumf %broadcast_in_dim3A_4317, %broadcast_in_dim3A_4330 : vector<1x128xf32>
    %sub3A_4931 = arith.subf %broadcast_in_dim3A_4317, %max3A_4930 : vector<1x128xf32>
    %exp3A_4932 = math.exp %sub3A_4931 : vector<1x128xf32>
    %mul3A_4933 = arith.constant 2.000000e+00 : f32
    %mul3A_4934 = vector.broadcast %mul3A_4933 : f32 to vector<1x128xf32>
    %mul3A_4935 = arith.mulf %exp3A_4932, %mul3A_4934 : vector<1x128xf32>
    %mul3A_4936 = vector.broadcast %mul3A_4935 : vector<1x128xf32> to vector<128x128xf32>
    %mul3A_4937 = arith.mulf %mul3A_4936, %slice3A_4042 : vector<128x128xf32>
    %sub3A_4938 = arith.subf %broadcast_in_dim3A_4330, %max3A_4930 : vector<1x128xf32>
    %exp3A_4939 = math.exp %sub3A_4938 : vector<1x128xf32>
    %mul3A_4940 = arith.constant 1.000000e+00 : f32
    %mul3A_4941 = vector.broadcast %mul3A_4940 : f32 to vector<1x128xf32>
    %mul3A_4942 = arith.mulf %exp3A_4939, %mul3A_4941 : vector<1x128xf32>
    %add3A_4943 = arith.addf %mul3A_4935, %mul3A_4942 : vector<1x128xf32>
    %mul3A_4944 = vector.broadcast %mul3A_4942 : vector<1x128xf32> to vector<128x128xf32>
    %mul3A_4945 = arith.mulf %mul3A_4944, %slice3A_4043 : vector<128x128xf32>
    %add3A_4946 = arith.addf %mul3A_4937, %mul3A_4945 : vector<128x128xf32>
    %add3A_4947 = arith.constant 1.000000e-16 : f32
    %add3A_4948 = vector.broadcast %add3A_4947 : f32 to vector<1x128xf32>
    %add3A_4949 = arith.addf %add3A_4943, %add3A_4948 : vector<1x128xf32>
    %div3A_4950 = arith.constant 1.000000e+00 : f32
    %div3A_4951 = vector.broadcast %div3A_4950 : f32 to vector<1x128xf32>
    %div3A_4952 = arith.divf %div3A_4951, %add3A_4949 : vector<1x128xf32>
    %mul3A_4953 = vector.broadcast %div3A_4952 : vector<1x128xf32> to vector<128x128xf32>
    %mul3A_4954 = arith.mulf %add3A_4946, %mul3A_4953 : vector<128x128xf32>
    %add3A_4955 = vector.broadcast %transpose3A_23 : vector<128x1xf32> to vector<128x128xf32>
    %add3A_4956 = arith.addf %mul3A_4954, %add3A_4955 : vector<128x128xf32>
    %max3A_4957 = arith.maximumf %broadcast_in_dim3A_4343, %broadcast_in_dim3A_4356 : vector<1x128xf32>
    %max3A_4958 = arith.maximumf %max3A_4957, %broadcast_in_dim3A_4369 : vector<1x128xf32>
    %sub3A_4959 = arith.subf %broadcast_in_dim3A_4343, %max3A_4958 : vector<1x128xf32>
    %exp3A_4960 = math.exp %sub3A_4959 : vector<1x128xf32>
    %mul3A_4961 = arith.constant 2.000000e+00 : f32
    %mul3A_4962 = vector.broadcast %mul3A_4961 : f32 to vector<1x128xf32>
    %mul3A_4963 = arith.mulf %exp3A_4960, %mul3A_4962 : vector<1x128xf32>
    %mul3A_4964 = vector.broadcast %mul3A_4963 : vector<1x128xf32> to vector<128x128xf32>
    %mul3A_4965 = arith.mulf %mul3A_4964, %slice3A_4037 : vector<128x128xf32>
    %sub3A_4966 = arith.subf %broadcast_in_dim3A_4356, %max3A_4958 : vector<1x128xf32>
    %exp3A_4967 = math.exp %sub3A_4966 : vector<1x128xf32>
    %mul3A_4968 = arith.constant 2.000000e+00 : f32
    %mul3A_4969 = vector.broadcast %mul3A_4968 : f32 to vector<1x128xf32>
    %mul3A_4970 = arith.mulf %exp3A_4967, %mul3A_4969 : vector<1x128xf32>
    %add3A_4971 = arith.addf %mul3A_4963, %mul3A_4970 : vector<1x128xf32>
    %mul3A_4972 = vector.broadcast %mul3A_4970 : vector<1x128xf32> to vector<128x128xf32>
    %mul3A_4973 = arith.mulf %mul3A_4972, %slice3A_4045 : vector<128x128xf32>
    %add3A_4974 = arith.addf %mul3A_4965, %mul3A_4973 : vector<128x128xf32>
    %sub3A_4975 = arith.subf %broadcast_in_dim3A_4369, %max3A_4958 : vector<1x128xf32>
    %exp3A_4976 = math.exp %sub3A_4975 : vector<1x128xf32>
    %mul3A_4977 = arith.constant 1.000000e+00 : f32
    %mul3A_4978 = vector.broadcast %mul3A_4977 : f32 to vector<1x128xf32>
    %mul3A_4979 = arith.mulf %exp3A_4976, %mul3A_4978 : vector<1x128xf32>
    %add3A_4980 = arith.addf %add3A_4971, %mul3A_4979 : vector<1x128xf32>
    %mul3A_4981 = vector.broadcast %mul3A_4979 : vector<1x128xf32> to vector<128x128xf32>
    %mul3A_4982 = arith.mulf %mul3A_4981, %slice3A_4044 : vector<128x128xf32>
    %add3A_4983 = arith.addf %add3A_4974, %mul3A_4982 : vector<128x128xf32>
    %add3A_4984 = arith.constant 1.000000e-16 : f32
    %add3A_4985 = vector.broadcast %add3A_4984 : f32 to vector<1x128xf32>
    %add3A_4986 = arith.addf %add3A_4980, %add3A_4985 : vector<1x128xf32>
    %div3A_4987 = arith.constant 1.000000e+00 : f32
    %div3A_4988 = vector.broadcast %div3A_4987 : f32 to vector<1x128xf32>
    %div3A_4989 = arith.divf %div3A_4988, %add3A_4986 : vector<1x128xf32>
    %mul3A_4990 = vector.broadcast %div3A_4989 : vector<1x128xf32> to vector<128x128xf32>
    %mul3A_4991 = arith.mulf %add3A_4983, %mul3A_4990 : vector<128x128xf32>
    %add3A_4992 = vector.broadcast %transpose3A_23 : vector<128x1xf32> to vector<128x128xf32>
    %add3A_4993 = arith.addf %mul3A_4991, %add3A_4992 : vector<128x128xf32>
    %max3A_4994 = arith.maximumf %broadcast_in_dim3A_4382, %broadcast_in_dim3A_4395 : vector<1x128xf32>
    %max3A_4995 = arith.maximumf %max3A_4994, %broadcast_in_dim3A_4408 : vector<1x128xf32>
    %max3A_4996 = arith.maximumf %max3A_4995, %broadcast_in_dim3A_4421 : vector<1x128xf32>
    %max3A_4997 = arith.maximumf %max3A_4996, %broadcast_in_dim3A_4434 : vector<1x128xf32>
    %sub3A_4998 = arith.subf %broadcast_in_dim3A_4382, %max3A_4997 : vector<1x128xf32>
    %exp3A_4999 = math.exp %sub3A_4998 : vector<1x128xf32>
    %mul3A_5000 = arith.constant 2.000000e+00 : f32
    %mul3A_5001 = vector.broadcast %mul3A_5000 : f32 to vector<1x128xf32>
    %mul3A_5002 = arith.mulf %exp3A_4999, %mul3A_5001 : vector<1x128xf32>
    %mul3A_5003 = vector.broadcast %mul3A_5002 : vector<1x128xf32> to vector<128x128xf32>
    %mul3A_5004 = arith.mulf %mul3A_5003, %slice3A_4044 : vector<128x128xf32>
    %sub3A_5005 = arith.subf %broadcast_in_dim3A_4395, %max3A_4997 : vector<1x128xf32>
    %exp3A_5006 = math.exp %sub3A_5005 : vector<1x128xf32>
    %mul3A_5007 = arith.constant 2.000000e+00 : f32
    %mul3A_5008 = vector.broadcast %mul3A_5007 : f32 to vector<1x128xf32>
    %mul3A_5009 = arith.mulf %exp3A_5006, %mul3A_5008 : vector<1x128xf32>
    %add3A_5010 = arith.addf %mul3A_5002, %mul3A_5009 : vector<1x128xf32>
    %mul3A_5011 = vector.broadcast %mul3A_5009 : vector<1x128xf32> to vector<128x128xf32>
    %mul3A_5012 = arith.mulf %mul3A_5011, %slice3A_4046 : vector<128x128xf32>
    %add3A_5013 = arith.addf %mul3A_5004, %mul3A_5012 : vector<128x128xf32>
    %sub3A_5014 = arith.subf %broadcast_in_dim3A_4408, %max3A_4997 : vector<1x128xf32>
    %exp3A_5015 = math.exp %sub3A_5014 : vector<1x128xf32>
    %mul3A_5016 = arith.constant 2.000000e+00 : f32
    %mul3A_5017 = vector.broadcast %mul3A_5016 : f32 to vector<1x128xf32>
    %mul3A_5018 = arith.mulf %exp3A_5015, %mul3A_5017 : vector<1x128xf32>
    %add3A_5019 = arith.addf %add3A_5010, %mul3A_5018 : vector<1x128xf32>
    %mul3A_5020 = vector.broadcast %mul3A_5018 : vector<1x128xf32> to vector<128x128xf32>
    %mul3A_5021 = arith.mulf %mul3A_5020, %slice3A_4048 : vector<128x128xf32>
    %add3A_5022 = arith.addf %add3A_5013, %mul3A_5021 : vector<128x128xf32>
    %sub3A_5023 = arith.subf %broadcast_in_dim3A_4421, %max3A_4997 : vector<1x128xf32>
    %exp3A_5024 = math.exp %sub3A_5023 : vector<1x128xf32>
    %mul3A_5025 = arith.constant 2.000000e+00 : f32
    %mul3A_5026 = vector.broadcast %mul3A_5025 : f32 to vector<1x128xf32>
    %mul3A_5027 = arith.mulf %exp3A_5024, %mul3A_5026 : vector<1x128xf32>
    %add3A_5028 = arith.addf %add3A_5019, %mul3A_5027 : vector<1x128xf32>
    %mul3A_5029 = vector.broadcast %mul3A_5027 : vector<1x128xf32> to vector<128x128xf32>
    %mul3A_5030 = arith.mulf %mul3A_5029, %slice3A_4051 : vector<128x128xf32>
    %add3A_5031 = arith.addf %add3A_5022, %mul3A_5030 : vector<128x128xf32>
    %sub3A_5032 = arith.subf %broadcast_in_dim3A_4434, %max3A_4997 : vector<1x128xf32>
    %exp3A_5033 = math.exp %sub3A_5032 : vector<1x128xf32>
    %mul3A_5034 = arith.constant 1.000000e+00 : f32
    %mul3A_5035 = vector.broadcast %mul3A_5034 : f32 to vector<1x128xf32>
    %mul3A_5036 = arith.mulf %exp3A_5033, %mul3A_5035 : vector<1x128xf32>
    %add3A_5037 = arith.addf %add3A_5028, %mul3A_5036 : vector<1x128xf32>
    %mul3A_5038 = vector.broadcast %mul3A_5036 : vector<1x128xf32> to vector<128x128xf32>
    %mul3A_5039 = arith.mulf %mul3A_5038, %slice3A_4045 : vector<128x128xf32>
    %add3A_5040 = arith.addf %add3A_5031, %mul3A_5039 : vector<128x128xf32>
    %add3A_5041 = arith.constant 1.000000e-16 : f32
    %add3A_5042 = vector.broadcast %add3A_5041 : f32 to vector<1x128xf32>
    %add3A_5043 = arith.addf %add3A_5037, %add3A_5042 : vector<1x128xf32>
    %div3A_5044 = arith.constant 1.000000e+00 : f32
    %div3A_5045 = vector.broadcast %div3A_5044 : f32 to vector<1x128xf32>
    %div3A_5046 = arith.divf %div3A_5045, %add3A_5043 : vector<1x128xf32>
    %mul3A_5047 = vector.broadcast %div3A_5046 : vector<1x128xf32> to vector<128x128xf32>
    %mul3A_5048 = arith.mulf %add3A_5040, %mul3A_5047 : vector<128x128xf32>
    %add3A_5049 = vector.broadcast %transpose3A_23 : vector<128x1xf32> to vector<128x128xf32>
    %add3A_5050 = arith.addf %mul3A_5048, %add3A_5049 : vector<128x128xf32>
    %max3A_5051 = arith.maximumf %broadcast_in_dim3A_4447, %broadcast_in_dim3A_4460 : vector<1x128xf32>
    %max3A_5052 = arith.maximumf %max3A_5051, %broadcast_in_dim3A_4473 : vector<1x128xf32>
    %sub3A_5053 = arith.subf %broadcast_in_dim3A_4447, %max3A_5052 : vector<1x128xf32>
    %exp3A_5054 = math.exp %sub3A_5053 : vector<1x128xf32>
    %mul3A_5055 = arith.constant 2.000000e+00 : f32
    %mul3A_5056 = vector.broadcast %mul3A_5055 : f32 to vector<1x128xf32>
    %mul3A_5057 = arith.mulf %exp3A_5054, %mul3A_5056 : vector<1x128xf32>
    %mul3A_5058 = vector.broadcast %mul3A_5057 : vector<1x128xf32> to vector<128x128xf32>
    %mul3A_5059 = arith.mulf %mul3A_5058, %slice3A_4045 : vector<128x128xf32>
    %sub3A_5060 = arith.subf %broadcast_in_dim3A_4460, %max3A_5052 : vector<1x128xf32>
    %exp3A_5061 = math.exp %sub3A_5060 : vector<1x128xf32>
    %mul3A_5062 = arith.constant 2.000000e+00 : f32
    %mul3A_5063 = vector.broadcast %mul3A_5062 : f32 to vector<1x128xf32>
    %mul3A_5064 = arith.mulf %exp3A_5061, %mul3A_5063 : vector<1x128xf32>
    %add3A_5065 = arith.addf %mul3A_5057, %mul3A_5064 : vector<1x128xf32>
    %mul3A_5066 = vector.broadcast %mul3A_5064 : vector<1x128xf32> to vector<128x128xf32>
    %mul3A_5067 = arith.mulf %mul3A_5066, %slice3A_4047 : vector<128x128xf32>
    %add3A_5068 = arith.addf %mul3A_5059, %mul3A_5067 : vector<128x128xf32>
    %sub3A_5069 = arith.subf %broadcast_in_dim3A_4473, %max3A_5052 : vector<1x128xf32>
    %exp3A_5070 = math.exp %sub3A_5069 : vector<1x128xf32>
    %mul3A_5071 = arith.constant 1.000000e+00 : f32
    %mul3A_5072 = vector.broadcast %mul3A_5071 : f32 to vector<1x128xf32>
    %mul3A_5073 = arith.mulf %exp3A_5070, %mul3A_5072 : vector<1x128xf32>
    %add3A_5074 = arith.addf %add3A_5065, %mul3A_5073 : vector<1x128xf32>
    %mul3A_5075 = vector.broadcast %mul3A_5073 : vector<1x128xf32> to vector<128x128xf32>
    %mul3A_5076 = arith.mulf %mul3A_5075, %slice3A_4046 : vector<128x128xf32>
    %add3A_5077 = arith.addf %add3A_5068, %mul3A_5076 : vector<128x128xf32>
    %add3A_5078 = arith.constant 1.000000e-16 : f32
    %add3A_5079 = vector.broadcast %add3A_5078 : f32 to vector<1x128xf32>
    %add3A_5080 = arith.addf %add3A_5074, %add3A_5079 : vector<1x128xf32>
    %div3A_5081 = arith.constant 1.000000e+00 : f32
    %div3A_5082 = vector.broadcast %div3A_5081 : f32 to vector<1x128xf32>
    %div3A_5083 = arith.divf %div3A_5082, %add3A_5080 : vector<1x128xf32>
    %mul3A_5084 = vector.broadcast %div3A_5083 : vector<1x128xf32> to vector<128x128xf32>
    %mul3A_5085 = arith.mulf %add3A_5077, %mul3A_5084 : vector<128x128xf32>
    %add3A_5086 = vector.broadcast %transpose3A_23 : vector<128x1xf32> to vector<128x128xf32>
    %add3A_5087 = arith.addf %mul3A_5085, %add3A_5086 : vector<128x128xf32>
    %max3A_5088 = arith.maximumf %broadcast_in_dim3A_4486, %broadcast_in_dim3A_4499 : vector<1x128xf32>
    %sub3A_5089 = arith.subf %broadcast_in_dim3A_4486, %max3A_5088 : vector<1x128xf32>
    %exp3A_5090 = math.exp %sub3A_5089 : vector<1x128xf32>
    %mul3A_5091 = arith.constant 2.000000e+00 : f32
    %mul3A_5092 = vector.broadcast %mul3A_5091 : f32 to vector<1x128xf32>
    %mul3A_5093 = arith.mulf %exp3A_5090, %mul3A_5092 : vector<1x128xf32>
    %mul3A_5094 = vector.broadcast %mul3A_5093 : vector<1x128xf32> to vector<128x128xf32>
    %mul3A_5095 = arith.mulf %mul3A_5094, %slice3A_4046 : vector<128x128xf32>
    %sub3A_5096 = arith.subf %broadcast_in_dim3A_4499, %max3A_5088 : vector<1x128xf32>
    %exp3A_5097 = math.exp %sub3A_5096 : vector<1x128xf32>
    %mul3A_5098 = arith.constant 1.000000e+00 : f32
    %mul3A_5099 = vector.broadcast %mul3A_5098 : f32 to vector<1x128xf32>
    %mul3A_5100 = arith.mulf %exp3A_5097, %mul3A_5099 : vector<1x128xf32>
    %add3A_5101 = arith.addf %mul3A_5093, %mul3A_5100 : vector<1x128xf32>
    %mul3A_5102 = vector.broadcast %mul3A_5100 : vector<1x128xf32> to vector<128x128xf32>
    %mul3A_5103 = arith.mulf %mul3A_5102, %slice3A_4047 : vector<128x128xf32>
    %add3A_5104 = arith.addf %mul3A_5095, %mul3A_5103 : vector<128x128xf32>
    %add3A_5105 = arith.constant 1.000000e-16 : f32
    %add3A_5106 = vector.broadcast %add3A_5105 : f32 to vector<1x128xf32>
    %add3A_5107 = arith.addf %add3A_5101, %add3A_5106 : vector<1x128xf32>
    %div3A_5108 = arith.constant 1.000000e+00 : f32
    %div3A_5109 = vector.broadcast %div3A_5108 : f32 to vector<1x128xf32>
    %div3A_5110 = arith.divf %div3A_5109, %add3A_5107 : vector<1x128xf32>
    %mul3A_5111 = vector.broadcast %div3A_5110 : vector<1x128xf32> to vector<128x128xf32>
    %mul3A_5112 = arith.mulf %add3A_5104, %mul3A_5111 : vector<128x128xf32>
    %add3A_5113 = vector.broadcast %transpose3A_23 : vector<128x1xf32> to vector<128x128xf32>
    %add3A_5114 = arith.addf %mul3A_5112, %add3A_5113 : vector<128x128xf32>
    %max3A_5115 = arith.maximumf %broadcast_in_dim3A_4512, %broadcast_in_dim3A_4525 : vector<1x128xf32>
    %max3A_5116 = arith.maximumf %max3A_5115, %broadcast_in_dim3A_4538 : vector<1x128xf32>
    %sub3A_5117 = arith.subf %broadcast_in_dim3A_4512, %max3A_5116 : vector<1x128xf32>
    %exp3A_5118 = math.exp %sub3A_5117 : vector<1x128xf32>
    %mul3A_5119 = arith.constant 2.000000e+00 : f32
    %mul3A_5120 = vector.broadcast %mul3A_5119 : f32 to vector<1x128xf32>
    %mul3A_5121 = arith.mulf %exp3A_5118, %mul3A_5120 : vector<1x128xf32>
    %mul3A_5122 = vector.broadcast %mul3A_5121 : vector<1x128xf32> to vector<128x128xf32>
    %mul3A_5123 = arith.mulf %mul3A_5122, %slice3A_4045 : vector<128x128xf32>
    %sub3A_5124 = arith.subf %broadcast_in_dim3A_4525, %max3A_5116 : vector<1x128xf32>
    %exp3A_5125 = math.exp %sub3A_5124 : vector<1x128xf32>
    %mul3A_5126 = arith.constant 2.000000e+00 : f32
    %mul3A_5127 = vector.broadcast %mul3A_5126 : f32 to vector<1x128xf32>
    %mul3A_5128 = arith.mulf %exp3A_5125, %mul3A_5127 : vector<1x128xf32>
    %add3A_5129 = arith.addf %mul3A_5121, %mul3A_5128 : vector<1x128xf32>
    %mul3A_5130 = vector.broadcast %mul3A_5128 : vector<1x128xf32> to vector<128x128xf32>
    %mul3A_5131 = arith.mulf %mul3A_5130, %slice3A_4049 : vector<128x128xf32>
    %add3A_5132 = arith.addf %mul3A_5123, %mul3A_5131 : vector<128x128xf32>
    %sub3A_5133 = arith.subf %broadcast_in_dim3A_4538, %max3A_5116 : vector<1x128xf32>
    %exp3A_5134 = math.exp %sub3A_5133 : vector<1x128xf32>
    %mul3A_5135 = arith.constant 1.000000e+00 : f32
    %mul3A_5136 = vector.broadcast %mul3A_5135 : f32 to vector<1x128xf32>
    %mul3A_5137 = arith.mulf %exp3A_5134, %mul3A_5136 : vector<1x128xf32>
    %add3A_5138 = arith.addf %add3A_5129, %mul3A_5137 : vector<1x128xf32>
    %mul3A_5139 = vector.broadcast %mul3A_5137 : vector<1x128xf32> to vector<128x128xf32>
    %mul3A_5140 = arith.mulf %mul3A_5139, %slice3A_4048 : vector<128x128xf32>
    %add3A_5141 = arith.addf %add3A_5132, %mul3A_5140 : vector<128x128xf32>
    %add3A_5142 = arith.constant 1.000000e-16 : f32
    %add3A_5143 = vector.broadcast %add3A_5142 : f32 to vector<1x128xf32>
    %add3A_5144 = arith.addf %add3A_5138, %add3A_5143 : vector<1x128xf32>
    %div3A_5145 = arith.constant 1.000000e+00 : f32
    %div3A_5146 = vector.broadcast %div3A_5145 : f32 to vector<1x128xf32>
    %div3A_5147 = arith.divf %div3A_5146, %add3A_5144 : vector<1x128xf32>
    %mul3A_5148 = vector.broadcast %div3A_5147 : vector<1x128xf32> to vector<128x128xf32>
    %mul3A_5149 = arith.mulf %add3A_5141, %mul3A_5148 : vector<128x128xf32>
    %add3A_5150 = vector.broadcast %transpose3A_23 : vector<128x1xf32> to vector<128x128xf32>
    %add3A_5151 = arith.addf %mul3A_5149, %add3A_5150 : vector<128x128xf32>
    %max3A_5152 = arith.maximumf %broadcast_in_dim3A_4551, %broadcast_in_dim3A_4564 : vector<1x128xf32>
    %max3A_5153 = arith.maximumf %max3A_5152, %broadcast_in_dim3A_4577 : vector<1x128xf32>
    %sub3A_5154 = arith.subf %broadcast_in_dim3A_4551, %max3A_5153 : vector<1x128xf32>
    %exp3A_5155 = math.exp %sub3A_5154 : vector<1x128xf32>
    %mul3A_5156 = arith.constant 2.000000e+00 : f32
    %mul3A_5157 = vector.broadcast %mul3A_5156 : f32 to vector<1x128xf32>
    %mul3A_5158 = arith.mulf %exp3A_5155, %mul3A_5157 : vector<1x128xf32>
    %mul3A_5159 = vector.broadcast %mul3A_5158 : vector<1x128xf32> to vector<128x128xf32>
    %mul3A_5160 = arith.mulf %mul3A_5159, %slice3A_4048 : vector<128x128xf32>
    %sub3A_5161 = arith.subf %broadcast_in_dim3A_4564, %max3A_5153 : vector<1x128xf32>
    %exp3A_5162 = math.exp %sub3A_5161 : vector<1x128xf32>
    %mul3A_5163 = arith.constant 2.000000e+00 : f32
    %mul3A_5164 = vector.broadcast %mul3A_5163 : f32 to vector<1x128xf32>
    %mul3A_5165 = arith.mulf %exp3A_5162, %mul3A_5164 : vector<1x128xf32>
    %add3A_5166 = arith.addf %mul3A_5158, %mul3A_5165 : vector<1x128xf32>
    %mul3A_5167 = vector.broadcast %mul3A_5165 : vector<1x128xf32> to vector<128x128xf32>
    %mul3A_5168 = arith.mulf %mul3A_5167, %slice3A_4050 : vector<128x128xf32>
    %add3A_5169 = arith.addf %mul3A_5160, %mul3A_5168 : vector<128x128xf32>
    %sub3A_5170 = arith.subf %broadcast_in_dim3A_4577, %max3A_5153 : vector<1x128xf32>
    %exp3A_5171 = math.exp %sub3A_5170 : vector<1x128xf32>
    %mul3A_5172 = arith.constant 1.000000e+00 : f32
    %mul3A_5173 = vector.broadcast %mul3A_5172 : f32 to vector<1x128xf32>
    %mul3A_5174 = arith.mulf %exp3A_5171, %mul3A_5173 : vector<1x128xf32>
    %add3A_5175 = arith.addf %add3A_5166, %mul3A_5174 : vector<1x128xf32>
    %mul3A_5176 = vector.broadcast %mul3A_5174 : vector<1x128xf32> to vector<128x128xf32>
    %mul3A_5177 = arith.mulf %mul3A_5176, %slice3A_4049 : vector<128x128xf32>
    %add3A_5178 = arith.addf %add3A_5169, %mul3A_5177 : vector<128x128xf32>
    %add3A_5179 = arith.constant 1.000000e-16 : f32
    %add3A_5180 = vector.broadcast %add3A_5179 : f32 to vector<1x128xf32>
    %add3A_5181 = arith.addf %add3A_5175, %add3A_5180 : vector<1x128xf32>
    %div3A_5182 = arith.constant 1.000000e+00 : f32
    %div3A_5183 = vector.broadcast %div3A_5182 : f32 to vector<1x128xf32>
    %div3A_5184 = arith.divf %div3A_5183, %add3A_5181 : vector<1x128xf32>
    %mul3A_5185 = vector.broadcast %div3A_5184 : vector<1x128xf32> to vector<128x128xf32>
    %mul3A_5186 = arith.mulf %add3A_5178, %mul3A_5185 : vector<128x128xf32>
    %add3A_5187 = vector.broadcast %transpose3A_23 : vector<128x1xf32> to vector<128x128xf32>
    %add3A_5188 = arith.addf %mul3A_5186, %add3A_5187 : vector<128x128xf32>
    %max3A_5189 = arith.maximumf %broadcast_in_dim3A_4590, %broadcast_in_dim3A_4603 : vector<1x128xf32>
    %sub3A_5190 = arith.subf %broadcast_in_dim3A_4590, %max3A_5189 : vector<1x128xf32>
    %exp3A_5191 = math.exp %sub3A_5190 : vector<1x128xf32>
    %mul3A_5192 = arith.constant 2.000000e+00 : f32
    %mul3A_5193 = vector.broadcast %mul3A_5192 : f32 to vector<1x128xf32>
    %mul3A_5194 = arith.mulf %exp3A_5191, %mul3A_5193 : vector<1x128xf32>
    %mul3A_5195 = vector.broadcast %mul3A_5194 : vector<1x128xf32> to vector<128x128xf32>
    %mul3A_5196 = arith.mulf %mul3A_5195, %slice3A_4049 : vector<128x128xf32>
    %sub3A_5197 = arith.subf %broadcast_in_dim3A_4603, %max3A_5189 : vector<1x128xf32>
    %exp3A_5198 = math.exp %sub3A_5197 : vector<1x128xf32>
    %mul3A_5199 = arith.constant 1.000000e+00 : f32
    %mul3A_5200 = vector.broadcast %mul3A_5199 : f32 to vector<1x128xf32>
    %mul3A_5201 = arith.mulf %exp3A_5198, %mul3A_5200 : vector<1x128xf32>
    %add3A_5202 = arith.addf %mul3A_5194, %mul3A_5201 : vector<1x128xf32>
    %mul3A_5203 = vector.broadcast %mul3A_5201 : vector<1x128xf32> to vector<128x128xf32>
    %mul3A_5204 = arith.mulf %mul3A_5203, %slice3A_4050 : vector<128x128xf32>
    %add3A_5205 = arith.addf %mul3A_5196, %mul3A_5204 : vector<128x128xf32>
    %add3A_5206 = arith.constant 1.000000e-16 : f32
    %add3A_5207 = vector.broadcast %add3A_5206 : f32 to vector<1x128xf32>
    %add3A_5208 = arith.addf %add3A_5202, %add3A_5207 : vector<1x128xf32>
    %div3A_5209 = arith.constant 1.000000e+00 : f32
    %div3A_5210 = vector.broadcast %div3A_5209 : f32 to vector<1x128xf32>
    %div3A_5211 = arith.divf %div3A_5210, %add3A_5208 : vector<1x128xf32>
    %mul3A_5212 = vector.broadcast %div3A_5211 : vector<1x128xf32> to vector<128x128xf32>
    %mul3A_5213 = arith.mulf %add3A_5205, %mul3A_5212 : vector<128x128xf32>
    %add3A_5214 = vector.broadcast %transpose3A_23 : vector<128x1xf32> to vector<128x128xf32>
    %add3A_5215 = arith.addf %mul3A_5213, %add3A_5214 : vector<128x128xf32>
    %max3A_5216 = arith.maximumf %broadcast_in_dim3A_4616, %broadcast_in_dim3A_4629 : vector<1x128xf32>
    %max3A_5217 = arith.maximumf %max3A_5216, %broadcast_in_dim3A_4642 : vector<1x128xf32>
    %sub3A_5218 = arith.subf %broadcast_in_dim3A_4616, %max3A_5217 : vector<1x128xf32>
    %exp3A_5219 = math.exp %sub3A_5218 : vector<1x128xf32>
    %mul3A_5220 = arith.constant 2.000000e+00 : f32
    %mul3A_5221 = vector.broadcast %mul3A_5220 : f32 to vector<1x128xf32>
    %mul3A_5222 = arith.mulf %exp3A_5219, %mul3A_5221 : vector<1x128xf32>
    %mul3A_5223 = vector.broadcast %mul3A_5222 : vector<1x128xf32> to vector<128x128xf32>
    %mul3A_5224 = arith.mulf %mul3A_5223, %slice3A_4045 : vector<128x128xf32>
    %sub3A_5225 = arith.subf %broadcast_in_dim3A_4629, %max3A_5217 : vector<1x128xf32>
    %exp3A_5226 = math.exp %sub3A_5225 : vector<1x128xf32>
    %mul3A_5227 = arith.constant 2.000000e+00 : f32
    %mul3A_5228 = vector.broadcast %mul3A_5227 : f32 to vector<1x128xf32>
    %mul3A_5229 = arith.mulf %exp3A_5226, %mul3A_5228 : vector<1x128xf32>
    %add3A_5230 = arith.addf %mul3A_5222, %mul3A_5229 : vector<1x128xf32>
    %mul3A_5231 = vector.broadcast %mul3A_5229 : vector<1x128xf32> to vector<128x128xf32>
    %mul3A_5232 = arith.mulf %mul3A_5231, %slice3A_4052 : vector<128x128xf32>
    %add3A_5233 = arith.addf %mul3A_5224, %mul3A_5232 : vector<128x128xf32>
    %sub3A_5234 = arith.subf %broadcast_in_dim3A_4642, %max3A_5217 : vector<1x128xf32>
    %exp3A_5235 = math.exp %sub3A_5234 : vector<1x128xf32>
    %mul3A_5236 = arith.constant 1.000000e+00 : f32
    %mul3A_5237 = vector.broadcast %mul3A_5236 : f32 to vector<1x128xf32>
    %mul3A_5238 = arith.mulf %exp3A_5235, %mul3A_5237 : vector<1x128xf32>
    %add3A_5239 = arith.addf %add3A_5230, %mul3A_5238 : vector<1x128xf32>
    %mul3A_5240 = vector.broadcast %mul3A_5238 : vector<1x128xf32> to vector<128x128xf32>
    %mul3A_5241 = arith.mulf %mul3A_5240, %slice3A_4051 : vector<128x128xf32>
    %add3A_5242 = arith.addf %add3A_5233, %mul3A_5241 : vector<128x128xf32>
    %add3A_5243 = arith.constant 1.000000e-16 : f32
    %add3A_5244 = vector.broadcast %add3A_5243 : f32 to vector<1x128xf32>
    %add3A_5245 = arith.addf %add3A_5239, %add3A_5244 : vector<1x128xf32>
    %div3A_5246 = arith.constant 1.000000e+00 : f32
    %div3A_5247 = vector.broadcast %div3A_5246 : f32 to vector<1x128xf32>
    %div3A_5248 = arith.divf %div3A_5247, %add3A_5245 : vector<1x128xf32>
    %mul3A_5249 = vector.broadcast %div3A_5248 : vector<1x128xf32> to vector<128x128xf32>
    %mul3A_5250 = arith.mulf %add3A_5242, %mul3A_5249 : vector<128x128xf32>
    %add3A_5251 = vector.broadcast %transpose3A_23 : vector<128x1xf32> to vector<128x128xf32>
    %add3A_5252 = arith.addf %mul3A_5250, %add3A_5251 : vector<128x128xf32>
    %max3A_5253 = arith.maximumf %broadcast_in_dim3A_4655, %broadcast_in_dim3A_4668 : vector<1x128xf32>
    %max3A_5254 = arith.maximumf %max3A_5253, %broadcast_in_dim3A_4681 : vector<1x128xf32>
    %sub3A_5255 = arith.subf %broadcast_in_dim3A_4655, %max3A_5254 : vector<1x128xf32>
    %exp3A_5256 = math.exp %sub3A_5255 : vector<1x128xf32>
    %mul3A_5257 = arith.constant 2.000000e+00 : f32
    %mul3A_5258 = vector.broadcast %mul3A_5257 : f32 to vector<1x128xf32>
    %mul3A_5259 = arith.mulf %exp3A_5256, %mul3A_5258 : vector<1x128xf32>
    %mul3A_5260 = vector.broadcast %mul3A_5259 : vector<1x128xf32> to vector<128x128xf32>
    %mul3A_5261 = arith.mulf %mul3A_5260, %slice3A_4051 : vector<128x128xf32>
    %sub3A_5262 = arith.subf %broadcast_in_dim3A_4668, %max3A_5254 : vector<1x128xf32>
    %exp3A_5263 = math.exp %sub3A_5262 : vector<1x128xf32>
    %mul3A_5264 = arith.constant 2.000000e+00 : f32
    %mul3A_5265 = vector.broadcast %mul3A_5264 : f32 to vector<1x128xf32>
    %mul3A_5266 = arith.mulf %exp3A_5263, %mul3A_5265 : vector<1x128xf32>
    %add3A_5267 = arith.addf %mul3A_5259, %mul3A_5266 : vector<1x128xf32>
    %mul3A_5268 = vector.broadcast %mul3A_5266 : vector<1x128xf32> to vector<128x128xf32>
    %mul3A_5269 = arith.mulf %mul3A_5268, %slice3A_4053 : vector<128x128xf32>
    %add3A_5270 = arith.addf %mul3A_5261, %mul3A_5269 : vector<128x128xf32>
    %sub3A_5271 = arith.subf %broadcast_in_dim3A_4681, %max3A_5254 : vector<1x128xf32>
    %exp3A_5272 = math.exp %sub3A_5271 : vector<1x128xf32>
    %mul3A_5273 = arith.constant 1.000000e+00 : f32
    %mul3A_5274 = vector.broadcast %mul3A_5273 : f32 to vector<1x128xf32>
    %mul3A_5275 = arith.mulf %exp3A_5272, %mul3A_5274 : vector<1x128xf32>
    %add3A_5276 = arith.addf %add3A_5267, %mul3A_5275 : vector<1x128xf32>
    %mul3A_5277 = vector.broadcast %mul3A_5275 : vector<1x128xf32> to vector<128x128xf32>
    %mul3A_5278 = arith.mulf %mul3A_5277, %slice3A_4052 : vector<128x128xf32>
    %add3A_5279 = arith.addf %add3A_5270, %mul3A_5278 : vector<128x128xf32>
    %add3A_5280 = arith.constant 1.000000e-16 : f32
    %add3A_5281 = vector.broadcast %add3A_5280 : f32 to vector<1x128xf32>
    %add3A_5282 = arith.addf %add3A_5276, %add3A_5281 : vector<1x128xf32>
    %div3A_5283 = arith.constant 1.000000e+00 : f32
    %div3A_5284 = vector.broadcast %div3A_5283 : f32 to vector<1x128xf32>
    %div3A_5285 = arith.divf %div3A_5284, %add3A_5282 : vector<1x128xf32>
    %mul3A_5286 = vector.broadcast %div3A_5285 : vector<1x128xf32> to vector<128x128xf32>
    %mul3A_5287 = arith.mulf %add3A_5279, %mul3A_5286 : vector<128x128xf32>
    %add3A_5288 = vector.broadcast %transpose3A_23 : vector<128x1xf32> to vector<128x128xf32>
    %add3A_5289 = arith.addf %mul3A_5287, %add3A_5288 : vector<128x128xf32>
    %max3A_5290 = arith.maximumf %broadcast_in_dim3A_4694, %broadcast_in_dim3A_4707 : vector<1x128xf32>
    %sub3A_5291 = arith.subf %broadcast_in_dim3A_4694, %max3A_5290 : vector<1x128xf32>
    %exp3A_5292 = math.exp %sub3A_5291 : vector<1x128xf32>
    %mul3A_5293 = arith.constant 2.000000e+00 : f32
    %mul3A_5294 = vector.broadcast %mul3A_5293 : f32 to vector<1x128xf32>
    %mul3A_5295 = arith.mulf %exp3A_5292, %mul3A_5294 : vector<1x128xf32>
    %mul3A_5296 = vector.broadcast %mul3A_5295 : vector<1x128xf32> to vector<128x128xf32>
    %mul3A_5297 = arith.mulf %mul3A_5296, %slice3A_4052 : vector<128x128xf32>
    %sub3A_5298 = arith.subf %broadcast_in_dim3A_4707, %max3A_5290 : vector<1x128xf32>
    %exp3A_5299 = math.exp %sub3A_5298 : vector<1x128xf32>
    %mul3A_5300 = arith.constant 1.000000e+00 : f32
    %mul3A_5301 = vector.broadcast %mul3A_5300 : f32 to vector<1x128xf32>
    %mul3A_5302 = arith.mulf %exp3A_5299, %mul3A_5301 : vector<1x128xf32>
    %add3A_5303 = arith.addf %mul3A_5295, %mul3A_5302 : vector<1x128xf32>
    %mul3A_5304 = vector.broadcast %mul3A_5302 : vector<1x128xf32> to vector<128x128xf32>
    %mul3A_5305 = arith.mulf %mul3A_5304, %slice3A_4053 : vector<128x128xf32>
    %add3A_5306 = arith.addf %mul3A_5297, %mul3A_5305 : vector<128x128xf32>
    %add3A_5307 = arith.constant 1.000000e-16 : f32
    %add3A_5308 = vector.broadcast %add3A_5307 : f32 to vector<1x128xf32>
    %add3A_5309 = arith.addf %add3A_5303, %add3A_5308 : vector<1x128xf32>
    %div3A_5310 = arith.constant 1.000000e+00 : f32
    %div3A_5311 = vector.broadcast %div3A_5310 : f32 to vector<1x128xf32>
    %div3A_5312 = arith.divf %div3A_5311, %add3A_5309 : vector<1x128xf32>
    %mul3A_5313 = vector.broadcast %div3A_5312 : vector<1x128xf32> to vector<128x128xf32>
    %mul3A_5314 = arith.mulf %add3A_5306, %mul3A_5313 : vector<128x128xf32>
    %add3A_5315 = vector.broadcast %transpose3A_23 : vector<128x1xf32> to vector<128x128xf32>
    %add3A_5316 = arith.addf %mul3A_5314, %add3A_5315 : vector<128x128xf32>
    %concatenate3A_5317 = tpu.concatenate %add3A_4754, %add3A_4791, %add3A_4828, %add3A_4855, %add3A_4892, %add3A_4929, %add3A_4956, %add3A_4993, %add3A_5050, %add3A_5087, %add3A_5114, %add3A_5151, %add3A_5188, %add3A_5215, %add3A_5252, %add3A_5289, %add3A_5316 in 1 : vector<128x128xf32>, vector<128x128xf32>, vector<128x128xf32>, vector<128x128xf32>, vector<128x128xf32>, vector<128x128xf32>, vector<128x128xf32>, vector<128x128xf32>, vector<128x128xf32>, vector<128x128xf32>, vector<128x128xf32>, vector<128x128xf32>, vector<128x128xf32>, vector<128x128xf32>, vector<128x128xf32>, vector<128x128xf32>, vector<128x128xf32> -> vector<128x2176xf32>
    %mul3A_5318 = vector.broadcast %sub3A_4028 : f32 to vector<128x2176xf32>
    %mul3A_5319 = arith.mulf %mul3A_5318, %concatenate3A_5317 : vector<128x2176xf32>
    %mul3A_5320 = vector.broadcast %get3A_2 : f32 to vector<128x2176xf32>
    %mul3A_5321 = arith.mulf %mul3A_5320, %concatenate3A : vector<128x2176xf32>
    %add3A_5322 = arith.addf %mul3A_5319, %mul3A_5321 : vector<128x2176xf32>
    %add3A_5323 = arith.addf %concatenate3A, %add3A_5322 : vector<128x2176xf32>
    %slice3A_5324 = vector.extract_strided_slice %add3A_5323 {offsets = [0, 0], sizes = [128, 128], strides = [1, 1]} : vector<128x2176xf32> to vector<128x128xf32>
    %transpose3A_5325 = tpu.transpose %slice3A_5324, [1, 0] : vector<128x128xf32> -> vector<128x128xf32>
    %swap3A = arith.constant 0 : index
    %swap3A_5326 = arith.constant 0 : index
    %swap3A_5327 = arith.constant 0 : index
    %swap3A_5328 = vector.load %arg11[%swap3A, %swap3A_5326, %swap3A_5327] : memref<128x17x128xf32, #tpu.memory_space<vmem>>, vector<128x1x128xf32>
    %swap3A_5329 = vector.shape_cast %swap3A_5328 : vector<128x1x128xf32> to vector<128x128xf32>
    %swap3A_5330 = vector.shape_cast %transpose3A_5325 : vector<128x128xf32> to vector<128x1x128xf32>
    tpu.vector_store %arg11[%swap3A, %swap3A_5326, %swap3A_5327], %swap3A_5330 {strides = array<i32>} : memref<128x17x128xf32, #tpu.memory_space<vmem>>, vector<128x1x128xf32>,
    %slice3A_5331 = vector.extract_strided_slice %add3A_5323 {offsets = [0, 128], sizes = [128, 128], strides = [1, 1]} : vector<128x2176xf32> to vector<128x128xf32>
    %transpose3A_5332 = tpu.transpose %slice3A_5331, [1, 0] : vector<128x128xf32> -> vector<128x128xf32>
    %swap3A_5333 = arith.constant 0 : index
    %swap3A_5334 = arith.constant 1 : index
    %swap3A_5335 = arith.constant 0 : index
    %swap3A_5336 = vector.load %arg11[%swap3A_5333, %swap3A_5334, %swap3A_5335] : memref<128x17x128xf32, #tpu.memory_space<vmem>>, vector<128x1x128xf32>
    %swap3A_5337 = vector.shape_cast %swap3A_5336 : vector<128x1x128xf32> to vector<128x128xf32>
    %swap3A_5338 = vector.shape_cast %transpose3A_5332 : vector<128x128xf32> to vector<128x1x128xf32>
    tpu.vector_store %arg11[%swap3A_5333, %swap3A_5334, %swap3A_5335], %swap3A_5338 {strides = array<i32>} : memref<128x17x128xf32, #tpu.memory_space<vmem>>, vector<128x1x128xf32>,
    %slice3A_5339 = vector.extract_strided_slice %add3A_5323 {offsets = [0, 256], sizes = [128, 128], strides = [1, 1]} : vector<128x2176xf32> to vector<128x128xf32>
    %transpose3A_5340 = tpu.transpose %slice3A_5339, [1, 0] : vector<128x128xf32> -> vector<128x128xf32>
    %swap3A_5341 = arith.constant 0 : index
    %swap3A_5342 = arith.constant 2 : index
    %swap3A_5343 = arith.constant 0 : index
    %swap3A_5344 = vector.load %arg11[%swap3A_5341, %swap3A_5342, %swap3A_5343] : memref<128x17x128xf32, #tpu.memory_space<vmem>>, vector<128x1x128xf32>
    %swap3A_5345 = vector.shape_cast %swap3A_5344 : vector<128x1x128xf32> to vector<128x128xf32>
    %swap3A_5346 = vector.shape_cast %transpose3A_5340 : vector<128x128xf32> to vector<128x1x128xf32>
    tpu.vector_store %arg11[%swap3A_5341, %swap3A_5342, %swap3A_5343], %swap3A_5346 {strides = array<i32>} : memref<128x17x128xf32, #tpu.memory_space<vmem>>, vector<128x1x128xf32>,
    %slice3A_5347 = vector.extract_strided_slice %add3A_5323 {offsets = [0, 384], sizes = [128, 128], strides = [1, 1]} : vector<128x2176xf32> to vector<128x128xf32>
    %transpose3A_5348 = tpu.transpose %slice3A_5347, [1, 0] : vector<128x128xf32> -> vector<128x128xf32>
    %swap3A_5349 = arith.constant 0 : index
    %swap3A_5350 = arith.constant 3 : index
    %swap3A_5351 = arith.constant 0 : index
    %swap3A_5352 = vector.load %arg11[%swap3A_5349, %swap3A_5350, %swap3A_5351] : memref<128x17x128xf32, #tpu.memory_space<vmem>>, vector<128x1x128xf32>
    %swap3A_5353 = vector.shape_cast %swap3A_5352 : vector<128x1x128xf32> to vector<128x128xf32>
    %swap3A_5354 = vector.shape_cast %transpose3A_5348 : vector<128x128xf32> to vector<128x1x128xf32>
    tpu.vector_store %arg11[%swap3A_5349, %swap3A_5350, %swap3A_5351], %swap3A_5354 {strides = array<i32>} : memref<128x17x128xf32, #tpu.memory_space<vmem>>, vector<128x1x128xf32>,
    %slice3A_5355 = vector.extract_strided_slice %add3A_5323 {offsets = [0, 512], sizes = [128, 128], strides = [1, 1]} : vector<128x2176xf32> to vector<128x128xf32>
    %transpose3A_5356 = tpu.transpose %slice3A_5355, [1, 0] : vector<128x128xf32> -> vector<128x128xf32>
    %swap3A_5357 = arith.constant 0 : index
    %swap3A_5358 = arith.constant 4 : index
    %swap3A_5359 = arith.constant 0 : index
    %swap3A_5360 = vector.load %arg11[%swap3A_5357, %swap3A_5358, %swap3A_5359] : memref<128x17x128xf32, #tpu.memory_space<vmem>>, vector<128x1x128xf32>
    %swap3A_5361 = vector.shape_cast %swap3A_5360 : vector<128x1x128xf32> to vector<128x128xf32>
    %swap3A_5362 = vector.shape_cast %transpose3A_5356 : vector<128x128xf32> to vector<128x1x128xf32>
    tpu.vector_store %arg11[%swap3A_5357, %swap3A_5358, %swap3A_5359], %swap3A_5362 {strides = array<i32>} : memref<128x17x128xf32, #tpu.memory_space<vmem>>, vector<128x1x128xf32>,
    %slice3A_5363 = vector.extract_strided_slice %add3A_5323 {offsets = [0, 640], sizes = [128, 128], strides = [1, 1]} : vector<128x2176xf32> to vector<128x128xf32>
    %transpose3A_5364 = tpu.transpose %slice3A_5363, [1, 0] : vector<128x128xf32> -> vector<128x128xf32>
    %swap3A_5365 = arith.constant 0 : index
    %swap3A_5366 = arith.constant 5 : index
    %swap3A_5367 = arith.constant 0 : index
    %swap3A_5368 = vector.load %arg11[%swap3A_5365, %swap3A_5366, %swap3A_5367] : memref<128x17x128xf32, #tpu.memory_space<vmem>>, vector<128x1x128xf32>
    %swap3A_5369 = vector.shape_cast %swap3A_5368 : vector<128x1x128xf32> to vector<128x128xf32>
    %swap3A_5370 = vector.shape_cast %transpose3A_5364 : vector<128x128xf32> to vector<128x1x128xf32>
    tpu.vector_store %arg11[%swap3A_5365, %swap3A_5366, %swap3A_5367], %swap3A_5370 {strides = array<i32>} : memref<128x17x128xf32, #tpu.memory_space<vmem>>, vector<128x1x128xf32>,
    %slice3A_5371 = vector.extract_strided_slice %add3A_5323 {offsets = [0, 768], sizes = [128, 128], strides = [1, 1]} : vector<128x2176xf32> to vector<128x128xf32>
    %transpose3A_5372 = tpu.transpose %slice3A_5371, [1, 0] : vector<128x128xf32> -> vector<128x128xf32>
    %swap3A_5373 = arith.constant 0 : index
    %swap3A_5374 = arith.constant 6 : index
    %swap3A_5375 = arith.constant 0 : index
    %swap3A_5376 = vector.load %arg11[%swap3A_5373, %swap3A_5374, %swap3A_5375] : memref<128x17x128xf32, #tpu.memory_space<vmem>>, vector<128x1x128xf32>
    %swap3A_5377 = vector.shape_cast %swap3A_5376 : vector<128x1x128xf32> to vector<128x128xf32>
    %swap3A_5378 = vector.shape_cast %transpose3A_5372 : vector<128x128xf32> to vector<128x1x128xf32>
    tpu.vector_store %arg11[%swap3A_5373, %swap3A_5374, %swap3A_5375], %swap3A_5378 {strides = array<i32>} : memref<128x17x128xf32, #tpu.memory_space<vmem>>, vector<128x1x128xf32>,
    %slice3A_5379 = vector.extract_strided_slice %add3A_5323 {offsets = [0, 896], sizes = [128, 128], strides = [1, 1]} : vector<128x2176xf32> to vector<128x128xf32>
    %transpose3A_5380 = tpu.transpose %slice3A_5379, [1, 0] : vector<128x128xf32> -> vector<128x128xf32>
    %swap3A_5381 = arith.constant 0 : index
    %swap3A_5382 = arith.constant 7 : index
    %swap3A_5383 = arith.constant 0 : index
    %swap3A_5384 = vector.load %arg11[%swap3A_5381, %swap3A_5382, %swap3A_5383] : memref<128x17x128xf32, #tpu.memory_space<vmem>>, vector<128x1x128xf32>
    %swap3A_5385 = vector.shape_cast %swap3A_5384 : vector<128x1x128xf32> to vector<128x128xf32>
    %swap3A_5386 = vector.shape_cast %transpose3A_5380 : vector<128x128xf32> to vector<128x1x128xf32>
    tpu.vector_store %arg11[%swap3A_5381, %swap3A_5382, %swap3A_5383], %swap3A_5386 {strides = array<i32>} : memref<128x17x128xf32, #tpu.memory_space<vmem>>, vector<128x1x128xf32>,
    %slice3A_5387 = vector.extract_strided_slice %add3A_5323 {offsets = [0, 1024], sizes = [128, 128], strides = [1, 1]} : vector<128x2176xf32> to vector<128x128xf32>
    %transpose3A_5388 = tpu.transpose %slice3A_5387, [1, 0] : vector<128x128xf32> -> vector<128x128xf32>
    %swap3A_5389 = arith.constant 0 : index
    %swap3A_5390 = arith.constant 8 : index
    %swap3A_5391 = arith.constant 0 : index
    %swap3A_5392 = vector.load %arg11[%swap3A_5389, %swap3A_5390, %swap3A_5391] : memref<128x17x128xf32, #tpu.memory_space<vmem>>, vector<128x1x128xf32>
    %swap3A_5393 = vector.shape_cast %swap3A_5392 : vector<128x1x128xf32> to vector<128x128xf32>
    %swap3A_5394 = vector.shape_cast %transpose3A_5388 : vector<128x128xf32> to vector<128x1x128xf32>
    tpu.vector_store %arg11[%swap3A_5389, %swap3A_5390, %swap3A_5391], %swap3A_5394 {strides = array<i32>} : memref<128x17x128xf32, #tpu.memory_space<vmem>>, vector<128x1x128xf32>,
    %slice3A_5395 = vector.extract_strided_slice %add3A_5323 {offsets = [0, 1152], sizes = [128, 128], strides = [1, 1]} : vector<128x2176xf32> to vector<128x128xf32>
    %transpose3A_5396 = tpu.transpose %slice3A_5395, [1, 0] : vector<128x128xf32> -> vector<128x128xf32>
    %swap3A_5397 = arith.constant 0 : index
    %swap3A_5398 = arith.constant 9 : index
    %swap3A_5399 = arith.constant 0 : index
    %swap3A_5400 = vector.load %arg11[%swap3A_5397, %swap3A_5398, %swap3A_5399] : memref<128x17x128xf32, #tpu.memory_space<vmem>>, vector<128x1x128xf32>
    %swap3A_5401 = vector.shape_cast %swap3A_5400 : vector<128x1x128xf32> to vector<128x128xf32>
    %swap3A_5402 = vector.shape_cast %transpose3A_5396 : vector<128x128xf32> to vector<128x1x128xf32>
    tpu.vector_store %arg11[%swap3A_5397, %swap3A_5398, %swap3A_5399], %swap3A_5402 {strides = array<i32>} : memref<128x17x128xf32, #tpu.memory_space<vmem>>, vector<128x1x128xf32>,
    %slice3A_5403 = vector.extract_strided_slice %add3A_5323 {offsets = [0, 1280], sizes = [128, 128], strides = [1, 1]} : vector<128x2176xf32> to vector<128x128xf32>
    %transpose3A_5404 = tpu.transpose %slice3A_5403, [1, 0] : vector<128x128xf32> -> vector<128x128xf32>
    %swap3A_5405 = arith.constant 0 : index
    %swap3A_5406 = arith.constant 10 : index
    %swap3A_5407 = arith.constant 0 : index
    %swap3A_5408 = vector.load %arg11[%swap3A_5405, %swap3A_5406, %swap3A_5407] : memref<128x17x128xf32, #tpu.memory_space<vmem>>, vector<128x1x128xf32>
    %swap3A_5409 = vector.shape_cast %swap3A_5408 : vector<128x1x128xf32> to vector<128x128xf32>
    %swap3A_5410 = vector.shape_cast %transpose3A_5404 : vector<128x128xf32> to vector<128x1x128xf32>
    tpu.vector_store %arg11[%swap3A_5405, %swap3A_5406, %swap3A_5407], %swap3A_5410 {strides = array<i32>} : memref<128x17x128xf32, #tpu.memory_space<vmem>>, vector<128x1x128xf32>,
    %slice3A_5411 = vector.extract_strided_slice %add3A_5323 {offsets = [0, 1408], sizes = [128, 128], strides = [1, 1]} : vector<128x2176xf32> to vector<128x128xf32>
    %transpose3A_5412 = tpu.transpose %slice3A_5411, [1, 0] : vector<128x128xf32> -> vector<128x128xf32>
    %swap3A_5413 = arith.constant 0 : index
    %swap3A_5414 = arith.constant 11 : index
    %swap3A_5415 = arith.constant 0 : index
    %swap3A_5416 = vector.load %arg11[%swap3A_5413, %swap3A_5414, %swap3A_5415] : memref<128x17x128xf32, #tpu.memory_space<vmem>>, vector<128x1x128xf32>
    %swap3A_5417 = vector.shape_cast %swap3A_5416 : vector<128x1x128xf32> to vector<128x128xf32>
    %swap3A_5418 = vector.shape_cast %transpose3A_5412 : vector<128x128xf32> to vector<128x1x128xf32>
    tpu.vector_store %arg11[%swap3A_5413, %swap3A_5414, %swap3A_5415], %swap3A_5418 {strides = array<i32>} : memref<128x17x128xf32, #tpu.memory_space<vmem>>, vector<128x1x128xf32>,
    %slice3A_5419 = vector.extract_strided_slice %add3A_5323 {offsets = [0, 1536], sizes = [128, 128], strides = [1, 1]} : vector<128x2176xf32> to vector<128x128xf32>
    %transpose3A_5420 = tpu.transpose %slice3A_5419, [1, 0] : vector<128x128xf32> -> vector<128x128xf32>
    %swap3A_5421 = arith.constant 0 : index
    %swap3A_5422 = arith.constant 12 : index
    %swap3A_5423 = arith.constant 0 : index
    %swap3A_5424 = vector.load %arg11[%swap3A_5421, %swap3A_5422, %swap3A_5423] : memref<128x17x128xf32, #tpu.memory_space<vmem>>, vector<128x1x128xf32>
    %swap3A_5425 = vector.shape_cast %swap3A_5424 : vector<128x1x128xf32> to vector<128x128xf32>
    %swap3A_5426 = vector.shape_cast %transpose3A_5420 : vector<128x128xf32> to vector<128x1x128xf32>
    tpu.vector_store %arg11[%swap3A_5421, %swap3A_5422, %swap3A_5423], %swap3A_5426 {strides = array<i32>} : memref<128x17x128xf32, #tpu.memory_space<vmem>>, vector<128x1x128xf32>,
    %slice3A_5427 = vector.extract_strided_slice %add3A_5323 {offsets = [0, 1664], sizes = [128, 128], strides = [1, 1]} : vector<128x2176xf32> to vector<128x128xf32>
    %transpose3A_5428 = tpu.transpose %slice3A_5427, [1, 0] : vector<128x128xf32> -> vector<128x128xf32>
    %swap3A_5429 = arith.constant 0 : index
    %swap3A_5430 = arith.constant 13 : index
    %swap3A_5431 = arith.constant 0 : index
    %swap3A_5432 = vector.load %arg11[%swap3A_5429, %swap3A_5430, %swap3A_5431] : memref<128x17x128xf32, #tpu.memory_space<vmem>>, vector<128x1x128xf32>
    %swap3A_5433 = vector.shape_cast %swap3A_5432 : vector<128x1x128xf32> to vector<128x128xf32>
    %swap3A_5434 = vector.shape_cast %transpose3A_5428 : vector<128x128xf32> to vector<128x1x128xf32>
    tpu.vector_store %arg11[%swap3A_5429, %swap3A_5430, %swap3A_5431], %swap3A_5434 {strides = array<i32>} : memref<128x17x128xf32, #tpu.memory_space<vmem>>, vector<128x1x128xf32>,
    %slice3A_5435 = vector.extract_strided_slice %add3A_5323 {offsets = [0, 1792], sizes = [128, 128], strides = [1, 1]} : vector<128x2176xf32> to vector<128x128xf32>
    %transpose3A_5436 = tpu.transpose %slice3A_5435, [1, 0] : vector<128x128xf32> -> vector<128x128xf32>
    %swap3A_5437 = arith.constant 0 : index
    %swap3A_5438 = arith.constant 14 : index
    %swap3A_5439 = arith.constant 0 : index
    %swap3A_5440 = vector.load %arg11[%swap3A_5437, %swap3A_5438, %swap3A_5439] : memref<128x17x128xf32, #tpu.memory_space<vmem>>, vector<128x1x128xf32>
    %swap3A_5441 = vector.shape_cast %swap3A_5440 : vector<128x1x128xf32> to vector<128x128xf32>
    %swap3A_5442 = vector.shape_cast %transpose3A_5436 : vector<128x128xf32> to vector<128x1x128xf32>
    tpu.vector_store %arg11[%swap3A_5437, %swap3A_5438, %swap3A_5439], %swap3A_5442 {strides = array<i32>} : memref<128x17x128xf32, #tpu.memory_space<vmem>>, vector<128x1x128xf32>,
    %slice3A_5443 = vector.extract_strided_slice %add3A_5323 {offsets = [0, 1920], sizes = [128, 128], strides = [1, 1]} : vector<128x2176xf32> to vector<128x128xf32>
    %transpose3A_5444 = tpu.transpose %slice3A_5443, [1, 0] : vector<128x128xf32> -> vector<128x128xf32>
    %swap3A_5445 = arith.constant 0 : index
    %swap3A_5446 = arith.constant 15 : index
    %swap3A_5447 = arith.constant 0 : index
    %swap3A_5448 = vector.load %arg11[%swap3A_5445, %swap3A_5446, %swap3A_5447] : memref<128x17x128xf32, #tpu.memory_space<vmem>>, vector<128x1x128xf32>
    %swap3A_5449 = vector.shape_cast %swap3A_5448 : vector<128x1x128xf32> to vector<128x128xf32>
    %swap3A_5450 = vector.shape_cast %transpose3A_5444 : vector<128x128xf32> to vector<128x1x128xf32>
    tpu.vector_store %arg11[%swap3A_5445, %swap3A_5446, %swap3A_5447], %swap3A_5450 {strides = array<i32>} : memref<128x17x128xf32, #tpu.memory_space<vmem>>, vector<128x1x128xf32>,
    %slice3A_5451 = vector.extract_strided_slice %add3A_5323 {offsets = [0, 2048], sizes = [128, 128], strides = [1, 1]} : vector<128x2176xf32> to vector<128x128xf32>
    %transpose3A_5452 = tpu.transpose %slice3A_5451, [1, 0] : vector<128x128xf32> -> vector<128x128xf32>
    %swap3A_5453 = arith.constant 0 : index
    %swap3A_5454 = arith.constant 16 : index
    %swap3A_5455 = arith.constant 0 : index
    %swap3A_5456 = vector.load %arg11[%swap3A_5453, %swap3A_5454, %swap3A_5455] : memref<128x17x128xf32, #tpu.memory_space<vmem>>, vector<128x1x128xf32>
    %swap3A_5457 = vector.shape_cast %swap3A_5456 : vector<128x1x128xf32> to vector<128x128xf32>
    %swap3A_5458 = vector.shape_cast %transpose3A_5452 : vector<128x128xf32> to vector<128x1x128xf32>
    tpu.vector_store %arg11[%swap3A_5453, %swap3A_5454, %swap3A_5455], %swap3A_5458 {strides = array<i32>} : memref<128x17x128xf32, #tpu.memory_space<vmem>>, vector<128x1x128xf32>,
    return
  }
  func.func @transform_0(%arg0: i32) -> (i32, i32) {
    %c0_i32 = arith.constant 0 : i32
    %c0_i32_0 = arith.constant 0 : i32
    %c0_i32_1 = arith.constant 0 : i32
    return %c0_i32, %c0_i32_0 : i32, i32
  }
  func.func @transform_1(%arg0: i32) -> (i32, i32, i32) {
    %c0_i32 = arith.constant 0 : i32
    %c0_i32_0 = arith.constant 0 : i32
    %c0_i32_1 = arith.constant 0 : i32
    return %arg0, %c0_i32, %c0_i32_0 : i32, i32, i32
  }
  func.func @transform_2(%arg0: i32) -> (i32, i32) {
    %c0_i32 = arith.constant 0 : i32
    %c0_i32_0 = arith.constant 0 : i32
    %c0_i32_1 = arith.constant 0 : i32
    return %c0_i32, %c0_i32_0 : i32, i32
  }
  func.func @transform_3(%arg0: i32) -> (i32, i32) {
    %c0_i32 = arith.constant 0 : i32
    %c0_i32_0 = arith.constant 0 : i32
    %c0_i32_1 = arith.constant 0 : i32
    return %c0_i32, %c0_i32_0 : i32, i32
  }
  func.func @transform_4(%arg0: i32) -> (i32, i32) {
    %c0_i32 = arith.constant 0 : i32
    %c0_i32_0 = arith.constant 0 : i32
    %c0_i32_1 = arith.constant 0 : i32
    return %c0_i32, %c0_i32_0 : i32, i32
  }
  func.func @transform_5(%arg0: i32) -> (i32, i32) {
    %c0_i32 = arith.constant 0 : i32
    %c0_i32_0 = arith.constant 0 : i32
    %c0_i32_1 = arith.constant 0 : i32
    return %c0_i32, %c0_i32_0 : i32, i32
  }
  func.func @transform_6(%arg0: i32) -> (i32, i32) {
    %c0_i32 = arith.constant 0 : i32
    %c0_i32_0 = arith.constant 0 : i32
    %c0_i32_1 = arith.constant 0 : i32
    return %c0_i32, %c0_i32_0 : i32, i32
  }
  func.func @transform_7(%arg0: i32) -> (i32, i32) {
    %c0_i32 = arith.constant 0 : i32
    %c0_i32_0 = arith.constant 0 : i32
    %c0_i32_1 = arith.constant 0 : i32
    return %c0_i32, %c0_i32_0 : i32, i32
  }
  func.func @transform_8(%arg0: i32) -> (i32, i32) {
    %c0_i32 = arith.constant 0 : i32
    %c0_i32_0 = arith.constant 0 : i32
    %c0_i32_1 = arith.constant 0 : i32
    return %c0_i32, %c0_i32_0 : i32, i32
  }
  func.func @transform_9(%arg0: i32) -> (i32, i32) {
    %c0_i32 = arith.constant 0 : i32
    %c0_i32_0 = arith.constant 0 : i32
    %c0_i32_1 = arith.constant 0 : i32
    return %c0_i32, %c0_i32_0 : i32, i32
  }
  func.func @transform_10(%arg0: i32) -> (i32, i32, i32) {
    %c0_i32 = arith.constant 0 : i32
    %c0_i32_0 = arith.constant 0 : i32
    %c0_i32_1 = arith.constant 0 : i32
    return %arg0, %c0_i32, %c0_i32_0 : i32, i32, i32
  }
}

</mosaic_0001>

<sc_bundles>
// kernel: sparse-core-data-format-call.cloned.1.call-start
scs
called_computation_lowered:
.L_overlay_start_0:
0x0: {  	s2 =	sld [smem:$0x3FD9]  }
0x1: {  	s3 =	sld [smem:$0x3FFE];
	_ =	sdelay $0x1  }
0x2: {  	s1 =	srdreg.scid  }
0x3: {  	s0 =	sand.u32 $0x1, s1  }
0x4: {  	s18 =	sshll.u32 s0, $0xA;
	s2 =	sadd.s32 s3, s2  }
0x5: {  	s2 =	sadd.s32 s2, s18  }
0x6: {  	[smem:$0x3FBE] =	sst s2  }
0x7: {  	_ = 	snop  }
0x8: {  	s2 =	sld [smem:$0x3FD0];
	(tm) =	ssettm $0x1  }
0x9: {  	s19 =	sld [smem:$0x3FFB];
	_ =	sdelay $0x3  }
0xa: {  	_ =	strace s19  }
0xb: {  	s3 =	sld [smem:$0x3FFC];
	_ =	sdelay $0x3  }
0xc: {  	_ =	strace s3  }
0xd: {  	s3 =	sld [smem:$0x3FFD];
	_ =	sdelay $0x3  }
0xe: {  	_ =	strace s3  }
0xf: {  	_ =	strace $0x8FFFFFFF  }
0x10: {  	s20 =	sld [smem:$0x3FDB];
	_ =	sdelay $0x1  }
0x11: {  	s4 =	simm.s32 $_scs_section_size  }
0x12: {  	s5 =	simm.s32 $_size__tile_overlayer_lowered;
	s6 =	simm.s32 $_tile_overlayer_lowered  }
0x13: {  	s23 =	simm.s32 $0x1BFF;
	s22 =	sshll.u32 s6, $0x1;
	s3 =	sadd.s32 s4, s20  }
0x14: {  	s7 =	simm.s32 $0x0;
	s21 =	sshll.u32 s5, $0x1;
	s5 =	sadd.s32 s22, s3  }
0x15: {  	[timem:s7], [sflag:s23] =	dma.local [hbm:s5], s21  }
0x16: {  	_ =	swait.ge [sflag:s23], s21  }
0x17: {  	s4 =	ssub.s32 $0x0, s21;
	[sflag:s23] =	ssyncset.done $0x0  }
0x18: {  	[sflag:s23] =	ssyncadd.s32 s4;
	_ =	sdelay $0x1  }
0x19: {  	s24 =	simm.s32 $0x1B8B  }
0x1a: {  	_ =	swait.ge [sflag:s24], $0x1  }
0x1b: {  	[sflag:s24] =	ssyncset.done $0x0  }
0x1c: {  	s26 =	simm.s32 $0x1B8E;
	s25 =	sld [smem:$0x3FFE];
	[sflag:s24] =	ssyncadd.s32 $0xFFFFFFFF  }
0x1d: {  	s27 =	simm.s32 $execute0_lowered;
	[smem:$0x3FD2] =	sst s26  }
0x1e: {  	s5 =	sshll.u32 s27, $0x1;
	_ =	strace $0x80000046;
	[dreg:$0x1] =	wrdreg $0xFFFFFFFF  }
0x1f: {  	s28 =	simm.s32 $_size_execute0_lowered;
	s3 =	sadd.s32 s3, s5;
	[dreg:$0x0] =	wrdreg $0x0  }
0x20: {  	s5 =	sshll.u32 s28, $0x1;
	[dreg:$0x2] =	wrdreg s3  }
0x21: {  	[dreg:$0x3] =	wrdreg s5  }
0x22: {  	[dreg:$0x4] =	wrdreg $0xC0  }
0x23: {  	_ =	task [dreg:s7], $0x5FFFF  }
0x24: {  	[dreg:$0x1] =	wrdreg $0xFFFFFFFF  }
0x25: {  	[dreg:$0x0] =	wrdreg $0x60  }
0x26: {  	[dreg:$0x2] =	wrdreg s25  }
0x27: {  	[dreg:$0x3] =	wrdreg s2  }
0x28: {  	[dreg:$0x4] =	wrdreg $0x9  }
0x29: {  	_ =	task.clear_ibuf [dreg:s7], $0x5FFFF;
	_ =	strace $0x90000046  }
0x2a: {  	s29 =	simm.s32 $0x9;
	_ =	strace $0x80000048  }
0x2b: {  	_ =	swait.ge [sflag:s29], $0x1  }
0x2c: {  	[sflag:s29] =	ssyncadd.s32 $0xFFFFFFFF  }
0x2d: {  	_ =	strace $0x90000048  }
0x2e: {  	_ =	sfence  }
0x2f: {  	s30 =	sld [smem:$0x0];
	_ =	sdelay $0x2  }
0x30: {  	s31 =	sshll.u32 s1, $0xD;
	s1 =	sshrl.u32 s1, $0x2  }
0x31: {  	s3 =	sand.u32 $0x4000, s31;
	s1 =	sadd.s32 s1, s30  }
0x32: {  	s0 =	sor.u32 s3, s0;
	s1 =	sshll.u32 s1, $0x11  }
0x33: {  	s0 =	sor.u32 s1, s0  }
0x34: {  	s0 =	sadd.s32 $0x8F2B, s0  }
0x35: {  	[sflag:s0] =	ssyncadd.remote.s32 $0x1  }
0x36: {  	_ =	sfence.sel $0xFFFF  }
0x37: {  	[dreg:$0x0] =	wrdreg $0xFFFFFFFF;
	(pc) =	sbr.abs _section_cstart, $3  }
0x38: {  	[dreg:$0x1] =	wrdreg $0xFFFFFFFF  }
0x39: {  	_ =	task.clear_ibuf [dreg:s7], $0x2FFFF;
	_ =	strace $0x9FFFFFFF  }
0x3a: {  	(tm) =	ssettm $0x7FFFFFFF  }
0x3b: {  	_ =	shalt  }
tec
execute0_lowered:
.L_overlay_start_1:
0x0: {  	(tag) =	ssettag $0x1  }
0x1: {  	s0 =	rddreg [dreg:$0x0];
	_ =	strace $0x80000047;
	s31 =	srdreg.scid  }
0x2: {  	s4 =	simm.s32 $0x1;
	s1 =	simm.s32 $0x2;
	s2 =	stileid.u32  }
0x3: {  	s15 =	simm.s32 $0x0;
	p0 =	por $0x0, $0x0;
	s7 =	simm.s32 $0x8800  }
.Ltmp0:
0x4: {  	s17 =	simm.s32 $0x0;
	s16 =	simm.s32 $0x0;
	(pc) =	sbr.rel .LBB1_1-.Ltmp0, $4  }
0x5: {  	s8 =	simm.s32 $0x0;
	s10 =	simm.s32 $0x0;
	s11 =	simm.s32 $0x0  }
0x6: {  	s12 =	simm.s32 $0x0;
	s3 =	sadd.s32 $0x16DC00, s0;
	s0 =	sshll.u32 s31, $0x7  }
0x7: {  	s14 =	stileid.u32;
	[sflag:s4] =	ssyncpa.u1 $0x0;
	s5 =	sand.u32 $0x80, s0  }
0x8: {  	s9 =	simm.s32 $0x0;
	[sflag:s1] =	ssyncpa.u1 $0x0;
	s13 =	smov.u32 s5  }
.LBB1_13:
0x9: {  	p1 =	sgt.s32 s8, $0x10;
	s0 =	smov.u32 s8  }
0xa: {  	s0 =	simm.s32 @!p1 $0x10  }
0xb: {  	s0 =	sadd.s32 s18, s0  }
0xc: {  	s1 =	sadd.s32 $0xFFFFFFF0, s0  }
0xd: {  	s27 =	smul.u32 $0x1100, s10;
	s0 =	ssub.s32 $0x11, s0;
	p1 =	sgt.s32 s1, $0x0  }
0xe: {  	s6 =	sshll.u32 s11, $0x4;
	s28 =	rddreg [dreg:$0x1];
	s0 =	simm.s32 @p1 $0x0  }
0xf: {  	s6 =	sand.u32 $0xF0, s6;
	s1 =	sadd.s32 s28, s27;
	s0 =	smul.u32 s0, s19  }
0x10: {  	s29 =	sshll.u32 s8, $0x8;
	s30 =	sor.u32 $0x8000, s21;
	s1 =	sadd.s32 s6, s1  }
0x11: {  	s31 =	simm.s32 $0x80;
	s1 =	sadd.s32 s29, s1;
	s0 =	sand.u32 $0x3FFFFF80, s0  }
0x12: {  	[hbm4b:s1+s31] =	stream.strided.scatter [tilespmem:s30], [sflag:$0x2], s0, s7, s31, $0x38;
	[tilespmem:$0x10000] =	vst v63  }
.LBB1_14:
0x13: {  	p1 =	slt.u32 s9, $0x2  }
0x14: {  	p2 =	sgt.s32 @!p1 s17, $0x73  }
0x15: {  	s0 =	smov.u32 s17;
	s1 =	sshra.s32 @!p1 s17, $0x1F;
	p2 =	por !p2, p1  }
0x16: {  	s1 =	sand.u32 @!p1 s1, s17;
	s0 =	simm.s32 @p2 $0x73  }
0x17: {  	s0 =	ssub.s32 @!p1 s0, s1  }
0x18: {  	s18 =	smov.u32 s13;
	s1 =	sadd.s32 @!p1 $0xFFFFFF8D, s0  }
0x19: {  	p3 =	sgt.s32 @!p1 s16, $0xF;
	s6 =	sshra.s32 @!p1 s16, $0x1F;
	p2 =	sgt.s32 @!p1 s1, $0x7F  }
0x1a: {  	s6 =	sand.u32 @!p1 s6, s16;
	s0 =	ssub.s32 @!p1 $0xF3, s0;
	p2 =	por !p2, p1  }
0x1b: {  	s1 =	smov.u32 s16;
	s0 =	simm.s32 @!p2 $0x0;
	p2 =	por !p3, p1  }
0x1c: {  	s16 =	smov.u32 s15;
	p3 =	sgt.s32 @!p1 s15, $0x10;
	s1 =	simm.s32 @p2 $0xF  }
0x1d: {  	p2 =	por !p3, p1;
	s1 =	ssub.s32 @!p1 s1, s6;
	s6 =	sshra.s32 @!p1 s15, $0x1F  }
0x1e: {  	s16 =	simm.s32 @p2 $0x10;
	s6 =	sand.u32 @!p1 s6, s15;
	s1 =	sadd.s32 @!p1 $0xFFFFFFF1, s1  }
0x1f: {  	s6 =	ssub.s32 @!p1 s16, s6;
	p2 =	sgt.s32 @!p1 s1, $0x0;
	s1 =	sshll.u32 @!p1 s1, $0x7  }
0x20: {  	s15 =	sadd.s32 @!p1 $0xFFFFFFF0, s6;
	s1 =	ssub.s32 @!p1 $0x80, s1;
	p2 =	por !p2, p1  }
0x21: {  	s6 =	ssub.s32 @!p1 $0x11, s6;
	p3 =	sgt.s32 @!p1 s15, $0x0;
	s1 =	simm.s32 @!p2 $0x0  }
0x22: {  	p2 =	por !p3, p1;
	s0 =	smul.u32 @!p1 s0, s1;
	s1 =	sadd.s32 $0x1, s12  }
0x23: {  	s15 =	sadd.s32 $0x100, s13;
	s6 =	simm.s32 @!p2 $0x0;
	p2 =	sgt.s32 s1, $0x10  }
0x24: {  	s19 =	smov.u32 s14;
	s18 =	smov.u32 @p2 s15  }
0x25: {  	s0 =	smul.u32 @!p1 s6, s0;
	s6 =	sadd.s32 $0x10, s14;
	p3 =	sgt.s32 s18, $0xF2  }
0x26: {  	s9 =	sadd.s32 $0x1, s9;
	p0 =	por !p0, !p0;
	s19 =	smov.u32 @p3 s6  }
0x27: {  	s17 =	smov.u32 s10;
	s1 =	simm.s32 @p2 $0x0;
	p2 =	sgt.s32 s19, $0xF  }
0x28: {  	s10 =	smov.u32 s13;
	s19 =	smov.u32 @p2 s2;
	p2 =	sne.s32 s9, $0x13  }
.Ltmp1:
0x29: {  	s16 =	smov.u32 s11;
	s11 =	smov.u32 s14;
	(pc) =	sbr.rel @!p2 .LBB1_15-.Ltmp1, $4  }
0x2a: {  	s15 =	smov.u32 s8;
	s0 =	sand.u32 @!p1 $0x3FFFFF80, s0;
	s6 =	simm.s32 @!p1 $0x2  }
0x2b: {  	s8 =	smov.u32 s12;
	s12 =	smov.u32 s1;
	_ =	swait.ge @!p1 [sflag:s6], s0  }
0x2c: {  	s18 =	smov.u32 @p3 s5;
	s0 =	ssub.s32 @!p1 $0x0, s0;
	[sflag:s6] =	ssyncset.done @!p1 $0x0  }
0x2d: {  	s13 =	smov.u32 s18;
	[sflag:s6] =	ssyncadd.s32 @!p1 s0;
	s14 =	smov.u32 s19  }
.LBB1_1:
0x2e: {  	p1 =	sgt.u32 s9, $0x10  }
0x2f: {  	s1 =	smov.u32 s14;
	s19 =	smov.u32 s13;
	p2 =	sgt.s32 @!p1 s14, $0xF  }
0x30: {  	s0 =	sand.u32 @!p1 $0x1FFFFFF, s12;
	s18 =	sshra.s32 @!p1 s14, $0x1F;
	p2 =	por !p2, p1  }
0x31: {  	s20 =	sshra.s32 @!p1 s13, $0x1F;
	s1 =	simm.s32 @p2 $0xF;
	p2 =	sgt.s32 @!p1 s13, $0x73  }
0x32: {  	s6 =	smulhi.u32 @!p1 $0xAAAAAAB, s0;
	s18 =	sand.u32 @!p1 s18, s14;
	p2 =	por !p2, p1  }
0x33: {  	s20 =	sand.u32 @!p1 s20, s13;
	s1 =	ssub.s32 @!p1 s1, s18;
	s19 =	simm.s32 @p2 $0x73  }
0x34: {  	p2 =	sgt.s32 @!p1 s12, $0x17;
	s1 =	sadd.s32 @!p1 $0xFFFFFFF1, s1;
	s18 =	ssub.s32 @!p1 s19, s20  }
0x35: {  	p2 =	por !p2, p1;
	s20 =	smov.u32 s12;
	s19 =	sadd.s32 @!p1 $0xFFFFFF8D, s18  }
0x36: {  	s20 =	simm.s32 @p2 $0x17;
	p3 =	sgt.s32 @!p1 s19, $0x7F;
	s19 =	sshra.s32 @!p1 s12, $0x1F  }
0x37: {  	p2 =	sgt.s32 @!p1 s1, $0x0;
	s1 =	sshll.u32 @!p1 s1, $0x7;
	s19 =	sand.u32 @!p1 s19, s12  }
0x38: {  	s18 =	ssub.s32 @!p1 $0xF3, s18;
	s1 =	ssub.s32 @!p1 $0x80, s1;
	s19 =	ssub.s32 @!p1 s20, s19  }
0x39: {  	p2 =	por !p2, p1;
	p3 =	por !p3, p1;
	s20 =	sadd.s32 @!p1 $0xFFFFFFE9, s19  }
0x3a: {  	s1 =	simm.s32 @!p2 $0x0;
	s18 =	simm.s32 @!p3 $0x0;
	p3 =	sgt.s32 @!p1 s20, $0x0  }
0x3b: {  	s19 =	ssub.s32 @!p1 $0x18, s19;
	s1 =	smul.u32 @!p1 s18, s1;
	p2 =	por !p3, p1  }
0x3c: {  	s6 =	smul.u32 @!p1 $0x18, s6;
	s19 =	simm.s32 @!p2 $0x0  }
0x3d: {  	s1 =	smul.u32 @!p1 s19, s1  }
0x3e: {  	s19 =	smul.u32 @!p1 $0x16C80, s14  }
0x3f: {  	s0 =	ssub.s32 @!p1 s0, s6;
	s18 =	sxor.u32 @!p1 $0xFFFFFFFF, s9;
	s20 =	smul.u32 @!p1 $0x180, s13  }
0x40: {  	s0 =	sshll.u32 @!p1 s0, $0x4;
	s18 =	sshll.u32 @!p1 s18, $0xE;
	s6 =	sadd.s32 @!p1 s3, s19  }
0x41: {  	s18 =	sand.u32 @!p1 $0x4000, s18;
	s1 =	sand.u32 @!p1 $0x3FFFFF80, s1;
	s6 =	sadd.s32 @!p1 s20, s6  }
0x42: {  	s19 =	simm.s32 @!p1 $0xC00;
	s0 =	sadd.s32 @!p1 s0, s6;
	s6 =	simm.s32 @!p1 $0x80  }
0x43: {  	[tilespmem:s18], [sflag:$0x1] =	stream.strided.gather @!p1 [hbm4b:s0+s6], s1, s19, s6, $0x38;
	[tilespmem:$0x10000] =	vst v63  }
0x44: {  	p1 =	seq.s32 s9, $0x0  }
0x45: {  	p2 =	seq.s32 @!p1 s9, $0x12  }
0x46: {  	p1 =	por p1, p2  }
.Ltmp2:
0x47: {  	_ = 	snop;
	(pc) =	sbr.rel @p1 .LBB1_14-.Ltmp2, $1  }
0x48: {  	_ =	sdelay $0x3  }
0x49: {  	p1 =	sgt.s32 s11, $0xF  }
0x4a: {  	s0 =	smov.u32 s11;
	s1 =	sshra.s32 s11, $0x1F;
	s6 =	sshra.s32 s10, $0x1F  }
0x4b: {  	s28 =	ssub.s32 $0x0, s8;
	s29 =	sshra.s32 s8, $0x1F;
	p2 =	sgt.s32 s8, $0x17  }
0x4c: {  	s19 =	smov.u32 s8;
	s0 =	simm.s32 @!p1 $0xF;
	s1 =	sand.u32 s1, s11  }
0x4d: {  	p1 =	sgt.s32 s10, $0x73;
	s0 =	ssub.s32 s0, s1;
	s1 =	smov.u32 s10  }
0x4e: {  	s6 =	sand.u32 s6, s10;
	s19 =	simm.s32 @!p2 $0x17;
	s1 =	simm.s32 @!p1 $0x73  }
0x4f: {  	s18 =	sadd.s32 $0xFFFFFFF1, s0;
	s0 =	ssub.s32 $0x10, s0;
	s1 =	ssub.s32 s1, s6  }
0x50: {  	p1 =	sgt.s32 s18, $0x0;
	s18 =	sand.u32 s28, s29;
	s20 =	sadd.s32 $0xFFFFFF8D, s1  }
0x51: {  	s1 =	ssub.s32 $0xF3, s1;
	s6 =	sadd.s32 s18, s19;
	p2 =	sgt.s32 s20, $0x7F  }
0x52: {  	s0 =	simm.s32 @p1 $0x0;
	s19 =	sadd.s32 $0xFFFFFFE9, s6;
	s1 =	simm.s32 @p2 $0x0  }
0x53: {  	p1 =	sgt.s32 s19, $0x0;
	s0 =	smul.u32 s0, s1;
	s1 =	ssub.s32 $0x18, s6  }
0x54: {  	s6 =	sadd.s32 $0x1, s11;
	s1 =	simm.s32 @p1 $0x0  }
0x55: {  	p1 =	slt.s32 s6, $0x10;
	s19 =	sshll.u32 s0, $0x7;
	s0 =	sadd.s32 $0x80, s10  }
0x56: {  	s6 =	simm.s32 @!p1 $0x10;
	p1 =	slt.s32 s0, $0xF3  }
0x57: {  	s20 =	ssub.s32 s6, s11;
	s6 =	sadd.s32 $0x1, s8;
	s0 =	simm.s32 @!p1 $0xF3  }
0x58: {  	p1 =	slt.s32 s6, $0x11;
	p2 =	slt.s32 s20, $0x1;
	s22 =	ssub.s32 s0, s10  }
0x59: {  	s6 =	simm.s32 @!p1 $0x11;
	p1 =	slt.s32 @!p2 s22, $0x1  }
0x5a: {  	s23 =	ssub.s32 s6, s8;
	p1 =	por p2, p1  }
0x5b: {  	p2 =	slt.s32 @!p1 s23, $0x1  }
0x5c: {  	s1 =	smul.u32 s1, s19;
	p1 =	por p1, p2  }
.Ltmp3:
0x5d: {  	_ = 	snop;
	(pc) =	sbr.rel @p1 .LBB1_13-.Ltmp3, $4  }
0x5e: {  	s30 =	sand.u32 $0x3FFFFF80, s1  }
0x5f: {  	_ =	swait.ge [sflag:s4], s30  }
0x60: {  	s31 =	sshll.u32 s9, $0xE;
	s1 =	ssub.s32 $0x0, s30;
	[sflag:s4] =	ssyncset.done $0x0  }
0x61: {  	s21 =	sand.u32 $0x4000, s31;
	[sflag:s4] =	ssyncadd.s32 s1  }
.Ltmp4:
0x62: {  	s0 =	simm.s32 $0x1;
	(pc) =	sbr.rel .LBB1_4-.Ltmp4, $4  }
0x63: {  	s0 =	simm.s32 @!p0 $0x0  }
0x64: {  	s0 =	sshll.u32 s0, $0x10  }
0x65: {  	s0 =	sshrl.u32 s0, $0x2  }
0x66: {  	s25 =	simm.s32 $0x0;
	s26 =	simm.s32 $0x0;
	s24 =	sadd.s32 $0x8040, s0  }
.LBB1_12:
0x67: {  	s26 =	sadd.s32 $0x1, s26  }
0x68: {  	p1 =	sne.s32 s26, s20  }
.Ltmp5:
0x69: {  	_ = 	snop;
	(pc) =	sbr.rel @!p1 .LBB1_13-.Ltmp5, $2  }
0x6a: {  	_ =	sdelay $0x2  }
0x6b: {  	s25 =	sadd.s32 $0x80, s25  }
.LBB1_4:
0x6c: {  	s0 =	sshll.u32 s26, $0x10  }
0x6d: {  	s1 =	sand.u32 $0x380, s25;
	s0 =	sshra.s32 s0, $0x2  }
0x6e: {  	s28 =	simm.s32 $0x0;
	s29 =	sadd.s32 s1, s24;
	s27 =	sadd.s32 s0, s21  }
.LBB1_5:
0x6f: {  	s0 =	sshll.u32 s28, $0x9  }
0x70: {  	s0 =	sshra.s32 s0, $0x2  }
0x71: {  	p2 =	sne.s32 s23, $0x1;
	s0 =	sadd.s32 s0, s27  }
.Ltmp6:
0x72: {  	v0 =	vmov s0;
	(pc) =	sbr.rel @!p2 .LBB1_6-.Ltmp6, $3  }
0x73: {  	_ =	sdelay $0x1  }
0x74: {  	s1 =	simm.s32 $0x0  }
0x75: {  	s6 =	sadd.s32 $0xFFFFFFFF, s23;
	p1 =	por $0x0, $0x0;
	s0 =	sand.u32 $0x380, s1  }
0x76: {  	_ =	sdelay $0x3  }
0x77: {  	v1 =	vld.idx.msk [tilespmem:v0+s0+$0x70 ss:$0x1], $0xffff  }
0x78: {  	v7 =	vld.idx.msk [tilespmem:v0+s0+$0x0 ss:$0x1], $0xffff  }
0x79: {  	v2 =	vld.idx.msk [tilespmem:v0+s0+$0x10 ss:$0x1], $0xffff;
	p2 =	sne.s32 s6, $0x1  }
.Ltmp7:
0x7a: {  	v4 =	vld.idx.msk [tilespmem:v0+s0+$0x20 ss:$0x1], $0xffff;
	(pc) =	sbr.rel @!p2 .LBB1_8-.Ltmp7, $4  }
0x7b: {  	v5 =	vld.idx.msk [tilespmem:v0+s0+$0x30 ss:$0x1], $0xffff  }
0x7c: {  	v6 =	vld.idx.msk [tilespmem:v0+s0+$0x40 ss:$0x1], $0xffff  }
0x7d: {  	v3 =	vld.idx.msk [tilespmem:v0+s0+$0x50 ss:$0x1], $0xffff;
	s1 =	simm.s32 $0x80;
	s6 =	sadd.s32 $0xFFFFFFFF, s6;
	[tilespmem:s29+$0x30] =	vst v1  }
0x7e: {  	p1 =	por $0x1, $0x1;
	s30 =	smov.u32 s29;
	s31 =	sand.u32 $0x380, s1;
	[tilespmem:s29+$0xFFFFFFC0] =	vst v7;
	v1 =	vld.idx.msk [tilespmem:v0+s0+$0x60 ss:$0x1], $0xffff  }
.LBB1_9:
0x7f: {  	p2 =	sne.s32 s6, $0x1;
	v7 =	vld.idx.msk [tilespmem:v0+s31+$0x70 ss:$0x1], $0xffff;
	[tilespmem:s30+$0xFFFFFFD0] =	vst v2  }
0x80: {  	v8 =	vld.idx.msk [tilespmem:v0+s31+$0x0 ss:$0x1], $0xffff;
	[tilespmem:s30+$0xFFFFFFE0] =	vst v4  }
0x81: {  	v2 =	vld.idx.msk [tilespmem:v0+s31+$0x10 ss:$0x1], $0xffff;
	[tilespmem:s30+$0xFFFFFFF0] =	vst v5  }
.Ltmp8:
0x82: {  	v4 =	vld.idx.msk [tilespmem:v0+s31+$0x20 ss:$0x1], $0xffff;
	[tilespmem:s30+$0x0] =	vst v6;
	(pc) =	sbr.rel @p2 .LBB1_9-.Ltmp8, $4  }
0x83: {  	v5 =	vld.idx.msk [tilespmem:v0+s31+$0x30 ss:$0x1], $0xffff;
	[tilespmem:s30+$0x10] =	vst v3  }
0x84: {  	v6 =	vld.idx.msk [tilespmem:v0+s31+$0x40 ss:$0x1], $0xffff;
	[tilespmem:s30+$0x20] =	vst v1;
	s30 =	sadd.s32 $0x80, s30  }
0x85: {  	s1 =	sadd.s32 $0x80, s1;
	v3 =	vld.idx.msk [tilespmem:v0+s31+$0x50 ss:$0x1], $0xffff;
	[tilespmem:s30+$0x30] =	vst v7  }
0x86: {  	s6 =	sadd.s32 $0xFFFFFFFF, s6;
	[tilespmem:s30+$0xFFFFFFC0] =	vst v8;
	v1 =	vld.idx.msk [tilespmem:v0+s31+$0x60 ss:$0x1], $0xffff;
	s31 =	sand.u32 $0x380, s1  }
0x87: {  	s0 =	smov.u32 s31  }
.LBB1_11:
0x88: {  	_ =	sdelay $0x2  }
0x89: {  	[tilespmem:s30+$0xFFFFFFD0] =	vst @p1 v2  }
0x8a: {  	v7 =	vld.idx.msk [tilespmem:v0+s0+$0x70 ss:$0x1], $0xffff;
	[tilespmem:s30+$0xFFFFFFE0] =	vst @p1 v4  }
0x8b: {  	v57 =	vld.idx.msk [tilespmem:v0+s0+$0x0 ss:$0x1], $0xffff;
	[tilespmem:s30+$0xFFFFFFF0] =	vst @p1 v5  }
0x8c: {  	v58 =	vld.idx.msk [tilespmem:v0+s0+$0x10 ss:$0x1], $0xffff;
	[tilespmem:s30+$0x0] =	vst @p1 v6  }
0x8d: {  	v59 =	vld.idx.msk [tilespmem:v0+s0+$0x20 ss:$0x1], $0xffff;
	s1 =	sadd.s32 @p1 $0x80, s30;
	[tilespmem:s30+$0x10] =	vst @p1 v3  }
0x8e: {  	s6 =	sadd.s32 $0x80, s29;
	v60 =	vld.idx.msk [tilespmem:v0+s0+$0x30 ss:$0x1], $0xffff;
	s29 =	smov.u32 @p1 s1;
	[tilespmem:s30+$0x20] =	vst @p1 v1  }
0x8f: {  	v61 =	vld.idx.msk [tilespmem:v0+s0+$0x40 ss:$0x1], $0xffff;
	[tilespmem:s29+$0x30] =	vst v7  }
0x90: {  	v62 =	vld.idx.msk [tilespmem:v0+s0+$0x50 ss:$0x1], $0xffff;
	s28 =	sadd.s32 $0x1, s28;
	[tilespmem:s29+$0xFFFFFFC0] =	vst v57  }
0x91: {  	v63 =	vld.idx.msk [tilespmem:v0+s0+$0x60 ss:$0x1], $0xffff;
	p2 =	sne.s32 s28, s22;
	[tilespmem:s29+$0xFFFFFFD0] =	vst v58  }
.Ltmp9:
0x92: {  	[tilespmem:s29+$0xFFFFFFE0] =	vst v59;
	(pc) =	sbr.rel @p2 .LBB1_5-.Ltmp9, $4  }
.Ltmp10:
0x93: {  	[tilespmem:s29+$0xFFFFFFF0] =	vst v60;
	(pc) =	sbr.rel @!p2 .LBB1_12-.Ltmp10, $4  }
0x94: {  	[tilespmem:s29+$0x0] =	vst v61  }
0x95: {  	[tilespmem:s29+$0x10] =	vst v62  }
0x96: {  	[tilespmem:s29+$0x20] =	vst v63;
	s29 =	smov.u32 s6  }
0x97: {  	_ = 	snop  }
.LBB1_6:
.Ltmp11:
0x98: {  	(pc) =	sbr.rel .LBB1_11-.Ltmp11, $2  }
0x99: {  	_ =	sdelay $0x2  }
0x9a: {  	s30 =	smov.u32 s29  }
.LBB1_8:
.Ltmp12:
0x9b: {  	(pc) =	sbr.rel .LBB1_11-.Ltmp12, $2  }
0x9c: {  	_ =	sdelay $0x2  }
0x9d: {  	s0 =	smov.u32 s31;
	s30 =	smov.u32 s29  }
.LBB1_15:
0x9e: {  	_ =	sfence.sel $0x180000  }
0x9f: {  	s0 =	simm.s32 $0x1;
	[bflag:$0x0] =	sbarrier.arrive $0xFFFF  }
0xa0: {  	s31 =	simm.s32 $0x2;
	[sflag:s0] =	ssyncpa.u1 $0x1  }
0xa1: {  	[sflag:s31] =	ssyncpa.u1 $0x1  }
0xa2: {  	_ =	strace $0x90000047  }
0xa3: {  	[bflag:$0x2] =	sbarrier.arrive $0xFFFF  }
0xa4: {  	p0 =	sne.s32 s2, $0x0;
	s0 =	rddreg [dreg:$0x2]  }
0xa5: {  	s0 =	sadd.s32 @!p0 $0x100000, s0  }
0xa6: {  	[sflag:s0] =	ssyncadd.tile.s32 @!p0 $0x1;
	_ =	shalt  }
.Lfunc_end1:
_tile_overlayer_lowered:
.L_overlay_start_2:
0xa7: {  	(tag) =	ssettag $0x2  }
0xa8: {  	s0 =	rddreg [dreg:$0x0];
	s2 =	stileid.u32  }
0xa9: {  	s1 =	rddreg [dreg:$0x1];
	p0 =	sne.s32 s2, $0x0  }
0xaa: {  	s3 =	rddreg [dreg:$0x2];
	[bflag:$0x3] =	sbarrier.arrive $0xFFFF;
	s2 =	simm.s32 @!p0 $0x1C01  }
0xab: {  	[timem:s3], [sflag:s2] =	dma.local @!p0 [hbm:s0], s1  }
0xac: {  	s0 =	simm.s32 @!p0 $0x1  }
0xad: {  	_ =	swait.ge @!p0 [sflag:s0], s1  }
0xae: {  	s1 =	ssub.s32 @!p0 $0x0, s1;
	[sflag:s0] =	ssyncset.done @!p0 $0x0  }
0xaf: {  	[sflag:s0] =	ssyncadd.s32 @!p0 s1  }
0xb0: {  	[bflag:$0x3] =	sbarrier.arrive $0xFFFF  }
0xb1: {  	_ =	shalt  }

</sc_bundles>
